<compile_context>
chip_gen: v7x
topology: tpu7x:2x2x1
jax: 0.10.2.dev20260603
libtpu: 0.0.44.dev20260713+nightly
codegen_flags: <defaults>
</compile_context>

<pallas_src>
import jax
import jax.numpy as jnp
from jax import lax
from jax.experimental import pallas as pl
from jax.experimental.pallas import tpu as pltpu
from jax.experimental.pallas import tpu_sc as plsc

N = 10000
E = 320000
D = 128

NC = 2
NS = 16
NW = NC * NS
EPW = E // NW
K = 125
J = EPW // K
JB = 16
NB = J // JB
ZR = 125
NZ = N // ZR
KMAX = -(-NZ // NS)
CW = 8

f32 = jnp.float32


def _make_sc_agg(with_cnt: bool):
    mesh = plsc.VectorSubcoreMesh(core_axis_name="c", subcore_axis_name="s")
    out_type = [jax.ShapeDtypeStruct((NC, N, D), f32)]
    if with_cnt:
        out_type.append(jax.ShapeDtypeStruct((NC, N, CW), f32))
    scratch = [
        pltpu.VMEM_SHARED((N, D), f32),
        pltpu.VMEM((2, JB, K), jnp.int32),
        pltpu.VMEM((2, JB, K), jnp.int32),
        pltpu.VMEM((2, K, D), f32),
        pltpu.SemaphoreType.DMA((4,)),
    ]
    if with_cnt:
        scratch += [
            pltpu.VMEM_SHARED((N, CW), f32),
            pltpu.VMEM((K, CW), f32),
        ]

    def body(x_hbm, src_hbm, dst_hbm, ones_hbm, zer_hbm, zcnt_hbm,
             *outs_scratch):
        if with_cnt:
            (agg_out, cnt_out, agg_sp, src_v, dst_v, rows_v,
             sems, cnt_sp, ones_v) = outs_scratch
        else:
            (agg_out, agg_sp, src_v, dst_v, rows_v, sems) = outs_scratch
        c = lax.axis_index("c")
        s = lax.axis_index("s")
        wid = c * NS + s
        zbuf_v = rows_v.at[0]

        pltpu.async_copy(src_hbm.at[wid, 0], src_v.at[0], sems.at[2])
        pltpu.async_copy(dst_hbm.at[wid, 0], dst_v.at[0], sems.at[3])

        pltpu.sync_copy(zer_hbm, zbuf_v)
        if with_cnt:
            pltpu.sync_copy(zcnt_hbm, ones_v)

        for k in range(KMAX):
            cid = jnp.minimum(s + NS * k, NZ - 1)
            pltpu.sync_copy(zbuf_v, agg_sp.at[pl.ds(cid * ZR, ZR)])
            if with_cnt:
                pltpu.sync_copy(ones_v, cnt_sp.at[pl.ds(cid * ZR, ZR)])
        if with_cnt:
            pltpu.sync_copy(ones_hbm, ones_v)
        plsc.subcore_barrier()

        for blk in range(NB):
            bb = blk % 2
            pltpu.make_async_copy(src_hbm.at[wid, blk], src_v.at[bb],
                                  sems.at[2]).wait()
            pltpu.make_async_copy(dst_hbm.at[wid, blk], dst_v.at[bb],
                                  sems.at[3]).wait()
            if blk + 1 < NB:
                pltpu.async_copy(src_hbm.at[wid, blk + 1],
                                 src_v.at[1 - bb], sems.at[2])
                pltpu.async_copy(dst_hbm.at[wid, blk + 1],
                                 dst_v.at[1 - bb], sems.at[3])
            pltpu.async_copy(x_hbm.at[src_v.at[bb, 0]], rows_v.at[0],
                             sems.at[0])

            def step(j, carry):
                b = lax.rem(j, 2)
                nb = lax.rem(j + 1, 2)

                @pl.when(j + 1 < JB)
                def _():
                    pltpu.async_copy(x_hbm.at[src_v.at[bb, j + 1]],
                                     rows_v.at[nb], sems.at[nb])

                pltpu.make_async_copy(x_hbm.at[src_v.at[bb, j]],
                                      rows_v.at[b], sems.at[b]).wait()
                pltpu.sync_copy(rows_v.at[b], agg_sp.at[dst_v.at[bb, j]],
                                add=True)
                if with_cnt:
                    pltpu.sync_copy(ones_v, cnt_sp.at[dst_v.at[bb, j]],
                                    add=True)
                return carry

            lax.fori_loop(0, JB, step, 0)
        plsc.subcore_barrier()

        for k in range(KMAX):
            cid = jnp.minimum(s + NS * k, NZ - 1)
            sl = pl.ds(cid * ZR, ZR)
            pltpu.sync_copy(agg_sp.at[sl], zbuf_v)
            pltpu.sync_copy(zbuf_v, agg_out.at[c, sl])
            if with_cnt:
                pltpu.sync_copy(cnt_sp.at[sl], ones_v)
                pltpu.sync_copy(ones_v, cnt_out.at[c, sl])

    return pl.kernel(body, out_type=out_type, mesh=mesh,
                     scratch_types=scratch,
                     compiler_params=pltpu.CompilerParams(
                         use_tc_tiling_on_sc=False))


_sc_agg_cnt = _make_sc_agg(True)
_sc_agg = _make_sc_agg(False)


def _mm_t(a, w):
    return lax.dot_general(a, w, (((1,), (1,)), ((), ())),
                           preferred_element_type=f32)


BN = 2000


def _mean_of(agg_ref, cnt_ref):
    agg = agg_ref[0] + agg_ref[1]
    cnt = cnt_ref[0, :, 0:1] + cnt_ref[1, :, 0:1]
    return agg * (1.0 / jnp.maximum(cnt, 1.0))


def _dense1_body(agg_ref, cnt_ref, x_ref, wl_ref, bl_ref, wr_ref,
                 wm1_ref, bm1_ref, wm2_ref, bm2_ref, o_ref):
    mean = _mean_of(agg_ref, cnt_ref)
    h = jnp.maximum(_mm_t(mean, wl_ref[...]) + bl_ref[...]
                    + _mm_t(x_ref[...], wr_ref[...]), 0.0)
    t = jnp.maximum(_mm_t(h, wm1_ref[...]) + bm1_ref[...], 0.0)
    o_ref[...] = _mm_t(t, wm2_ref[...]) + bm2_ref[...]


def _dense2_body(agg_ref, cnt_ref, h_ref, wl_ref, bl_ref, wr_ref, o_ref):
    mean = _mean_of(agg_ref, cnt_ref)
    o_ref[...] = (_mm_t(mean, wl_ref[...]) + bl_ref[...]
                  + _mm_t(h_ref[...], wr_ref[...]))


def _w_spec():
    return pl.BlockSpec((D, D), lambda i: (0, 0))


def _b_spec():
    return pl.BlockSpec((D,), lambda i: (0,))


_ROW_SPEC = pl.BlockSpec((BN, D), lambda i: (i, 0))
_AGG_SPEC = pl.BlockSpec((NC, BN, D), lambda i: (0, i, 0))
_CNT_SPEC = pl.BlockSpec((NC, BN, CW), lambda i: (0, i, 0))

_dense1 = pl.pallas_call(
    _dense1_body,
    grid=(N // BN,),
    in_specs=[_AGG_SPEC, _CNT_SPEC, _ROW_SPEC, _w_spec(), _b_spec(),
              _w_spec(), _w_spec(), _b_spec(), _w_spec(), _b_spec()],
    out_specs=_ROW_SPEC,
    out_shape=jax.ShapeDtypeStruct((N, D), f32),
)

_dense2 = pl.pallas_call(
    _dense2_body,
    grid=(N // BN,),
    in_specs=[_AGG_SPEC, _CNT_SPEC, _ROW_SPEC, _w_spec(), _b_spec(),
              _w_spec()],
    out_specs=_ROW_SPEC,
    out_shape=jax.ShapeDtypeStruct((N, D), f32),
)


def kernel(x, edge_index, Wl1, bl1, Wr1, Wm1, bm1, Wm2, bm2, Wl2, bl2, Wr2):
    src_r = edge_index[0].reshape(NW, NB, JB, K)
    dst_r = edge_index[1].reshape(NW, NB, JB, K)
    ones = jnp.ones((K, CW), f32)
    zer = jnp.zeros((ZR, D), f32)
    zcnt = jnp.zeros((ZR, CW), f32)

    agg1, cnt = _sc_agg_cnt(x, src_r, dst_r, ones, zer, zcnt)
    h2 = _dense1(agg1, cnt, x, Wl1, bl1, Wr1, Wm1, bm1, Wm2, bm2)
    (agg2,) = _sc_agg(h2, src_r, dst_r, ones, zer, zcnt)
    out = _dense2(agg2, cnt, h2, Wl2, bl2, Wr2)
    return out

# --- scband reference (transcript-rebuilt; emitter-appended) ---
"""Pipeline reference for scband-sageencoder-22385369547049 (READ-ONLY COPY).

The authoritative reference and input builder live on the scoring server;
editing this copy changes nothing except your own understanding.
"""

import jax, jax.numpy as jnp
import numpy as np

N = 10000
E = 320000
D = 128


def setup_inputs(seed: int = 0) -> dict:
    key = jax.random.key(seed)
    ks = jax.random.split(key, 16)
    s = 1.0 / np.sqrt(D)
    x = jax.random.normal(ks[0], (N, D), dtype=jnp.float32)
    edge_index = jax.random.randint(ks[1], (2, E), 0, N, dtype=jnp.int32)
    # conv1 (SAGEConv): lin_l (on aggregated neighbors, with bias), lin_r (on root, no bias)
    Wl1 = jax.random.normal(ks[2], (D, D), dtype=jnp.float32) * s
    bl1 = jnp.zeros((D,), dtype=jnp.float32)
    Wr1 = jax.random.normal(ks[3], (D, D), dtype=jnp.float32) * s
    # mlp: Linear(D,D) -> ReLU -> Linear(D,D)
    Wm1 = jax.random.normal(ks[4], (D, D), dtype=jnp.float32) * s
    bm1 = jnp.zeros((D,), dtype=jnp.float32)
    Wm2 = jax.random.normal(ks[5], (D, D), dtype=jnp.float32) * s
    bm2 = jnp.zeros((D,), dtype=jnp.float32)
    # conv2 (SAGEConv)
    Wl2 = jax.random.normal(ks[6], (D, D), dtype=jnp.float32) * s
    bl2 = jnp.zeros((D,), dtype=jnp.float32)
    Wr2 = jax.random.normal(ks[7], (D, D), dtype=jnp.float32) * s
    return {"x": x, "edge_index": edge_index, "Wl1": Wl1, "bl1": bl1, "Wr1": Wr1,
            "Wm1": Wm1, "bm1": bm1, "Wm2": Wm2, "bm2": bm2,
            "Wl2": Wl2, "bl2": bl2, "Wr2": Wr2}


def _sage_conv(x, edge_index, Wl, bl, Wr):
    # PyG SAGEConv with mean aggregation:
    # out = lin_l(mean_{j in N(i)} x_j) + lin_r(x_i)
    src = edge_index[0]
    dst = edge_index[1]
    msgs = jnp.take(x, src, axis=0)                                   # gather
    agg = jax.ops.segment_sum(msgs, dst, num_segments=N)              # scatter-add
    cnt = jax.ops.segment_sum(jnp.ones((msgs.shape[0],), x.dtype), dst, num_segments=N)
    mean = agg / jnp.clip(cnt, 1.0)[:, None]
    return mean @ Wl.T + bl + x @ Wr.T


def reference(x, edge_index, Wl1, bl1, Wr1, Wm1, bm1, Wm2, bm2, Wl2, bl2, Wr2):
    h = jax.nn.relu(_sage_conv(x, edge_index, Wl1, bl1, Wr1))
    h = jax.nn.relu(h @ Wm1.T + bm1) @ Wm2.T + bm2
    # dropout is identity in eval mode
    out = _sage_conv(h, edge_index, Wl2, bl2, Wr2)
    return out

if __name__ == "__main__":
    import jax
    _d = setup_inputs()
    print(jax.jit(kernel)(*tuple(_d.values())))

</pallas_src>

<mosaic_0001>
#map = affine_map<(d0, d1) -> (0, 0)>
#map1 = affine_map<(d0, d1) -> (0, 0, 0, 0)>
#map2 = affine_map<(d0, d1) -> (0, 0, 0)>
module attributes {stable_mosaic.version = 14 : i64} {
  func.func @body(%arg0: i32, %arg1: i32, %arg2: memref<10000x128xf32, #tpu.memory_space<hbm>>, %arg3: memref<32x5x16x125xi32, #tpu.memory_space<hbm>>, %arg4: memref<32x5x16x125xi32, #tpu.memory_space<hbm>>, %arg5: memref<125x8xf32, #tpu.memory_space<hbm>>, %arg6: memref<125x128xf32, #tpu.memory_space<hbm>>, %arg7: memref<125x8xf32, #tpu.memory_space<hbm>>, %arg8: memref<2x10000x128xf32, #tpu.memory_space<hbm>>, %arg9: memref<2x10000x8xf32, #tpu.memory_space<hbm>>, %arg10: memref<10000x128xf32, #tpu.memory_space<vmem_shared>>, %arg11: memref<2x16x125xi32, #tpu.memory_space<vmem>>, %arg12: memref<2x16x125xi32, #tpu.memory_space<vmem>>, %arg13: memref<2x125x128xf32, #tpu.memory_space<vmem>>, %arg14: memref<4x!tpu.dma_semaphore, #tpu.memory_space<semaphore_mem>>, %arg15: memref<10000x8xf32, #tpu.memory_space<vmem_shared>>, %arg16: memref<125x8xf32, #tpu.memory_space<vmem>>) attributes {dimension_semantics = [#tpu.dimension_semantics<core_parallel>, #tpu.dimension_semantics<subcore_parallel>], iteration_bounds = array<i64: 2, 16>, scalar_prefetch = 0 : i64, scratch_operands = 7 : i64, tpu.core_type = #tpu.core_type<sc_vector_subcore>, window_params = [{transform_indices = #map}, {transform_indices = #map1}, {transform_indices = #map1}, {transform_indices = #map}, {transform_indices = #map}, {transform_indices = #map}, {transform_indices = #map2}, {transform_indices = #map2}]} {
    %mul3A = arith.constant 16 : i32
    %mul3A_0 = arith.muli %arg0, %mul3A : i32
    %add3A = arith.addi %mul3A_0, %arg1 : i32
    %dma_start3A = arith.constant 0 : i32
    %dma_start3A_1 = arith.constant 0 : i32
    %dma_start3A_2 = arith.constant 2 : i32
    %dma_start3A_3 = arith.constant 0 : i32
    %dma_start3A_4 = arith.constant 0 : i32
    %dma_start3A_5 = tpu.memref_slice %arg11[%dma_start3A_1, %dma_start3A_3, %dma_start3A_4] : memref<2x16x125xi32, #tpu.memory_space<vmem>> -> memref<1x16x125xi32, #tpu.memory_space<vmem>>
    %dma_start3A_6 = tpu.memref_squeeze %dma_start3A_5 : memref<1x16x125xi32, #tpu.memory_space<vmem>> -> memref<16x125xi32, #tpu.memory_space<vmem>>
    %dma_start3A_7 = arith.constant 0 : i32
    %dma_start3A_8 = arith.constant 0 : i32
    %dma_start3A_9 = tpu.memref_slice %arg3[%add3A, %dma_start3A, %dma_start3A_7, %dma_start3A_8] : memref<32x5x16x125xi32, #tpu.memory_space<hbm>> -> memref<1x1x16x125xi32, #tpu.memory_space<hbm>>
    %dma_start3A_10 = tpu.memref_squeeze %dma_start3A_9 : memref<1x1x16x125xi32, #tpu.memory_space<hbm>> -> memref<16x125xi32, #tpu.memory_space<hbm>>
    %dma_start3A_11 = tpu.memref_slice %arg14[%dma_start3A_2] : memref<4x!tpu.dma_semaphore, #tpu.memory_space<semaphore_mem>> -> memref<1x!tpu.dma_semaphore, #tpu.memory_space<semaphore_mem>>
    %dma_start3A_12 = tpu.memref_squeeze %dma_start3A_11 : memref<1x!tpu.dma_semaphore, #tpu.memory_space<semaphore_mem>> -> memref<!tpu.dma_semaphore, #tpu.memory_space<semaphore_mem>>
    %dma_start3A_13 = arith.constant 0 : i32
    %dma_start3A_14 = arith.constant 0 : i32
    %dma_start3A_15 = tpu.memref_slice %arg11[%dma_start3A_1, %dma_start3A_13, %dma_start3A_14] : memref<2x16x125xi32, #tpu.memory_space<vmem>> -> memref<1x16x125xi32, #tpu.memory_space<vmem>>
    %dma_start3A_16 = tpu.memref_squeeze %dma_start3A_15 : memref<1x16x125xi32, #tpu.memory_space<vmem>> -> memref<16x125xi32, #tpu.memory_space<vmem>>
    %dma_start3A_17 = arith.constant 0 : i32
    %dma_start3A_18 = arith.constant 0 : i32
    %dma_start3A_19 = tpu.memref_slice %arg3[%add3A, %dma_start3A, %dma_start3A_17, %dma_start3A_18] : memref<32x5x16x125xi32, #tpu.memory_space<hbm>> -> memref<1x1x16x125xi32, #tpu.memory_space<hbm>>
    %dma_start3A_20 = tpu.memref_squeeze %dma_start3A_19 : memref<1x1x16x125xi32, #tpu.memory_space<hbm>> -> memref<16x125xi32, #tpu.memory_space<hbm>>
    tpu.enqueue_dma source(%dma_start3A_20 : memref<16x125xi32, #tpu.memory_space<hbm>>) target(%dma_start3A_16 : memref<16x125xi32, #tpu.memory_space<vmem>>) target_semaphore(%dma_start3A_12 : memref<!tpu.dma_semaphore, #tpu.memory_space<semaphore_mem>>)
    %dma_start3A_21 = arith.constant 0 : i32
    %dma_start3A_22 = arith.constant 0 : i32
    %dma_start3A_23 = arith.constant 3 : i32
    %dma_start3A_24 = arith.constant 0 : i32
    %dma_start3A_25 = arith.constant 0 : i32
    %dma_start3A_26 = tpu.memref_slice %arg12[%dma_start3A_22, %dma_start3A_24, %dma_start3A_25] : memref<2x16x125xi32, #tpu.memory_space<vmem>> -> memref<1x16x125xi32, #tpu.memory_space<vmem>>
    %dma_start3A_27 = tpu.memref_squeeze %dma_start3A_26 : memref<1x16x125xi32, #tpu.memory_space<vmem>> -> memref<16x125xi32, #tpu.memory_space<vmem>>
    %dma_start3A_28 = arith.constant 0 : i32
    %dma_start3A_29 = arith.constant 0 : i32
    %dma_start3A_30 = tpu.memref_slice %arg4[%add3A, %dma_start3A_21, %dma_start3A_28, %dma_start3A_29] : memref<32x5x16x125xi32, #tpu.memory_space<hbm>> -> memref<1x1x16x125xi32, #tpu.memory_space<hbm>>
    %dma_start3A_31 = tpu.memref_squeeze %dma_start3A_30 : memref<1x1x16x125xi32, #tpu.memory_space<hbm>> -> memref<16x125xi32, #tpu.memory_space<hbm>>
    %dma_start3A_32 = tpu.memref_slice %arg14[%dma_start3A_23] : memref<4x!tpu.dma_semaphore, #tpu.memory_space<semaphore_mem>> -> memref<1x!tpu.dma_semaphore, #tpu.memory_space<semaphore_mem>>
    %dma_start3A_33 = tpu.memref_squeeze %dma_start3A_32 : memref<1x!tpu.dma_semaphore, #tpu.memory_space<semaphore_mem>> -> memref<!tpu.dma_semaphore, #tpu.memory_space<semaphore_mem>>
    %dma_start3A_34 = arith.constant 0 : i32
    %dma_start3A_35 = arith.constant 0 : i32
    %dma_start3A_36 = tpu.memref_slice %arg12[%dma_start3A_22, %dma_start3A_34, %dma_start3A_35] : memref<2x16x125xi32, #tpu.memory_space<vmem>> -> memref<1x16x125xi32, #tpu.memory_space<vmem>>
    %dma_start3A_37 = tpu.memref_squeeze %dma_start3A_36 : memref<1x16x125xi32, #tpu.memory_space<vmem>> -> memref<16x125xi32, #tpu.memory_space<vmem>>
    %dma_start3A_38 = arith.constant 0 : i32
    %dma_start3A_39 = arith.constant 0 : i32
    %dma_start3A_40 = tpu.memref_slice %arg4[%add3A, %dma_start3A_21, %dma_start3A_38, %dma_start3A_39] : memref<32x5x16x125xi32, #tpu.memory_space<hbm>> -> memref<1x1x16x125xi32, #tpu.memory_space<hbm>>
    %dma_start3A_41 = tpu.memref_squeeze %dma_start3A_40 : memref<1x1x16x125xi32, #tpu.memory_space<hbm>> -> memref<16x125xi32, #tpu.memory_space<hbm>>
    tpu.enqueue_dma source(%dma_start3A_41 : memref<16x125xi32, #tpu.memory_space<hbm>>) target(%dma_start3A_37 : memref<16x125xi32, #tpu.memory_space<vmem>>) target_semaphore(%dma_start3A_33 : memref<!tpu.dma_semaphore, #tpu.memory_space<semaphore_mem>>)
    %run_scoped3A = arith.constant 0 : i32
    "tpu.region"() ({
      %run_scoped3A_613 = tpu.sem_alloc : memref<!tpu.dma_semaphore, #tpu.memory_space<semaphore_mem>>
      %dma_start3A_614 = arith.constant 0 : i32
      %dma_start3A_615 = arith.constant 0 : i32
      %dma_start3A_616 = tpu.memref_slice %arg13[%run_scoped3A, %dma_start3A_614, %dma_start3A_615] : memref<2x125x128xf32, #tpu.memory_space<vmem>> -> memref<1x125x128xf32, #tpu.memory_space<vmem>>
      %dma_start3A_617 = tpu.memref_squeeze %dma_start3A_616 : memref<1x125x128xf32, #tpu.memory_space<vmem>> -> memref<125x128xf32, #tpu.memory_space<vmem>>
      %dma_start3A_618 = arith.constant 0 : i32
      %dma_start3A_619 = arith.constant 0 : i32
      %dma_start3A_620 = tpu.memref_slice %arg13[%run_scoped3A, %dma_start3A_618, %dma_start3A_619] : memref<2x125x128xf32, #tpu.memory_space<vmem>> -> memref<1x125x128xf32, #tpu.memory_space<vmem>>
      %dma_start3A_621 = tpu.memref_squeeze %dma_start3A_620 : memref<1x125x128xf32, #tpu.memory_space<vmem>> -> memref<125x128xf32, #tpu.memory_space<vmem>>
      tpu.enqueue_dma source(%arg6 : memref<125x128xf32, #tpu.memory_space<hbm>>) target(%dma_start3A_621 : memref<125x128xf32, #tpu.memory_space<vmem>>) target_semaphore(%run_scoped3A_613 : memref<!tpu.dma_semaphore, #tpu.memory_space<semaphore_mem>>)
      %dma_wait3A_622 = arith.constant 0 : i32
      %dma_wait3A_623 = arith.constant 0 : i32
      %dma_wait3A_624 = tpu.memref_slice %arg13[%run_scoped3A, %dma_wait3A_622, %dma_wait3A_623] : memref<2x125x128xf32, #tpu.memory_space<vmem>> -> memref<1x125x128xf32, #tpu.memory_space<vmem>>
      %dma_wait3A_625 = tpu.memref_squeeze %dma_wait3A_624 : memref<1x125x128xf32, #tpu.memory_space<vmem>> -> memref<125x128xf32, #tpu.memory_space<vmem>>
      %dma_wait3A_626 = arith.constant 0 : i32
      %dma_wait3A_627 = arith.constant 0 : i32
      %dma_wait3A_628 = tpu.memref_slice %arg13[%run_scoped3A, %dma_wait3A_626, %dma_wait3A_627] : memref<2x125x128xf32, #tpu.memory_space<vmem>> -> memref<1x125x128xf32, #tpu.memory_space<vmem>>
      %dma_wait3A_629 = tpu.memref_squeeze %dma_wait3A_628 : memref<1x125x128xf32, #tpu.memory_space<vmem>> -> memref<125x128xf32, #tpu.memory_space<vmem>>
      tpu.wait_dma2 semaphore(%run_scoped3A_613 : memref<!tpu.dma_semaphore, #tpu.memory_space<semaphore_mem>>) src(%arg6 : memref<125x128xf32, #tpu.memory_space<hbm>>) dst(%dma_wait3A_629 : memref<125x128xf32, #tpu.memory_space<vmem>>)
      tpu.yield
    }) : () -> ()
    "tpu.region"() ({
      %run_scoped3A_613 = tpu.sem_alloc : memref<!tpu.dma_semaphore, #tpu.memory_space<semaphore_mem>>
      tpu.enqueue_dma source(%arg7 : memref<125x8xf32, #tpu.memory_space<hbm>>) target(%arg16 : memref<125x8xf32, #tpu.memory_space<vmem>>) target_semaphore(%run_scoped3A_613 : memref<!tpu.dma_semaphore, #tpu.memory_space<semaphore_mem>>)
      tpu.wait_dma2 semaphore(%run_scoped3A_613 : memref<!tpu.dma_semaphore, #tpu.memory_space<semaphore_mem>>) src(%arg7 : memref<125x8xf32, #tpu.memory_space<hbm>>) dst(%arg16 : memref<125x8xf32, #tpu.memory_space<vmem>>)
      tpu.yield
    }) : () -> ()
    %add3A_42 = arith.constant 0 : i32
    %add3A_43 = arith.addi %arg1, %add3A_42 : i32
    %min3A = arith.constant 79 : i32
    %min3A_44 = arith.minsi %add3A_43, %min3A : i32
    %mul3A_45 = arith.constant 125 : i32
    %mul3A_46 = arith.muli %min3A_44, %mul3A_45 : i32
    %run_scoped3A_47 = arith.constant 0 : i32
    "tpu.region"() ({
      %run_scoped3A_613 = tpu.sem_alloc : memref<!tpu.dma_semaphore, #tpu.memory_space<semaphore_mem>>
      %dma_start3A_614 = arith.constant 0 : i32
      %dma_start3A_615 = arith.constant 0 : i32
      %dma_start3A_616 = tpu.memref_slice %arg13[%run_scoped3A_47, %dma_start3A_614, %dma_start3A_615] : memref<2x125x128xf32, #tpu.memory_space<vmem>> -> memref<1x125x128xf32, #tpu.memory_space<vmem>>
      %dma_start3A_617 = tpu.memref_squeeze %dma_start3A_616 : memref<1x125x128xf32, #tpu.memory_space<vmem>> -> memref<125x128xf32, #tpu.memory_space<vmem>>
      %dma_start3A_618 = arith.constant 0 : i32
      %dma_start3A_619 = tpu.memref_slice %arg10[%mul3A_46, %dma_start3A_618] : memref<10000x128xf32, #tpu.memory_space<vmem_shared>> -> memref<125x128xf32, #tpu.memory_space<vmem_shared>>
      %dma_start3A_620 = arith.constant 0 : i32
      %dma_start3A_621 = tpu.memref_slice %arg10[%mul3A_46, %dma_start3A_620] : memref<10000x128xf32, #tpu.memory_space<vmem_shared>> -> memref<125x128xf32, #tpu.memory_space<vmem_shared>>
      %dma_start3A_622 = arith.constant 0 : i32
      %dma_start3A_623 = arith.constant 0 : i32
      %dma_start3A_624 = tpu.memref_slice %arg13[%run_scoped3A_47, %dma_start3A_622, %dma_start3A_623] : memref<2x125x128xf32, #tpu.memory_space<vmem>> -> memref<1x125x128xf32, #tpu.memory_space<vmem>>
      %dma_start3A_625 = tpu.memref_squeeze %dma_start3A_624 : memref<1x125x128xf32, #tpu.memory_space<vmem>> -> memref<125x128xf32, #tpu.memory_space<vmem>>
      tpu.enqueue_dma source(%dma_start3A_625 : memref<125x128xf32, #tpu.memory_space<vmem>>) target(%dma_start3A_621 : memref<125x128xf32, #tpu.memory_space<vmem_shared>>) target_semaphore(%run_scoped3A_613 : memref<!tpu.dma_semaphore, #tpu.memory_space<semaphore_mem>>)
      %dma_wait3A_626 = arith.constant 0 : i32
      %dma_wait3A_627 = arith.constant 0 : i32
      %dma_wait3A_628 = tpu.memref_slice %arg13[%run_scoped3A_47, %dma_wait3A_626, %dma_wait3A_627] : memref<2x125x128xf32, #tpu.memory_space<vmem>> -> memref<1x125x128xf32, #tpu.memory_space<vmem>>
      %dma_wait3A_629 = tpu.memref_squeeze %dma_wait3A_628 : memref<1x125x128xf32, #tpu.memory_space<vmem>> -> memref<125x128xf32, #tpu.memory_space<vmem>>
      %dma_wait3A_630 = arith.constant 0 : i32
      %dma_wait3A_631 = tpu.memref_slice %arg10[%mul3A_46, %dma_wait3A_630] : memref<10000x128xf32, #tpu.memory_space<vmem_shared>> -> memref<125x128xf32, #tpu.memory_space<vmem_shared>>
      %dma_wait3A_632 = arith.constant 0 : i32
      %dma_wait3A_633 = tpu.memref_slice %arg10[%mul3A_46, %dma_wait3A_632] : memref<10000x128xf32, #tpu.memory_space<vmem_shared>> -> memref<125x128xf32, #tpu.memory_space<vmem_shared>>
      %dma_wait3A_634 = arith.constant 0 : i32
      %dma_wait3A_635 = arith.constant 0 : i32
      %dma_wait3A_636 = tpu.memref_slice %arg13[%run_scoped3A_47, %dma_wait3A_634, %dma_wait3A_635] : memref<2x125x128xf32, #tpu.memory_space<vmem>> -> memref<1x125x128xf32, #tpu.memory_space<vmem>>
      %dma_wait3A_637 = tpu.memref_squeeze %dma_wait3A_636 : memref<1x125x128xf32, #tpu.memory_space<vmem>> -> memref<125x128xf32, #tpu.memory_space<vmem>>
      tpu.wait_dma2 semaphore(%run_scoped3A_613 : memref<!tpu.dma_semaphore, #tpu.memory_space<semaphore_mem>>) src(%dma_wait3A_637 : memref<125x128xf32, #tpu.memory_space<vmem>>) dst(%dma_wait3A_633 : memref<125x128xf32, #tpu.memory_space<vmem_shared>>)
      tpu.yield
    }) : () -> ()
    %mul3A_48 = arith.constant 125 : i32
    %mul3A_49 = arith.muli %min3A_44, %mul3A_48 : i32
    "tpu.region"() ({
      %run_scoped3A_613 = tpu.sem_alloc : memref<!tpu.dma_semaphore, #tpu.memory_space<semaphore_mem>>
      %dma_start3A_614 = arith.constant 0 : i32
      %dma_start3A_615 = tpu.memref_slice %arg15[%mul3A_49, %dma_start3A_614] : memref<10000x8xf32, #tpu.memory_space<vmem_shared>> -> memref<125x8xf32, #tpu.memory_space<vmem_shared>>
      %dma_start3A_616 = arith.constant 0 : i32
      %dma_start3A_617 = tpu.memref_slice %arg15[%mul3A_49, %dma_start3A_616] : memref<10000x8xf32, #tpu.memory_space<vmem_shared>> -> memref<125x8xf32, #tpu.memory_space<vmem_shared>>
      tpu.enqueue_dma source(%arg16 : memref<125x8xf32, #tpu.memory_space<vmem>>) target(%dma_start3A_617 : memref<125x8xf32, #tpu.memory_space<vmem_shared>>) target_semaphore(%run_scoped3A_613 : memref<!tpu.dma_semaphore, #tpu.memory_space<semaphore_mem>>)
      %dma_wait3A_618 = arith.constant 0 : i32
      %dma_wait3A_619 = tpu.memref_slice %arg15[%mul3A_49, %dma_wait3A_618] : memref<10000x8xf32, #tpu.memory_space<vmem_shared>> -> memref<125x8xf32, #tpu.memory_space<vmem_shared>>
      %dma_wait3A_620 = arith.constant 0 : i32
      %dma_wait3A_621 = tpu.memref_slice %arg15[%mul3A_49, %dma_wait3A_620] : memref<10000x8xf32, #tpu.memory_space<vmem_shared>> -> memref<125x8xf32, #tpu.memory_space<vmem_shared>>
      tpu.wait_dma2 semaphore(%run_scoped3A_613 : memref<!tpu.dma_semaphore, #tpu.memory_space<semaphore_mem>>) src(%arg16 : memref<125x8xf32, #tpu.memory_space<vmem>>) dst(%dma_wait3A_621 : memref<125x8xf32, #tpu.memory_space<vmem_shared>>)
      tpu.yield
    }) : () -> ()
    %add3A_50 = arith.constant 16 : i32
    %add3A_51 = arith.addi %arg1, %add3A_50 : i32
    %min3A_52 = arith.constant 79 : i32
    %min3A_53 = arith.minsi %add3A_51, %min3A_52 : i32
    %mul3A_54 = arith.constant 125 : i32
    %mul3A_55 = arith.muli %min3A_53, %mul3A_54 : i32
    %run_scoped3A_56 = arith.constant 0 : i32
    "tpu.region"() ({
      %run_scoped3A_613 = tpu.sem_alloc : memref<!tpu.dma_semaphore, #tpu.memory_space<semaphore_mem>>
      %dma_start3A_614 = arith.constant 0 : i32
      %dma_start3A_615 = arith.constant 0 : i32
      %dma_start3A_616 = tpu.memref_slice %arg13[%run_scoped3A_56, %dma_start3A_614, %dma_start3A_615] : memref<2x125x128xf32, #tpu.memory_space<vmem>> -> memref<1x125x128xf32, #tpu.memory_space<vmem>>
      %dma_start3A_617 = tpu.memref_squeeze %dma_start3A_616 : memref<1x125x128xf32, #tpu.memory_space<vmem>> -> memref<125x128xf32, #tpu.memory_space<vmem>>
      %dma_start3A_618 = arith.constant 0 : i32
      %dma_start3A_619 = tpu.memref_slice %arg10[%mul3A_55, %dma_start3A_618] : memref<10000x128xf32, #tpu.memory_space<vmem_shared>> -> memref<125x128xf32, #tpu.memory_space<vmem_shared>>
      %dma_start3A_620 = arith.constant 0 : i32
      %dma_start3A_621 = tpu.memref_slice %arg10[%mul3A_55, %dma_start3A_620] : memref<10000x128xf32, #tpu.memory_space<vmem_shared>> -> memref<125x128xf32, #tpu.memory_space<vmem_shared>>
      %dma_start3A_622 = arith.constant 0 : i32
      %dma_start3A_623 = arith.constant 0 : i32
      %dma_start3A_624 = tpu.memref_slice %arg13[%run_scoped3A_56, %dma_start3A_622, %dma_start3A_623] : memref<2x125x128xf32, #tpu.memory_space<vmem>> -> memref<1x125x128xf32, #tpu.memory_space<vmem>>
      %dma_start3A_625 = tpu.memref_squeeze %dma_start3A_624 : memref<1x125x128xf32, #tpu.memory_space<vmem>> -> memref<125x128xf32, #tpu.memory_space<vmem>>
      tpu.enqueue_dma source(%dma_start3A_625 : memref<125x128xf32, #tpu.memory_space<vmem>>) target(%dma_start3A_621 : memref<125x128xf32, #tpu.memory_space<vmem_shared>>) target_semaphore(%run_scoped3A_613 : memref<!tpu.dma_semaphore, #tpu.memory_space<semaphore_mem>>)
      %dma_wait3A_626 = arith.constant 0 : i32
      %dma_wait3A_627 = arith.constant 0 : i32
      %dma_wait3A_628 = tpu.memref_slice %arg13[%run_scoped3A_56, %dma_wait3A_626, %dma_wait3A_627] : memref<2x125x128xf32, #tpu.memory_space<vmem>> -> memref<1x125x128xf32, #tpu.memory_space<vmem>>
      %dma_wait3A_629 = tpu.memref_squeeze %dma_wait3A_628 : memref<1x125x128xf32, #tpu.memory_space<vmem>> -> memref<125x128xf32, #tpu.memory_space<vmem>>
      %dma_wait3A_630 = arith.constant 0 : i32
      %dma_wait3A_631 = tpu.memref_slice %arg10[%mul3A_55, %dma_wait3A_630] : memref<10000x128xf32, #tpu.memory_space<vmem_shared>> -> memref<125x128xf32, #tpu.memory_space<vmem_shared>>
      %dma_wait3A_632 = arith.constant 0 : i32
      %dma_wait3A_633 = tpu.memref_slice %arg10[%mul3A_55, %dma_wait3A_632] : memref<10000x128xf32, #tpu.memory_space<vmem_shared>> -> memref<125x128xf32, #tpu.memory_space<vmem_shared>>
      %dma_wait3A_634 = arith.constant 0 : i32
      %dma_wait3A_635 = arith.constant 0 : i32
      %dma_wait3A_636 = tpu.memref_slice %arg13[%run_scoped3A_56, %dma_wait3A_634, %dma_wait3A_635] : memref<2x125x128xf32, #tpu.memory_space<vmem>> -> memref<1x125x128xf32, #tpu.memory_space<vmem>>
      %dma_wait3A_637 = tpu.memref_squeeze %dma_wait3A_636 : memref<1x125x128xf32, #tpu.memory_space<vmem>> -> memref<125x128xf32, #tpu.memory_space<vmem>>
      tpu.wait_dma2 semaphore(%run_scoped3A_613 : memref<!tpu.dma_semaphore, #tpu.memory_space<semaphore_mem>>) src(%dma_wait3A_637 : memref<125x128xf32, #tpu.memory_space<vmem>>) dst(%dma_wait3A_633 : memref<125x128xf32, #tpu.memory_space<vmem_shared>>)
      tpu.yield
    }) : () -> ()
    %mul3A_57 = arith.constant 125 : i32
    %mul3A_58 = arith.muli %min3A_53, %mul3A_57 : i32
    "tpu.region"() ({
      %run_scoped3A_613 = tpu.sem_alloc : memref<!tpu.dma_semaphore, #tpu.memory_space<semaphore_mem>>
      %dma_start3A_614 = arith.constant 0 : i32
      %dma_start3A_615 = tpu.memref_slice %arg15[%mul3A_58, %dma_start3A_614] : memref<10000x8xf32, #tpu.memory_space<vmem_shared>> -> memref<125x8xf32, #tpu.memory_space<vmem_shared>>
      %dma_start3A_616 = arith.constant 0 : i32
      %dma_start3A_617 = tpu.memref_slice %arg15[%mul3A_58, %dma_start3A_616] : memref<10000x8xf32, #tpu.memory_space<vmem_shared>> -> memref<125x8xf32, #tpu.memory_space<vmem_shared>>
      tpu.enqueue_dma source(%arg16 : memref<125x8xf32, #tpu.memory_space<vmem>>) target(%dma_start3A_617 : memref<125x8xf32, #tpu.memory_space<vmem_shared>>) target_semaphore(%run_scoped3A_613 : memref<!tpu.dma_semaphore, #tpu.memory_space<semaphore_mem>>)
      %dma_wait3A_618 = arith.constant 0 : i32
      %dma_wait3A_619 = tpu.memref_slice %arg15[%mul3A_58, %dma_wait3A_618] : memref<10000x8xf32, #tpu.memory_space<vmem_shared>> -> memref<125x8xf32, #tpu.memory_space<vmem_shared>>
      %dma_wait3A_620 = arith.constant 0 : i32
      %dma_wait3A_621 = tpu.memref_slice %arg15[%mul3A_58, %dma_wait3A_620] : memref<10000x8xf32, #tpu.memory_space<vmem_shared>> -> memref<125x8xf32, #tpu.memory_space<vmem_shared>>
      tpu.wait_dma2 semaphore(%run_scoped3A_613 : memref<!tpu.dma_semaphore, #tpu.memory_space<semaphore_mem>>) src(%arg16 : memref<125x8xf32, #tpu.memory_space<vmem>>) dst(%dma_wait3A_621 : memref<125x8xf32, #tpu.memory_space<vmem_shared>>)
      tpu.yield
    }) : () -> ()
    %add3A_59 = arith.constant 32 : i32
    %add3A_60 = arith.addi %arg1, %add3A_59 : i32
    %min3A_61 = arith.constant 79 : i32
    %min3A_62 = arith.minsi %add3A_60, %min3A_61 : i32
    %mul3A_63 = arith.constant 125 : i32
    %mul3A_64 = arith.muli %min3A_62, %mul3A_63 : i32
    %run_scoped3A_65 = arith.constant 0 : i32
    "tpu.region"() ({
      %run_scoped3A_613 = tpu.sem_alloc : memref<!tpu.dma_semaphore, #tpu.memory_space<semaphore_mem>>
      %dma_start3A_614 = arith.constant 0 : i32
      %dma_start3A_615 = arith.constant 0 : i32
      %dma_start3A_616 = tpu.memref_slice %arg13[%run_scoped3A_65, %dma_start3A_614, %dma_start3A_615] : memref<2x125x128xf32, #tpu.memory_space<vmem>> -> memref<1x125x128xf32, #tpu.memory_space<vmem>>
      %dma_start3A_617 = tpu.memref_squeeze %dma_start3A_616 : memref<1x125x128xf32, #tpu.memory_space<vmem>> -> memref<125x128xf32, #tpu.memory_space<vmem>>
      %dma_start3A_618 = arith.constant 0 : i32
      %dma_start3A_619 = tpu.memref_slice %arg10[%mul3A_64, %dma_start3A_618] : memref<10000x128xf32, #tpu.memory_space<vmem_shared>> -> memref<125x128xf32, #tpu.memory_space<vmem_shared>>
      %dma_start3A_620 = arith.constant 0 : i32
      %dma_start3A_621 = tpu.memref_slice %arg10[%mul3A_64, %dma_start3A_620] : memref<10000x128xf32, #tpu.memory_space<vmem_shared>> -> memref<125x128xf32, #tpu.memory_space<vmem_shared>>
      %dma_start3A_622 = arith.constant 0 : i32
      %dma_start3A_623 = arith.constant 0 : i32
      %dma_start3A_624 = tpu.memref_slice %arg13[%run_scoped3A_65, %dma_start3A_622, %dma_start3A_623] : memref<2x125x128xf32, #tpu.memory_space<vmem>> -> memref<1x125x128xf32, #tpu.memory_space<vmem>>
      %dma_start3A_625 = tpu.memref_squeeze %dma_start3A_624 : memref<1x125x128xf32, #tpu.memory_space<vmem>> -> memref<125x128xf32, #tpu.memory_space<vmem>>
      tpu.enqueue_dma source(%dma_start3A_625 : memref<125x128xf32, #tpu.memory_space<vmem>>) target(%dma_start3A_621 : memref<125x128xf32, #tpu.memory_space<vmem_shared>>) target_semaphore(%run_scoped3A_613 : memref<!tpu.dma_semaphore, #tpu.memory_space<semaphore_mem>>)
      %dma_wait3A_626 = arith.constant 0 : i32
      %dma_wait3A_627 = arith.constant 0 : i32
      %dma_wait3A_628 = tpu.memref_slice %arg13[%run_scoped3A_65, %dma_wait3A_626, %dma_wait3A_627] : memref<2x125x128xf32, #tpu.memory_space<vmem>> -> memref<1x125x128xf32, #tpu.memory_space<vmem>>
      %dma_wait3A_629 = tpu.memref_squeeze %dma_wait3A_628 : memref<1x125x128xf32, #tpu.memory_space<vmem>> -> memref<125x128xf32, #tpu.memory_space<vmem>>
      %dma_wait3A_630 = arith.constant 0 : i32
      %dma_wait3A_631 = tpu.memref_slice %arg10[%mul3A_64, %dma_wait3A_630] : memref<10000x128xf32, #tpu.memory_space<vmem_shared>> -> memref<125x128xf32, #tpu.memory_space<vmem_shared>>
      %dma_wait3A_632 = arith.constant 0 : i32
      %dma_wait3A_633 = tpu.memref_slice %arg10[%mul3A_64, %dma_wait3A_632] : memref<10000x128xf32, #tpu.memory_space<vmem_shared>> -> memref<125x128xf32, #tpu.memory_space<vmem_shared>>
      %dma_wait3A_634 = arith.constant 0 : i32
      %dma_wait3A_635 = arith.constant 0 : i32
      %dma_wait3A_636 = tpu.memref_slice %arg13[%run_scoped3A_65, %dma_wait3A_634, %dma_wait3A_635] : memref<2x125x128xf32, #tpu.memory_space<vmem>> -> memref<1x125x128xf32, #tpu.memory_space<vmem>>
      %dma_wait3A_637 = tpu.memref_squeeze %dma_wait3A_636 : memref<1x125x128xf32, #tpu.memory_space<vmem>> -> memref<125x128xf32, #tpu.memory_space<vmem>>
      tpu.wait_dma2 semaphore(%run_scoped3A_613 : memref<!tpu.dma_semaphore, #tpu.memory_space<semaphore_mem>>) src(%dma_wait3A_637 : memref<125x128xf32, #tpu.memory_space<vmem>>) dst(%dma_wait3A_633 : memref<125x128xf32, #tpu.memory_space<vmem_shared>>)
      tpu.yield
    }) : () -> ()
    %mul3A_66 = arith.constant 125 : i32
    %mul3A_67 = arith.muli %min3A_62, %mul3A_66 : i32
    "tpu.region"() ({
      %run_scoped3A_613 = tpu.sem_alloc : memref<!tpu.dma_semaphore, #tpu.memory_space<semaphore_mem>>
      %dma_start3A_614 = arith.constant 0 : i32
      %dma_start3A_615 = tpu.memref_slice %arg15[%mul3A_67, %dma_start3A_614] : memref<10000x8xf32, #tpu.memory_space<vmem_shared>> -> memref<125x8xf32, #tpu.memory_space<vmem_shared>>
      %dma_start3A_616 = arith.constant 0 : i32
      %dma_start3A_617 = tpu.memref_slice %arg15[%mul3A_67, %dma_start3A_616] : memref<10000x8xf32, #tpu.memory_space<vmem_shared>> -> memref<125x8xf32, #tpu.memory_space<vmem_shared>>
      tpu.enqueue_dma source(%arg16 : memref<125x8xf32, #tpu.memory_space<vmem>>) target(%dma_start3A_617 : memref<125x8xf32, #tpu.memory_space<vmem_shared>>) target_semaphore(%run_scoped3A_613 : memref<!tpu.dma_semaphore, #tpu.memory_space<semaphore_mem>>)
      %dma_wait3A_618 = arith.constant 0 : i32
      %dma_wait3A_619 = tpu.memref_slice %arg15[%mul3A_67, %dma_wait3A_618] : memref<10000x8xf32, #tpu.memory_space<vmem_shared>> -> memref<125x8xf32, #tpu.memory_space<vmem_shared>>
      %dma_wait3A_620 = arith.constant 0 : i32
      %dma_wait3A_621 = tpu.memref_slice %arg15[%mul3A_67, %dma_wait3A_620] : memref<10000x8xf32, #tpu.memory_space<vmem_shared>> -> memref<125x8xf32, #tpu.memory_space<vmem_shared>>
      tpu.wait_dma2 semaphore(%run_scoped3A_613 : memref<!tpu.dma_semaphore, #tpu.memory_space<semaphore_mem>>) src(%arg16 : memref<125x8xf32, #tpu.memory_space<vmem>>) dst(%dma_wait3A_621 : memref<125x8xf32, #tpu.memory_space<vmem_shared>>)
      tpu.yield
    }) : () -> ()
    %add3A_68 = arith.constant 48 : i32
    %add3A_69 = arith.addi %arg1, %add3A_68 : i32
    %min3A_70 = arith.constant 79 : i32
    %min3A_71 = arith.minsi %add3A_69, %min3A_70 : i32
    %mul3A_72 = arith.constant 125 : i32
    %mul3A_73 = arith.muli %min3A_71, %mul3A_72 : i32
    %run_scoped3A_74 = arith.constant 0 : i32
    "tpu.region"() ({
      %run_scoped3A_613 = tpu.sem_alloc : memref<!tpu.dma_semaphore, #tpu.memory_space<semaphore_mem>>
      %dma_start3A_614 = arith.constant 0 : i32
      %dma_start3A_615 = arith.constant 0 : i32
      %dma_start3A_616 = tpu.memref_slice %arg13[%run_scoped3A_74, %dma_start3A_614, %dma_start3A_615] : memref<2x125x128xf32, #tpu.memory_space<vmem>> -> memref<1x125x128xf32, #tpu.memory_space<vmem>>
      %dma_start3A_617 = tpu.memref_squeeze %dma_start3A_616 : memref<1x125x128xf32, #tpu.memory_space<vmem>> -> memref<125x128xf32, #tpu.memory_space<vmem>>
      %dma_start3A_618 = arith.constant 0 : i32
      %dma_start3A_619 = tpu.memref_slice %arg10[%mul3A_73, %dma_start3A_618] : memref<10000x128xf32, #tpu.memory_space<vmem_shared>> -> memref<125x128xf32, #tpu.memory_space<vmem_shared>>
      %dma_start3A_620 = arith.constant 0 : i32
      %dma_start3A_621 = tpu.memref_slice %arg10[%mul3A_73, %dma_start3A_620] : memref<10000x128xf32, #tpu.memory_space<vmem_shared>> -> memref<125x128xf32, #tpu.memory_space<vmem_shared>>
      %dma_start3A_622 = arith.constant 0 : i32
      %dma_start3A_623 = arith.constant 0 : i32
      %dma_start3A_624 = tpu.memref_slice %arg13[%run_scoped3A_74, %dma_start3A_622, %dma_start3A_623] : memref<2x125x128xf32, #tpu.memory_space<vmem>> -> memref<1x125x128xf32, #tpu.memory_space<vmem>>
      %dma_start3A_625 = tpu.memref_squeeze %dma_start3A_624 : memref<1x125x128xf32, #tpu.memory_space<vmem>> -> memref<125x128xf32, #tpu.memory_space<vmem>>
      tpu.enqueue_dma source(%dma_start3A_625 : memref<125x128xf32, #tpu.memory_space<vmem>>) target(%dma_start3A_621 : memref<125x128xf32, #tpu.memory_space<vmem_shared>>) target_semaphore(%run_scoped3A_613 : memref<!tpu.dma_semaphore, #tpu.memory_space<semaphore_mem>>)
      %dma_wait3A_626 = arith.constant 0 : i32
      %dma_wait3A_627 = arith.constant 0 : i32
      %dma_wait3A_628 = tpu.memref_slice %arg13[%run_scoped3A_74, %dma_wait3A_626, %dma_wait3A_627] : memref<2x125x128xf32, #tpu.memory_space<vmem>> -> memref<1x125x128xf32, #tpu.memory_space<vmem>>
      %dma_wait3A_629 = tpu.memref_squeeze %dma_wait3A_628 : memref<1x125x128xf32, #tpu.memory_space<vmem>> -> memref<125x128xf32, #tpu.memory_space<vmem>>
      %dma_wait3A_630 = arith.constant 0 : i32
      %dma_wait3A_631 = tpu.memref_slice %arg10[%mul3A_73, %dma_wait3A_630] : memref<10000x128xf32, #tpu.memory_space<vmem_shared>> -> memref<125x128xf32, #tpu.memory_space<vmem_shared>>
      %dma_wait3A_632 = arith.constant 0 : i32
      %dma_wait3A_633 = tpu.memref_slice %arg10[%mul3A_73, %dma_wait3A_632] : memref<10000x128xf32, #tpu.memory_space<vmem_shared>> -> memref<125x128xf32, #tpu.memory_space<vmem_shared>>
      %dma_wait3A_634 = arith.constant 0 : i32
      %dma_wait3A_635 = arith.constant 0 : i32
      %dma_wait3A_636 = tpu.memref_slice %arg13[%run_scoped3A_74, %dma_wait3A_634, %dma_wait3A_635] : memref<2x125x128xf32, #tpu.memory_space<vmem>> -> memref<1x125x128xf32, #tpu.memory_space<vmem>>
      %dma_wait3A_637 = tpu.memref_squeeze %dma_wait3A_636 : memref<1x125x128xf32, #tpu.memory_space<vmem>> -> memref<125x128xf32, #tpu.memory_space<vmem>>
      tpu.wait_dma2 semaphore(%run_scoped3A_613 : memref<!tpu.dma_semaphore, #tpu.memory_space<semaphore_mem>>) src(%dma_wait3A_637 : memref<125x128xf32, #tpu.memory_space<vmem>>) dst(%dma_wait3A_633 : memref<125x128xf32, #tpu.memory_space<vmem_shared>>)
      tpu.yield
    }) : () -> ()
    %mul3A_75 = arith.constant 125 : i32
    %mul3A_76 = arith.muli %min3A_71, %mul3A_75 : i32
    "tpu.region"() ({
      %run_scoped3A_613 = tpu.sem_alloc : memref<!tpu.dma_semaphore, #tpu.memory_space<semaphore_mem>>
      %dma_start3A_614 = arith.constant 0 : i32
      %dma_start3A_615 = tpu.memref_slice %arg15[%mul3A_76, %dma_start3A_614] : memref<10000x8xf32, #tpu.memory_space<vmem_shared>> -> memref<125x8xf32, #tpu.memory_space<vmem_shared>>
      %dma_start3A_616 = arith.constant 0 : i32
      %dma_start3A_617 = tpu.memref_slice %arg15[%mul3A_76, %dma_start3A_616] : memref<10000x8xf32, #tpu.memory_space<vmem_shared>> -> memref<125x8xf32, #tpu.memory_space<vmem_shared>>
      tpu.enqueue_dma source(%arg16 : memref<125x8xf32, #tpu.memory_space<vmem>>) target(%dma_start3A_617 : memref<125x8xf32, #tpu.memory_space<vmem_shared>>) target_semaphore(%run_scoped3A_613 : memref<!tpu.dma_semaphore, #tpu.memory_space<semaphore_mem>>)
      %dma_wait3A_618 = arith.constant 0 : i32
      %dma_wait3A_619 = tpu.memref_slice %arg15[%mul3A_76, %dma_wait3A_618] : memref<10000x8xf32, #tpu.memory_space<vmem_shared>> -> memref<125x8xf32, #tpu.memory_space<vmem_shared>>
      %dma_wait3A_620 = arith.constant 0 : i32
      %dma_wait3A_621 = tpu.memref_slice %arg15[%mul3A_76, %dma_wait3A_620] : memref<10000x8xf32, #tpu.memory_space<vmem_shared>> -> memref<125x8xf32, #tpu.memory_space<vmem_shared>>
      tpu.wait_dma2 semaphore(%run_scoped3A_613 : memref<!tpu.dma_semaphore, #tpu.memory_space<semaphore_mem>>) src(%arg16 : memref<125x8xf32, #tpu.memory_space<vmem>>) dst(%dma_wait3A_621 : memref<125x8xf32, #tpu.memory_space<vmem_shared>>)
      tpu.yield
    }) : () -> ()
    %add3A_77 = arith.constant 64 : i32
    %add3A_78 = arith.addi %arg1, %add3A_77 : i32
    %min3A_79 = arith.constant 79 : i32
    %min3A_80 = arith.minsi %add3A_78, %min3A_79 : i32
    %mul3A_81 = arith.constant 125 : i32
    %mul3A_82 = arith.muli %min3A_80, %mul3A_81 : i32
    %run_scoped3A_83 = arith.constant 0 : i32
    "tpu.region"() ({
      %run_scoped3A_613 = tpu.sem_alloc : memref<!tpu.dma_semaphore, #tpu.memory_space<semaphore_mem>>
      %dma_start3A_614 = arith.constant 0 : i32
      %dma_start3A_615 = arith.constant 0 : i32
      %dma_start3A_616 = tpu.memref_slice %arg13[%run_scoped3A_83, %dma_start3A_614, %dma_start3A_615] : memref<2x125x128xf32, #tpu.memory_space<vmem>> -> memref<1x125x128xf32, #tpu.memory_space<vmem>>
      %dma_start3A_617 = tpu.memref_squeeze %dma_start3A_616 : memref<1x125x128xf32, #tpu.memory_space<vmem>> -> memref<125x128xf32, #tpu.memory_space<vmem>>
      %dma_start3A_618 = arith.constant 0 : i32
      %dma_start3A_619 = tpu.memref_slice %arg10[%mul3A_82, %dma_start3A_618] : memref<10000x128xf32, #tpu.memory_space<vmem_shared>> -> memref<125x128xf32, #tpu.memory_space<vmem_shared>>
      %dma_start3A_620 = arith.constant 0 : i32
      %dma_start3A_621 = tpu.memref_slice %arg10[%mul3A_82, %dma_start3A_620] : memref<10000x128xf32, #tpu.memory_space<vmem_shared>> -> memref<125x128xf32, #tpu.memory_space<vmem_shared>>
      %dma_start3A_622 = arith.constant 0 : i32
      %dma_start3A_623 = arith.constant 0 : i32
      %dma_start3A_624 = tpu.memref_slice %arg13[%run_scoped3A_83, %dma_start3A_622, %dma_start3A_623] : memref<2x125x128xf32, #tpu.memory_space<vmem>> -> memref<1x125x128xf32, #tpu.memory_space<vmem>>
      %dma_start3A_625 = tpu.memref_squeeze %dma_start3A_624 : memref<1x125x128xf32, #tpu.memory_space<vmem>> -> memref<125x128xf32, #tpu.memory_space<vmem>>
      tpu.enqueue_dma source(%dma_start3A_625 : memref<125x128xf32, #tpu.memory_space<vmem>>) target(%dma_start3A_621 : memref<125x128xf32, #tpu.memory_space<vmem_shared>>) target_semaphore(%run_scoped3A_613 : memref<!tpu.dma_semaphore, #tpu.memory_space<semaphore_mem>>)
      %dma_wait3A_626 = arith.constant 0 : i32
      %dma_wait3A_627 = arith.constant 0 : i32
      %dma_wait3A_628 = tpu.memref_slice %arg13[%run_scoped3A_83, %dma_wait3A_626, %dma_wait3A_627] : memref<2x125x128xf32, #tpu.memory_space<vmem>> -> memref<1x125x128xf32, #tpu.memory_space<vmem>>
      %dma_wait3A_629 = tpu.memref_squeeze %dma_wait3A_628 : memref<1x125x128xf32, #tpu.memory_space<vmem>> -> memref<125x128xf32, #tpu.memory_space<vmem>>
      %dma_wait3A_630 = arith.constant 0 : i32
      %dma_wait3A_631 = tpu.memref_slice %arg10[%mul3A_82, %dma_wait3A_630] : memref<10000x128xf32, #tpu.memory_space<vmem_shared>> -> memref<125x128xf32, #tpu.memory_space<vmem_shared>>
      %dma_wait3A_632 = arith.constant 0 : i32
      %dma_wait3A_633 = tpu.memref_slice %arg10[%mul3A_82, %dma_wait3A_632] : memref<10000x128xf32, #tpu.memory_space<vmem_shared>> -> memref<125x128xf32, #tpu.memory_space<vmem_shared>>
      %dma_wait3A_634 = arith.constant 0 : i32
      %dma_wait3A_635 = arith.constant 0 : i32
      %dma_wait3A_636 = tpu.memref_slice %arg13[%run_scoped3A_83, %dma_wait3A_634, %dma_wait3A_635] : memref<2x125x128xf32, #tpu.memory_space<vmem>> -> memref<1x125x128xf32, #tpu.memory_space<vmem>>
      %dma_wait3A_637 = tpu.memref_squeeze %dma_wait3A_636 : memref<1x125x128xf32, #tpu.memory_space<vmem>> -> memref<125x128xf32, #tpu.memory_space<vmem>>
      tpu.wait_dma2 semaphore(%run_scoped3A_613 : memref<!tpu.dma_semaphore, #tpu.memory_space<semaphore_mem>>) src(%dma_wait3A_637 : memref<125x128xf32, #tpu.memory_space<vmem>>) dst(%dma_wait3A_633 : memref<125x128xf32, #tpu.memory_space<vmem_shared>>)
      tpu.yield
    }) : () -> ()
    %mul3A_84 = arith.constant 125 : i32
    %mul3A_85 = arith.muli %min3A_80, %mul3A_84 : i32
    "tpu.region"() ({
      %run_scoped3A_613 = tpu.sem_alloc : memref<!tpu.dma_semaphore, #tpu.memory_space<semaphore_mem>>
      %dma_start3A_614 = arith.constant 0 : i32
      %dma_start3A_615 = tpu.memref_slice %arg15[%mul3A_85, %dma_start3A_614] : memref<10000x8xf32, #tpu.memory_space<vmem_shared>> -> memref<125x8xf32, #tpu.memory_space<vmem_shared>>
      %dma_start3A_616 = arith.constant 0 : i32
      %dma_start3A_617 = tpu.memref_slice %arg15[%mul3A_85, %dma_start3A_616] : memref<10000x8xf32, #tpu.memory_space<vmem_shared>> -> memref<125x8xf32, #tpu.memory_space<vmem_shared>>
      tpu.enqueue_dma source(%arg16 : memref<125x8xf32, #tpu.memory_space<vmem>>) target(%dma_start3A_617 : memref<125x8xf32, #tpu.memory_space<vmem_shared>>) target_semaphore(%run_scoped3A_613 : memref<!tpu.dma_semaphore, #tpu.memory_space<semaphore_mem>>)
      %dma_wait3A_618 = arith.constant 0 : i32
      %dma_wait3A_619 = tpu.memref_slice %arg15[%mul3A_85, %dma_wait3A_618] : memref<10000x8xf32, #tpu.memory_space<vmem_shared>> -> memref<125x8xf32, #tpu.memory_space<vmem_shared>>
      %dma_wait3A_620 = arith.constant 0 : i32
      %dma_wait3A_621 = tpu.memref_slice %arg15[%mul3A_85, %dma_wait3A_620] : memref<10000x8xf32, #tpu.memory_space<vmem_shared>> -> memref<125x8xf32, #tpu.memory_space<vmem_shared>>
      tpu.wait_dma2 semaphore(%run_scoped3A_613 : memref<!tpu.dma_semaphore, #tpu.memory_space<semaphore_mem>>) src(%arg16 : memref<125x8xf32, #tpu.memory_space<vmem>>) dst(%dma_wait3A_621 : memref<125x8xf32, #tpu.memory_space<vmem_shared>>)
      tpu.yield
    }) : () -> ()
    "tpu.region"() ({
      %run_scoped3A_613 = tpu.sem_alloc : memref<!tpu.dma_semaphore, #tpu.memory_space<semaphore_mem>>
      tpu.enqueue_dma source(%arg5 : memref<125x8xf32, #tpu.memory_space<hbm>>) target(%arg16 : memref<125x8xf32, #tpu.memory_space<vmem>>) target_semaphore(%run_scoped3A_613 : memref<!tpu.dma_semaphore, #tpu.memory_space<semaphore_mem>>)
      tpu.wait_dma2 semaphore(%run_scoped3A_613 : memref<!tpu.dma_semaphore, #tpu.memory_space<semaphore_mem>>) src(%arg5 : memref<125x8xf32, #tpu.memory_space<hbm>>) dst(%arg16 : memref<125x8xf32, #tpu.memory_space<vmem>>)
      tpu.yield
    }) : () -> ()
    %barrier3A = arith.constant 0 : index
    tpu.barrier barrier_id(%barrier3A)
    %dma_wait3A = arith.constant 0 : i32
    %dma_wait3A_86 = arith.constant 0 : i32
    %dma_wait3A_87 = arith.constant 2 : i32
    %dma_wait3A_88 = arith.constant 0 : i32
    %dma_wait3A_89 = arith.constant 0 : i32
    %dma_wait3A_90 = tpu.memref_slice %arg11[%dma_wait3A_86, %dma_wait3A_88, %dma_wait3A_89] : memref<2x16x125xi32, #tpu.memory_space<vmem>> -> memref<1x16x125xi32, #tpu.memory_space<vmem>>
    %dma_wait3A_91 = tpu.memref_squeeze %dma_wait3A_90 : memref<1x16x125xi32, #tpu.memory_space<vmem>> -> memref<16x125xi32, #tpu.memory_space<vmem>>
    %dma_wait3A_92 = arith.constant 0 : i32
    %dma_wait3A_93 = arith.constant 0 : i32
    %dma_wait3A_94 = tpu.memref_slice %arg3[%add3A, %dma_wait3A, %dma_wait3A_92, %dma_wait3A_93] : memref<32x5x16x125xi32, #tpu.memory_space<hbm>> -> memref<1x1x16x125xi32, #tpu.memory_space<hbm>>
    %dma_wait3A_95 = tpu.memref_squeeze %dma_wait3A_94 : memref<1x1x16x125xi32, #tpu.memory_space<hbm>> -> memref<16x125xi32, #tpu.memory_space<hbm>>
    %dma_wait3A_96 = tpu.memref_slice %arg14[%dma_wait3A_87] : memref<4x!tpu.dma_semaphore, #tpu.memory_space<semaphore_mem>> -> memref<1x!tpu.dma_semaphore, #tpu.memory_space<semaphore_mem>>
    %dma_wait3A_97 = tpu.memref_squeeze %dma_wait3A_96 : memref<1x!tpu.dma_semaphore, #tpu.memory_space<semaphore_mem>> -> memref<!tpu.dma_semaphore, #tpu.memory_space<semaphore_mem>>
    %dma_wait3A_98 = arith.constant 0 : i32
    %dma_wait3A_99 = arith.constant 0 : i32
    %dma_wait3A_100 = tpu.memref_slice %arg11[%dma_wait3A_86, %dma_wait3A_98, %dma_wait3A_99] : memref<2x16x125xi32, #tpu.memory_space<vmem>> -> memref<1x16x125xi32, #tpu.memory_space<vmem>>
    %dma_wait3A_101 = tpu.memref_squeeze %dma_wait3A_100 : memref<1x16x125xi32, #tpu.memory_space<vmem>> -> memref<16x125xi32, #tpu.memory_space<vmem>>
    %dma_wait3A_102 = arith.constant 0 : i32
    %dma_wait3A_103 = arith.constant 0 : i32
    %dma_wait3A_104 = tpu.memref_slice %arg3[%add3A, %dma_wait3A, %dma_wait3A_102, %dma_wait3A_103] : memref<32x5x16x125xi32, #tpu.memory_space<hbm>> -> memref<1x1x16x125xi32, #tpu.memory_space<hbm>>
    %dma_wait3A_105 = tpu.memref_squeeze %dma_wait3A_104 : memref<1x1x16x125xi32, #tpu.memory_space<hbm>> -> memref<16x125xi32, #tpu.memory_space<hbm>>
    tpu.wait_dma2 semaphore(%dma_wait3A_97 : memref<!tpu.dma_semaphore, #tpu.memory_space<semaphore_mem>>) src(%dma_wait3A_105 : memref<16x125xi32, #tpu.memory_space<hbm>>) dst(%dma_wait3A_101 : memref<16x125xi32, #tpu.memory_space<vmem>>)
    %dma_wait3A_106 = arith.constant 0 : i32
    %dma_wait3A_107 = arith.constant 0 : i32
    %dma_wait3A_108 = arith.constant 3 : i32
    %dma_wait3A_109 = arith.constant 0 : i32
    %dma_wait3A_110 = arith.constant 0 : i32
    %dma_wait3A_111 = tpu.memref_slice %arg12[%dma_wait3A_107, %dma_wait3A_109, %dma_wait3A_110] : memref<2x16x125xi32, #tpu.memory_space<vmem>> -> memref<1x16x125xi32, #tpu.memory_space<vmem>>
    %dma_wait3A_112 = tpu.memref_squeeze %dma_wait3A_111 : memref<1x16x125xi32, #tpu.memory_space<vmem>> -> memref<16x125xi32, #tpu.memory_space<vmem>>
    %dma_wait3A_113 = arith.constant 0 : i32
    %dma_wait3A_114 = arith.constant 0 : i32
    %dma_wait3A_115 = tpu.memref_slice %arg4[%add3A, %dma_wait3A_106, %dma_wait3A_113, %dma_wait3A_114] : memref<32x5x16x125xi32, #tpu.memory_space<hbm>> -> memref<1x1x16x125xi32, #tpu.memory_space<hbm>>
    %dma_wait3A_116 = tpu.memref_squeeze %dma_wait3A_115 : memref<1x1x16x125xi32, #tpu.memory_space<hbm>> -> memref<16x125xi32, #tpu.memory_space<hbm>>
    %dma_wait3A_117 = tpu.memref_slice %arg14[%dma_wait3A_108] : memref<4x!tpu.dma_semaphore, #tpu.memory_space<semaphore_mem>> -> memref<1x!tpu.dma_semaphore, #tpu.memory_space<semaphore_mem>>
    %dma_wait3A_118 = tpu.memref_squeeze %dma_wait3A_117 : memref<1x!tpu.dma_semaphore, #tpu.memory_space<semaphore_mem>> -> memref<!tpu.dma_semaphore, #tpu.memory_space<semaphore_mem>>
    %dma_wait3A_119 = arith.constant 0 : i32
    %dma_wait3A_120 = arith.constant 0 : i32
    %dma_wait3A_121 = tpu.memref_slice %arg12[%dma_wait3A_107, %dma_wait3A_119, %dma_wait3A_120] : memref<2x16x125xi32, #tpu.memory_space<vmem>> -> memref<1x16x125xi32, #tpu.memory_space<vmem>>
    %dma_wait3A_122 = tpu.memref_squeeze %dma_wait3A_121 : memref<1x16x125xi32, #tpu.memory_space<vmem>> -> memref<16x125xi32, #tpu.memory_space<vmem>>
    %dma_wait3A_123 = arith.constant 0 : i32
    %dma_wait3A_124 = arith.constant 0 : i32
    %dma_wait3A_125 = tpu.memref_slice %arg4[%add3A, %dma_wait3A_106, %dma_wait3A_123, %dma_wait3A_124] : memref<32x5x16x125xi32, #tpu.memory_space<hbm>> -> memref<1x1x16x125xi32, #tpu.memory_space<hbm>>
    %dma_wait3A_126 = tpu.memref_squeeze %dma_wait3A_125 : memref<1x1x16x125xi32, #tpu.memory_space<hbm>> -> memref<16x125xi32, #tpu.memory_space<hbm>>
    tpu.wait_dma2 semaphore(%dma_wait3A_118 : memref<!tpu.dma_semaphore, #tpu.memory_space<semaphore_mem>>) src(%dma_wait3A_126 : memref<16x125xi32, #tpu.memory_space<hbm>>) dst(%dma_wait3A_122 : memref<16x125xi32, #tpu.memory_space<vmem>>)
    %dma_start3A_127 = arith.constant 1 : i32
    %dma_start3A_128 = arith.constant 1 : i32
    %dma_start3A_129 = arith.constant 2 : i32
    %dma_start3A_130 = arith.constant 0 : i32
    %dma_start3A_131 = arith.constant 0 : i32
    %dma_start3A_132 = tpu.memref_slice %arg11[%dma_start3A_128, %dma_start3A_130, %dma_start3A_131] : memref<2x16x125xi32, #tpu.memory_space<vmem>> -> memref<1x16x125xi32, #tpu.memory_space<vmem>>
    %dma_start3A_133 = tpu.memref_squeeze %dma_start3A_132 : memref<1x16x125xi32, #tpu.memory_space<vmem>> -> memref<16x125xi32, #tpu.memory_space<vmem>>
    %dma_start3A_134 = arith.constant 0 : i32
    %dma_start3A_135 = arith.constant 0 : i32
    %dma_start3A_136 = tpu.memref_slice %arg3[%add3A, %dma_start3A_127, %dma_start3A_134, %dma_start3A_135] : memref<32x5x16x125xi32, #tpu.memory_space<hbm>> -> memref<1x1x16x125xi32, #tpu.memory_space<hbm>>
    %dma_start3A_137 = tpu.memref_squeeze %dma_start3A_136 : memref<1x1x16x125xi32, #tpu.memory_space<hbm>> -> memref<16x125xi32, #tpu.memory_space<hbm>>
    %dma_start3A_138 = tpu.memref_slice %arg14[%dma_start3A_129] : memref<4x!tpu.dma_semaphore, #tpu.memory_space<semaphore_mem>> -> memref<1x!tpu.dma_semaphore, #tpu.memory_space<semaphore_mem>>
    %dma_start3A_139 = tpu.memref_squeeze %dma_start3A_138 : memref<1x!tpu.dma_semaphore, #tpu.memory_space<semaphore_mem>> -> memref<!tpu.dma_semaphore, #tpu.memory_space<semaphore_mem>>
    %dma_start3A_140 = arith.constant 0 : i32
    %dma_start3A_141 = arith.constant 0 : i32
    %dma_start3A_142 = tpu.memref_slice %arg11[%dma_start3A_128, %dma_start3A_140, %dma_start3A_141] : memref<2x16x125xi32, #tpu.memory_space<vmem>> -> memref<1x16x125xi32, #tpu.memory_space<vmem>>
    %dma_start3A_143 = tpu.memref_squeeze %dma_start3A_142 : memref<1x16x125xi32, #tpu.memory_space<vmem>> -> memref<16x125xi32, #tpu.memory_space<vmem>>
    %dma_start3A_144 = arith.constant 0 : i32
    %dma_start3A_145 = arith.constant 0 : i32
    %dma_start3A_146 = tpu.memref_slice %arg3[%add3A, %dma_start3A_127, %dma_start3A_144, %dma_start3A_145] : memref<32x5x16x125xi32, #tpu.memory_space<hbm>> -> memref<1x1x16x125xi32, #tpu.memory_space<hbm>>
    %dma_start3A_147 = tpu.memref_squeeze %dma_start3A_146 : memref<1x1x16x125xi32, #tpu.memory_space<hbm>> -> memref<16x125xi32, #tpu.memory_space<hbm>>
    tpu.enqueue_dma source(%dma_start3A_147 : memref<16x125xi32, #tpu.memory_space<hbm>>) target(%dma_start3A_143 : memref<16x125xi32, #tpu.memory_space<vmem>>) target_semaphore(%dma_start3A_139 : memref<!tpu.dma_semaphore, #tpu.memory_space<semaphore_mem>>)
    %dma_start3A_148 = arith.constant 1 : i32
    %dma_start3A_149 = arith.constant 1 : i32
    %dma_start3A_150 = arith.constant 3 : i32
    %dma_start3A_151 = arith.constant 0 : i32
    %dma_start3A_152 = arith.constant 0 : i32
    %dma_start3A_153 = tpu.memref_slice %arg12[%dma_start3A_149, %dma_start3A_151, %dma_start3A_152] : memref<2x16x125xi32, #tpu.memory_space<vmem>> -> memref<1x16x125xi32, #tpu.memory_space<vmem>>
    %dma_start3A_154 = tpu.memref_squeeze %dma_start3A_153 : memref<1x16x125xi32, #tpu.memory_space<vmem>> -> memref<16x125xi32, #tpu.memory_space<vmem>>
    %dma_start3A_155 = arith.constant 0 : i32
    %dma_start3A_156 = arith.constant 0 : i32
    %dma_start3A_157 = tpu.memref_slice %arg4[%add3A, %dma_start3A_148, %dma_start3A_155, %dma_start3A_156] : memref<32x5x16x125xi32, #tpu.memory_space<hbm>> -> memref<1x1x16x125xi32, #tpu.memory_space<hbm>>
    %dma_start3A_158 = tpu.memref_squeeze %dma_start3A_157 : memref<1x1x16x125xi32, #tpu.memory_space<hbm>> -> memref<16x125xi32, #tpu.memory_space<hbm>>
    %dma_start3A_159 = tpu.memref_slice %arg14[%dma_start3A_150] : memref<4x!tpu.dma_semaphore, #tpu.memory_space<semaphore_mem>> -> memref<1x!tpu.dma_semaphore, #tpu.memory_space<semaphore_mem>>
    %dma_start3A_160 = tpu.memref_squeeze %dma_start3A_159 : memref<1x!tpu.dma_semaphore, #tpu.memory_space<semaphore_mem>> -> memref<!tpu.dma_semaphore, #tpu.memory_space<semaphore_mem>>
    %dma_start3A_161 = arith.constant 0 : i32
    %dma_start3A_162 = arith.constant 0 : i32
    %dma_start3A_163 = tpu.memref_slice %arg12[%dma_start3A_149, %dma_start3A_161, %dma_start3A_162] : memref<2x16x125xi32, #tpu.memory_space<vmem>> -> memref<1x16x125xi32, #tpu.memory_space<vmem>>
    %dma_start3A_164 = tpu.memref_squeeze %dma_start3A_163 : memref<1x16x125xi32, #tpu.memory_space<vmem>> -> memref<16x125xi32, #tpu.memory_space<vmem>>
    %dma_start3A_165 = arith.constant 0 : i32
    %dma_start3A_166 = arith.constant 0 : i32
    %dma_start3A_167 = tpu.memref_slice %arg4[%add3A, %dma_start3A_148, %dma_start3A_165, %dma_start3A_166] : memref<32x5x16x125xi32, #tpu.memory_space<hbm>> -> memref<1x1x16x125xi32, #tpu.memory_space<hbm>>
    %dma_start3A_168 = tpu.memref_squeeze %dma_start3A_167 : memref<1x1x16x125xi32, #tpu.memory_space<hbm>> -> memref<16x125xi32, #tpu.memory_space<hbm>>
    tpu.enqueue_dma source(%dma_start3A_168 : memref<16x125xi32, #tpu.memory_space<hbm>>) target(%dma_start3A_164 : memref<16x125xi32, #tpu.memory_space<vmem>>) target_semaphore(%dma_start3A_160 : memref<!tpu.dma_semaphore, #tpu.memory_space<semaphore_mem>>)
    %dma_start3A_169 = arith.constant 0 : i32
    %dma_start3A_170 = arith.constant 0 : i32
    %dma_start3A_171 = arith.constant 0 : i32
    %dma_start3A_172 = arith.constant 0 : i32
    %dma_start3A_173 = arith.constant 0 : i32
    %dma_start3A_174 = arith.constant 0 : i32
    %dma_start3A_175 = tpu.memref_slice %arg13[%dma_start3A_171, %dma_start3A_173, %dma_start3A_174] : memref<2x125x128xf32, #tpu.memory_space<vmem>> -> memref<1x125x128xf32, #tpu.memory_space<vmem>>
    %dma_start3A_176 = tpu.memref_squeeze %dma_start3A_175 : memref<1x125x128xf32, #tpu.memory_space<vmem>> -> memref<125x128xf32, #tpu.memory_space<vmem>>
    %dma_start3A_177 = arith.constant 0 : i32
    %dma_start3A_178 = tpu.memref_slice %arg11[%dma_start3A_169, %dma_start3A_170, %dma_start3A_177] : memref<2x16x125xi32, #tpu.memory_space<vmem>> -> memref<1x1x125xi32, #tpu.memory_space<vmem>>
    %dma_start3A_179 = tpu.memref_squeeze %dma_start3A_178 : memref<1x1x125xi32, #tpu.memory_space<vmem>> -> memref<125xi32, #tpu.memory_space<vmem>>
    %dma_start3A_180 = arith.constant 0 : i32
    %dma_start3A_181 = arith.constant 0 : i32
    %dma_start3A_182 = tpu.memref_slice %arg2[%dma_start3A_180, %dma_start3A_181] : memref<10000x128xf32, #tpu.memory_space<hbm>> -> memref<10000x128xf32, #tpu.memory_space<hbm>>
    %dma_start3A_183 = tpu.memref_slice %arg14[%dma_start3A_172] : memref<4x!tpu.dma_semaphore, #tpu.memory_space<semaphore_mem>> -> memref<1x!tpu.dma_semaphore, #tpu.memory_space<semaphore_mem>>
    %dma_start3A_184 = tpu.memref_squeeze %dma_start3A_183 : memref<1x!tpu.dma_semaphore, #tpu.memory_space<semaphore_mem>> -> memref<!tpu.dma_semaphore, #tpu.memory_space<semaphore_mem>>
    tpu.enqueue_indirect_dma source(%dma_start3A_182 : memref<10000x128xf32, #tpu.memory_space<hbm>>) target(%dma_start3A_176 : memref<125x128xf32, #tpu.memory_space<vmem>>) offsets(%dma_start3A_179 : memref<125xi32, #tpu.memory_space<vmem>>) semaphore(%dma_start3A_184 : memref<!tpu.dma_semaphore, #tpu.memory_space<semaphore_mem>>)
    %scan3A = arith.constant 0 : i32
    %scan3A_185 = arith.constant 0 : i32
    %scan3A_186 = arith.constant 16 : i32
    %scan3A_187 = arith.addi %scan3A_185, %scan3A_186 : i32
    %scan3A_188 = arith.constant 1 : i32
    scf.for %scan3A_613 = %scan3A_185 to %scan3A_187 step %scan3A_188  : i32 {
      %rem3A = arith.constant 2 : i32
      %rem3A_614 = arith.remsi %scan3A_613, %rem3A : i32
      %add3A_615 = arith.constant 1 : i32
      %add3A_616 = arith.addi %scan3A_613, %add3A_615 : i32
      %rem3A_617 = arith.constant 2 : i32
      %rem3A_618 = arith.remsi %add3A_616, %rem3A_617 : i32
      %add3A_619 = arith.constant 1 : i32
      %add3A_620 = arith.addi %scan3A_613, %add3A_619 : i32
      %lt3A = arith.constant 16 : i32
      %lt3A_621 = arith.cmpi slt, %add3A_620, %lt3A : i32
      %convert_element_type3A = arith.extui %lt3A_621 : i1 to i32
      %cond3A = arith.constant 0 : i32
      %cond3A_622 = arith.cmpi ne, %convert_element_type3A, %cond3A : i32
      scf.if %cond3A_622 {
        %add3A_638 = arith.constant 1 : i32
        %add3A_639 = arith.addi %scan3A_613, %add3A_638 : i32
        %dma_start3A_640 = arith.constant 0 : i32
        %dma_start3A_641 = arith.constant 0 : i32
        %dma_start3A_642 = arith.constant 0 : i32
        %dma_start3A_643 = tpu.memref_slice %arg13[%rem3A_618, %dma_start3A_641, %dma_start3A_642] : memref<2x125x128xf32, #tpu.memory_space<vmem>> -> memref<1x125x128xf32, #tpu.memory_space<vmem>>
        %dma_start3A_644 = tpu.memref_squeeze %dma_start3A_643 : memref<1x125x128xf32, #tpu.memory_space<vmem>> -> memref<125x128xf32, #tpu.memory_space<vmem>>
        %dma_start3A_645 = arith.constant 0 : i32
        %dma_start3A_646 = tpu.memref_slice %arg11[%dma_start3A_640, %add3A_639, %dma_start3A_645] : memref<2x16x125xi32, #tpu.memory_space<vmem>> -> memref<1x1x125xi32, #tpu.memory_space<vmem>>
        %dma_start3A_647 = tpu.memref_squeeze %dma_start3A_646 : memref<1x1x125xi32, #tpu.memory_space<vmem>> -> memref<125xi32, #tpu.memory_space<vmem>>
        %dma_start3A_648 = arith.constant 0 : i32
        %dma_start3A_649 = arith.constant 0 : i32
        %dma_start3A_650 = tpu.memref_slice %arg2[%dma_start3A_648, %dma_start3A_649] : memref<10000x128xf32, #tpu.memory_space<hbm>> -> memref<10000x128xf32, #tpu.memory_space<hbm>>
        %dma_start3A_651 = tpu.memref_slice %arg14[%rem3A_618] : memref<4x!tpu.dma_semaphore, #tpu.memory_space<semaphore_mem>> -> memref<1x!tpu.dma_semaphore, #tpu.memory_space<semaphore_mem>>
        %dma_start3A_652 = tpu.memref_squeeze %dma_start3A_651 : memref<1x!tpu.dma_semaphore, #tpu.memory_space<semaphore_mem>> -> memref<!tpu.dma_semaphore, #tpu.memory_space<semaphore_mem>>
        tpu.enqueue_indirect_dma source(%dma_start3A_650 : memref<10000x128xf32, #tpu.memory_space<hbm>>) target(%dma_start3A_644 : memref<125x128xf32, #tpu.memory_space<vmem>>) offsets(%dma_start3A_647 : memref<125xi32, #tpu.memory_space<vmem>>) semaphore(%dma_start3A_652 : memref<!tpu.dma_semaphore, #tpu.memory_space<semaphore_mem>>)
      } else {
      }
      %dma_wait3A_623 = arith.constant 0 : i32
      %dma_wait3A_624 = arith.constant 0 : i32
      %dma_wait3A_625 = arith.constant 0 : i32
      %dma_wait3A_626 = tpu.memref_slice %arg13[%rem3A_614, %dma_wait3A_624, %dma_wait3A_625] : memref<2x125x128xf32, #tpu.memory_space<vmem>> -> memref<1x125x128xf32, #tpu.memory_space<vmem>>
      %dma_wait3A_627 = tpu.memref_squeeze %dma_wait3A_626 : memref<1x125x128xf32, #tpu.memory_space<vmem>> -> memref<125x128xf32, #tpu.memory_space<vmem>>
      %dma_wait3A_628 = arith.constant 0 : i32
      %dma_wait3A_629 = tpu.memref_slice %arg11[%dma_wait3A_623, %scan3A_613, %dma_wait3A_628] : memref<2x16x125xi32, #tpu.memory_space<vmem>> -> memref<1x1x125xi32, #tpu.memory_space<vmem>>
      %dma_wait3A_630 = tpu.memref_squeeze %dma_wait3A_629 : memref<1x1x125xi32, #tpu.memory_space<vmem>> -> memref<125xi32, #tpu.memory_space<vmem>>
      %dma_wait3A_631 = arith.constant 0 : i32
      %dma_wait3A_632 = arith.constant 0 : i32
      %dma_wait3A_633 = tpu.memref_slice %arg2[%dma_wait3A_631, %dma_wait3A_632] : memref<10000x128xf32, #tpu.memory_space<hbm>> -> memref<10000x128xf32, #tpu.memory_space<hbm>>
      %dma_wait3A_634 = tpu.memref_slice %arg14[%rem3A_614] : memref<4x!tpu.dma_semaphore, #tpu.memory_space<semaphore_mem>> -> memref<1x!tpu.dma_semaphore, #tpu.memory_space<semaphore_mem>>
      %dma_wait3A_635 = tpu.memref_squeeze %dma_wait3A_634 : memref<1x!tpu.dma_semaphore, #tpu.memory_space<semaphore_mem>> -> memref<!tpu.dma_semaphore, #tpu.memory_space<semaphore_mem>>
      tpu.wait_indirect_dma semaphore(%dma_wait3A_635 : memref<!tpu.dma_semaphore, #tpu.memory_space<semaphore_mem>>) src(%dma_wait3A_633 : memref<10000x128xf32, #tpu.memory_space<hbm>>) dst(%dma_wait3A_627 : memref<125x128xf32, #tpu.memory_space<vmem>>)
      %run_scoped3A_636 = arith.constant 0 : i32
      "tpu.region"() ({
        %run_scoped3A_638 = tpu.sem_alloc : memref<!tpu.dma_semaphore, #tpu.memory_space<semaphore_mem>>
        %dma_start3A_639 = arith.constant 0 : i32
        %dma_start3A_640 = arith.constant 0 : i32
        %dma_start3A_641 = tpu.memref_slice %arg13[%rem3A_614, %dma_start3A_639, %dma_start3A_640] : memref<2x125x128xf32, #tpu.memory_space<vmem>> -> memref<1x125x128xf32, #tpu.memory_space<vmem>>
        %dma_start3A_642 = tpu.memref_squeeze %dma_start3A_641 : memref<1x125x128xf32, #tpu.memory_space<vmem>> -> memref<125x128xf32, #tpu.memory_space<vmem>>
        %dma_start3A_643 = arith.constant 0 : i32
        %dma_start3A_644 = tpu.memref_slice %arg12[%run_scoped3A_636, %scan3A_613, %dma_start3A_643] : memref<2x16x125xi32, #tpu.memory_space<vmem>> -> memref<1x1x125xi32, #tpu.memory_space<vmem>>
        %dma_start3A_645 = tpu.memref_squeeze %dma_start3A_644 : memref<1x1x125xi32, #tpu.memory_space<vmem>> -> memref<125xi32, #tpu.memory_space<vmem>>
        %dma_start3A_646 = arith.constant 0 : i32
        %dma_start3A_647 = arith.constant 0 : i32
        %dma_start3A_648 = tpu.memref_slice %arg10[%dma_start3A_646, %dma_start3A_647] : memref<10000x128xf32, #tpu.memory_space<vmem_shared>> -> memref<10000x128xf32, #tpu.memory_space<vmem_shared>>
        tpu.enqueue_indirect_dma source(%dma_start3A_642 : memref<125x128xf32, #tpu.memory_space<vmem>>) target(%dma_start3A_648 : memref<10000x128xf32, #tpu.memory_space<vmem_shared>>) offsets(%dma_start3A_645 : memref<125xi32, #tpu.memory_space<vmem>>) semaphore(%run_scoped3A_638 : memref<!tpu.dma_semaphore, #tpu.memory_space<semaphore_mem>>) {add = true}
        %dma_wait3A_649 = arith.constant 0 : i32
        %dma_wait3A_650 = arith.constant 0 : i32
        %dma_wait3A_651 = tpu.memref_slice %arg13[%rem3A_614, %dma_wait3A_649, %dma_wait3A_650] : memref<2x125x128xf32, #tpu.memory_space<vmem>> -> memref<1x125x128xf32, #tpu.memory_space<vmem>>
        %dma_wait3A_652 = tpu.memref_squeeze %dma_wait3A_651 : memref<1x125x128xf32, #tpu.memory_space<vmem>> -> memref<125x128xf32, #tpu.memory_space<vmem>>
        %dma_wait3A_653 = arith.constant 0 : i32
        %dma_wait3A_654 = tpu.memref_slice %arg12[%run_scoped3A_636, %scan3A_613, %dma_wait3A_653] : memref<2x16x125xi32, #tpu.memory_space<vmem>> -> memref<1x1x125xi32, #tpu.memory_space<vmem>>
        %dma_wait3A_655 = tpu.memref_squeeze %dma_wait3A_654 : memref<1x1x125xi32, #tpu.memory_space<vmem>> -> memref<125xi32, #tpu.memory_space<vmem>>
        %dma_wait3A_656 = arith.constant 0 : i32
        %dma_wait3A_657 = arith.constant 0 : i32
        %dma_wait3A_658 = tpu.memref_slice %arg10[%dma_wait3A_656, %dma_wait3A_657] : memref<10000x128xf32, #tpu.memory_space<vmem_shared>> -> memref<10000x128xf32, #tpu.memory_space<vmem_shared>>
        tpu.wait_indirect_dma semaphore(%run_scoped3A_638 : memref<!tpu.dma_semaphore, #tpu.memory_space<semaphore_mem>>) src(%dma_wait3A_652 : memref<125x128xf32, #tpu.memory_space<vmem>>) dst(%dma_wait3A_658 : memref<10000x128xf32, #tpu.memory_space<vmem_shared>>)
        tpu.yield
      }) : () -> ()
      %run_scoped3A_637 = arith.constant 0 : i32
      "tpu.region"() ({
        %run_scoped3A_638 = tpu.sem_alloc : memref<!tpu.dma_semaphore, #tpu.memory_space<semaphore_mem>>
        %dma_start3A_639 = arith.constant 0 : i32
        %dma_start3A_640 = tpu.memref_slice %arg12[%run_scoped3A_637, %scan3A_613, %dma_start3A_639] : memref<2x16x125xi32, #tpu.memory_space<vmem>> -> memref<1x1x125xi32, #tpu.memory_space<vmem>>
        %dma_start3A_641 = tpu.memref_squeeze %dma_start3A_640 : memref<1x1x125xi32, #tpu.memory_space<vmem>> -> memref<125xi32, #tpu.memory_space<vmem>>
        %dma_start3A_642 = arith.constant 0 : i32
        %dma_start3A_643 = arith.constant 0 : i32
        %dma_start3A_644 = tpu.memref_slice %arg15[%dma_start3A_642, %dma_start3A_643] : memref<10000x8xf32, #tpu.memory_space<vmem_shared>> -> memref<10000x8xf32, #tpu.memory_space<vmem_shared>>
        tpu.enqueue_indirect_dma source(%arg16 : memref<125x8xf32, #tpu.memory_space<vmem>>) target(%dma_start3A_644 : memref<10000x8xf32, #tpu.memory_space<vmem_shared>>) offsets(%dma_start3A_641 : memref<125xi32, #tpu.memory_space<vmem>>) semaphore(%run_scoped3A_638 : memref<!tpu.dma_semaphore, #tpu.memory_space<semaphore_mem>>) {add = true}
        %dma_wait3A_645 = arith.constant 0 : i32
        %dma_wait3A_646 = tpu.memref_slice %arg12[%run_scoped3A_637, %scan3A_613, %dma_wait3A_645] : memref<2x16x125xi32, #tpu.memory_space<vmem>> -> memref<1x1x125xi32, #tpu.memory_space<vmem>>
        %dma_wait3A_647 = tpu.memref_squeeze %dma_wait3A_646 : memref<1x1x125xi32, #tpu.memory_space<vmem>> -> memref<125xi32, #tpu.memory_space<vmem>>
        %dma_wait3A_648 = arith.constant 0 : i32
        %dma_wait3A_649 = arith.constant 0 : i32
        %dma_wait3A_650 = tpu.memref_slice %arg15[%dma_wait3A_648, %dma_wait3A_649] : memref<10000x8xf32, #tpu.memory_space<vmem_shared>> -> memref<10000x8xf32, #tpu.memory_space<vmem_shared>>
        tpu.wait_indirect_dma semaphore(%run_scoped3A_638 : memref<!tpu.dma_semaphore, #tpu.memory_space<semaphore_mem>>) src(%arg16 : memref<125x8xf32, #tpu.memory_space<vmem>>) dst(%dma_wait3A_650 : memref<10000x8xf32, #tpu.memory_space<vmem_shared>>)
        tpu.yield
      }) : () -> ()
    }
    %scan3A_189 = arith.constant 16 : i32
    %dma_wait3A_190 = arith.constant 1 : i32
    %dma_wait3A_191 = arith.constant 1 : i32
    %dma_wait3A_192 = arith.constant 2 : i32
    %dma_wait3A_193 = arith.constant 0 : i32
    %dma_wait3A_194 = arith.constant 0 : i32
    %dma_wait3A_195 = tpu.memref_slice %arg11[%dma_wait3A_191, %dma_wait3A_193, %dma_wait3A_194] : memref<2x16x125xi32, #tpu.memory_space<vmem>> -> memref<1x16x125xi32, #tpu.memory_space<vmem>>
    %dma_wait3A_196 = tpu.memref_squeeze %dma_wait3A_195 : memref<1x16x125xi32, #tpu.memory_space<vmem>> -> memref<16x125xi32, #tpu.memory_space<vmem>>
    %dma_wait3A_197 = arith.constant 0 : i32
    %dma_wait3A_198 = arith.constant 0 : i32
    %dma_wait3A_199 = tpu.memref_slice %arg3[%add3A, %dma_wait3A_190, %dma_wait3A_197, %dma_wait3A_198] : memref<32x5x16x125xi32, #tpu.memory_space<hbm>> -> memref<1x1x16x125xi32, #tpu.memory_space<hbm>>
    %dma_wait3A_200 = tpu.memref_squeeze %dma_wait3A_199 : memref<1x1x16x125xi32, #tpu.memory_space<hbm>> -> memref<16x125xi32, #tpu.memory_space<hbm>>
    %dma_wait3A_201 = tpu.memref_slice %arg14[%dma_wait3A_192] : memref<4x!tpu.dma_semaphore, #tpu.memory_space<semaphore_mem>> -> memref<1x!tpu.dma_semaphore, #tpu.memory_space<semaphore_mem>>
    %dma_wait3A_202 = tpu.memref_squeeze %dma_wait3A_201 : memref<1x!tpu.dma_semaphore, #tpu.memory_space<semaphore_mem>> -> memref<!tpu.dma_semaphore, #tpu.memory_space<semaphore_mem>>
    %dma_wait3A_203 = arith.constant 0 : i32
    %dma_wait3A_204 = arith.constant 0 : i32
    %dma_wait3A_205 = tpu.memref_slice %arg11[%dma_wait3A_191, %dma_wait3A_203, %dma_wait3A_204] : memref<2x16x125xi32, #tpu.memory_space<vmem>> -> memref<1x16x125xi32, #tpu.memory_space<vmem>>
    %dma_wait3A_206 = tpu.memref_squeeze %dma_wait3A_205 : memref<1x16x125xi32, #tpu.memory_space<vmem>> -> memref<16x125xi32, #tpu.memory_space<vmem>>
    %dma_wait3A_207 = arith.constant 0 : i32
    %dma_wait3A_208 = arith.constant 0 : i32
    %dma_wait3A_209 = tpu.memref_slice %arg3[%add3A, %dma_wait3A_190, %dma_wait3A_207, %dma_wait3A_208] : memref<32x5x16x125xi32, #tpu.memory_space<hbm>> -> memref<1x1x16x125xi32, #tpu.memory_space<hbm>>
    %dma_wait3A_210 = tpu.memref_squeeze %dma_wait3A_209 : memref<1x1x16x125xi32, #tpu.memory_space<hbm>> -> memref<16x125xi32, #tpu.memory_space<hbm>>
    tpu.wait_dma2 semaphore(%dma_wait3A_202 : memref<!tpu.dma_semaphore, #tpu.memory_space<semaphore_mem>>) src(%dma_wait3A_210 : memref<16x125xi32, #tpu.memory_space<hbm>>) dst(%dma_wait3A_206 : memref<16x125xi32, #tpu.memory_space<vmem>>)
    %dma_wait3A_211 = arith.constant 1 : i32
    %dma_wait3A_212 = arith.constant 1 : i32
    %dma_wait3A_213 = arith.constant 3 : i32
    %dma_wait3A_214 = arith.constant 0 : i32
    %dma_wait3A_215 = arith.constant 0 : i32
    %dma_wait3A_216 = tpu.memref_slice %arg12[%dma_wait3A_212, %dma_wait3A_214, %dma_wait3A_215] : memref<2x16x125xi32, #tpu.memory_space<vmem>> -> memref<1x16x125xi32, #tpu.memory_space<vmem>>
    %dma_wait3A_217 = tpu.memref_squeeze %dma_wait3A_216 : memref<1x16x125xi32, #tpu.memory_space<vmem>> -> memref<16x125xi32, #tpu.memory_space<vmem>>
    %dma_wait3A_218 = arith.constant 0 : i32
    %dma_wait3A_219 = arith.constant 0 : i32
    %dma_wait3A_220 = tpu.memref_slice %arg4[%add3A, %dma_wait3A_211, %dma_wait3A_218, %dma_wait3A_219] : memref<32x5x16x125xi32, #tpu.memory_space<hbm>> -> memref<1x1x16x125xi32, #tpu.memory_space<hbm>>
    %dma_wait3A_221 = tpu.memref_squeeze %dma_wait3A_220 : memref<1x1x16x125xi32, #tpu.memory_space<hbm>> -> memref<16x125xi32, #tpu.memory_space<hbm>>
    %dma_wait3A_222 = tpu.memref_slice %arg14[%dma_wait3A_213] : memref<4x!tpu.dma_semaphore, #tpu.memory_space<semaphore_mem>> -> memref<1x!tpu.dma_semaphore, #tpu.memory_space<semaphore_mem>>
    %dma_wait3A_223 = tpu.memref_squeeze %dma_wait3A_222 : memref<1x!tpu.dma_semaphore, #tpu.memory_space<semaphore_mem>> -> memref<!tpu.dma_semaphore, #tpu.memory_space<semaphore_mem>>
    %dma_wait3A_224 = arith.constant 0 : i32
    %dma_wait3A_225 = arith.constant 0 : i32
    %dma_wait3A_226 = tpu.memref_slice %arg12[%dma_wait3A_212, %dma_wait3A_224, %dma_wait3A_225] : memref<2x16x125xi32, #tpu.memory_space<vmem>> -> memref<1x16x125xi32, #tpu.memory_space<vmem>>
    %dma_wait3A_227 = tpu.memref_squeeze %dma_wait3A_226 : memref<1x16x125xi32, #tpu.memory_space<vmem>> -> memref<16x125xi32, #tpu.memory_space<vmem>>
    %dma_wait3A_228 = arith.constant 0 : i32
    %dma_wait3A_229 = arith.constant 0 : i32
    %dma_wait3A_230 = tpu.memref_slice %arg4[%add3A, %dma_wait3A_211, %dma_wait3A_228, %dma_wait3A_229] : memref<32x5x16x125xi32, #tpu.memory_space<hbm>> -> memref<1x1x16x125xi32, #tpu.memory_space<hbm>>
    %dma_wait3A_231 = tpu.memref_squeeze %dma_wait3A_230 : memref<1x1x16x125xi32, #tpu.memory_space<hbm>> -> memref<16x125xi32, #tpu.memory_space<hbm>>
    tpu.wait_dma2 semaphore(%dma_wait3A_223 : memref<!tpu.dma_semaphore, #tpu.memory_space<semaphore_mem>>) src(%dma_wait3A_231 : memref<16x125xi32, #tpu.memory_space<hbm>>) dst(%dma_wait3A_227 : memref<16x125xi32, #tpu.memory_space<vmem>>)
    %dma_start3A_232 = arith.constant 2 : i32
    %dma_start3A_233 = arith.constant 0 : i32
    %dma_start3A_234 = arith.constant 2 : i32
    %dma_start3A_235 = arith.constant 0 : i32
    %dma_start3A_236 = arith.constant 0 : i32
    %dma_start3A_237 = tpu.memref_slice %arg11[%dma_start3A_233, %dma_start3A_235, %dma_start3A_236] : memref<2x16x125xi32, #tpu.memory_space<vmem>> -> memref<1x16x125xi32, #tpu.memory_space<vmem>>
    %dma_start3A_238 = tpu.memref_squeeze %dma_start3A_237 : memref<1x16x125xi32, #tpu.memory_space<vmem>> -> memref<16x125xi32, #tpu.memory_space<vmem>>
    %dma_start3A_239 = arith.constant 0 : i32
    %dma_start3A_240 = arith.constant 0 : i32
    %dma_start3A_241 = tpu.memref_slice %arg3[%add3A, %dma_start3A_232, %dma_start3A_239, %dma_start3A_240] : memref<32x5x16x125xi32, #tpu.memory_space<hbm>> -> memref<1x1x16x125xi32, #tpu.memory_space<hbm>>
    %dma_start3A_242 = tpu.memref_squeeze %dma_start3A_241 : memref<1x1x16x125xi32, #tpu.memory_space<hbm>> -> memref<16x125xi32, #tpu.memory_space<hbm>>
    %dma_start3A_243 = tpu.memref_slice %arg14[%dma_start3A_234] : memref<4x!tpu.dma_semaphore, #tpu.memory_space<semaphore_mem>> -> memref<1x!tpu.dma_semaphore, #tpu.memory_space<semaphore_mem>>
    %dma_start3A_244 = tpu.memref_squeeze %dma_start3A_243 : memref<1x!tpu.dma_semaphore, #tpu.memory_space<semaphore_mem>> -> memref<!tpu.dma_semaphore, #tpu.memory_space<semaphore_mem>>
    %dma_start3A_245 = arith.constant 0 : i32
    %dma_start3A_246 = arith.constant 0 : i32
    %dma_start3A_247 = tpu.memref_slice %arg11[%dma_start3A_233, %dma_start3A_245, %dma_start3A_246] : memref<2x16x125xi32, #tpu.memory_space<vmem>> -> memref<1x16x125xi32, #tpu.memory_space<vmem>>
    %dma_start3A_248 = tpu.memref_squeeze %dma_start3A_247 : memref<1x16x125xi32, #tpu.memory_space<vmem>> -> memref<16x125xi32, #tpu.memory_space<vmem>>
    %dma_start3A_249 = arith.constant 0 : i32
    %dma_start3A_250 = arith.constant 0 : i32
    %dma_start3A_251 = tpu.memref_slice %arg3[%add3A, %dma_start3A_232, %dma_start3A_249, %dma_start3A_250] : memref<32x5x16x125xi32, #tpu.memory_space<hbm>> -> memref<1x1x16x125xi32, #tpu.memory_space<hbm>>
    %dma_start3A_252 = tpu.memref_squeeze %dma_start3A_251 : memref<1x1x16x125xi32, #tpu.memory_space<hbm>> -> memref<16x125xi32, #tpu.memory_space<hbm>>
    tpu.enqueue_dma source(%dma_start3A_252 : memref<16x125xi32, #tpu.memory_space<hbm>>) target(%dma_start3A_248 : memref<16x125xi32, #tpu.memory_space<vmem>>) target_semaphore(%dma_start3A_244 : memref<!tpu.dma_semaphore, #tpu.memory_space<semaphore_mem>>)
    %dma_start3A_253 = arith.constant 2 : i32
    %dma_start3A_254 = arith.constant 0 : i32
    %dma_start3A_255 = arith.constant 3 : i32
    %dma_start3A_256 = arith.constant 0 : i32
    %dma_start3A_257 = arith.constant 0 : i32
    %dma_start3A_258 = tpu.memref_slice %arg12[%dma_start3A_254, %dma_start3A_256, %dma_start3A_257] : memref<2x16x125xi32, #tpu.memory_space<vmem>> -> memref<1x16x125xi32, #tpu.memory_space<vmem>>
    %dma_start3A_259 = tpu.memref_squeeze %dma_start3A_258 : memref<1x16x125xi32, #tpu.memory_space<vmem>> -> memref<16x125xi32, #tpu.memory_space<vmem>>
    %dma_start3A_260 = arith.constant 0 : i32
    %dma_start3A_261 = arith.constant 0 : i32
    %dma_start3A_262 = tpu.memref_slice %arg4[%add3A, %dma_start3A_253, %dma_start3A_260, %dma_start3A_261] : memref<32x5x16x125xi32, #tpu.memory_space<hbm>> -> memref<1x1x16x125xi32, #tpu.memory_space<hbm>>
    %dma_start3A_263 = tpu.memref_squeeze %dma_start3A_262 : memref<1x1x16x125xi32, #tpu.memory_space<hbm>> -> memref<16x125xi32, #tpu.memory_space<hbm>>
    %dma_start3A_264 = tpu.memref_slice %arg14[%dma_start3A_255] : memref<4x!tpu.dma_semaphore, #tpu.memory_space<semaphore_mem>> -> memref<1x!tpu.dma_semaphore, #tpu.memory_space<semaphore_mem>>
    %dma_start3A_265 = tpu.memref_squeeze %dma_start3A_264 : memref<1x!tpu.dma_semaphore, #tpu.memory_space<semaphore_mem>> -> memref<!tpu.dma_semaphore, #tpu.memory_space<semaphore_mem>>
    %dma_start3A_266 = arith.constant 0 : i32
    %dma_start3A_267 = arith.constant 0 : i32
    %dma_start3A_268 = tpu.memref_slice %arg12[%dma_start3A_254, %dma_start3A_266, %dma_start3A_267] : memref<2x16x125xi32, #tpu.memory_space<vmem>> -> memref<1x16x125xi32, #tpu.memory_space<vmem>>
    %dma_start3A_269 = tpu.memref_squeeze %dma_start3A_268 : memref<1x16x125xi32, #tpu.memory_space<vmem>> -> memref<16x125xi32, #tpu.memory_space<vmem>>
    %dma_start3A_270 = arith.constant 0 : i32
    %dma_start3A_271 = arith.constant 0 : i32
    %dma_start3A_272 = tpu.memref_slice %arg4[%add3A, %dma_start3A_253, %dma_start3A_270, %dma_start3A_271] : memref<32x5x16x125xi32, #tpu.memory_space<hbm>> -> memref<1x1x16x125xi32, #tpu.memory_space<hbm>>
    %dma_start3A_273 = tpu.memref_squeeze %dma_start3A_272 : memref<1x1x16x125xi32, #tpu.memory_space<hbm>> -> memref<16x125xi32, #tpu.memory_space<hbm>>
    tpu.enqueue_dma source(%dma_start3A_273 : memref<16x125xi32, #tpu.memory_space<hbm>>) target(%dma_start3A_269 : memref<16x125xi32, #tpu.memory_space<vmem>>) target_semaphore(%dma_start3A_265 : memref<!tpu.dma_semaphore, #tpu.memory_space<semaphore_mem>>)
    %dma_start3A_274 = arith.constant 1 : i32
    %dma_start3A_275 = arith.constant 0 : i32
    %dma_start3A_276 = arith.constant 0 : i32
    %dma_start3A_277 = arith.constant 0 : i32
    %dma_start3A_278 = arith.constant 0 : i32
    %dma_start3A_279 = arith.constant 0 : i32
    %dma_start3A_280 = tpu.memref_slice %arg13[%dma_start3A_276, %dma_start3A_278, %dma_start3A_279] : memref<2x125x128xf32, #tpu.memory_space<vmem>> -> memref<1x125x128xf32, #tpu.memory_space<vmem>>
    %dma_start3A_281 = tpu.memref_squeeze %dma_start3A_280 : memref<1x125x128xf32, #tpu.memory_space<vmem>> -> memref<125x128xf32, #tpu.memory_space<vmem>>
    %dma_start3A_282 = arith.constant 0 : i32
    %dma_start3A_283 = tpu.memref_slice %arg11[%dma_start3A_274, %dma_start3A_275, %dma_start3A_282] : memref<2x16x125xi32, #tpu.memory_space<vmem>> -> memref<1x1x125xi32, #tpu.memory_space<vmem>>
    %dma_start3A_284 = tpu.memref_squeeze %dma_start3A_283 : memref<1x1x125xi32, #tpu.memory_space<vmem>> -> memref<125xi32, #tpu.memory_space<vmem>>
    %dma_start3A_285 = arith.constant 0 : i32
    %dma_start3A_286 = arith.constant 0 : i32
    %dma_start3A_287 = tpu.memref_slice %arg2[%dma_start3A_285, %dma_start3A_286] : memref<10000x128xf32, #tpu.memory_space<hbm>> -> memref<10000x128xf32, #tpu.memory_space<hbm>>
    %dma_start3A_288 = tpu.memref_slice %arg14[%dma_start3A_277] : memref<4x!tpu.dma_semaphore, #tpu.memory_space<semaphore_mem>> -> memref<1x!tpu.dma_semaphore, #tpu.memory_space<semaphore_mem>>
    %dma_start3A_289 = tpu.memref_squeeze %dma_start3A_288 : memref<1x!tpu.dma_semaphore, #tpu.memory_space<semaphore_mem>> -> memref<!tpu.dma_semaphore, #tpu.memory_space<semaphore_mem>>
    tpu.enqueue_indirect_dma source(%dma_start3A_287 : memref<10000x128xf32, #tpu.memory_space<hbm>>) target(%dma_start3A_281 : memref<125x128xf32, #tpu.memory_space<vmem>>) offsets(%dma_start3A_284 : memref<125xi32, #tpu.memory_space<vmem>>) semaphore(%dma_start3A_289 : memref<!tpu.dma_semaphore, #tpu.memory_space<semaphore_mem>>)
    %scan3A_290 = arith.constant 0 : i32
    %scan3A_291 = arith.constant 0 : i32
    %scan3A_292 = arith.constant 16 : i32
    %scan3A_293 = arith.addi %scan3A_291, %scan3A_292 : i32
    %scan3A_294 = arith.constant 1 : i32
    scf.for %scan3A_613 = %scan3A_291 to %scan3A_293 step %scan3A_294  : i32 {
      %rem3A = arith.constant 2 : i32
      %rem3A_614 = arith.remsi %scan3A_613, %rem3A : i32
      %add3A_615 = arith.constant 1 : i32
      %add3A_616 = arith.addi %scan3A_613, %add3A_615 : i32
      %rem3A_617 = arith.constant 2 : i32
      %rem3A_618 = arith.remsi %add3A_616, %rem3A_617 : i32
      %add3A_619 = arith.constant 1 : i32
      %add3A_620 = arith.addi %scan3A_613, %add3A_619 : i32
      %lt3A = arith.constant 16 : i32
      %lt3A_621 = arith.cmpi slt, %add3A_620, %lt3A : i32
      %convert_element_type3A = arith.extui %lt3A_621 : i1 to i32
      %cond3A = arith.constant 0 : i32
      %cond3A_622 = arith.cmpi ne, %convert_element_type3A, %cond3A : i32
      scf.if %cond3A_622 {
        %add3A_638 = arith.constant 1 : i32
        %add3A_639 = arith.addi %scan3A_613, %add3A_638 : i32
        %dma_start3A_640 = arith.constant 1 : i32
        %dma_start3A_641 = arith.constant 0 : i32
        %dma_start3A_642 = arith.constant 0 : i32
        %dma_start3A_643 = tpu.memref_slice %arg13[%rem3A_618, %dma_start3A_641, %dma_start3A_642] : memref<2x125x128xf32, #tpu.memory_space<vmem>> -> memref<1x125x128xf32, #tpu.memory_space<vmem>>
        %dma_start3A_644 = tpu.memref_squeeze %dma_start3A_643 : memref<1x125x128xf32, #tpu.memory_space<vmem>> -> memref<125x128xf32, #tpu.memory_space<vmem>>
        %dma_start3A_645 = arith.constant 0 : i32
        %dma_start3A_646 = tpu.memref_slice %arg11[%dma_start3A_640, %add3A_639, %dma_start3A_645] : memref<2x16x125xi32, #tpu.memory_space<vmem>> -> memref<1x1x125xi32, #tpu.memory_space<vmem>>
        %dma_start3A_647 = tpu.memref_squeeze %dma_start3A_646 : memref<1x1x125xi32, #tpu.memory_space<vmem>> -> memref<125xi32, #tpu.memory_space<vmem>>
        %dma_start3A_648 = arith.constant 0 : i32
        %dma_start3A_649 = arith.constant 0 : i32
        %dma_start3A_650 = tpu.memref_slice %arg2[%dma_start3A_648, %dma_start3A_649] : memref<10000x128xf32, #tpu.memory_space<hbm>> -> memref<10000x128xf32, #tpu.memory_space<hbm>>
        %dma_start3A_651 = tpu.memref_slice %arg14[%rem3A_618] : memref<4x!tpu.dma_semaphore, #tpu.memory_space<semaphore_mem>> -> memref<1x!tpu.dma_semaphore, #tpu.memory_space<semaphore_mem>>
        %dma_start3A_652 = tpu.memref_squeeze %dma_start3A_651 : memref<1x!tpu.dma_semaphore, #tpu.memory_space<semaphore_mem>> -> memref<!tpu.dma_semaphore, #tpu.memory_space<semaphore_mem>>
        tpu.enqueue_indirect_dma source(%dma_start3A_650 : memref<10000x128xf32, #tpu.memory_space<hbm>>) target(%dma_start3A_644 : memref<125x128xf32, #tpu.memory_space<vmem>>) offsets(%dma_start3A_647 : memref<125xi32, #tpu.memory_space<vmem>>) semaphore(%dma_start3A_652 : memref<!tpu.dma_semaphore, #tpu.memory_space<semaphore_mem>>)
      } else {
      }
      %dma_wait3A_623 = arith.constant 1 : i32
      %dma_wait3A_624 = arith.constant 0 : i32
      %dma_wait3A_625 = arith.constant 0 : i32
      %dma_wait3A_626 = tpu.memref_slice %arg13[%rem3A_614, %dma_wait3A_624, %dma_wait3A_625] : memref<2x125x128xf32, #tpu.memory_space<vmem>> -> memref<1x125x128xf32, #tpu.memory_space<vmem>>
      %dma_wait3A_627 = tpu.memref_squeeze %dma_wait3A_626 : memref<1x125x128xf32, #tpu.memory_space<vmem>> -> memref<125x128xf32, #tpu.memory_space<vmem>>
      %dma_wait3A_628 = arith.constant 0 : i32
      %dma_wait3A_629 = tpu.memref_slice %arg11[%dma_wait3A_623, %scan3A_613, %dma_wait3A_628] : memref<2x16x125xi32, #tpu.memory_space<vmem>> -> memref<1x1x125xi32, #tpu.memory_space<vmem>>
      %dma_wait3A_630 = tpu.memref_squeeze %dma_wait3A_629 : memref<1x1x125xi32, #tpu.memory_space<vmem>> -> memref<125xi32, #tpu.memory_space<vmem>>
      %dma_wait3A_631 = arith.constant 0 : i32
      %dma_wait3A_632 = arith.constant 0 : i32
      %dma_wait3A_633 = tpu.memref_slice %arg2[%dma_wait3A_631, %dma_wait3A_632] : memref<10000x128xf32, #tpu.memory_space<hbm>> -> memref<10000x128xf32, #tpu.memory_space<hbm>>
      %dma_wait3A_634 = tpu.memref_slice %arg14[%rem3A_614] : memref<4x!tpu.dma_semaphore, #tpu.memory_space<semaphore_mem>> -> memref<1x!tpu.dma_semaphore, #tpu.memory_space<semaphore_mem>>
      %dma_wait3A_635 = tpu.memref_squeeze %dma_wait3A_634 : memref<1x!tpu.dma_semaphore, #tpu.memory_space<semaphore_mem>> -> memref<!tpu.dma_semaphore, #tpu.memory_space<semaphore_mem>>
      tpu.wait_indirect_dma semaphore(%dma_wait3A_635 : memref<!tpu.dma_semaphore, #tpu.memory_space<semaphore_mem>>) src(%dma_wait3A_633 : memref<10000x128xf32, #tpu.memory_space<hbm>>) dst(%dma_wait3A_627 : memref<125x128xf32, #tpu.memory_space<vmem>>)
      %run_scoped3A_636 = arith.constant 1 : i32
      "tpu.region"() ({
        %run_scoped3A_638 = tpu.sem_alloc : memref<!tpu.dma_semaphore, #tpu.memory_space<semaphore_mem>>
        %dma_start3A_639 = arith.constant 0 : i32
        %dma_start3A_640 = arith.constant 0 : i32
        %dma_start3A_641 = tpu.memref_slice %arg13[%rem3A_614, %dma_start3A_639, %dma_start3A_640] : memref<2x125x128xf32, #tpu.memory_space<vmem>> -> memref<1x125x128xf32, #tpu.memory_space<vmem>>
        %dma_start3A_642 = tpu.memref_squeeze %dma_start3A_641 : memref<1x125x128xf32, #tpu.memory_space<vmem>> -> memref<125x128xf32, #tpu.memory_space<vmem>>
        %dma_start3A_643 = arith.constant 0 : i32
        %dma_start3A_644 = tpu.memref_slice %arg12[%run_scoped3A_636, %scan3A_613, %dma_start3A_643] : memref<2x16x125xi32, #tpu.memory_space<vmem>> -> memref<1x1x125xi32, #tpu.memory_space<vmem>>
        %dma_start3A_645 = tpu.memref_squeeze %dma_start3A_644 : memref<1x1x125xi32, #tpu.memory_space<vmem>> -> memref<125xi32, #tpu.memory_space<vmem>>
        %dma_start3A_646 = arith.constant 0 : i32
        %dma_start3A_647 = arith.constant 0 : i32
        %dma_start3A_648 = tpu.memref_slice %arg10[%dma_start3A_646, %dma_start3A_647] : memref<10000x128xf32, #tpu.memory_space<vmem_shared>> -> memref<10000x128xf32, #tpu.memory_space<vmem_shared>>
        tpu.enqueue_indirect_dma source(%dma_start3A_642 : memref<125x128xf32, #tpu.memory_space<vmem>>) target(%dma_start3A_648 : memref<10000x128xf32, #tpu.memory_space<vmem_shared>>) offsets(%dma_start3A_645 : memref<125xi32, #tpu.memory_space<vmem>>) semaphore(%run_scoped3A_638 : memref<!tpu.dma_semaphore, #tpu.memory_space<semaphore_mem>>) {add = true}
        %dma_wait3A_649 = arith.constant 0 : i32
        %dma_wait3A_650 = arith.constant 0 : i32
        %dma_wait3A_651 = tpu.memref_slice %arg13[%rem3A_614, %dma_wait3A_649, %dma_wait3A_650] : memref<2x125x128xf32, #tpu.memory_space<vmem>> -> memref<1x125x128xf32, #tpu.memory_space<vmem>>
        %dma_wait3A_652 = tpu.memref_squeeze %dma_wait3A_651 : memref<1x125x128xf32, #tpu.memory_space<vmem>> -> memref<125x128xf32, #tpu.memory_space<vmem>>
        %dma_wait3A_653 = arith.constant 0 : i32
        %dma_wait3A_654 = tpu.memref_slice %arg12[%run_scoped3A_636, %scan3A_613, %dma_wait3A_653] : memref<2x16x125xi32, #tpu.memory_space<vmem>> -> memref<1x1x125xi32, #tpu.memory_space<vmem>>
        %dma_wait3A_655 = tpu.memref_squeeze %dma_wait3A_654 : memref<1x1x125xi32, #tpu.memory_space<vmem>> -> memref<125xi32, #tpu.memory_space<vmem>>
        %dma_wait3A_656 = arith.constant 0 : i32
        %dma_wait3A_657 = arith.constant 0 : i32
        %dma_wait3A_658 = tpu.memref_slice %arg10[%dma_wait3A_656, %dma_wait3A_657] : memref<10000x128xf32, #tpu.memory_space<vmem_shared>> -> memref<10000x128xf32, #tpu.memory_space<vmem_shared>>
        tpu.wait_indirect_dma semaphore(%run_scoped3A_638 : memref<!tpu.dma_semaphore, #tpu.memory_space<semaphore_mem>>) src(%dma_wait3A_652 : memref<125x128xf32, #tpu.memory_space<vmem>>) dst(%dma_wait3A_658 : memref<10000x128xf32, #tpu.memory_space<vmem_shared>>)
        tpu.yield
      }) : () -> ()
      %run_scoped3A_637 = arith.constant 1 : i32
      "tpu.region"() ({
        %run_scoped3A_638 = tpu.sem_alloc : memref<!tpu.dma_semaphore, #tpu.memory_space<semaphore_mem>>
        %dma_start3A_639 = arith.constant 0 : i32
        %dma_start3A_640 = tpu.memref_slice %arg12[%run_scoped3A_637, %scan3A_613, %dma_start3A_639] : memref<2x16x125xi32, #tpu.memory_space<vmem>> -> memref<1x1x125xi32, #tpu.memory_space<vmem>>
        %dma_start3A_641 = tpu.memref_squeeze %dma_start3A_640 : memref<1x1x125xi32, #tpu.memory_space<vmem>> -> memref<125xi32, #tpu.memory_space<vmem>>
        %dma_start3A_642 = arith.constant 0 : i32
        %dma_start3A_643 = arith.constant 0 : i32
        %dma_start3A_644 = tpu.memref_slice %arg15[%dma_start3A_642, %dma_start3A_643] : memref<10000x8xf32, #tpu.memory_space<vmem_shared>> -> memref<10000x8xf32, #tpu.memory_space<vmem_shared>>
        tpu.enqueue_indirect_dma source(%arg16 : memref<125x8xf32, #tpu.memory_space<vmem>>) target(%dma_start3A_644 : memref<10000x8xf32, #tpu.memory_space<vmem_shared>>) offsets(%dma_start3A_641 : memref<125xi32, #tpu.memory_space<vmem>>) semaphore(%run_scoped3A_638 : memref<!tpu.dma_semaphore, #tpu.memory_space<semaphore_mem>>) {add = true}
        %dma_wait3A_645 = arith.constant 0 : i32
        %dma_wait3A_646 = tpu.memref_slice %arg12[%run_scoped3A_637, %scan3A_613, %dma_wait3A_645] : memref<2x16x125xi32, #tpu.memory_space<vmem>> -> memref<1x1x125xi32, #tpu.memory_space<vmem>>
        %dma_wait3A_647 = tpu.memref_squeeze %dma_wait3A_646 : memref<1x1x125xi32, #tpu.memory_space<vmem>> -> memref<125xi32, #tpu.memory_space<vmem>>
        %dma_wait3A_648 = arith.constant 0 : i32
        %dma_wait3A_649 = arith.constant 0 : i32
        %dma_wait3A_650 = tpu.memref_slice %arg15[%dma_wait3A_648, %dma_wait3A_649] : memref<10000x8xf32, #tpu.memory_space<vmem_shared>> -> memref<10000x8xf32, #tpu.memory_space<vmem_shared>>
        tpu.wait_indirect_dma semaphore(%run_scoped3A_638 : memref<!tpu.dma_semaphore, #tpu.memory_space<semaphore_mem>>) src(%arg16 : memref<125x8xf32, #tpu.memory_space<vmem>>) dst(%dma_wait3A_650 : memref<10000x8xf32, #tpu.memory_space<vmem_shared>>)
        tpu.yield
      }) : () -> ()
    }
    %scan3A_295 = arith.constant 16 : i32
    %dma_wait3A_296 = arith.constant 2 : i32
    %dma_wait3A_297 = arith.constant 0 : i32
    %dma_wait3A_298 = arith.constant 2 : i32
    %dma_wait3A_299 = arith.constant 0 : i32
    %dma_wait3A_300 = arith.constant 0 : i32
    %dma_wait3A_301 = tpu.memref_slice %arg11[%dma_wait3A_297, %dma_wait3A_299, %dma_wait3A_300] : memref<2x16x125xi32, #tpu.memory_space<vmem>> -> memref<1x16x125xi32, #tpu.memory_space<vmem>>
    %dma_wait3A_302 = tpu.memref_squeeze %dma_wait3A_301 : memref<1x16x125xi32, #tpu.memory_space<vmem>> -> memref<16x125xi32, #tpu.memory_space<vmem>>
    %dma_wait3A_303 = arith.constant 0 : i32
    %dma_wait3A_304 = arith.constant 0 : i32
    %dma_wait3A_305 = tpu.memref_slice %arg3[%add3A, %dma_wait3A_296, %dma_wait3A_303, %dma_wait3A_304] : memref<32x5x16x125xi32, #tpu.memory_space<hbm>> -> memref<1x1x16x125xi32, #tpu.memory_space<hbm>>
    %dma_wait3A_306 = tpu.memref_squeeze %dma_wait3A_305 : memref<1x1x16x125xi32, #tpu.memory_space<hbm>> -> memref<16x125xi32, #tpu.memory_space<hbm>>
    %dma_wait3A_307 = tpu.memref_slice %arg14[%dma_wait3A_298] : memref<4x!tpu.dma_semaphore, #tpu.memory_space<semaphore_mem>> -> memref<1x!tpu.dma_semaphore, #tpu.memory_space<semaphore_mem>>
    %dma_wait3A_308 = tpu.memref_squeeze %dma_wait3A_307 : memref<1x!tpu.dma_semaphore, #tpu.memory_space<semaphore_mem>> -> memref<!tpu.dma_semaphore, #tpu.memory_space<semaphore_mem>>
    %dma_wait3A_309 = arith.constant 0 : i32
    %dma_wait3A_310 = arith.constant 0 : i32
    %dma_wait3A_311 = tpu.memref_slice %arg11[%dma_wait3A_297, %dma_wait3A_309, %dma_wait3A_310] : memref<2x16x125xi32, #tpu.memory_space<vmem>> -> memref<1x16x125xi32, #tpu.memory_space<vmem>>
    %dma_wait3A_312 = tpu.memref_squeeze %dma_wait3A_311 : memref<1x16x125xi32, #tpu.memory_space<vmem>> -> memref<16x125xi32, #tpu.memory_space<vmem>>
    %dma_wait3A_313 = arith.constant 0 : i32
    %dma_wait3A_314 = arith.constant 0 : i32
    %dma_wait3A_315 = tpu.memref_slice %arg3[%add3A, %dma_wait3A_296, %dma_wait3A_313, %dma_wait3A_314] : memref<32x5x16x125xi32, #tpu.memory_space<hbm>> -> memref<1x1x16x125xi32, #tpu.memory_space<hbm>>
    %dma_wait3A_316 = tpu.memref_squeeze %dma_wait3A_315 : memref<1x1x16x125xi32, #tpu.memory_space<hbm>> -> memref<16x125xi32, #tpu.memory_space<hbm>>
    tpu.wait_dma2 semaphore(%dma_wait3A_308 : memref<!tpu.dma_semaphore, #tpu.memory_space<semaphore_mem>>) src(%dma_wait3A_316 : memref<16x125xi32, #tpu.memory_space<hbm>>) dst(%dma_wait3A_312 : memref<16x125xi32, #tpu.memory_space<vmem>>)
    %dma_wait3A_317 = arith.constant 2 : i32
    %dma_wait3A_318 = arith.constant 0 : i32
    %dma_wait3A_319 = arith.constant 3 : i32
    %dma_wait3A_320 = arith.constant 0 : i32
    %dma_wait3A_321 = arith.constant 0 : i32
    %dma_wait3A_322 = tpu.memref_slice %arg12[%dma_wait3A_318, %dma_wait3A_320, %dma_wait3A_321] : memref<2x16x125xi32, #tpu.memory_space<vmem>> -> memref<1x16x125xi32, #tpu.memory_space<vmem>>
    %dma_wait3A_323 = tpu.memref_squeeze %dma_wait3A_322 : memref<1x16x125xi32, #tpu.memory_space<vmem>> -> memref<16x125xi32, #tpu.memory_space<vmem>>
    %dma_wait3A_324 = arith.constant 0 : i32
    %dma_wait3A_325 = arith.constant 0 : i32
    %dma_wait3A_326 = tpu.memref_slice %arg4[%add3A, %dma_wait3A_317, %dma_wait3A_324, %dma_wait3A_325] : memref<32x5x16x125xi32, #tpu.memory_space<hbm>> -> memref<1x1x16x125xi32, #tpu.memory_space<hbm>>
    %dma_wait3A_327 = tpu.memref_squeeze %dma_wait3A_326 : memref<1x1x16x125xi32, #tpu.memory_space<hbm>> -> memref<16x125xi32, #tpu.memory_space<hbm>>
    %dma_wait3A_328 = tpu.memref_slice %arg14[%dma_wait3A_319] : memref<4x!tpu.dma_semaphore, #tpu.memory_space<semaphore_mem>> -> memref<1x!tpu.dma_semaphore, #tpu.memory_space<semaphore_mem>>
    %dma_wait3A_329 = tpu.memref_squeeze %dma_wait3A_328 : memref<1x!tpu.dma_semaphore, #tpu.memory_space<semaphore_mem>> -> memref<!tpu.dma_semaphore, #tpu.memory_space<semaphore_mem>>
    %dma_wait3A_330 = arith.constant 0 : i32
    %dma_wait3A_331 = arith.constant 0 : i32
    %dma_wait3A_332 = tpu.memref_slice %arg12[%dma_wait3A_318, %dma_wait3A_330, %dma_wait3A_331] : memref<2x16x125xi32, #tpu.memory_space<vmem>> -> memref<1x16x125xi32, #tpu.memory_space<vmem>>
    %dma_wait3A_333 = tpu.memref_squeeze %dma_wait3A_332 : memref<1x16x125xi32, #tpu.memory_space<vmem>> -> memref<16x125xi32, #tpu.memory_space<vmem>>
    %dma_wait3A_334 = arith.constant 0 : i32
    %dma_wait3A_335 = arith.constant 0 : i32
    %dma_wait3A_336 = tpu.memref_slice %arg4[%add3A, %dma_wait3A_317, %dma_wait3A_334, %dma_wait3A_335] : memref<32x5x16x125xi32, #tpu.memory_space<hbm>> -> memref<1x1x16x125xi32, #tpu.memory_space<hbm>>
    %dma_wait3A_337 = tpu.memref_squeeze %dma_wait3A_336 : memref<1x1x16x125xi32, #tpu.memory_space<hbm>> -> memref<16x125xi32, #tpu.memory_space<hbm>>
    tpu.wait_dma2 semaphore(%dma_wait3A_329 : memref<!tpu.dma_semaphore, #tpu.memory_space<semaphore_mem>>) src(%dma_wait3A_337 : memref<16x125xi32, #tpu.memory_space<hbm>>) dst(%dma_wait3A_333 : memref<16x125xi32, #tpu.memory_space<vmem>>)
    %dma_start3A_338 = arith.constant 3 : i32
    %dma_start3A_339 = arith.constant 1 : i32
    %dma_start3A_340 = arith.constant 2 : i32
    %dma_start3A_341 = arith.constant 0 : i32
    %dma_start3A_342 = arith.constant 0 : i32
    %dma_start3A_343 = tpu.memref_slice %arg11[%dma_start3A_339, %dma_start3A_341, %dma_start3A_342] : memref<2x16x125xi32, #tpu.memory_space<vmem>> -> memref<1x16x125xi32, #tpu.memory_space<vmem>>
    %dma_start3A_344 = tpu.memref_squeeze %dma_start3A_343 : memref<1x16x125xi32, #tpu.memory_space<vmem>> -> memref<16x125xi32, #tpu.memory_space<vmem>>
    %dma_start3A_345 = arith.constant 0 : i32
    %dma_start3A_346 = arith.constant 0 : i32
    %dma_start3A_347 = tpu.memref_slice %arg3[%add3A, %dma_start3A_338, %dma_start3A_345, %dma_start3A_346] : memref<32x5x16x125xi32, #tpu.memory_space<hbm>> -> memref<1x1x16x125xi32, #tpu.memory_space<hbm>>
    %dma_start3A_348 = tpu.memref_squeeze %dma_start3A_347 : memref<1x1x16x125xi32, #tpu.memory_space<hbm>> -> memref<16x125xi32, #tpu.memory_space<hbm>>
    %dma_start3A_349 = tpu.memref_slice %arg14[%dma_start3A_340] : memref<4x!tpu.dma_semaphore, #tpu.memory_space<semaphore_mem>> -> memref<1x!tpu.dma_semaphore, #tpu.memory_space<semaphore_mem>>
    %dma_start3A_350 = tpu.memref_squeeze %dma_start3A_349 : memref<1x!tpu.dma_semaphore, #tpu.memory_space<semaphore_mem>> -> memref<!tpu.dma_semaphore, #tpu.memory_space<semaphore_mem>>
    %dma_start3A_351 = arith.constant 0 : i32
    %dma_start3A_352 = arith.constant 0 : i32
    %dma_start3A_353 = tpu.memref_slice %arg11[%dma_start3A_339, %dma_start3A_351, %dma_start3A_352] : memref<2x16x125xi32, #tpu.memory_space<vmem>> -> memref<1x16x125xi32, #tpu.memory_space<vmem>>
    %dma_start3A_354 = tpu.memref_squeeze %dma_start3A_353 : memref<1x16x125xi32, #tpu.memory_space<vmem>> -> memref<16x125xi32, #tpu.memory_space<vmem>>
    %dma_start3A_355 = arith.constant 0 : i32
    %dma_start3A_356 = arith.constant 0 : i32
    %dma_start3A_357 = tpu.memref_slice %arg3[%add3A, %dma_start3A_338, %dma_start3A_355, %dma_start3A_356] : memref<32x5x16x125xi32, #tpu.memory_space<hbm>> -> memref<1x1x16x125xi32, #tpu.memory_space<hbm>>
    %dma_start3A_358 = tpu.memref_squeeze %dma_start3A_357 : memref<1x1x16x125xi32, #tpu.memory_space<hbm>> -> memref<16x125xi32, #tpu.memory_space<hbm>>
    tpu.enqueue_dma source(%dma_start3A_358 : memref<16x125xi32, #tpu.memory_space<hbm>>) target(%dma_start3A_354 : memref<16x125xi32, #tpu.memory_space<vmem>>) target_semaphore(%dma_start3A_350 : memref<!tpu.dma_semaphore, #tpu.memory_space<semaphore_mem>>)
    %dma_start3A_359 = arith.constant 3 : i32
    %dma_start3A_360 = arith.constant 1 : i32
    %dma_start3A_361 = arith.constant 3 : i32
    %dma_start3A_362 = arith.constant 0 : i32
    %dma_start3A_363 = arith.constant 0 : i32
    %dma_start3A_364 = tpu.memref_slice %arg12[%dma_start3A_360, %dma_start3A_362, %dma_start3A_363] : memref<2x16x125xi32, #tpu.memory_space<vmem>> -> memref<1x16x125xi32, #tpu.memory_space<vmem>>
    %dma_start3A_365 = tpu.memref_squeeze %dma_start3A_364 : memref<1x16x125xi32, #tpu.memory_space<vmem>> -> memref<16x125xi32, #tpu.memory_space<vmem>>
    %dma_start3A_366 = arith.constant 0 : i32
    %dma_start3A_367 = arith.constant 0 : i32
    %dma_start3A_368 = tpu.memref_slice %arg4[%add3A, %dma_start3A_359, %dma_start3A_366, %dma_start3A_367] : memref<32x5x16x125xi32, #tpu.memory_space<hbm>> -> memref<1x1x16x125xi32, #tpu.memory_space<hbm>>
    %dma_start3A_369 = tpu.memref_squeeze %dma_start3A_368 : memref<1x1x16x125xi32, #tpu.memory_space<hbm>> -> memref<16x125xi32, #tpu.memory_space<hbm>>
    %dma_start3A_370 = tpu.memref_slice %arg14[%dma_start3A_361] : memref<4x!tpu.dma_semaphore, #tpu.memory_space<semaphore_mem>> -> memref<1x!tpu.dma_semaphore, #tpu.memory_space<semaphore_mem>>
    %dma_start3A_371 = tpu.memref_squeeze %dma_start3A_370 : memref<1x!tpu.dma_semaphore, #tpu.memory_space<semaphore_mem>> -> memref<!tpu.dma_semaphore, #tpu.memory_space<semaphore_mem>>
    %dma_start3A_372 = arith.constant 0 : i32
    %dma_start3A_373 = arith.constant 0 : i32
    %dma_start3A_374 = tpu.memref_slice %arg12[%dma_start3A_360, %dma_start3A_372, %dma_start3A_373] : memref<2x16x125xi32, #tpu.memory_space<vmem>> -> memref<1x16x125xi32, #tpu.memory_space<vmem>>
    %dma_start3A_375 = tpu.memref_squeeze %dma_start3A_374 : memref<1x16x125xi32, #tpu.memory_space<vmem>> -> memref<16x125xi32, #tpu.memory_space<vmem>>
    %dma_start3A_376 = arith.constant 0 : i32
    %dma_start3A_377 = arith.constant 0 : i32
    %dma_start3A_378 = tpu.memref_slice %arg4[%add3A, %dma_start3A_359, %dma_start3A_376, %dma_start3A_377] : memref<32x5x16x125xi32, #tpu.memory_space<hbm>> -> memref<1x1x16x125xi32, #tpu.memory_space<hbm>>
    %dma_start3A_379 = tpu.memref_squeeze %dma_start3A_378 : memref<1x1x16x125xi32, #tpu.memory_space<hbm>> -> memref<16x125xi32, #tpu.memory_space<hbm>>
    tpu.enqueue_dma source(%dma_start3A_379 : memref<16x125xi32, #tpu.memory_space<hbm>>) target(%dma_start3A_375 : memref<16x125xi32, #tpu.memory_space<vmem>>) target_semaphore(%dma_start3A_371 : memref<!tpu.dma_semaphore, #tpu.memory_space<semaphore_mem>>)
    %dma_start3A_380 = arith.constant 0 : i32
    %dma_start3A_381 = arith.constant 0 : i32
    %dma_start3A_382 = arith.constant 0 : i32
    %dma_start3A_383 = arith.constant 0 : i32
    %dma_start3A_384 = arith.constant 0 : i32
    %dma_start3A_385 = arith.constant 0 : i32
    %dma_start3A_386 = tpu.memref_slice %arg13[%dma_start3A_382, %dma_start3A_384, %dma_start3A_385] : memref<2x125x128xf32, #tpu.memory_space<vmem>> -> memref<1x125x128xf32, #tpu.memory_space<vmem>>
    %dma_start3A_387 = tpu.memref_squeeze %dma_start3A_386 : memref<1x125x128xf32, #tpu.memory_space<vmem>> -> memref<125x128xf32, #tpu.memory_space<vmem>>
    %dma_start3A_388 = arith.constant 0 : i32
    %dma_start3A_389 = tpu.memref_slice %arg11[%dma_start3A_380, %dma_start3A_381, %dma_start3A_388] : memref<2x16x125xi32, #tpu.memory_space<vmem>> -> memref<1x1x125xi32, #tpu.memory_space<vmem>>
    %dma_start3A_390 = tpu.memref_squeeze %dma_start3A_389 : memref<1x1x125xi32, #tpu.memory_space<vmem>> -> memref<125xi32, #tpu.memory_space<vmem>>
    %dma_start3A_391 = arith.constant 0 : i32
    %dma_start3A_392 = arith.constant 0 : i32
    %dma_start3A_393 = tpu.memref_slice %arg2[%dma_start3A_391, %dma_start3A_392] : memref<10000x128xf32, #tpu.memory_space<hbm>> -> memref<10000x128xf32, #tpu.memory_space<hbm>>
    %dma_start3A_394 = tpu.memref_slice %arg14[%dma_start3A_383] : memref<4x!tpu.dma_semaphore, #tpu.memory_space<semaphore_mem>> -> memref<1x!tpu.dma_semaphore, #tpu.memory_space<semaphore_mem>>
    %dma_start3A_395 = tpu.memref_squeeze %dma_start3A_394 : memref<1x!tpu.dma_semaphore, #tpu.memory_space<semaphore_mem>> -> memref<!tpu.dma_semaphore, #tpu.memory_space<semaphore_mem>>
    tpu.enqueue_indirect_dma source(%dma_start3A_393 : memref<10000x128xf32, #tpu.memory_space<hbm>>) target(%dma_start3A_387 : memref<125x128xf32, #tpu.memory_space<vmem>>) offsets(%dma_start3A_390 : memref<125xi32, #tpu.memory_space<vmem>>) semaphore(%dma_start3A_395 : memref<!tpu.dma_semaphore, #tpu.memory_space<semaphore_mem>>)
    %scan3A_396 = arith.constant 0 : i32
    %scan3A_397 = arith.constant 0 : i32
    %scan3A_398 = arith.constant 16 : i32
    %scan3A_399 = arith.addi %scan3A_397, %scan3A_398 : i32
    %scan3A_400 = arith.constant 1 : i32
    scf.for %scan3A_613 = %scan3A_397 to %scan3A_399 step %scan3A_400  : i32 {
      %rem3A = arith.constant 2 : i32
      %rem3A_614 = arith.remsi %scan3A_613, %rem3A : i32
      %add3A_615 = arith.constant 1 : i32
      %add3A_616 = arith.addi %scan3A_613, %add3A_615 : i32
      %rem3A_617 = arith.constant 2 : i32
      %rem3A_618 = arith.remsi %add3A_616, %rem3A_617 : i32
      %add3A_619 = arith.constant 1 : i32
      %add3A_620 = arith.addi %scan3A_613, %add3A_619 : i32
      %lt3A = arith.constant 16 : i32
      %lt3A_621 = arith.cmpi slt, %add3A_620, %lt3A : i32
      %convert_element_type3A = arith.extui %lt3A_621 : i1 to i32
      %cond3A = arith.constant 0 : i32
      %cond3A_622 = arith.cmpi ne, %convert_element_type3A, %cond3A : i32
      scf.if %cond3A_622 {
        %add3A_638 = arith.constant 1 : i32
        %add3A_639 = arith.addi %scan3A_613, %add3A_638 : i32
        %dma_start3A_640 = arith.constant 0 : i32
        %dma_start3A_641 = arith.constant 0 : i32
        %dma_start3A_642 = arith.constant 0 : i32
        %dma_start3A_643 = tpu.memref_slice %arg13[%rem3A_618, %dma_start3A_641, %dma_start3A_642] : memref<2x125x128xf32, #tpu.memory_space<vmem>> -> memref<1x125x128xf32, #tpu.memory_space<vmem>>
        %dma_start3A_644 = tpu.memref_squeeze %dma_start3A_643 : memref<1x125x128xf32, #tpu.memory_space<vmem>> -> memref<125x128xf32, #tpu.memory_space<vmem>>
        %dma_start3A_645 = arith.constant 0 : i32
        %dma_start3A_646 = tpu.memref_slice %arg11[%dma_start3A_640, %add3A_639, %dma_start3A_645] : memref<2x16x125xi32, #tpu.memory_space<vmem>> -> memref<1x1x125xi32, #tpu.memory_space<vmem>>
        %dma_start3A_647 = tpu.memref_squeeze %dma_start3A_646 : memref<1x1x125xi32, #tpu.memory_space<vmem>> -> memref<125xi32, #tpu.memory_space<vmem>>
        %dma_start3A_648 = arith.constant 0 : i32
        %dma_start3A_649 = arith.constant 0 : i32
        %dma_start3A_650 = tpu.memref_slice %arg2[%dma_start3A_648, %dma_start3A_649] : memref<10000x128xf32, #tpu.memory_space<hbm>> -> memref<10000x128xf32, #tpu.memory_space<hbm>>
        %dma_start3A_651 = tpu.memref_slice %arg14[%rem3A_618] : memref<4x!tpu.dma_semaphore, #tpu.memory_space<semaphore_mem>> -> memref<1x!tpu.dma_semaphore, #tpu.memory_space<semaphore_mem>>
        %dma_start3A_652 = tpu.memref_squeeze %dma_start3A_651 : memref<1x!tpu.dma_semaphore, #tpu.memory_space<semaphore_mem>> -> memref<!tpu.dma_semaphore, #tpu.memory_space<semaphore_mem>>
        tpu.enqueue_indirect_dma source(%dma_start3A_650 : memref<10000x128xf32, #tpu.memory_space<hbm>>) target(%dma_start3A_644 : memref<125x128xf32, #tpu.memory_space<vmem>>) offsets(%dma_start3A_647 : memref<125xi32, #tpu.memory_space<vmem>>) semaphore(%dma_start3A_652 : memref<!tpu.dma_semaphore, #tpu.memory_space<semaphore_mem>>)
      } else {
      }
      %dma_wait3A_623 = arith.constant 0 : i32
      %dma_wait3A_624 = arith.constant 0 : i32
      %dma_wait3A_625 = arith.constant 0 : i32
      %dma_wait3A_626 = tpu.memref_slice %arg13[%rem3A_614, %dma_wait3A_624, %dma_wait3A_625] : memref<2x125x128xf32, #tpu.memory_space<vmem>> -> memref<1x125x128xf32, #tpu.memory_space<vmem>>
      %dma_wait3A_627 = tpu.memref_squeeze %dma_wait3A_626 : memref<1x125x128xf32, #tpu.memory_space<vmem>> -> memref<125x128xf32, #tpu.memory_space<vmem>>
      %dma_wait3A_628 = arith.constant 0 : i32
      %dma_wait3A_629 = tpu.memref_slice %arg11[%dma_wait3A_623, %scan3A_613, %dma_wait3A_628] : memref<2x16x125xi32, #tpu.memory_space<vmem>> -> memref<1x1x125xi32, #tpu.memory_space<vmem>>
      %dma_wait3A_630 = tpu.memref_squeeze %dma_wait3A_629 : memref<1x1x125xi32, #tpu.memory_space<vmem>> -> memref<125xi32, #tpu.memory_space<vmem>>
      %dma_wait3A_631 = arith.constant 0 : i32
      %dma_wait3A_632 = arith.constant 0 : i32
      %dma_wait3A_633 = tpu.memref_slice %arg2[%dma_wait3A_631, %dma_wait3A_632] : memref<10000x128xf32, #tpu.memory_space<hbm>> -> memref<10000x128xf32, #tpu.memory_space<hbm>>
      %dma_wait3A_634 = tpu.memref_slice %arg14[%rem3A_614] : memref<4x!tpu.dma_semaphore, #tpu.memory_space<semaphore_mem>> -> memref<1x!tpu.dma_semaphore, #tpu.memory_space<semaphore_mem>>
      %dma_wait3A_635 = tpu.memref_squeeze %dma_wait3A_634 : memref<1x!tpu.dma_semaphore, #tpu.memory_space<semaphore_mem>> -> memref<!tpu.dma_semaphore, #tpu.memory_space<semaphore_mem>>
      tpu.wait_indirect_dma semaphore(%dma_wait3A_635 : memref<!tpu.dma_semaphore, #tpu.memory_space<semaphore_mem>>) src(%dma_wait3A_633 : memref<10000x128xf32, #tpu.memory_space<hbm>>) dst(%dma_wait3A_627 : memref<125x128xf32, #tpu.memory_space<vmem>>)
      %run_scoped3A_636 = arith.constant 0 : i32
      "tpu.region"() ({
        %run_scoped3A_638 = tpu.sem_alloc : memref<!tpu.dma_semaphore, #tpu.memory_space<semaphore_mem>>
        %dma_start3A_639 = arith.constant 0 : i32
        %dma_start3A_640 = arith.constant 0 : i32
        %dma_start3A_641 = tpu.memref_slice %arg13[%rem3A_614, %dma_start3A_639, %dma_start3A_640] : memref<2x125x128xf32, #tpu.memory_space<vmem>> -> memref<1x125x128xf32, #tpu.memory_space<vmem>>
        %dma_start3A_642 = tpu.memref_squeeze %dma_start3A_641 : memref<1x125x128xf32, #tpu.memory_space<vmem>> -> memref<125x128xf32, #tpu.memory_space<vmem>>
        %dma_start3A_643 = arith.constant 0 : i32
        %dma_start3A_644 = tpu.memref_slice %arg12[%run_scoped3A_636, %scan3A_613, %dma_start3A_643] : memref<2x16x125xi32, #tpu.memory_space<vmem>> -> memref<1x1x125xi32, #tpu.memory_space<vmem>>
        %dma_start3A_645 = tpu.memref_squeeze %dma_start3A_644 : memref<1x1x125xi32, #tpu.memory_space<vmem>> -> memref<125xi32, #tpu.memory_space<vmem>>
        %dma_start3A_646 = arith.constant 0 : i32
        %dma_start3A_647 = arith.constant 0 : i32
        %dma_start3A_648 = tpu.memref_slice %arg10[%dma_start3A_646, %dma_start3A_647] : memref<10000x128xf32, #tpu.memory_space<vmem_shared>> -> memref<10000x128xf32, #tpu.memory_space<vmem_shared>>
        tpu.enqueue_indirect_dma source(%dma_start3A_642 : memref<125x128xf32, #tpu.memory_space<vmem>>) target(%dma_start3A_648 : memref<10000x128xf32, #tpu.memory_space<vmem_shared>>) offsets(%dma_start3A_645 : memref<125xi32, #tpu.memory_space<vmem>>) semaphore(%run_scoped3A_638 : memref<!tpu.dma_semaphore, #tpu.memory_space<semaphore_mem>>) {add = true}
        %dma_wait3A_649 = arith.constant 0 : i32
        %dma_wait3A_650 = arith.constant 0 : i32
        %dma_wait3A_651 = tpu.memref_slice %arg13[%rem3A_614, %dma_wait3A_649, %dma_wait3A_650] : memref<2x125x128xf32, #tpu.memory_space<vmem>> -> memref<1x125x128xf32, #tpu.memory_space<vmem>>
        %dma_wait3A_652 = tpu.memref_squeeze %dma_wait3A_651 : memref<1x125x128xf32, #tpu.memory_space<vmem>> -> memref<125x128xf32, #tpu.memory_space<vmem>>
        %dma_wait3A_653 = arith.constant 0 : i32
        %dma_wait3A_654 = tpu.memref_slice %arg12[%run_scoped3A_636, %scan3A_613, %dma_wait3A_653] : memref<2x16x125xi32, #tpu.memory_space<vmem>> -> memref<1x1x125xi32, #tpu.memory_space<vmem>>
        %dma_wait3A_655 = tpu.memref_squeeze %dma_wait3A_654 : memref<1x1x125xi32, #tpu.memory_space<vmem>> -> memref<125xi32, #tpu.memory_space<vmem>>
        %dma_wait3A_656 = arith.constant 0 : i32
        %dma_wait3A_657 = arith.constant 0 : i32
        %dma_wait3A_658 = tpu.memref_slice %arg10[%dma_wait3A_656, %dma_wait3A_657] : memref<10000x128xf32, #tpu.memory_space<vmem_shared>> -> memref<10000x128xf32, #tpu.memory_space<vmem_shared>>
        tpu.wait_indirect_dma semaphore(%run_scoped3A_638 : memref<!tpu.dma_semaphore, #tpu.memory_space<semaphore_mem>>) src(%dma_wait3A_652 : memref<125x128xf32, #tpu.memory_space<vmem>>) dst(%dma_wait3A_658 : memref<10000x128xf32, #tpu.memory_space<vmem_shared>>)
        tpu.yield
      }) : () -> ()
      %run_scoped3A_637 = arith.constant 0 : i32
      "tpu.region"() ({
        %run_scoped3A_638 = tpu.sem_alloc : memref<!tpu.dma_semaphore, #tpu.memory_space<semaphore_mem>>
        %dma_start3A_639 = arith.constant 0 : i32
        %dma_start3A_640 = tpu.memref_slice %arg12[%run_scoped3A_637, %scan3A_613, %dma_start3A_639] : memref<2x16x125xi32, #tpu.memory_space<vmem>> -> memref<1x1x125xi32, #tpu.memory_space<vmem>>
        %dma_start3A_641 = tpu.memref_squeeze %dma_start3A_640 : memref<1x1x125xi32, #tpu.memory_space<vmem>> -> memref<125xi32, #tpu.memory_space<vmem>>
        %dma_start3A_642 = arith.constant 0 : i32
        %dma_start3A_643 = arith.constant 0 : i32
        %dma_start3A_644 = tpu.memref_slice %arg15[%dma_start3A_642, %dma_start3A_643] : memref<10000x8xf32, #tpu.memory_space<vmem_shared>> -> memref<10000x8xf32, #tpu.memory_space<vmem_shared>>
        tpu.enqueue_indirect_dma source(%arg16 : memref<125x8xf32, #tpu.memory_space<vmem>>) target(%dma_start3A_644 : memref<10000x8xf32, #tpu.memory_space<vmem_shared>>) offsets(%dma_start3A_641 : memref<125xi32, #tpu.memory_space<vmem>>) semaphore(%run_scoped3A_638 : memref<!tpu.dma_semaphore, #tpu.memory_space<semaphore_mem>>) {add = true}
        %dma_wait3A_645 = arith.constant 0 : i32
        %dma_wait3A_646 = tpu.memref_slice %arg12[%run_scoped3A_637, %scan3A_613, %dma_wait3A_645] : memref<2x16x125xi32, #tpu.memory_space<vmem>> -> memref<1x1x125xi32, #tpu.memory_space<vmem>>
        %dma_wait3A_647 = tpu.memref_squeeze %dma_wait3A_646 : memref<1x1x125xi32, #tpu.memory_space<vmem>> -> memref<125xi32, #tpu.memory_space<vmem>>
        %dma_wait3A_648 = arith.constant 0 : i32
        %dma_wait3A_649 = arith.constant 0 : i32
        %dma_wait3A_650 = tpu.memref_slice %arg15[%dma_wait3A_648, %dma_wait3A_649] : memref<10000x8xf32, #tpu.memory_space<vmem_shared>> -> memref<10000x8xf32, #tpu.memory_space<vmem_shared>>
        tpu.wait_indirect_dma semaphore(%run_scoped3A_638 : memref<!tpu.dma_semaphore, #tpu.memory_space<semaphore_mem>>) src(%arg16 : memref<125x8xf32, #tpu.memory_space<vmem>>) dst(%dma_wait3A_650 : memref<10000x8xf32, #tpu.memory_space<vmem_shared>>)
        tpu.yield
      }) : () -> ()
    }
    %scan3A_401 = arith.constant 16 : i32
    %dma_wait3A_402 = arith.constant 3 : i32
    %dma_wait3A_403 = arith.constant 1 : i32
    %dma_wait3A_404 = arith.constant 2 : i32
    %dma_wait3A_405 = arith.constant 0 : i32
    %dma_wait3A_406 = arith.constant 0 : i32
    %dma_wait3A_407 = tpu.memref_slice %arg11[%dma_wait3A_403, %dma_wait3A_405, %dma_wait3A_406] : memref<2x16x125xi32, #tpu.memory_space<vmem>> -> memref<1x16x125xi32, #tpu.memory_space<vmem>>
    %dma_wait3A_408 = tpu.memref_squeeze %dma_wait3A_407 : memref<1x16x125xi32, #tpu.memory_space<vmem>> -> memref<16x125xi32, #tpu.memory_space<vmem>>
    %dma_wait3A_409 = arith.constant 0 : i32
    %dma_wait3A_410 = arith.constant 0 : i32
    %dma_wait3A_411 = tpu.memref_slice %arg3[%add3A, %dma_wait3A_402, %dma_wait3A_409, %dma_wait3A_410] : memref<32x5x16x125xi32, #tpu.memory_space<hbm>> -> memref<1x1x16x125xi32, #tpu.memory_space<hbm>>
    %dma_wait3A_412 = tpu.memref_squeeze %dma_wait3A_411 : memref<1x1x16x125xi32, #tpu.memory_space<hbm>> -> memref<16x125xi32, #tpu.memory_space<hbm>>
    %dma_wait3A_413 = tpu.memref_slice %arg14[%dma_wait3A_404] : memref<4x!tpu.dma_semaphore, #tpu.memory_space<semaphore_mem>> -> memref<1x!tpu.dma_semaphore, #tpu.memory_space<semaphore_mem>>
    %dma_wait3A_414 = tpu.memref_squeeze %dma_wait3A_413 : memref<1x!tpu.dma_semaphore, #tpu.memory_space<semaphore_mem>> -> memref<!tpu.dma_semaphore, #tpu.memory_space<semaphore_mem>>
    %dma_wait3A_415 = arith.constant 0 : i32
    %dma_wait3A_416 = arith.constant 0 : i32
    %dma_wait3A_417 = tpu.memref_slice %arg11[%dma_wait3A_403, %dma_wait3A_415, %dma_wait3A_416] : memref<2x16x125xi32, #tpu.memory_space<vmem>> -> memref<1x16x125xi32, #tpu.memory_space<vmem>>
    %dma_wait3A_418 = tpu.memref_squeeze %dma_wait3A_417 : memref<1x16x125xi32, #tpu.memory_space<vmem>> -> memref<16x125xi32, #tpu.memory_space<vmem>>
    %dma_wait3A_419 = arith.constant 0 : i32
    %dma_wait3A_420 = arith.constant 0 : i32
    %dma_wait3A_421 = tpu.memref_slice %arg3[%add3A, %dma_wait3A_402, %dma_wait3A_419, %dma_wait3A_420] : memref<32x5x16x125xi32, #tpu.memory_space<hbm>> -> memref<1x1x16x125xi32, #tpu.memory_space<hbm>>
    %dma_wait3A_422 = tpu.memref_squeeze %dma_wait3A_421 : memref<1x1x16x125xi32, #tpu.memory_space<hbm>> -> memref<16x125xi32, #tpu.memory_space<hbm>>
    tpu.wait_dma2 semaphore(%dma_wait3A_414 : memref<!tpu.dma_semaphore, #tpu.memory_space<semaphore_mem>>) src(%dma_wait3A_422 : memref<16x125xi32, #tpu.memory_space<hbm>>) dst(%dma_wait3A_418 : memref<16x125xi32, #tpu.memory_space<vmem>>)
    %dma_wait3A_423 = arith.constant 3 : i32
    %dma_wait3A_424 = arith.constant 1 : i32
    %dma_wait3A_425 = arith.constant 3 : i32
    %dma_wait3A_426 = arith.constant 0 : i32
    %dma_wait3A_427 = arith.constant 0 : i32
    %dma_wait3A_428 = tpu.memref_slice %arg12[%dma_wait3A_424, %dma_wait3A_426, %dma_wait3A_427] : memref<2x16x125xi32, #tpu.memory_space<vmem>> -> memref<1x16x125xi32, #tpu.memory_space<vmem>>
    %dma_wait3A_429 = tpu.memref_squeeze %dma_wait3A_428 : memref<1x16x125xi32, #tpu.memory_space<vmem>> -> memref<16x125xi32, #tpu.memory_space<vmem>>
    %dma_wait3A_430 = arith.constant 0 : i32
    %dma_wait3A_431 = arith.constant 0 : i32
    %dma_wait3A_432 = tpu.memref_slice %arg4[%add3A, %dma_wait3A_423, %dma_wait3A_430, %dma_wait3A_431] : memref<32x5x16x125xi32, #tpu.memory_space<hbm>> -> memref<1x1x16x125xi32, #tpu.memory_space<hbm>>
    %dma_wait3A_433 = tpu.memref_squeeze %dma_wait3A_432 : memref<1x1x16x125xi32, #tpu.memory_space<hbm>> -> memref<16x125xi32, #tpu.memory_space<hbm>>
    %dma_wait3A_434 = tpu.memref_slice %arg14[%dma_wait3A_425] : memref<4x!tpu.dma_semaphore, #tpu.memory_space<semaphore_mem>> -> memref<1x!tpu.dma_semaphore, #tpu.memory_space<semaphore_mem>>
    %dma_wait3A_435 = tpu.memref_squeeze %dma_wait3A_434 : memref<1x!tpu.dma_semaphore, #tpu.memory_space<semaphore_mem>> -> memref<!tpu.dma_semaphore, #tpu.memory_space<semaphore_mem>>
    %dma_wait3A_436 = arith.constant 0 : i32
    %dma_wait3A_437 = arith.constant 0 : i32
    %dma_wait3A_438 = tpu.memref_slice %arg12[%dma_wait3A_424, %dma_wait3A_436, %dma_wait3A_437] : memref<2x16x125xi32, #tpu.memory_space<vmem>> -> memref<1x16x125xi32, #tpu.memory_space<vmem>>
    %dma_wait3A_439 = tpu.memref_squeeze %dma_wait3A_438 : memref<1x16x125xi32, #tpu.memory_space<vmem>> -> memref<16x125xi32, #tpu.memory_space<vmem>>
    %dma_wait3A_440 = arith.constant 0 : i32
    %dma_wait3A_441 = arith.constant 0 : i32
    %dma_wait3A_442 = tpu.memref_slice %arg4[%add3A, %dma_wait3A_423, %dma_wait3A_440, %dma_wait3A_441] : memref<32x5x16x125xi32, #tpu.memory_space<hbm>> -> memref<1x1x16x125xi32, #tpu.memory_space<hbm>>
    %dma_wait3A_443 = tpu.memref_squeeze %dma_wait3A_442 : memref<1x1x16x125xi32, #tpu.memory_space<hbm>> -> memref<16x125xi32, #tpu.memory_space<hbm>>
    tpu.wait_dma2 semaphore(%dma_wait3A_435 : memref<!tpu.dma_semaphore, #tpu.memory_space<semaphore_mem>>) src(%dma_wait3A_443 : memref<16x125xi32, #tpu.memory_space<hbm>>) dst(%dma_wait3A_439 : memref<16x125xi32, #tpu.memory_space<vmem>>)
    %dma_start3A_444 = arith.constant 4 : i32
    %dma_start3A_445 = arith.constant 0 : i32
    %dma_start3A_446 = arith.constant 2 : i32
    %dma_start3A_447 = arith.constant 0 : i32
    %dma_start3A_448 = arith.constant 0 : i32
    %dma_start3A_449 = tpu.memref_slice %arg11[%dma_start3A_445, %dma_start3A_447, %dma_start3A_448] : memref<2x16x125xi32, #tpu.memory_space<vmem>> -> memref<1x16x125xi32, #tpu.memory_space<vmem>>
    %dma_start3A_450 = tpu.memref_squeeze %dma_start3A_449 : memref<1x16x125xi32, #tpu.memory_space<vmem>> -> memref<16x125xi32, #tpu.memory_space<vmem>>
    %dma_start3A_451 = arith.constant 0 : i32
    %dma_start3A_452 = arith.constant 0 : i32
    %dma_start3A_453 = tpu.memref_slice %arg3[%add3A, %dma_start3A_444, %dma_start3A_451, %dma_start3A_452] : memref<32x5x16x125xi32, #tpu.memory_space<hbm>> -> memref<1x1x16x125xi32, #tpu.memory_space<hbm>>
    %dma_start3A_454 = tpu.memref_squeeze %dma_start3A_453 : memref<1x1x16x125xi32, #tpu.memory_space<hbm>> -> memref<16x125xi32, #tpu.memory_space<hbm>>
    %dma_start3A_455 = tpu.memref_slice %arg14[%dma_start3A_446] : memref<4x!tpu.dma_semaphore, #tpu.memory_space<semaphore_mem>> -> memref<1x!tpu.dma_semaphore, #tpu.memory_space<semaphore_mem>>
    %dma_start3A_456 = tpu.memref_squeeze %dma_start3A_455 : memref<1x!tpu.dma_semaphore, #tpu.memory_space<semaphore_mem>> -> memref<!tpu.dma_semaphore, #tpu.memory_space<semaphore_mem>>
    %dma_start3A_457 = arith.constant 0 : i32
    %dma_start3A_458 = arith.constant 0 : i32
    %dma_start3A_459 = tpu.memref_slice %arg11[%dma_start3A_445, %dma_start3A_457, %dma_start3A_458] : memref<2x16x125xi32, #tpu.memory_space<vmem>> -> memref<1x16x125xi32, #tpu.memory_space<vmem>>
    %dma_start3A_460 = tpu.memref_squeeze %dma_start3A_459 : memref<1x16x125xi32, #tpu.memory_space<vmem>> -> memref<16x125xi32, #tpu.memory_space<vmem>>
    %dma_start3A_461 = arith.constant 0 : i32
    %dma_start3A_462 = arith.constant 0 : i32
    %dma_start3A_463 = tpu.memref_slice %arg3[%add3A, %dma_start3A_444, %dma_start3A_461, %dma_start3A_462] : memref<32x5x16x125xi32, #tpu.memory_space<hbm>> -> memref<1x1x16x125xi32, #tpu.memory_space<hbm>>
    %dma_start3A_464 = tpu.memref_squeeze %dma_start3A_463 : memref<1x1x16x125xi32, #tpu.memory_space<hbm>> -> memref<16x125xi32, #tpu.memory_space<hbm>>
    tpu.enqueue_dma source(%dma_start3A_464 : memref<16x125xi32, #tpu.memory_space<hbm>>) target(%dma_start3A_460 : memref<16x125xi32, #tpu.memory_space<vmem>>) target_semaphore(%dma_start3A_456 : memref<!tpu.dma_semaphore, #tpu.memory_space<semaphore_mem>>)
    %dma_start3A_465 = arith.constant 4 : i32
    %dma_start3A_466 = arith.constant 0 : i32
    %dma_start3A_467 = arith.constant 3 : i32
    %dma_start3A_468 = arith.constant 0 : i32
    %dma_start3A_469 = arith.constant 0 : i32
    %dma_start3A_470 = tpu.memref_slice %arg12[%dma_start3A_466, %dma_start3A_468, %dma_start3A_469] : memref<2x16x125xi32, #tpu.memory_space<vmem>> -> memref<1x16x125xi32, #tpu.memory_space<vmem>>
    %dma_start3A_471 = tpu.memref_squeeze %dma_start3A_470 : memref<1x16x125xi32, #tpu.memory_space<vmem>> -> memref<16x125xi32, #tpu.memory_space<vmem>>
    %dma_start3A_472 = arith.constant 0 : i32
    %dma_start3A_473 = arith.constant 0 : i32
    %dma_start3A_474 = tpu.memref_slice %arg4[%add3A, %dma_start3A_465, %dma_start3A_472, %dma_start3A_473] : memref<32x5x16x125xi32, #tpu.memory_space<hbm>> -> memref<1x1x16x125xi32, #tpu.memory_space<hbm>>
    %dma_start3A_475 = tpu.memref_squeeze %dma_start3A_474 : memref<1x1x16x125xi32, #tpu.memory_space<hbm>> -> memref<16x125xi32, #tpu.memory_space<hbm>>
    %dma_start3A_476 = tpu.memref_slice %arg14[%dma_start3A_467] : memref<4x!tpu.dma_semaphore, #tpu.memory_space<semaphore_mem>> -> memref<1x!tpu.dma_semaphore, #tpu.memory_space<semaphore_mem>>
    %dma_start3A_477 = tpu.memref_squeeze %dma_start3A_476 : memref<1x!tpu.dma_semaphore, #tpu.memory_space<semaphore_mem>> -> memref<!tpu.dma_semaphore, #tpu.memory_space<semaphore_mem>>
    %dma_start3A_478 = arith.constant 0 : i32
    %dma_start3A_479 = arith.constant 0 : i32
    %dma_start3A_480 = tpu.memref_slice %arg12[%dma_start3A_466, %dma_start3A_478, %dma_start3A_479] : memref<2x16x125xi32, #tpu.memory_space<vmem>> -> memref<1x16x125xi32, #tpu.memory_space<vmem>>
    %dma_start3A_481 = tpu.memref_squeeze %dma_start3A_480 : memref<1x16x125xi32, #tpu.memory_space<vmem>> -> memref<16x125xi32, #tpu.memory_space<vmem>>
    %dma_start3A_482 = arith.constant 0 : i32
    %dma_start3A_483 = arith.constant 0 : i32
    %dma_start3A_484 = tpu.memref_slice %arg4[%add3A, %dma_start3A_465, %dma_start3A_482, %dma_start3A_483] : memref<32x5x16x125xi32, #tpu.memory_space<hbm>> -> memref<1x1x16x125xi32, #tpu.memory_space<hbm>>
    %dma_start3A_485 = tpu.memref_squeeze %dma_start3A_484 : memref<1x1x16x125xi32, #tpu.memory_space<hbm>> -> memref<16x125xi32, #tpu.memory_space<hbm>>
    tpu.enqueue_dma source(%dma_start3A_485 : memref<16x125xi32, #tpu.memory_space<hbm>>) target(%dma_start3A_481 : memref<16x125xi32, #tpu.memory_space<vmem>>) target_semaphore(%dma_start3A_477 : memref<!tpu.dma_semaphore, #tpu.memory_space<semaphore_mem>>)
    %dma_start3A_486 = arith.constant 1 : i32
    %dma_start3A_487 = arith.constant 0 : i32
    %dma_start3A_488 = arith.constant 0 : i32
    %dma_start3A_489 = arith.constant 0 : i32
    %dma_start3A_490 = arith.constant 0 : i32
    %dma_start3A_491 = arith.constant 0 : i32
    %dma_start3A_492 = tpu.memref_slice %arg13[%dma_start3A_488, %dma_start3A_490, %dma_start3A_491] : memref<2x125x128xf32, #tpu.memory_space<vmem>> -> memref<1x125x128xf32, #tpu.memory_space<vmem>>
    %dma_start3A_493 = tpu.memref_squeeze %dma_start3A_492 : memref<1x125x128xf32, #tpu.memory_space<vmem>> -> memref<125x128xf32, #tpu.memory_space<vmem>>
    %dma_start3A_494 = arith.constant 0 : i32
    %dma_start3A_495 = tpu.memref_slice %arg11[%dma_start3A_486, %dma_start3A_487, %dma_start3A_494] : memref<2x16x125xi32, #tpu.memory_space<vmem>> -> memref<1x1x125xi32, #tpu.memory_space<vmem>>
    %dma_start3A_496 = tpu.memref_squeeze %dma_start3A_495 : memref<1x1x125xi32, #tpu.memory_space<vmem>> -> memref<125xi32, #tpu.memory_space<vmem>>
    %dma_start3A_497 = arith.constant 0 : i32
    %dma_start3A_498 = arith.constant 0 : i32
    %dma_start3A_499 = tpu.memref_slice %arg2[%dma_start3A_497, %dma_start3A_498] : memref<10000x128xf32, #tpu.memory_space<hbm>> -> memref<10000x128xf32, #tpu.memory_space<hbm>>
    %dma_start3A_500 = tpu.memref_slice %arg14[%dma_start3A_489] : memref<4x!tpu.dma_semaphore, #tpu.memory_space<semaphore_mem>> -> memref<1x!tpu.dma_semaphore, #tpu.memory_space<semaphore_mem>>
    %dma_start3A_501 = tpu.memref_squeeze %dma_start3A_500 : memref<1x!tpu.dma_semaphore, #tpu.memory_space<semaphore_mem>> -> memref<!tpu.dma_semaphore, #tpu.memory_space<semaphore_mem>>
    tpu.enqueue_indirect_dma source(%dma_start3A_499 : memref<10000x128xf32, #tpu.memory_space<hbm>>) target(%dma_start3A_493 : memref<125x128xf32, #tpu.memory_space<vmem>>) offsets(%dma_start3A_496 : memref<125xi32, #tpu.memory_space<vmem>>) semaphore(%dma_start3A_501 : memref<!tpu.dma_semaphore, #tpu.memory_space<semaphore_mem>>)
    %scan3A_502 = arith.constant 0 : i32
    %scan3A_503 = arith.constant 0 : i32
    %scan3A_504 = arith.constant 16 : i32
    %scan3A_505 = arith.addi %scan3A_503, %scan3A_504 : i32
    %scan3A_506 = arith.constant 1 : i32
    scf.for %scan3A_613 = %scan3A_503 to %scan3A_505 step %scan3A_506  : i32 {
      %rem3A = arith.constant 2 : i32
      %rem3A_614 = arith.remsi %scan3A_613, %rem3A : i32
      %add3A_615 = arith.constant 1 : i32
      %add3A_616 = arith.addi %scan3A_613, %add3A_615 : i32
      %rem3A_617 = arith.constant 2 : i32
      %rem3A_618 = arith.remsi %add3A_616, %rem3A_617 : i32
      %add3A_619 = arith.constant 1 : i32
      %add3A_620 = arith.addi %scan3A_613, %add3A_619 : i32
      %lt3A = arith.constant 16 : i32
      %lt3A_621 = arith.cmpi slt, %add3A_620, %lt3A : i32
      %convert_element_type3A = arith.extui %lt3A_621 : i1 to i32
      %cond3A = arith.constant 0 : i32
      %cond3A_622 = arith.cmpi ne, %convert_element_type3A, %cond3A : i32
      scf.if %cond3A_622 {
        %add3A_638 = arith.constant 1 : i32
        %add3A_639 = arith.addi %scan3A_613, %add3A_638 : i32
        %dma_start3A_640 = arith.constant 1 : i32
        %dma_start3A_641 = arith.constant 0 : i32
        %dma_start3A_642 = arith.constant 0 : i32
        %dma_start3A_643 = tpu.memref_slice %arg13[%rem3A_618, %dma_start3A_641, %dma_start3A_642] : memref<2x125x128xf32, #tpu.memory_space<vmem>> -> memref<1x125x128xf32, #tpu.memory_space<vmem>>
        %dma_start3A_644 = tpu.memref_squeeze %dma_start3A_643 : memref<1x125x128xf32, #tpu.memory_space<vmem>> -> memref<125x128xf32, #tpu.memory_space<vmem>>
        %dma_start3A_645 = arith.constant 0 : i32
        %dma_start3A_646 = tpu.memref_slice %arg11[%dma_start3A_640, %add3A_639, %dma_start3A_645] : memref<2x16x125xi32, #tpu.memory_space<vmem>> -> memref<1x1x125xi32, #tpu.memory_space<vmem>>
        %dma_start3A_647 = tpu.memref_squeeze %dma_start3A_646 : memref<1x1x125xi32, #tpu.memory_space<vmem>> -> memref<125xi32, #tpu.memory_space<vmem>>
        %dma_start3A_648 = arith.constant 0 : i32
        %dma_start3A_649 = arith.constant 0 : i32
        %dma_start3A_650 = tpu.memref_slice %arg2[%dma_start3A_648, %dma_start3A_649] : memref<10000x128xf32, #tpu.memory_space<hbm>> -> memref<10000x128xf32, #tpu.memory_space<hbm>>
        %dma_start3A_651 = tpu.memref_slice %arg14[%rem3A_618] : memref<4x!tpu.dma_semaphore, #tpu.memory_space<semaphore_mem>> -> memref<1x!tpu.dma_semaphore, #tpu.memory_space<semaphore_mem>>
        %dma_start3A_652 = tpu.memref_squeeze %dma_start3A_651 : memref<1x!tpu.dma_semaphore, #tpu.memory_space<semaphore_mem>> -> memref<!tpu.dma_semaphore, #tpu.memory_space<semaphore_mem>>
        tpu.enqueue_indirect_dma source(%dma_start3A_650 : memref<10000x128xf32, #tpu.memory_space<hbm>>) target(%dma_start3A_644 : memref<125x128xf32, #tpu.memory_space<vmem>>) offsets(%dma_start3A_647 : memref<125xi32, #tpu.memory_space<vmem>>) semaphore(%dma_start3A_652 : memref<!tpu.dma_semaphore, #tpu.memory_space<semaphore_mem>>)
      } else {
      }
      %dma_wait3A_623 = arith.constant 1 : i32
      %dma_wait3A_624 = arith.constant 0 : i32
      %dma_wait3A_625 = arith.constant 0 : i32
      %dma_wait3A_626 = tpu.memref_slice %arg13[%rem3A_614, %dma_wait3A_624, %dma_wait3A_625] : memref<2x125x128xf32, #tpu.memory_space<vmem>> -> memref<1x125x128xf32, #tpu.memory_space<vmem>>
      %dma_wait3A_627 = tpu.memref_squeeze %dma_wait3A_626 : memref<1x125x128xf32, #tpu.memory_space<vmem>> -> memref<125x128xf32, #tpu.memory_space<vmem>>
      %dma_wait3A_628 = arith.constant 0 : i32
      %dma_wait3A_629 = tpu.memref_slice %arg11[%dma_wait3A_623, %scan3A_613, %dma_wait3A_628] : memref<2x16x125xi32, #tpu.memory_space<vmem>> -> memref<1x1x125xi32, #tpu.memory_space<vmem>>
      %dma_wait3A_630 = tpu.memref_squeeze %dma_wait3A_629 : memref<1x1x125xi32, #tpu.memory_space<vmem>> -> memref<125xi32, #tpu.memory_space<vmem>>
      %dma_wait3A_631 = arith.constant 0 : i32
      %dma_wait3A_632 = arith.constant 0 : i32
      %dma_wait3A_633 = tpu.memref_slice %arg2[%dma_wait3A_631, %dma_wait3A_632] : memref<10000x128xf32, #tpu.memory_space<hbm>> -> memref<10000x128xf32, #tpu.memory_space<hbm>>
      %dma_wait3A_634 = tpu.memref_slice %arg14[%rem3A_614] : memref<4x!tpu.dma_semaphore, #tpu.memory_space<semaphore_mem>> -> memref<1x!tpu.dma_semaphore, #tpu.memory_space<semaphore_mem>>
      %dma_wait3A_635 = tpu.memref_squeeze %dma_wait3A_634 : memref<1x!tpu.dma_semaphore, #tpu.memory_space<semaphore_mem>> -> memref<!tpu.dma_semaphore, #tpu.memory_space<semaphore_mem>>
      tpu.wait_indirect_dma semaphore(%dma_wait3A_635 : memref<!tpu.dma_semaphore, #tpu.memory_space<semaphore_mem>>) src(%dma_wait3A_633 : memref<10000x128xf32, #tpu.memory_space<hbm>>) dst(%dma_wait3A_627 : memref<125x128xf32, #tpu.memory_space<vmem>>)
      %run_scoped3A_636 = arith.constant 1 : i32
      "tpu.region"() ({
        %run_scoped3A_638 = tpu.sem_alloc : memref<!tpu.dma_semaphore, #tpu.memory_space<semaphore_mem>>
        %dma_start3A_639 = arith.constant 0 : i32
        %dma_start3A_640 = arith.constant 0 : i32
        %dma_start3A_641 = tpu.memref_slice %arg13[%rem3A_614, %dma_start3A_639, %dma_start3A_640] : memref<2x125x128xf32, #tpu.memory_space<vmem>> -> memref<1x125x128xf32, #tpu.memory_space<vmem>>
        %dma_start3A_642 = tpu.memref_squeeze %dma_start3A_641 : memref<1x125x128xf32, #tpu.memory_space<vmem>> -> memref<125x128xf32, #tpu.memory_space<vmem>>
        %dma_start3A_643 = arith.constant 0 : i32
        %dma_start3A_644 = tpu.memref_slice %arg12[%run_scoped3A_636, %scan3A_613, %dma_start3A_643] : memref<2x16x125xi32, #tpu.memory_space<vmem>> -> memref<1x1x125xi32, #tpu.memory_space<vmem>>
        %dma_start3A_645 = tpu.memref_squeeze %dma_start3A_644 : memref<1x1x125xi32, #tpu.memory_space<vmem>> -> memref<125xi32, #tpu.memory_space<vmem>>
        %dma_start3A_646 = arith.constant 0 : i32
        %dma_start3A_647 = arith.constant 0 : i32
        %dma_start3A_648 = tpu.memref_slice %arg10[%dma_start3A_646, %dma_start3A_647] : memref<10000x128xf32, #tpu.memory_space<vmem_shared>> -> memref<10000x128xf32, #tpu.memory_space<vmem_shared>>
        tpu.enqueue_indirect_dma source(%dma_start3A_642 : memref<125x128xf32, #tpu.memory_space<vmem>>) target(%dma_start3A_648 : memref<10000x128xf32, #tpu.memory_space<vmem_shared>>) offsets(%dma_start3A_645 : memref<125xi32, #tpu.memory_space<vmem>>) semaphore(%run_scoped3A_638 : memref<!tpu.dma_semaphore, #tpu.memory_space<semaphore_mem>>) {add = true}
        %dma_wait3A_649 = arith.constant 0 : i32
        %dma_wait3A_650 = arith.constant 0 : i32
        %dma_wait3A_651 = tpu.memref_slice %arg13[%rem3A_614, %dma_wait3A_649, %dma_wait3A_650] : memref<2x125x128xf32, #tpu.memory_space<vmem>> -> memref<1x125x128xf32, #tpu.memory_space<vmem>>
        %dma_wait3A_652 = tpu.memref_squeeze %dma_wait3A_651 : memref<1x125x128xf32, #tpu.memory_space<vmem>> -> memref<125x128xf32, #tpu.memory_space<vmem>>
        %dma_wait3A_653 = arith.constant 0 : i32
        %dma_wait3A_654 = tpu.memref_slice %arg12[%run_scoped3A_636, %scan3A_613, %dma_wait3A_653] : memref<2x16x125xi32, #tpu.memory_space<vmem>> -> memref<1x1x125xi32, #tpu.memory_space<vmem>>
        %dma_wait3A_655 = tpu.memref_squeeze %dma_wait3A_654 : memref<1x1x125xi32, #tpu.memory_space<vmem>> -> memref<125xi32, #tpu.memory_space<vmem>>
        %dma_wait3A_656 = arith.constant 0 : i32
        %dma_wait3A_657 = arith.constant 0 : i32
        %dma_wait3A_658 = tpu.memref_slice %arg10[%dma_wait3A_656, %dma_wait3A_657] : memref<10000x128xf32, #tpu.memory_space<vmem_shared>> -> memref<10000x128xf32, #tpu.memory_space<vmem_shared>>
        tpu.wait_indirect_dma semaphore(%run_scoped3A_638 : memref<!tpu.dma_semaphore, #tpu.memory_space<semaphore_mem>>) src(%dma_wait3A_652 : memref<125x128xf32, #tpu.memory_space<vmem>>) dst(%dma_wait3A_658 : memref<10000x128xf32, #tpu.memory_space<vmem_shared>>)
        tpu.yield
      }) : () -> ()
      %run_scoped3A_637 = arith.constant 1 : i32
      "tpu.region"() ({
        %run_scoped3A_638 = tpu.sem_alloc : memref<!tpu.dma_semaphore, #tpu.memory_space<semaphore_mem>>
        %dma_start3A_639 = arith.constant 0 : i32
        %dma_start3A_640 = tpu.memref_slice %arg12[%run_scoped3A_637, %scan3A_613, %dma_start3A_639] : memref<2x16x125xi32, #tpu.memory_space<vmem>> -> memref<1x1x125xi32, #tpu.memory_space<vmem>>
        %dma_start3A_641 = tpu.memref_squeeze %dma_start3A_640 : memref<1x1x125xi32, #tpu.memory_space<vmem>> -> memref<125xi32, #tpu.memory_space<vmem>>
        %dma_start3A_642 = arith.constant 0 : i32
        %dma_start3A_643 = arith.constant 0 : i32
        %dma_start3A_644 = tpu.memref_slice %arg15[%dma_start3A_642, %dma_start3A_643] : memref<10000x8xf32, #tpu.memory_space<vmem_shared>> -> memref<10000x8xf32, #tpu.memory_space<vmem_shared>>
        tpu.enqueue_indirect_dma source(%arg16 : memref<125x8xf32, #tpu.memory_space<vmem>>) target(%dma_start3A_644 : memref<10000x8xf32, #tpu.memory_space<vmem_shared>>) offsets(%dma_start3A_641 : memref<125xi32, #tpu.memory_space<vmem>>) semaphore(%run_scoped3A_638 : memref<!tpu.dma_semaphore, #tpu.memory_space<semaphore_mem>>) {add = true}
        %dma_wait3A_645 = arith.constant 0 : i32
        %dma_wait3A_646 = tpu.memref_slice %arg12[%run_scoped3A_637, %scan3A_613, %dma_wait3A_645] : memref<2x16x125xi32, #tpu.memory_space<vmem>> -> memref<1x1x125xi32, #tpu.memory_space<vmem>>
        %dma_wait3A_647 = tpu.memref_squeeze %dma_wait3A_646 : memref<1x1x125xi32, #tpu.memory_space<vmem>> -> memref<125xi32, #tpu.memory_space<vmem>>
        %dma_wait3A_648 = arith.constant 0 : i32
        %dma_wait3A_649 = arith.constant 0 : i32
        %dma_wait3A_650 = tpu.memref_slice %arg15[%dma_wait3A_648, %dma_wait3A_649] : memref<10000x8xf32, #tpu.memory_space<vmem_shared>> -> memref<10000x8xf32, #tpu.memory_space<vmem_shared>>
        tpu.wait_indirect_dma semaphore(%run_scoped3A_638 : memref<!tpu.dma_semaphore, #tpu.memory_space<semaphore_mem>>) src(%arg16 : memref<125x8xf32, #tpu.memory_space<vmem>>) dst(%dma_wait3A_650 : memref<10000x8xf32, #tpu.memory_space<vmem_shared>>)
        tpu.yield
      }) : () -> ()
    }
    %scan3A_507 = arith.constant 16 : i32
    %dma_wait3A_508 = arith.constant 4 : i32
    %dma_wait3A_509 = arith.constant 0 : i32
    %dma_wait3A_510 = arith.constant 2 : i32
    %dma_wait3A_511 = arith.constant 0 : i32
    %dma_wait3A_512 = arith.constant 0 : i32
    %dma_wait3A_513 = tpu.memref_slice %arg11[%dma_wait3A_509, %dma_wait3A_511, %dma_wait3A_512] : memref<2x16x125xi32, #tpu.memory_space<vmem>> -> memref<1x16x125xi32, #tpu.memory_space<vmem>>
    %dma_wait3A_514 = tpu.memref_squeeze %dma_wait3A_513 : memref<1x16x125xi32, #tpu.memory_space<vmem>> -> memref<16x125xi32, #tpu.memory_space<vmem>>
    %dma_wait3A_515 = arith.constant 0 : i32
    %dma_wait3A_516 = arith.constant 0 : i32
    %dma_wait3A_517 = tpu.memref_slice %arg3[%add3A, %dma_wait3A_508, %dma_wait3A_515, %dma_wait3A_516] : memref<32x5x16x125xi32, #tpu.memory_space<hbm>> -> memref<1x1x16x125xi32, #tpu.memory_space<hbm>>
    %dma_wait3A_518 = tpu.memref_squeeze %dma_wait3A_517 : memref<1x1x16x125xi32, #tpu.memory_space<hbm>> -> memref<16x125xi32, #tpu.memory_space<hbm>>
    %dma_wait3A_519 = tpu.memref_slice %arg14[%dma_wait3A_510] : memref<4x!tpu.dma_semaphore, #tpu.memory_space<semaphore_mem>> -> memref<1x!tpu.dma_semaphore, #tpu.memory_space<semaphore_mem>>
    %dma_wait3A_520 = tpu.memref_squeeze %dma_wait3A_519 : memref<1x!tpu.dma_semaphore, #tpu.memory_space<semaphore_mem>> -> memref<!tpu.dma_semaphore, #tpu.memory_space<semaphore_mem>>
    %dma_wait3A_521 = arith.constant 0 : i32
    %dma_wait3A_522 = arith.constant 0 : i32
    %dma_wait3A_523 = tpu.memref_slice %arg11[%dma_wait3A_509, %dma_wait3A_521, %dma_wait3A_522] : memref<2x16x125xi32, #tpu.memory_space<vmem>> -> memref<1x16x125xi32, #tpu.memory_space<vmem>>
    %dma_wait3A_524 = tpu.memref_squeeze %dma_wait3A_523 : memref<1x16x125xi32, #tpu.memory_space<vmem>> -> memref<16x125xi32, #tpu.memory_space<vmem>>
    %dma_wait3A_525 = arith.constant 0 : i32
    %dma_wait3A_526 = arith.constant 0 : i32
    %dma_wait3A_527 = tpu.memref_slice %arg3[%add3A, %dma_wait3A_508, %dma_wait3A_525, %dma_wait3A_526] : memref<32x5x16x125xi32, #tpu.memory_space<hbm>> -> memref<1x1x16x125xi32, #tpu.memory_space<hbm>>
    %dma_wait3A_528 = tpu.memref_squeeze %dma_wait3A_527 : memref<1x1x16x125xi32, #tpu.memory_space<hbm>> -> memref<16x125xi32, #tpu.memory_space<hbm>>
    tpu.wait_dma2 semaphore(%dma_wait3A_520 : memref<!tpu.dma_semaphore, #tpu.memory_space<semaphore_mem>>) src(%dma_wait3A_528 : memref<16x125xi32, #tpu.memory_space<hbm>>) dst(%dma_wait3A_524 : memref<16x125xi32, #tpu.memory_space<vmem>>)
    %dma_wait3A_529 = arith.constant 4 : i32
    %dma_wait3A_530 = arith.constant 0 : i32
    %dma_wait3A_531 = arith.constant 3 : i32
    %dma_wait3A_532 = arith.constant 0 : i32
    %dma_wait3A_533 = arith.constant 0 : i32
    %dma_wait3A_534 = tpu.memref_slice %arg12[%dma_wait3A_530, %dma_wait3A_532, %dma_wait3A_533] : memref<2x16x125xi32, #tpu.memory_space<vmem>> -> memref<1x16x125xi32, #tpu.memory_space<vmem>>
    %dma_wait3A_535 = tpu.memref_squeeze %dma_wait3A_534 : memref<1x16x125xi32, #tpu.memory_space<vmem>> -> memref<16x125xi32, #tpu.memory_space<vmem>>
    %dma_wait3A_536 = arith.constant 0 : i32
    %dma_wait3A_537 = arith.constant 0 : i32
    %dma_wait3A_538 = tpu.memref_slice %arg4[%add3A, %dma_wait3A_529, %dma_wait3A_536, %dma_wait3A_537] : memref<32x5x16x125xi32, #tpu.memory_space<hbm>> -> memref<1x1x16x125xi32, #tpu.memory_space<hbm>>
    %dma_wait3A_539 = tpu.memref_squeeze %dma_wait3A_538 : memref<1x1x16x125xi32, #tpu.memory_space<hbm>> -> memref<16x125xi32, #tpu.memory_space<hbm>>
    %dma_wait3A_540 = tpu.memref_slice %arg14[%dma_wait3A_531] : memref<4x!tpu.dma_semaphore, #tpu.memory_space<semaphore_mem>> -> memref<1x!tpu.dma_semaphore, #tpu.memory_space<semaphore_mem>>
    %dma_wait3A_541 = tpu.memref_squeeze %dma_wait3A_540 : memref<1x!tpu.dma_semaphore, #tpu.memory_space<semaphore_mem>> -> memref<!tpu.dma_semaphore, #tpu.memory_space<semaphore_mem>>
    %dma_wait3A_542 = arith.constant 0 : i32
    %dma_wait3A_543 = arith.constant 0 : i32
    %dma_wait3A_544 = tpu.memref_slice %arg12[%dma_wait3A_530, %dma_wait3A_542, %dma_wait3A_543] : memref<2x16x125xi32, #tpu.memory_space<vmem>> -> memref<1x16x125xi32, #tpu.memory_space<vmem>>
    %dma_wait3A_545 = tpu.memref_squeeze %dma_wait3A_544 : memref<1x16x125xi32, #tpu.memory_space<vmem>> -> memref<16x125xi32, #tpu.memory_space<vmem>>
    %dma_wait3A_546 = arith.constant 0 : i32
    %dma_wait3A_547 = arith.constant 0 : i32
    %dma_wait3A_548 = tpu.memref_slice %arg4[%add3A, %dma_wait3A_529, %dma_wait3A_546, %dma_wait3A_547] : memref<32x5x16x125xi32, #tpu.memory_space<hbm>> -> memref<1x1x16x125xi32, #tpu.memory_space<hbm>>
    %dma_wait3A_549 = tpu.memref_squeeze %dma_wait3A_548 : memref<1x1x16x125xi32, #tpu.memory_space<hbm>> -> memref<16x125xi32, #tpu.memory_space<hbm>>
    tpu.wait_dma2 semaphore(%dma_wait3A_541 : memref<!tpu.dma_semaphore, #tpu.memory_space<semaphore_mem>>) src(%dma_wait3A_549 : memref<16x125xi32, #tpu.memory_space<hbm>>) dst(%dma_wait3A_545 : memref<16x125xi32, #tpu.memory_space<vmem>>)
    %dma_start3A_550 = arith.constant 0 : i32
    %dma_start3A_551 = arith.constant 0 : i32
    %dma_start3A_552 = arith.constant 0 : i32
    %dma_start3A_553 = arith.constant 0 : i32
    %dma_start3A_554 = arith.constant 0 : i32
    %dma_start3A_555 = arith.constant 0 : i32
    %dma_start3A_556 = tpu.memref_slice %arg13[%dma_start3A_552, %dma_start3A_554, %dma_start3A_555] : memref<2x125x128xf32, #tpu.memory_space<vmem>> -> memref<1x125x128xf32, #tpu.memory_space<vmem>>
    %dma_start3A_557 = tpu.memref_squeeze %dma_start3A_556 : memref<1x125x128xf32, #tpu.memory_space<vmem>> -> memref<125x128xf32, #tpu.memory_space<vmem>>
    %dma_start3A_558 = arith.constant 0 : i32
    %dma_start3A_559 = tpu.memref_slice %arg11[%dma_start3A_550, %dma_start3A_551, %dma_start3A_558] : memref<2x16x125xi32, #tpu.memory_space<vmem>> -> memref<1x1x125xi32, #tpu.memory_space<vmem>>
    %dma_start3A_560 = tpu.memref_squeeze %dma_start3A_559 : memref<1x1x125xi32, #tpu.memory_space<vmem>> -> memref<125xi32, #tpu.memory_space<vmem>>
    %dma_start3A_561 = arith.constant 0 : i32
    %dma_start3A_562 = arith.constant 0 : i32
    %dma_start3A_563 = tpu.memref_slice %arg2[%dma_start3A_561, %dma_start3A_562] : memref<10000x128xf32, #tpu.memory_space<hbm>> -> memref<10000x128xf32, #tpu.memory_space<hbm>>
    %dma_start3A_564 = tpu.memref_slice %arg14[%dma_start3A_553] : memref<4x!tpu.dma_semaphore, #tpu.memory_space<semaphore_mem>> -> memref<1x!tpu.dma_semaphore, #tpu.memory_space<semaphore_mem>>
    %dma_start3A_565 = tpu.memref_squeeze %dma_start3A_564 : memref<1x!tpu.dma_semaphore, #tpu.memory_space<semaphore_mem>> -> memref<!tpu.dma_semaphore, #tpu.memory_space<semaphore_mem>>
    tpu.enqueue_indirect_dma source(%dma_start3A_563 : memref<10000x128xf32, #tpu.memory_space<hbm>>) target(%dma_start3A_557 : memref<125x128xf32, #tpu.memory_space<vmem>>) offsets(%dma_start3A_560 : memref<125xi32, #tpu.memory_space<vmem>>) semaphore(%dma_start3A_565 : memref<!tpu.dma_semaphore, #tpu.memory_space<semaphore_mem>>)
    %scan3A_566 = arith.constant 0 : i32
    %scan3A_567 = arith.constant 0 : i32
    %scan3A_568 = arith.constant 16 : i32
    %scan3A_569 = arith.addi %scan3A_567, %scan3A_568 : i32
    %scan3A_570 = arith.constant 1 : i32
    scf.for %scan3A_613 = %scan3A_567 to %scan3A_569 step %scan3A_570  : i32 {
      %rem3A = arith.constant 2 : i32
      %rem3A_614 = arith.remsi %scan3A_613, %rem3A : i32
      %add3A_615 = arith.constant 1 : i32
      %add3A_616 = arith.addi %scan3A_613, %add3A_615 : i32
      %rem3A_617 = arith.constant 2 : i32
      %rem3A_618 = arith.remsi %add3A_616, %rem3A_617 : i32
      %add3A_619 = arith.constant 1 : i32
      %add3A_620 = arith.addi %scan3A_613, %add3A_619 : i32
      %lt3A = arith.constant 16 : i32
      %lt3A_621 = arith.cmpi slt, %add3A_620, %lt3A : i32
      %convert_element_type3A = arith.extui %lt3A_621 : i1 to i32
      %cond3A = arith.constant 0 : i32
      %cond3A_622 = arith.cmpi ne, %convert_element_type3A, %cond3A : i32
      scf.if %cond3A_622 {
        %add3A_638 = arith.constant 1 : i32
        %add3A_639 = arith.addi %scan3A_613, %add3A_638 : i32
        %dma_start3A_640 = arith.constant 0 : i32
        %dma_start3A_641 = arith.constant 0 : i32
        %dma_start3A_642 = arith.constant 0 : i32
        %dma_start3A_643 = tpu.memref_slice %arg13[%rem3A_618, %dma_start3A_641, %dma_start3A_642] : memref<2x125x128xf32, #tpu.memory_space<vmem>> -> memref<1x125x128xf32, #tpu.memory_space<vmem>>
        %dma_start3A_644 = tpu.memref_squeeze %dma_start3A_643 : memref<1x125x128xf32, #tpu.memory_space<vmem>> -> memref<125x128xf32, #tpu.memory_space<vmem>>
        %dma_start3A_645 = arith.constant 0 : i32
        %dma_start3A_646 = tpu.memref_slice %arg11[%dma_start3A_640, %add3A_639, %dma_start3A_645] : memref<2x16x125xi32, #tpu.memory_space<vmem>> -> memref<1x1x125xi32, #tpu.memory_space<vmem>>
        %dma_start3A_647 = tpu.memref_squeeze %dma_start3A_646 : memref<1x1x125xi32, #tpu.memory_space<vmem>> -> memref<125xi32, #tpu.memory_space<vmem>>
        %dma_start3A_648 = arith.constant 0 : i32
        %dma_start3A_649 = arith.constant 0 : i32
        %dma_start3A_650 = tpu.memref_slice %arg2[%dma_start3A_648, %dma_start3A_649] : memref<10000x128xf32, #tpu.memory_space<hbm>> -> memref<10000x128xf32, #tpu.memory_space<hbm>>
        %dma_start3A_651 = tpu.memref_slice %arg14[%rem3A_618] : memref<4x!tpu.dma_semaphore, #tpu.memory_space<semaphore_mem>> -> memref<1x!tpu.dma_semaphore, #tpu.memory_space<semaphore_mem>>
        %dma_start3A_652 = tpu.memref_squeeze %dma_start3A_651 : memref<1x!tpu.dma_semaphore, #tpu.memory_space<semaphore_mem>> -> memref<!tpu.dma_semaphore, #tpu.memory_space<semaphore_mem>>
        tpu.enqueue_indirect_dma source(%dma_start3A_650 : memref<10000x128xf32, #tpu.memory_space<hbm>>) target(%dma_start3A_644 : memref<125x128xf32, #tpu.memory_space<vmem>>) offsets(%dma_start3A_647 : memref<125xi32, #tpu.memory_space<vmem>>) semaphore(%dma_start3A_652 : memref<!tpu.dma_semaphore, #tpu.memory_space<semaphore_mem>>)
      } else {
      }
      %dma_wait3A_623 = arith.constant 0 : i32
      %dma_wait3A_624 = arith.constant 0 : i32
      %dma_wait3A_625 = arith.constant 0 : i32
      %dma_wait3A_626 = tpu.memref_slice %arg13[%rem3A_614, %dma_wait3A_624, %dma_wait3A_625] : memref<2x125x128xf32, #tpu.memory_space<vmem>> -> memref<1x125x128xf32, #tpu.memory_space<vmem>>
      %dma_wait3A_627 = tpu.memref_squeeze %dma_wait3A_626 : memref<1x125x128xf32, #tpu.memory_space<vmem>> -> memref<125x128xf32, #tpu.memory_space<vmem>>
      %dma_wait3A_628 = arith.constant 0 : i32
      %dma_wait3A_629 = tpu.memref_slice %arg11[%dma_wait3A_623, %scan3A_613, %dma_wait3A_628] : memref<2x16x125xi32, #tpu.memory_space<vmem>> -> memref<1x1x125xi32, #tpu.memory_space<vmem>>
      %dma_wait3A_630 = tpu.memref_squeeze %dma_wait3A_629 : memref<1x1x125xi32, #tpu.memory_space<vmem>> -> memref<125xi32, #tpu.memory_space<vmem>>
      %dma_wait3A_631 = arith.constant 0 : i32
      %dma_wait3A_632 = arith.constant 0 : i32
      %dma_wait3A_633 = tpu.memref_slice %arg2[%dma_wait3A_631, %dma_wait3A_632] : memref<10000x128xf32, #tpu.memory_space<hbm>> -> memref<10000x128xf32, #tpu.memory_space<hbm>>
      %dma_wait3A_634 = tpu.memref_slice %arg14[%rem3A_614] : memref<4x!tpu.dma_semaphore, #tpu.memory_space<semaphore_mem>> -> memref<1x!tpu.dma_semaphore, #tpu.memory_space<semaphore_mem>>
      %dma_wait3A_635 = tpu.memref_squeeze %dma_wait3A_634 : memref<1x!tpu.dma_semaphore, #tpu.memory_space<semaphore_mem>> -> memref<!tpu.dma_semaphore, #tpu.memory_space<semaphore_mem>>
      tpu.wait_indirect_dma semaphore(%dma_wait3A_635 : memref<!tpu.dma_semaphore, #tpu.memory_space<semaphore_mem>>) src(%dma_wait3A_633 : memref<10000x128xf32, #tpu.memory_space<hbm>>) dst(%dma_wait3A_627 : memref<125x128xf32, #tpu.memory_space<vmem>>)
      %run_scoped3A_636 = arith.constant 0 : i32
      "tpu.region"() ({
        %run_scoped3A_638 = tpu.sem_alloc : memref<!tpu.dma_semaphore, #tpu.memory_space<semaphore_mem>>
        %dma_start3A_639 = arith.constant 0 : i32
        %dma_start3A_640 = arith.constant 0 : i32
        %dma_start3A_641 = tpu.memref_slice %arg13[%rem3A_614, %dma_start3A_639, %dma_start3A_640] : memref<2x125x128xf32, #tpu.memory_space<vmem>> -> memref<1x125x128xf32, #tpu.memory_space<vmem>>
        %dma_start3A_642 = tpu.memref_squeeze %dma_start3A_641 : memref<1x125x128xf32, #tpu.memory_space<vmem>> -> memref<125x128xf32, #tpu.memory_space<vmem>>
        %dma_start3A_643 = arith.constant 0 : i32
        %dma_start3A_644 = tpu.memref_slice %arg12[%run_scoped3A_636, %scan3A_613, %dma_start3A_643] : memref<2x16x125xi32, #tpu.memory_space<vmem>> -> memref<1x1x125xi32, #tpu.memory_space<vmem>>
        %dma_start3A_645 = tpu.memref_squeeze %dma_start3A_644 : memref<1x1x125xi32, #tpu.memory_space<vmem>> -> memref<125xi32, #tpu.memory_space<vmem>>
        %dma_start3A_646 = arith.constant 0 : i32
        %dma_start3A_647 = arith.constant 0 : i32
        %dma_start3A_648 = tpu.memref_slice %arg10[%dma_start3A_646, %dma_start3A_647] : memref<10000x128xf32, #tpu.memory_space<vmem_shared>> -> memref<10000x128xf32, #tpu.memory_space<vmem_shared>>
        tpu.enqueue_indirect_dma source(%dma_start3A_642 : memref<125x128xf32, #tpu.memory_space<vmem>>) target(%dma_start3A_648 : memref<10000x128xf32, #tpu.memory_space<vmem_shared>>) offsets(%dma_start3A_645 : memref<125xi32, #tpu.memory_space<vmem>>) semaphore(%run_scoped3A_638 : memref<!tpu.dma_semaphore, #tpu.memory_space<semaphore_mem>>) {add = true}
        %dma_wait3A_649 = arith.constant 0 : i32
        %dma_wait3A_650 = arith.constant 0 : i32
        %dma_wait3A_651 = tpu.memref_slice %arg13[%rem3A_614, %dma_wait3A_649, %dma_wait3A_650] : memref<2x125x128xf32, #tpu.memory_space<vmem>> -> memref<1x125x128xf32, #tpu.memory_space<vmem>>
        %dma_wait3A_652 = tpu.memref_squeeze %dma_wait3A_651 : memref<1x125x128xf32, #tpu.memory_space<vmem>> -> memref<125x128xf32, #tpu.memory_space<vmem>>
        %dma_wait3A_653 = arith.constant 0 : i32
        %dma_wait3A_654 = tpu.memref_slice %arg12[%run_scoped3A_636, %scan3A_613, %dma_wait3A_653] : memref<2x16x125xi32, #tpu.memory_space<vmem>> -> memref<1x1x125xi32, #tpu.memory_space<vmem>>
        %dma_wait3A_655 = tpu.memref_squeeze %dma_wait3A_654 : memref<1x1x125xi32, #tpu.memory_space<vmem>> -> memref<125xi32, #tpu.memory_space<vmem>>
        %dma_wait3A_656 = arith.constant 0 : i32
        %dma_wait3A_657 = arith.constant 0 : i32
        %dma_wait3A_658 = tpu.memref_slice %arg10[%dma_wait3A_656, %dma_wait3A_657] : memref<10000x128xf32, #tpu.memory_space<vmem_shared>> -> memref<10000x128xf32, #tpu.memory_space<vmem_shared>>
        tpu.wait_indirect_dma semaphore(%run_scoped3A_638 : memref<!tpu.dma_semaphore, #tpu.memory_space<semaphore_mem>>) src(%dma_wait3A_652 : memref<125x128xf32, #tpu.memory_space<vmem>>) dst(%dma_wait3A_658 : memref<10000x128xf32, #tpu.memory_space<vmem_shared>>)
        tpu.yield
      }) : () -> ()
      %run_scoped3A_637 = arith.constant 0 : i32
      "tpu.region"() ({
        %run_scoped3A_638 = tpu.sem_alloc : memref<!tpu.dma_semaphore, #tpu.memory_space<semaphore_mem>>
        %dma_start3A_639 = arith.constant 0 : i32
        %dma_start3A_640 = tpu.memref_slice %arg12[%run_scoped3A_637, %scan3A_613, %dma_start3A_639] : memref<2x16x125xi32, #tpu.memory_space<vmem>> -> memref<1x1x125xi32, #tpu.memory_space<vmem>>
        %dma_start3A_641 = tpu.memref_squeeze %dma_start3A_640 : memref<1x1x125xi32, #tpu.memory_space<vmem>> -> memref<125xi32, #tpu.memory_space<vmem>>
        %dma_start3A_642 = arith.constant 0 : i32
        %dma_start3A_643 = arith.constant 0 : i32
        %dma_start3A_644 = tpu.memref_slice %arg15[%dma_start3A_642, %dma_start3A_643] : memref<10000x8xf32, #tpu.memory_space<vmem_shared>> -> memref<10000x8xf32, #tpu.memory_space<vmem_shared>>
        tpu.enqueue_indirect_dma source(%arg16 : memref<125x8xf32, #tpu.memory_space<vmem>>) target(%dma_start3A_644 : memref<10000x8xf32, #tpu.memory_space<vmem_shared>>) offsets(%dma_start3A_641 : memref<125xi32, #tpu.memory_space<vmem>>) semaphore(%run_scoped3A_638 : memref<!tpu.dma_semaphore, #tpu.memory_space<semaphore_mem>>) {add = true}
        %dma_wait3A_645 = arith.constant 0 : i32
        %dma_wait3A_646 = tpu.memref_slice %arg12[%run_scoped3A_637, %scan3A_613, %dma_wait3A_645] : memref<2x16x125xi32, #tpu.memory_space<vmem>> -> memref<1x1x125xi32, #tpu.memory_space<vmem>>
        %dma_wait3A_647 = tpu.memref_squeeze %dma_wait3A_646 : memref<1x1x125xi32, #tpu.memory_space<vmem>> -> memref<125xi32, #tpu.memory_space<vmem>>
        %dma_wait3A_648 = arith.constant 0 : i32
        %dma_wait3A_649 = arith.constant 0 : i32
        %dma_wait3A_650 = tpu.memref_slice %arg15[%dma_wait3A_648, %dma_wait3A_649] : memref<10000x8xf32, #tpu.memory_space<vmem_shared>> -> memref<10000x8xf32, #tpu.memory_space<vmem_shared>>
        tpu.wait_indirect_dma semaphore(%run_scoped3A_638 : memref<!tpu.dma_semaphore, #tpu.memory_space<semaphore_mem>>) src(%arg16 : memref<125x8xf32, #tpu.memory_space<vmem>>) dst(%dma_wait3A_650 : memref<10000x8xf32, #tpu.memory_space<vmem_shared>>)
        tpu.yield
      }) : () -> ()
    }
    %scan3A_571 = arith.constant 16 : i32
    %barrier3A_572 = arith.constant 0 : index
    tpu.barrier barrier_id(%barrier3A_572)
    %add3A_573 = arith.constant 0 : i32
    %add3A_574 = arith.addi %arg1, %add3A_573 : i32
    %min3A_575 = arith.constant 79 : i32
    %min3A_576 = arith.minsi %add3A_574, %min3A_575 : i32
    %mul3A_577 = arith.constant 125 : i32
    %mul3A_578 = arith.muli %min3A_576, %mul3A_577 : i32
    %run_scoped3A_579 = arith.constant 0 : i32
    "tpu.region"() ({
      %run_scoped3A_613 = tpu.sem_alloc : memref<!tpu.dma_semaphore, #tpu.memory_space<semaphore_mem>>
      %dma_start3A_614 = arith.constant 0 : i32
      %dma_start3A_615 = arith.constant 0 : i32
      %dma_start3A_616 = tpu.memref_slice %arg13[%run_scoped3A_579, %dma_start3A_614, %dma_start3A_615] : memref<2x125x128xf32, #tpu.memory_space<vmem>> -> memref<1x125x128xf32, #tpu.memory_space<vmem>>
      %dma_start3A_617 = tpu.memref_squeeze %dma_start3A_616 : memref<1x125x128xf32, #tpu.memory_space<vmem>> -> memref<125x128xf32, #tpu.memory_space<vmem>>
      %dma_start3A_618 = arith.constant 0 : i32
      %dma_start3A_619 = tpu.memref_slice %arg10[%mul3A_578, %dma_start3A_618] : memref<10000x128xf32, #tpu.memory_space<vmem_shared>> -> memref<125x128xf32, #tpu.memory_space<vmem_shared>>
      %dma_start3A_620 = arith.constant 0 : i32
      %dma_start3A_621 = arith.constant 0 : i32
      %dma_start3A_622 = tpu.memref_slice %arg13[%run_scoped3A_579, %dma_start3A_620, %dma_start3A_621] : memref<2x125x128xf32, #tpu.memory_space<vmem>> -> memref<1x125x128xf32, #tpu.memory_space<vmem>>
      %dma_start3A_623 = tpu.memref_squeeze %dma_start3A_622 : memref<1x125x128xf32, #tpu.memory_space<vmem>> -> memref<125x128xf32, #tpu.memory_space<vmem>>
      %dma_start3A_624 = arith.constant 0 : i32
      %dma_start3A_625 = tpu.memref_slice %arg10[%mul3A_578, %dma_start3A_624] : memref<10000x128xf32, #tpu.memory_space<vmem_shared>> -> memref<125x128xf32, #tpu.memory_space<vmem_shared>>
      tpu.enqueue_dma source(%dma_start3A_625 : memref<125x128xf32, #tpu.memory_space<vmem_shared>>) target(%dma_start3A_623 : memref<125x128xf32, #tpu.memory_space<vmem>>) target_semaphore(%run_scoped3A_613 : memref<!tpu.dma_semaphore, #tpu.memory_space<semaphore_mem>>)
      %dma_wait3A_626 = arith.constant 0 : i32
      %dma_wait3A_627 = arith.constant 0 : i32
      %dma_wait3A_628 = tpu.memref_slice %arg13[%run_scoped3A_579, %dma_wait3A_626, %dma_wait3A_627] : memref<2x125x128xf32, #tpu.memory_space<vmem>> -> memref<1x125x128xf32, #tpu.memory_space<vmem>>
      %dma_wait3A_629 = tpu.memref_squeeze %dma_wait3A_628 : memref<1x125x128xf32, #tpu.memory_space<vmem>> -> memref<125x128xf32, #tpu.memory_space<vmem>>
      %dma_wait3A_630 = arith.constant 0 : i32
      %dma_wait3A_631 = tpu.memref_slice %arg10[%mul3A_578, %dma_wait3A_630] : memref<10000x128xf32, #tpu.memory_space<vmem_shared>> -> memref<125x128xf32, #tpu.memory_space<vmem_shared>>
      %dma_wait3A_632 = arith.constant 0 : i32
      %dma_wait3A_633 = arith.constant 0 : i32
      %dma_wait3A_634 = tpu.memref_slice %arg13[%run_scoped3A_579, %dma_wait3A_632, %dma_wait3A_633] : memref<2x125x128xf32, #tpu.memory_space<vmem>> -> memref<1x125x128xf32, #tpu.memory_space<vmem>>
      %dma_wait3A_635 = tpu.memref_squeeze %dma_wait3A_634 : memref<1x125x128xf32, #tpu.memory_space<vmem>> -> memref<125x128xf32, #tpu.memory_space<vmem>>
      %dma_wait3A_636 = arith.constant 0 : i32
      %dma_wait3A_637 = tpu.memref_slice %arg10[%mul3A_578, %dma_wait3A_636] : memref<10000x128xf32, #tpu.memory_space<vmem_shared>> -> memref<125x128xf32, #tpu.memory_space<vmem_shared>>
      tpu.wait_dma2 semaphore(%run_scoped3A_613 : memref<!tpu.dma_semaphore, #tpu.memory_space<semaphore_mem>>) src(%dma_wait3A_637 : memref<125x128xf32, #tpu.memory_space<vmem_shared>>) dst(%dma_wait3A_635 : memref<125x128xf32, #tpu.memory_space<vmem>>)
      tpu.yield
    }) : () -> ()
    %run_scoped3A_580 = arith.constant 0 : i32
    "tpu.region"() ({
      %run_scoped3A_613 = tpu.sem_alloc : memref<!tpu.dma_semaphore, #tpu.memory_space<semaphore_mem>>
      %dma_start3A_614 = arith.constant 0 : i32
      %dma_start3A_615 = arith.constant 0 : i32
      %dma_start3A_616 = tpu.memref_slice %arg13[%run_scoped3A_580, %dma_start3A_614, %dma_start3A_615] : memref<2x125x128xf32, #tpu.memory_space<vmem>> -> memref<1x125x128xf32, #tpu.memory_space<vmem>>
      %dma_start3A_617 = tpu.memref_squeeze %dma_start3A_616 : memref<1x125x128xf32, #tpu.memory_space<vmem>> -> memref<125x128xf32, #tpu.memory_space<vmem>>
      %dma_start3A_618 = arith.constant 0 : i32
      %dma_start3A_619 = tpu.memref_slice %arg8[%arg0, %mul3A_578, %dma_start3A_618] : memref<2x10000x128xf32, #tpu.memory_space<hbm>> -> memref<1x125x128xf32, #tpu.memory_space<hbm>>
      %dma_start3A_620 = tpu.memref_squeeze %dma_start3A_619 : memref<1x125x128xf32, #tpu.memory_space<hbm>> -> memref<125x128xf32, #tpu.memory_space<hbm>>
      %dma_start3A_621 = arith.constant 0 : i32
      %dma_start3A_622 = tpu.memref_slice %arg8[%arg0, %mul3A_578, %dma_start3A_621] : memref<2x10000x128xf32, #tpu.memory_space<hbm>> -> memref<1x125x128xf32, #tpu.memory_space<hbm>>
      %dma_start3A_623 = tpu.memref_squeeze %dma_start3A_622 : memref<1x125x128xf32, #tpu.memory_space<hbm>> -> memref<125x128xf32, #tpu.memory_space<hbm>>
      %dma_start3A_624 = arith.constant 0 : i32
      %dma_start3A_625 = arith.constant 0 : i32
      %dma_start3A_626 = tpu.memref_slice %arg13[%run_scoped3A_580, %dma_start3A_624, %dma_start3A_625] : memref<2x125x128xf32, #tpu.memory_space<vmem>> -> memref<1x125x128xf32, #tpu.memory_space<vmem>>
      %dma_start3A_627 = tpu.memref_squeeze %dma_start3A_626 : memref<1x125x128xf32, #tpu.memory_space<vmem>> -> memref<125x128xf32, #tpu.memory_space<vmem>>
      tpu.enqueue_dma source(%dma_start3A_627 : memref<125x128xf32, #tpu.memory_space<vmem>>) target(%dma_start3A_623 : memref<125x128xf32, #tpu.memory_space<hbm>>) target_semaphore(%run_scoped3A_613 : memref<!tpu.dma_semaphore, #tpu.memory_space<semaphore_mem>>)
      %dma_wait3A_628 = arith.constant 0 : i32
      %dma_wait3A_629 = arith.constant 0 : i32
      %dma_wait3A_630 = tpu.memref_slice %arg13[%run_scoped3A_580, %dma_wait3A_628, %dma_wait3A_629] : memref<2x125x128xf32, #tpu.memory_space<vmem>> -> memref<1x125x128xf32, #tpu.memory_space<vmem>>
      %dma_wait3A_631 = tpu.memref_squeeze %dma_wait3A_630 : memref<1x125x128xf32, #tpu.memory_space<vmem>> -> memref<125x128xf32, #tpu.memory_space<vmem>>
      %dma_wait3A_632 = arith.constant 0 : i32
      %dma_wait3A_633 = tpu.memref_slice %arg8[%arg0, %mul3A_578, %dma_wait3A_632] : memref<2x10000x128xf32, #tpu.memory_space<hbm>> -> memref<1x125x128xf32, #tpu.memory_space<hbm>>
      %dma_wait3A_634 = tpu.memref_squeeze %dma_wait3A_633 : memref<1x125x128xf32, #tpu.memory_space<hbm>> -> memref<125x128xf32, #tpu.memory_space<hbm>>
      %dma_wait3A_635 = arith.constant 0 : i32
      %dma_wait3A_636 = tpu.memref_slice %arg8[%arg0, %mul3A_578, %dma_wait3A_635] : memref<2x10000x128xf32, #tpu.memory_space<hbm>> -> memref<1x125x128xf32, #tpu.memory_space<hbm>>
      %dma_wait3A_637 = tpu.memref_squeeze %dma_wait3A_636 : memref<1x125x128xf32, #tpu.memory_space<hbm>> -> memref<125x128xf32, #tpu.memory_space<hbm>>
      %dma_wait3A_638 = arith.constant 0 : i32
      %dma_wait3A_639 = arith.constant 0 : i32
      %dma_wait3A_640 = tpu.memref_slice %arg13[%run_scoped3A_580, %dma_wait3A_638, %dma_wait3A_639] : memref<2x125x128xf32, #tpu.memory_space<vmem>> -> memref<1x125x128xf32, #tpu.memory_space<vmem>>
      %dma_wait3A_641 = tpu.memref_squeeze %dma_wait3A_640 : memref<1x125x128xf32, #tpu.memory_space<vmem>> -> memref<125x128xf32, #tpu.memory_space<vmem>>
      tpu.wait_dma2 semaphore(%run_scoped3A_613 : memref<!tpu.dma_semaphore, #tpu.memory_space<semaphore_mem>>) src(%dma_wait3A_641 : memref<125x128xf32, #tpu.memory_space<vmem>>) dst(%dma_wait3A_637 : memref<125x128xf32, #tpu.memory_space<hbm>>)
      tpu.yield
    }) : () -> ()
    "tpu.region"() ({
      %run_scoped3A_613 = tpu.sem_alloc : memref<!tpu.dma_semaphore, #tpu.memory_space<semaphore_mem>>
      %dma_start3A_614 = arith.constant 0 : i32
      %dma_start3A_615 = tpu.memref_slice %arg15[%mul3A_578, %dma_start3A_614] : memref<10000x8xf32, #tpu.memory_space<vmem_shared>> -> memref<125x8xf32, #tpu.memory_space<vmem_shared>>
      %dma_start3A_616 = arith.constant 0 : i32
      %dma_start3A_617 = tpu.memref_slice %arg15[%mul3A_578, %dma_start3A_616] : memref<10000x8xf32, #tpu.memory_space<vmem_shared>> -> memref<125x8xf32, #tpu.memory_space<vmem_shared>>
      tpu.enqueue_dma source(%dma_start3A_617 : memref<125x8xf32, #tpu.memory_space<vmem_shared>>) target(%arg16 : memref<125x8xf32, #tpu.memory_space<vmem>>) target_semaphore(%run_scoped3A_613 : memref<!tpu.dma_semaphore, #tpu.memory_space<semaphore_mem>>)
      %dma_wait3A_618 = arith.constant 0 : i32
      %dma_wait3A_619 = tpu.memref_slice %arg15[%mul3A_578, %dma_wait3A_618] : memref<10000x8xf32, #tpu.memory_space<vmem_shared>> -> memref<125x8xf32, #tpu.memory_space<vmem_shared>>
      %dma_wait3A_620 = arith.constant 0 : i32
      %dma_wait3A_621 = tpu.memref_slice %arg15[%mul3A_578, %dma_wait3A_620] : memref<10000x8xf32, #tpu.memory_space<vmem_shared>> -> memref<125x8xf32, #tpu.memory_space<vmem_shared>>
      tpu.wait_dma2 semaphore(%run_scoped3A_613 : memref<!tpu.dma_semaphore, #tpu.memory_space<semaphore_mem>>) src(%dma_wait3A_621 : memref<125x8xf32, #tpu.memory_space<vmem_shared>>) dst(%arg16 : memref<125x8xf32, #tpu.memory_space<vmem>>)
      tpu.yield
    }) : () -> ()
    "tpu.region"() ({
      %run_scoped3A_613 = tpu.sem_alloc : memref<!tpu.dma_semaphore, #tpu.memory_space<semaphore_mem>>
      %dma_start3A_614 = arith.constant 0 : i32
      %dma_start3A_615 = tpu.memref_slice %arg9[%arg0, %mul3A_578, %dma_start3A_614] : memref<2x10000x8xf32, #tpu.memory_space<hbm>> -> memref<1x125x8xf32, #tpu.memory_space<hbm>>
      %dma_start3A_616 = tpu.memref_squeeze %dma_start3A_615 : memref<1x125x8xf32, #tpu.memory_space<hbm>> -> memref<125x8xf32, #tpu.memory_space<hbm>>
      %dma_start3A_617 = arith.constant 0 : i32
      %dma_start3A_618 = tpu.memref_slice %arg9[%arg0, %mul3A_578, %dma_start3A_617] : memref<2x10000x8xf32, #tpu.memory_space<hbm>> -> memref<1x125x8xf32, #tpu.memory_space<hbm>>
      %dma_start3A_619 = tpu.memref_squeeze %dma_start3A_618 : memref<1x125x8xf32, #tpu.memory_space<hbm>> -> memref<125x8xf32, #tpu.memory_space<hbm>>
      tpu.enqueue_dma source(%arg16 : memref<125x8xf32, #tpu.memory_space<vmem>>) target(%dma_start3A_619 : memref<125x8xf32, #tpu.memory_space<hbm>>) target_semaphore(%run_scoped3A_613 : memref<!tpu.dma_semaphore, #tpu.memory_space<semaphore_mem>>)
      %dma_wait3A_620 = arith.constant 0 : i32
      %dma_wait3A_621 = tpu.memref_slice %arg9[%arg0, %mul3A_578, %dma_wait3A_620] : memref<2x10000x8xf32, #tpu.memory_space<hbm>> -> memref<1x125x8xf32, #tpu.memory_space<hbm>>
      %dma_wait3A_622 = tpu.memref_squeeze %dma_wait3A_621 : memref<1x125x8xf32, #tpu.memory_space<hbm>> -> memref<125x8xf32, #tpu.memory_space<hbm>>
      %dma_wait3A_623 = arith.constant 0 : i32
      %dma_wait3A_624 = tpu.memref_slice %arg9[%arg0, %mul3A_578, %dma_wait3A_623] : memref<2x10000x8xf32, #tpu.memory_space<hbm>> -> memref<1x125x8xf32, #tpu.memory_space<hbm>>
      %dma_wait3A_625 = tpu.memref_squeeze %dma_wait3A_624 : memref<1x125x8xf32, #tpu.memory_space<hbm>> -> memref<125x8xf32, #tpu.memory_space<hbm>>
      tpu.wait_dma2 semaphore(%run_scoped3A_613 : memref<!tpu.dma_semaphore, #tpu.memory_space<semaphore_mem>>) src(%arg16 : memref<125x8xf32, #tpu.memory_space<vmem>>) dst(%dma_wait3A_625 : memref<125x8xf32, #tpu.memory_space<hbm>>)
      tpu.yield
    }) : () -> ()
    %add3A_581 = arith.constant 16 : i32
    %add3A_582 = arith.addi %arg1, %add3A_581 : i32
    %min3A_583 = arith.constant 79 : i32
    %min3A_584 = arith.minsi %add3A_582, %min3A_583 : i32
    %mul3A_585 = arith.constant 125 : i32
    %mul3A_586 = arith.muli %min3A_584, %mul3A_585 : i32
    %run_scoped3A_587 = arith.constant 0 : i32
    "tpu.region"() ({
      %run_scoped3A_613 = tpu.sem_alloc : memref<!tpu.dma_semaphore, #tpu.memory_space<semaphore_mem>>
      %dma_start3A_614 = arith.constant 0 : i32
      %dma_start3A_615 = arith.constant 0 : i32
      %dma_start3A_616 = tpu.memref_slice %arg13[%run_scoped3A_587, %dma_start3A_614, %dma_start3A_615] : memref<2x125x128xf32, #tpu.memory_space<vmem>> -> memref<1x125x128xf32, #tpu.memory_space<vmem>>
      %dma_start3A_617 = tpu.memref_squeeze %dma_start3A_616 : memref<1x125x128xf32, #tpu.memory_space<vmem>> -> memref<125x128xf32, #tpu.memory_space<vmem>>
      %dma_start3A_618 = arith.constant 0 : i32
      %dma_start3A_619 = tpu.memref_slice %arg10[%mul3A_586, %dma_start3A_618] : memref<10000x128xf32, #tpu.memory_space<vmem_shared>> -> memref<125x128xf32, #tpu.memory_space<vmem_shared>>
      %dma_start3A_620 = arith.constant 0 : i32
      %dma_start3A_621 = arith.constant 0 : i32
      %dma_start3A_622 = tpu.memref_slice %arg13[%run_scoped3A_587, %dma_start3A_620, %dma_start3A_621] : memref<2x125x128xf32, #tpu.memory_space<vmem>> -> memref<1x125x128xf32, #tpu.memory_space<vmem>>
      %dma_start3A_623 = tpu.memref_squeeze %dma_start3A_622 : memref<1x125x128xf32, #tpu.memory_space<vmem>> -> memref<125x128xf32, #tpu.memory_space<vmem>>
      %dma_start3A_624 = arith.constant 0 : i32
      %dma_start3A_625 = tpu.memref_slice %arg10[%mul3A_586, %dma_start3A_624] : memref<10000x128xf32, #tpu.memory_space<vmem_shared>> -> memref<125x128xf32, #tpu.memory_space<vmem_shared>>
      tpu.enqueue_dma source(%dma_start3A_625 : memref<125x128xf32, #tpu.memory_space<vmem_shared>>) target(%dma_start3A_623 : memref<125x128xf32, #tpu.memory_space<vmem>>) target_semaphore(%run_scoped3A_613 : memref<!tpu.dma_semaphore, #tpu.memory_space<semaphore_mem>>)
      %dma_wait3A_626 = arith.constant 0 : i32
      %dma_wait3A_627 = arith.constant 0 : i32
      %dma_wait3A_628 = tpu.memref_slice %arg13[%run_scoped3A_587, %dma_wait3A_626, %dma_wait3A_627] : memref<2x125x128xf32, #tpu.memory_space<vmem>> -> memref<1x125x128xf32, #tpu.memory_space<vmem>>
      %dma_wait3A_629 = tpu.memref_squeeze %dma_wait3A_628 : memref<1x125x128xf32, #tpu.memory_space<vmem>> -> memref<125x128xf32, #tpu.memory_space<vmem>>
      %dma_wait3A_630 = arith.constant 0 : i32
      %dma_wait3A_631 = tpu.memref_slice %arg10[%mul3A_586, %dma_wait3A_630] : memref<10000x128xf32, #tpu.memory_space<vmem_shared>> -> memref<125x128xf32, #tpu.memory_space<vmem_shared>>
      %dma_wait3A_632 = arith.constant 0 : i32
      %dma_wait3A_633 = arith.constant 0 : i32
      %dma_wait3A_634 = tpu.memref_slice %arg13[%run_scoped3A_587, %dma_wait3A_632, %dma_wait3A_633] : memref<2x125x128xf32, #tpu.memory_space<vmem>> -> memref<1x125x128xf32, #tpu.memory_space<vmem>>
      %dma_wait3A_635 = tpu.memref_squeeze %dma_wait3A_634 : memref<1x125x128xf32, #tpu.memory_space<vmem>> -> memref<125x128xf32, #tpu.memory_space<vmem>>
      %dma_wait3A_636 = arith.constant 0 : i32
      %dma_wait3A_637 = tpu.memref_slice %arg10[%mul3A_586, %dma_wait3A_636] : memref<10000x128xf32, #tpu.memory_space<vmem_shared>> -> memref<125x128xf32, #tpu.memory_space<vmem_shared>>
      tpu.wait_dma2 semaphore(%run_scoped3A_613 : memref<!tpu.dma_semaphore, #tpu.memory_space<semaphore_mem>>) src(%dma_wait3A_637 : memref<125x128xf32, #tpu.memory_space<vmem_shared>>) dst(%dma_wait3A_635 : memref<125x128xf32, #tpu.memory_space<vmem>>)
      tpu.yield
    }) : () -> ()
    %run_scoped3A_588 = arith.constant 0 : i32
    "tpu.region"() ({
      %run_scoped3A_613 = tpu.sem_alloc : memref<!tpu.dma_semaphore, #tpu.memory_space<semaphore_mem>>
      %dma_start3A_614 = arith.constant 0 : i32
      %dma_start3A_615 = arith.constant 0 : i32
      %dma_start3A_616 = tpu.memref_slice %arg13[%run_scoped3A_588, %dma_start3A_614, %dma_start3A_615] : memref<2x125x128xf32, #tpu.memory_space<vmem>> -> memref<1x125x128xf32, #tpu.memory_space<vmem>>
      %dma_start3A_617 = tpu.memref_squeeze %dma_start3A_616 : memref<1x125x128xf32, #tpu.memory_space<vmem>> -> memref<125x128xf32, #tpu.memory_space<vmem>>
      %dma_start3A_618 = arith.constant 0 : i32
      %dma_start3A_619 = tpu.memref_slice %arg8[%arg0, %mul3A_586, %dma_start3A_618] : memref<2x10000x128xf32, #tpu.memory_space<hbm>> -> memref<1x125x128xf32, #tpu.memory_space<hbm>>
      %dma_start3A_620 = tpu.memref_squeeze %dma_start3A_619 : memref<1x125x128xf32, #tpu.memory_space<hbm>> -> memref<125x128xf32, #tpu.memory_space<hbm>>
      %dma_start3A_621 = arith.constant 0 : i32
      %dma_start3A_622 = tpu.memref_slice %arg8[%arg0, %mul3A_586, %dma_start3A_621] : memref<2x10000x128xf32, #tpu.memory_space<hbm>> -> memref<1x125x128xf32, #tpu.memory_space<hbm>>
      %dma_start3A_623 = tpu.memref_squeeze %dma_start3A_622 : memref<1x125x128xf32, #tpu.memory_space<hbm>> -> memref<125x128xf32, #tpu.memory_space<hbm>>
      %dma_start3A_624 = arith.constant 0 : i32
      %dma_start3A_625 = arith.constant 0 : i32
      %dma_start3A_626 = tpu.memref_slice %arg13[%run_scoped3A_588, %dma_start3A_624, %dma_start3A_625] : memref<2x125x128xf32, #tpu.memory_space<vmem>> -> memref<1x125x128xf32, #tpu.memory_space<vmem>>
      %dma_start3A_627 = tpu.memref_squeeze %dma_start3A_626 : memref<1x125x128xf32, #tpu.memory_space<vmem>> -> memref<125x128xf32, #tpu.memory_space<vmem>>
      tpu.enqueue_dma source(%dma_start3A_627 : memref<125x128xf32, #tpu.memory_space<vmem>>) target(%dma_start3A_623 : memref<125x128xf32, #tpu.memory_space<hbm>>) target_semaphore(%run_scoped3A_613 : memref<!tpu.dma_semaphore, #tpu.memory_space<semaphore_mem>>)
      %dma_wait3A_628 = arith.constant 0 : i32
      %dma_wait3A_629 = arith.constant 0 : i32
      %dma_wait3A_630 = tpu.memref_slice %arg13[%run_scoped3A_588, %dma_wait3A_628, %dma_wait3A_629] : memref<2x125x128xf32, #tpu.memory_space<vmem>> -> memref<1x125x128xf32, #tpu.memory_space<vmem>>
      %dma_wait3A_631 = tpu.memref_squeeze %dma_wait3A_630 : memref<1x125x128xf32, #tpu.memory_space<vmem>> -> memref<125x128xf32, #tpu.memory_space<vmem>>
      %dma_wait3A_632 = arith.constant 0 : i32
      %dma_wait3A_633 = tpu.memref_slice %arg8[%arg0, %mul3A_586, %dma_wait3A_632] : memref<2x10000x128xf32, #tpu.memory_space<hbm>> -> memref<1x125x128xf32, #tpu.memory_space<hbm>>
      %dma_wait3A_634 = tpu.memref_squeeze %dma_wait3A_633 : memref<1x125x128xf32, #tpu.memory_space<hbm>> -> memref<125x128xf32, #tpu.memory_space<hbm>>
      %dma_wait3A_635 = arith.constant 0 : i32
      %dma_wait3A_636 = tpu.memref_slice %arg8[%arg0, %mul3A_586, %dma_wait3A_635] : memref<2x10000x128xf32, #tpu.memory_space<hbm>> -> memref<1x125x128xf32, #tpu.memory_space<hbm>>
      %dma_wait3A_637 = tpu.memref_squeeze %dma_wait3A_636 : memref<1x125x128xf32, #tpu.memory_space<hbm>> -> memref<125x128xf32, #tpu.memory_space<hbm>>
      %dma_wait3A_638 = arith.constant 0 : i32
      %dma_wait3A_639 = arith.constant 0 : i32
      %dma_wait3A_640 = tpu.memref_slice %arg13[%run_scoped3A_588, %dma_wait3A_638, %dma_wait3A_639] : memref<2x125x128xf32, #tpu.memory_space<vmem>> -> memref<1x125x128xf32, #tpu.memory_space<vmem>>
      %dma_wait3A_641 = tpu.memref_squeeze %dma_wait3A_640 : memref<1x125x128xf32, #tpu.memory_space<vmem>> -> memref<125x128xf32, #tpu.memory_space<vmem>>
      tpu.wait_dma2 semaphore(%run_scoped3A_613 : memref<!tpu.dma_semaphore, #tpu.memory_space<semaphore_mem>>) src(%dma_wait3A_641 : memref<125x128xf32, #tpu.memory_space<vmem>>) dst(%dma_wait3A_637 : memref<125x128xf32, #tpu.memory_space<hbm>>)
      tpu.yield
    }) : () -> ()
    "tpu.region"() ({
      %run_scoped3A_613 = tpu.sem_alloc : memref<!tpu.dma_semaphore, #tpu.memory_space<semaphore_mem>>
      %dma_start3A_614 = arith.constant 0 : i32
      %dma_start3A_615 = tpu.memref_slice %arg15[%mul3A_586, %dma_start3A_614] : memref<10000x8xf32, #tpu.memory_space<vmem_shared>> -> memref<125x8xf32, #tpu.memory_space<vmem_shared>>
      %dma_start3A_616 = arith.constant 0 : i32
      %dma_start3A_617 = tpu.memref_slice %arg15[%mul3A_586, %dma_start3A_616] : memref<10000x8xf32, #tpu.memory_space<vmem_shared>> -> memref<125x8xf32, #tpu.memory_space<vmem_shared>>
      tpu.enqueue_dma source(%dma_start3A_617 : memref<125x8xf32, #tpu.memory_space<vmem_shared>>) target(%arg16 : memref<125x8xf32, #tpu.memory_space<vmem>>) target_semaphore(%run_scoped3A_613 : memref<!tpu.dma_semaphore, #tpu.memory_space<semaphore_mem>>)
      %dma_wait3A_618 = arith.constant 0 : i32
      %dma_wait3A_619 = tpu.memref_slice %arg15[%mul3A_586, %dma_wait3A_618] : memref<10000x8xf32, #tpu.memory_space<vmem_shared>> -> memref<125x8xf32, #tpu.memory_space<vmem_shared>>
      %dma_wait3A_620 = arith.constant 0 : i32
      %dma_wait3A_621 = tpu.memref_slice %arg15[%mul3A_586, %dma_wait3A_620] : memref<10000x8xf32, #tpu.memory_space<vmem_shared>> -> memref<125x8xf32, #tpu.memory_space<vmem_shared>>
      tpu.wait_dma2 semaphore(%run_scoped3A_613 : memref<!tpu.dma_semaphore, #tpu.memory_space<semaphore_mem>>) src(%dma_wait3A_621 : memref<125x8xf32, #tpu.memory_space<vmem_shared>>) dst(%arg16 : memref<125x8xf32, #tpu.memory_space<vmem>>)
      tpu.yield
    }) : () -> ()
    "tpu.region"() ({
      %run_scoped3A_613 = tpu.sem_alloc : memref<!tpu.dma_semaphore, #tpu.memory_space<semaphore_mem>>
      %dma_start3A_614 = arith.constant 0 : i32
      %dma_start3A_615 = tpu.memref_slice %arg9[%arg0, %mul3A_586, %dma_start3A_614] : memref<2x10000x8xf32, #tpu.memory_space<hbm>> -> memref<1x125x8xf32, #tpu.memory_space<hbm>>
      %dma_start3A_616 = tpu.memref_squeeze %dma_start3A_615 : memref<1x125x8xf32, #tpu.memory_space<hbm>> -> memref<125x8xf32, #tpu.memory_space<hbm>>
      %dma_start3A_617 = arith.constant 0 : i32
      %dma_start3A_618 = tpu.memref_slice %arg9[%arg0, %mul3A_586, %dma_start3A_617] : memref<2x10000x8xf32, #tpu.memory_space<hbm>> -> memref<1x125x8xf32, #tpu.memory_space<hbm>>
      %dma_start3A_619 = tpu.memref_squeeze %dma_start3A_618 : memref<1x125x8xf32, #tpu.memory_space<hbm>> -> memref<125x8xf32, #tpu.memory_space<hbm>>
      tpu.enqueue_dma source(%arg16 : memref<125x8xf32, #tpu.memory_space<vmem>>) target(%dma_start3A_619 : memref<125x8xf32, #tpu.memory_space<hbm>>) target_semaphore(%run_scoped3A_613 : memref<!tpu.dma_semaphore, #tpu.memory_space<semaphore_mem>>)
      %dma_wait3A_620 = arith.constant 0 : i32
      %dma_wait3A_621 = tpu.memref_slice %arg9[%arg0, %mul3A_586, %dma_wait3A_620] : memref<2x10000x8xf32, #tpu.memory_space<hbm>> -> memref<1x125x8xf32, #tpu.memory_space<hbm>>
      %dma_wait3A_622 = tpu.memref_squeeze %dma_wait3A_621 : memref<1x125x8xf32, #tpu.memory_space<hbm>> -> memref<125x8xf32, #tpu.memory_space<hbm>>
      %dma_wait3A_623 = arith.constant 0 : i32
      %dma_wait3A_624 = tpu.memref_slice %arg9[%arg0, %mul3A_586, %dma_wait3A_623] : memref<2x10000x8xf32, #tpu.memory_space<hbm>> -> memref<1x125x8xf32, #tpu.memory_space<hbm>>
      %dma_wait3A_625 = tpu.memref_squeeze %dma_wait3A_624 : memref<1x125x8xf32, #tpu.memory_space<hbm>> -> memref<125x8xf32, #tpu.memory_space<hbm>>
      tpu.wait_dma2 semaphore(%run_scoped3A_613 : memref<!tpu.dma_semaphore, #tpu.memory_space<semaphore_mem>>) src(%arg16 : memref<125x8xf32, #tpu.memory_space<vmem>>) dst(%dma_wait3A_625 : memref<125x8xf32, #tpu.memory_space<hbm>>)
      tpu.yield
    }) : () -> ()
    %add3A_589 = arith.constant 32 : i32
    %add3A_590 = arith.addi %arg1, %add3A_589 : i32
    %min3A_591 = arith.constant 79 : i32
    %min3A_592 = arith.minsi %add3A_590, %min3A_591 : i32
    %mul3A_593 = arith.constant 125 : i32
    %mul3A_594 = arith.muli %min3A_592, %mul3A_593 : i32
    %run_scoped3A_595 = arith.constant 0 : i32
    "tpu.region"() ({
      %run_scoped3A_613 = tpu.sem_alloc : memref<!tpu.dma_semaphore, #tpu.memory_space<semaphore_mem>>
      %dma_start3A_614 = arith.constant 0 : i32
      %dma_start3A_615 = arith.constant 0 : i32
      %dma_start3A_616 = tpu.memref_slice %arg13[%run_scoped3A_595, %dma_start3A_614, %dma_start3A_615] : memref<2x125x128xf32, #tpu.memory_space<vmem>> -> memref<1x125x128xf32, #tpu.memory_space<vmem>>
      %dma_start3A_617 = tpu.memref_squeeze %dma_start3A_616 : memref<1x125x128xf32, #tpu.memory_space<vmem>> -> memref<125x128xf32, #tpu.memory_space<vmem>>
      %dma_start3A_618 = arith.constant 0 : i32
      %dma_start3A_619 = tpu.memref_slice %arg10[%mul3A_594, %dma_start3A_618] : memref<10000x128xf32, #tpu.memory_space<vmem_shared>> -> memref<125x128xf32, #tpu.memory_space<vmem_shared>>
      %dma_start3A_620 = arith.constant 0 : i32
      %dma_start3A_621 = arith.constant 0 : i32
      %dma_start3A_622 = tpu.memref_slice %arg13[%run_scoped3A_595, %dma_start3A_620, %dma_start3A_621] : memref<2x125x128xf32, #tpu.memory_space<vmem>> -> memref<1x125x128xf32, #tpu.memory_space<vmem>>
      %dma_start3A_623 = tpu.memref_squeeze %dma_start3A_622 : memref<1x125x128xf32, #tpu.memory_space<vmem>> -> memref<125x128xf32, #tpu.memory_space<vmem>>
      %dma_start3A_624 = arith.constant 0 : i32
      %dma_start3A_625 = tpu.memref_slice %arg10[%mul3A_594, %dma_start3A_624] : memref<10000x128xf32, #tpu.memory_space<vmem_shared>> -> memref<125x128xf32, #tpu.memory_space<vmem_shared>>
      tpu.enqueue_dma source(%dma_start3A_625 : memref<125x128xf32, #tpu.memory_space<vmem_shared>>) target(%dma_start3A_623 : memref<125x128xf32, #tpu.memory_space<vmem>>) target_semaphore(%run_scoped3A_613 : memref<!tpu.dma_semaphore, #tpu.memory_space<semaphore_mem>>)
      %dma_wait3A_626 = arith.constant 0 : i32
      %dma_wait3A_627 = arith.constant 0 : i32
      %dma_wait3A_628 = tpu.memref_slice %arg13[%run_scoped3A_595, %dma_wait3A_626, %dma_wait3A_627] : memref<2x125x128xf32, #tpu.memory_space<vmem>> -> memref<1x125x128xf32, #tpu.memory_space<vmem>>
      %dma_wait3A_629 = tpu.memref_squeeze %dma_wait3A_628 : memref<1x125x128xf32, #tpu.memory_space<vmem>> -> memref<125x128xf32, #tpu.memory_space<vmem>>
      %dma_wait3A_630 = arith.constant 0 : i32
      %dma_wait3A_631 = tpu.memref_slice %arg10[%mul3A_594, %dma_wait3A_630] : memref<10000x128xf32, #tpu.memory_space<vmem_shared>> -> memref<125x128xf32, #tpu.memory_space<vmem_shared>>
      %dma_wait3A_632 = arith.constant 0 : i32
      %dma_wait3A_633 = arith.constant 0 : i32
      %dma_wait3A_634 = tpu.memref_slice %arg13[%run_scoped3A_595, %dma_wait3A_632, %dma_wait3A_633] : memref<2x125x128xf32, #tpu.memory_space<vmem>> -> memref<1x125x128xf32, #tpu.memory_space<vmem>>
      %dma_wait3A_635 = tpu.memref_squeeze %dma_wait3A_634 : memref<1x125x128xf32, #tpu.memory_space<vmem>> -> memref<125x128xf32, #tpu.memory_space<vmem>>
      %dma_wait3A_636 = arith.constant 0 : i32
      %dma_wait3A_637 = tpu.memref_slice %arg10[%mul3A_594, %dma_wait3A_636] : memref<10000x128xf32, #tpu.memory_space<vmem_shared>> -> memref<125x128xf32, #tpu.memory_space<vmem_shared>>
      tpu.wait_dma2 semaphore(%run_scoped3A_613 : memref<!tpu.dma_semaphore, #tpu.memory_space<semaphore_mem>>) src(%dma_wait3A_637 : memref<125x128xf32, #tpu.memory_space<vmem_shared>>) dst(%dma_wait3A_635 : memref<125x128xf32, #tpu.memory_space<vmem>>)
      tpu.yield
    }) : () -> ()
    %run_scoped3A_596 = arith.constant 0 : i32
    "tpu.region"() ({
      %run_scoped3A_613 = tpu.sem_alloc : memref<!tpu.dma_semaphore, #tpu.memory_space<semaphore_mem>>
      %dma_start3A_614 = arith.constant 0 : i32
      %dma_start3A_615 = arith.constant 0 : i32
      %dma_start3A_616 = tpu.memref_slice %arg13[%run_scoped3A_596, %dma_start3A_614, %dma_start3A_615] : memref<2x125x128xf32, #tpu.memory_space<vmem>> -> memref<1x125x128xf32, #tpu.memory_space<vmem>>
      %dma_start3A_617 = tpu.memref_squeeze %dma_start3A_616 : memref<1x125x128xf32, #tpu.memory_space<vmem>> -> memref<125x128xf32, #tpu.memory_space<vmem>>
      %dma_start3A_618 = arith.constant 0 : i32
      %dma_start3A_619 = tpu.memref_slice %arg8[%arg0, %mul3A_594, %dma_start3A_618] : memref<2x10000x128xf32, #tpu.memory_space<hbm>> -> memref<1x125x128xf32, #tpu.memory_space<hbm>>
      %dma_start3A_620 = tpu.memref_squeeze %dma_start3A_619 : memref<1x125x128xf32, #tpu.memory_space<hbm>> -> memref<125x128xf32, #tpu.memory_space<hbm>>
      %dma_start3A_621 = arith.constant 0 : i32
      %dma_start3A_622 = tpu.memref_slice %arg8[%arg0, %mul3A_594, %dma_start3A_621] : memref<2x10000x128xf32, #tpu.memory_space<hbm>> -> memref<1x125x128xf32, #tpu.memory_space<hbm>>
      %dma_start3A_623 = tpu.memref_squeeze %dma_start3A_622 : memref<1x125x128xf32, #tpu.memory_space<hbm>> -> memref<125x128xf32, #tpu.memory_space<hbm>>
      %dma_start3A_624 = arith.constant 0 : i32
      %dma_start3A_625 = arith.constant 0 : i32
      %dma_start3A_626 = tpu.memref_slice %arg13[%run_scoped3A_596, %dma_start3A_624, %dma_start3A_625] : memref<2x125x128xf32, #tpu.memory_space<vmem>> -> memref<1x125x128xf32, #tpu.memory_space<vmem>>
      %dma_start3A_627 = tpu.memref_squeeze %dma_start3A_626 : memref<1x125x128xf32, #tpu.memory_space<vmem>> -> memref<125x128xf32, #tpu.memory_space<vmem>>
      tpu.enqueue_dma source(%dma_start3A_627 : memref<125x128xf32, #tpu.memory_space<vmem>>) target(%dma_start3A_623 : memref<125x128xf32, #tpu.memory_space<hbm>>) target_semaphore(%run_scoped3A_613 : memref<!tpu.dma_semaphore, #tpu.memory_space<semaphore_mem>>)
      %dma_wait3A_628 = arith.constant 0 : i32
      %dma_wait3A_629 = arith.constant 0 : i32
      %dma_wait3A_630 = tpu.memref_slice %arg13[%run_scoped3A_596, %dma_wait3A_628, %dma_wait3A_629] : memref<2x125x128xf32, #tpu.memory_space<vmem>> -> memref<1x125x128xf32, #tpu.memory_space<vmem>>
      %dma_wait3A_631 = tpu.memref_squeeze %dma_wait3A_630 : memref<1x125x128xf32, #tpu.memory_space<vmem>> -> memref<125x128xf32, #tpu.memory_space<vmem>>
      %dma_wait3A_632 = arith.constant 0 : i32
      %dma_wait3A_633 = tpu.memref_slice %arg8[%arg0, %mul3A_594, %dma_wait3A_632] : memref<2x10000x128xf32, #tpu.memory_space<hbm>> -> memref<1x125x128xf32, #tpu.memory_space<hbm>>
      %dma_wait3A_634 = tpu.memref_squeeze %dma_wait3A_633 : memref<1x125x128xf32, #tpu.memory_space<hbm>> -> memref<125x128xf32, #tpu.memory_space<hbm>>
      %dma_wait3A_635 = arith.constant 0 : i32
      %dma_wait3A_636 = tpu.memref_slice %arg8[%arg0, %mul3A_594, %dma_wait3A_635] : memref<2x10000x128xf32, #tpu.memory_space<hbm>> -> memref<1x125x128xf32, #tpu.memory_space<hbm>>
      %dma_wait3A_637 = tpu.memref_squeeze %dma_wait3A_636 : memref<1x125x128xf32, #tpu.memory_space<hbm>> -> memref<125x128xf32, #tpu.memory_space<hbm>>
      %dma_wait3A_638 = arith.constant 0 : i32
      %dma_wait3A_639 = arith.constant 0 : i32
      %dma_wait3A_640 = tpu.memref_slice %arg13[%run_scoped3A_596, %dma_wait3A_638, %dma_wait3A_639] : memref<2x125x128xf32, #tpu.memory_space<vmem>> -> memref<1x125x128xf32, #tpu.memory_space<vmem>>
      %dma_wait3A_641 = tpu.memref_squeeze %dma_wait3A_640 : memref<1x125x128xf32, #tpu.memory_space<vmem>> -> memref<125x128xf32, #tpu.memory_space<vmem>>
      tpu.wait_dma2 semaphore(%run_scoped3A_613 : memref<!tpu.dma_semaphore, #tpu.memory_space<semaphore_mem>>) src(%dma_wait3A_641 : memref<125x128xf32, #tpu.memory_space<vmem>>) dst(%dma_wait3A_637 : memref<125x128xf32, #tpu.memory_space<hbm>>)
      tpu.yield
    }) : () -> ()
    "tpu.region"() ({
      %run_scoped3A_613 = tpu.sem_alloc : memref<!tpu.dma_semaphore, #tpu.memory_space<semaphore_mem>>
      %dma_start3A_614 = arith.constant 0 : i32
      %dma_start3A_615 = tpu.memref_slice %arg15[%mul3A_594, %dma_start3A_614] : memref<10000x8xf32, #tpu.memory_space<vmem_shared>> -> memref<125x8xf32, #tpu.memory_space<vmem_shared>>
      %dma_start3A_616 = arith.constant 0 : i32
      %dma_start3A_617 = tpu.memref_slice %arg15[%mul3A_594, %dma_start3A_616] : memref<10000x8xf32, #tpu.memory_space<vmem_shared>> -> memref<125x8xf32, #tpu.memory_space<vmem_shared>>
      tpu.enqueue_dma source(%dma_start3A_617 : memref<125x8xf32, #tpu.memory_space<vmem_shared>>) target(%arg16 : memref<125x8xf32, #tpu.memory_space<vmem>>) target_semaphore(%run_scoped3A_613 : memref<!tpu.dma_semaphore, #tpu.memory_space<semaphore_mem>>)
      %dma_wait3A_618 = arith.constant 0 : i32
      %dma_wait3A_619 = tpu.memref_slice %arg15[%mul3A_594, %dma_wait3A_618] : memref<10000x8xf32, #tpu.memory_space<vmem_shared>> -> memref<125x8xf32, #tpu.memory_space<vmem_shared>>
      %dma_wait3A_620 = arith.constant 0 : i32
      %dma_wait3A_621 = tpu.memref_slice %arg15[%mul3A_594, %dma_wait3A_620] : memref<10000x8xf32, #tpu.memory_space<vmem_shared>> -> memref<125x8xf32, #tpu.memory_space<vmem_shared>>
      tpu.wait_dma2 semaphore(%run_scoped3A_613 : memref<!tpu.dma_semaphore, #tpu.memory_space<semaphore_mem>>) src(%dma_wait3A_621 : memref<125x8xf32, #tpu.memory_space<vmem_shared>>) dst(%arg16 : memref<125x8xf32, #tpu.memory_space<vmem>>)
      tpu.yield
    }) : () -> ()
    "tpu.region"() ({
      %run_scoped3A_613 = tpu.sem_alloc : memref<!tpu.dma_semaphore, #tpu.memory_space<semaphore_mem>>
      %dma_start3A_614 = arith.constant 0 : i32
      %dma_start3A_615 = tpu.memref_slice %arg9[%arg0, %mul3A_594, %dma_start3A_614] : memref<2x10000x8xf32, #tpu.memory_space<hbm>> -> memref<1x125x8xf32, #tpu.memory_space<hbm>>
      %dma_start3A_616 = tpu.memref_squeeze %dma_start3A_615 : memref<1x125x8xf32, #tpu.memory_space<hbm>> -> memref<125x8xf32, #tpu.memory_space<hbm>>
      %dma_start3A_617 = arith.constant 0 : i32
      %dma_start3A_618 = tpu.memref_slice %arg9[%arg0, %mul3A_594, %dma_start3A_617] : memref<2x10000x8xf32, #tpu.memory_space<hbm>> -> memref<1x125x8xf32, #tpu.memory_space<hbm>>
      %dma_start3A_619 = tpu.memref_squeeze %dma_start3A_618 : memref<1x125x8xf32, #tpu.memory_space<hbm>> -> memref<125x8xf32, #tpu.memory_space<hbm>>
      tpu.enqueue_dma source(%arg16 : memref<125x8xf32, #tpu.memory_space<vmem>>) target(%dma_start3A_619 : memref<125x8xf32, #tpu.memory_space<hbm>>) target_semaphore(%run_scoped3A_613 : memref<!tpu.dma_semaphore, #tpu.memory_space<semaphore_mem>>)
      %dma_wait3A_620 = arith.constant 0 : i32
      %dma_wait3A_621 = tpu.memref_slice %arg9[%arg0, %mul3A_594, %dma_wait3A_620] : memref<2x10000x8xf32, #tpu.memory_space<hbm>> -> memref<1x125x8xf32, #tpu.memory_space<hbm>>
      %dma_wait3A_622 = tpu.memref_squeeze %dma_wait3A_621 : memref<1x125x8xf32, #tpu.memory_space<hbm>> -> memref<125x8xf32, #tpu.memory_space<hbm>>
      %dma_wait3A_623 = arith.constant 0 : i32
      %dma_wait3A_624 = tpu.memref_slice %arg9[%arg0, %mul3A_594, %dma_wait3A_623] : memref<2x10000x8xf32, #tpu.memory_space<hbm>> -> memref<1x125x8xf32, #tpu.memory_space<hbm>>
      %dma_wait3A_625 = tpu.memref_squeeze %dma_wait3A_624 : memref<1x125x8xf32, #tpu.memory_space<hbm>> -> memref<125x8xf32, #tpu.memory_space<hbm>>
      tpu.wait_dma2 semaphore(%run_scoped3A_613 : memref<!tpu.dma_semaphore, #tpu.memory_space<semaphore_mem>>) src(%arg16 : memref<125x8xf32, #tpu.memory_space<vmem>>) dst(%dma_wait3A_625 : memref<125x8xf32, #tpu.memory_space<hbm>>)
      tpu.yield
    }) : () -> ()
    %add3A_597 = arith.constant 48 : i32
    %add3A_598 = arith.addi %arg1, %add3A_597 : i32
    %min3A_599 = arith.constant 79 : i32
    %min3A_600 = arith.minsi %add3A_598, %min3A_599 : i32
    %mul3A_601 = arith.constant 125 : i32
    %mul3A_602 = arith.muli %min3A_600, %mul3A_601 : i32
    %run_scoped3A_603 = arith.constant 0 : i32
    "tpu.region"() ({
      %run_scoped3A_613 = tpu.sem_alloc : memref<!tpu.dma_semaphore, #tpu.memory_space<semaphore_mem>>
      %dma_start3A_614 = arith.constant 0 : i32
      %dma_start3A_615 = arith.constant 0 : i32
      %dma_start3A_616 = tpu.memref_slice %arg13[%run_scoped3A_603, %dma_start3A_614, %dma_start3A_615] : memref<2x125x128xf32, #tpu.memory_space<vmem>> -> memref<1x125x128xf32, #tpu.memory_space<vmem>>
      %dma_start3A_617 = tpu.memref_squeeze %dma_start3A_616 : memref<1x125x128xf32, #tpu.memory_space<vmem>> -> memref<125x128xf32, #tpu.memory_space<vmem>>
      %dma_start3A_618 = arith.constant 0 : i32
      %dma_start3A_619 = tpu.memref_slice %arg10[%mul3A_602, %dma_start3A_618] : memref<10000x128xf32, #tpu.memory_space<vmem_shared>> -> memref<125x128xf32, #tpu.memory_space<vmem_shared>>
      %dma_start3A_620 = arith.constant 0 : i32
      %dma_start3A_621 = arith.constant 0 : i32
      %dma_start3A_622 = tpu.memref_slice %arg13[%run_scoped3A_603, %dma_start3A_620, %dma_start3A_621] : memref<2x125x128xf32, #tpu.memory_space<vmem>> -> memref<1x125x128xf32, #tpu.memory_space<vmem>>
      %dma_start3A_623 = tpu.memref_squeeze %dma_start3A_622 : memref<1x125x128xf32, #tpu.memory_space<vmem>> -> memref<125x128xf32, #tpu.memory_space<vmem>>
      %dma_start3A_624 = arith.constant 0 : i32
      %dma_start3A_625 = tpu.memref_slice %arg10[%mul3A_602, %dma_start3A_624] : memref<10000x128xf32, #tpu.memory_space<vmem_shared>> -> memref<125x128xf32, #tpu.memory_space<vmem_shared>>
      tpu.enqueue_dma source(%dma_start3A_625 : memref<125x128xf32, #tpu.memory_space<vmem_shared>>) target(%dma_start3A_623 : memref<125x128xf32, #tpu.memory_space<vmem>>) target_semaphore(%run_scoped3A_613 : memref<!tpu.dma_semaphore, #tpu.memory_space<semaphore_mem>>)
      %dma_wait3A_626 = arith.constant 0 : i32
      %dma_wait3A_627 = arith.constant 0 : i32
      %dma_wait3A_628 = tpu.memref_slice %arg13[%run_scoped3A_603, %dma_wait3A_626, %dma_wait3A_627] : memref<2x125x128xf32, #tpu.memory_space<vmem>> -> memref<1x125x128xf32, #tpu.memory_space<vmem>>
      %dma_wait3A_629 = tpu.memref_squeeze %dma_wait3A_628 : memref<1x125x128xf32, #tpu.memory_space<vmem>> -> memref<125x128xf32, #tpu.memory_space<vmem>>
      %dma_wait3A_630 = arith.constant 0 : i32
      %dma_wait3A_631 = tpu.memref_slice %arg10[%mul3A_602, %dma_wait3A_630] : memref<10000x128xf32, #tpu.memory_space<vmem_shared>> -> memref<125x128xf32, #tpu.memory_space<vmem_shared>>
      %dma_wait3A_632 = arith.constant 0 : i32
      %dma_wait3A_633 = arith.constant 0 : i32
      %dma_wait3A_634 = tpu.memref_slice %arg13[%run_scoped3A_603, %dma_wait3A_632, %dma_wait3A_633] : memref<2x125x128xf32, #tpu.memory_space<vmem>> -> memref<1x125x128xf32, #tpu.memory_space<vmem>>
      %dma_wait3A_635 = tpu.memref_squeeze %dma_wait3A_634 : memref<1x125x128xf32, #tpu.memory_space<vmem>> -> memref<125x128xf32, #tpu.memory_space<vmem>>
      %dma_wait3A_636 = arith.constant 0 : i32
      %dma_wait3A_637 = tpu.memref_slice %arg10[%mul3A_602, %dma_wait3A_636] : memref<10000x128xf32, #tpu.memory_space<vmem_shared>> -> memref<125x128xf32, #tpu.memory_space<vmem_shared>>
      tpu.wait_dma2 semaphore(%run_scoped3A_613 : memref<!tpu.dma_semaphore, #tpu.memory_space<semaphore_mem>>) src(%dma_wait3A_637 : memref<125x128xf32, #tpu.memory_space<vmem_shared>>) dst(%dma_wait3A_635 : memref<125x128xf32, #tpu.memory_space<vmem>>)
      tpu.yield
    }) : () -> ()
    %run_scoped3A_604 = arith.constant 0 : i32
    "tpu.region"() ({
      %run_scoped3A_613 = tpu.sem_alloc : memref<!tpu.dma_semaphore, #tpu.memory_space<semaphore_mem>>
      %dma_start3A_614 = arith.constant 0 : i32
      %dma_start3A_615 = arith.constant 0 : i32
      %dma_start3A_616 = tpu.memref_slice %arg13[%run_scoped3A_604, %dma_start3A_614, %dma_start3A_615] : memref<2x125x128xf32, #tpu.memory_space<vmem>> -> memref<1x125x128xf32, #tpu.memory_space<vmem>>
      %dma_start3A_617 = tpu.memref_squeeze %dma_start3A_616 : memref<1x125x128xf32, #tpu.memory_space<vmem>> -> memref<125x128xf32, #tpu.memory_space<vmem>>
      %dma_start3A_618 = arith.constant 0 : i32
      %dma_start3A_619 = tpu.memref_slice %arg8[%arg0, %mul3A_602, %dma_start3A_618] : memref<2x10000x128xf32, #tpu.memory_space<hbm>> -> memref<1x125x128xf32, #tpu.memory_space<hbm>>
      %dma_start3A_620 = tpu.memref_squeeze %dma_start3A_619 : memref<1x125x128xf32, #tpu.memory_space<hbm>> -> memref<125x128xf32, #tpu.memory_space<hbm>>
      %dma_start3A_621 = arith.constant 0 : i32
      %dma_start3A_622 = tpu.memref_slice %arg8[%arg0, %mul3A_602, %dma_start3A_621] : memref<2x10000x128xf32, #tpu.memory_space<hbm>> -> memref<1x125x128xf32, #tpu.memory_space<hbm>>
      %dma_start3A_623 = tpu.memref_squeeze %dma_start3A_622 : memref<1x125x128xf32, #tpu.memory_space<hbm>> -> memref<125x128xf32, #tpu.memory_space<hbm>>
      %dma_start3A_624 = arith.constant 0 : i32
      %dma_start3A_625 = arith.constant 0 : i32
      %dma_start3A_626 = tpu.memref_slice %arg13[%run_scoped3A_604, %dma_start3A_624, %dma_start3A_625] : memref<2x125x128xf32, #tpu.memory_space<vmem>> -> memref<1x125x128xf32, #tpu.memory_space<vmem>>
      %dma_start3A_627 = tpu.memref_squeeze %dma_start3A_626 : memref<1x125x128xf32, #tpu.memory_space<vmem>> -> memref<125x128xf32, #tpu.memory_space<vmem>>
      tpu.enqueue_dma source(%dma_start3A_627 : memref<125x128xf32, #tpu.memory_space<vmem>>) target(%dma_start3A_623 : memref<125x128xf32, #tpu.memory_space<hbm>>) target_semaphore(%run_scoped3A_613 : memref<!tpu.dma_semaphore, #tpu.memory_space<semaphore_mem>>)
      %dma_wait3A_628 = arith.constant 0 : i32
      %dma_wait3A_629 = arith.constant 0 : i32
      %dma_wait3A_630 = tpu.memref_slice %arg13[%run_scoped3A_604, %dma_wait3A_628, %dma_wait3A_629] : memref<2x125x128xf32, #tpu.memory_space<vmem>> -> memref<1x125x128xf32, #tpu.memory_space<vmem>>
      %dma_wait3A_631 = tpu.memref_squeeze %dma_wait3A_630 : memref<1x125x128xf32, #tpu.memory_space<vmem>> -> memref<125x128xf32, #tpu.memory_space<vmem>>
      %dma_wait3A_632 = arith.constant 0 : i32
      %dma_wait3A_633 = tpu.memref_slice %arg8[%arg0, %mul3A_602, %dma_wait3A_632] : memref<2x10000x128xf32, #tpu.memory_space<hbm>> -> memref<1x125x128xf32, #tpu.memory_space<hbm>>
      %dma_wait3A_634 = tpu.memref_squeeze %dma_wait3A_633 : memref<1x125x128xf32, #tpu.memory_space<hbm>> -> memref<125x128xf32, #tpu.memory_space<hbm>>
      %dma_wait3A_635 = arith.constant 0 : i32
      %dma_wait3A_636 = tpu.memref_slice %arg8[%arg0, %mul3A_602, %dma_wait3A_635] : memref<2x10000x128xf32, #tpu.memory_space<hbm>> -> memref<1x125x128xf32, #tpu.memory_space<hbm>>
      %dma_wait3A_637 = tpu.memref_squeeze %dma_wait3A_636 : memref<1x125x128xf32, #tpu.memory_space<hbm>> -> memref<125x128xf32, #tpu.memory_space<hbm>>
      %dma_wait3A_638 = arith.constant 0 : i32
      %dma_wait3A_639 = arith.constant 0 : i32
      %dma_wait3A_640 = tpu.memref_slice %arg13[%run_scoped3A_604, %dma_wait3A_638, %dma_wait3A_639] : memref<2x125x128xf32, #tpu.memory_space<vmem>> -> memref<1x125x128xf32, #tpu.memory_space<vmem>>
      %dma_wait3A_641 = tpu.memref_squeeze %dma_wait3A_640 : memref<1x125x128xf32, #tpu.memory_space<vmem>> -> memref<125x128xf32, #tpu.memory_space<vmem>>
      tpu.wait_dma2 semaphore(%run_scoped3A_613 : memref<!tpu.dma_semaphore, #tpu.memory_space<semaphore_mem>>) src(%dma_wait3A_641 : memref<125x128xf32, #tpu.memory_space<vmem>>) dst(%dma_wait3A_637 : memref<125x128xf32, #tpu.memory_space<hbm>>)
      tpu.yield
    }) : () -> ()
    "tpu.region"() ({
      %run_scoped3A_613 = tpu.sem_alloc : memref<!tpu.dma_semaphore, #tpu.memory_space<semaphore_mem>>
      %dma_start3A_614 = arith.constant 0 : i32
      %dma_start3A_615 = tpu.memref_slice %arg15[%mul3A_602, %dma_start3A_614] : memref<10000x8xf32, #tpu.memory_space<vmem_shared>> -> memref<125x8xf32, #tpu.memory_space<vmem_shared>>
      %dma_start3A_616 = arith.constant 0 : i32
      %dma_start3A_617 = tpu.memref_slice %arg15[%mul3A_602, %dma_start3A_616] : memref<10000x8xf32, #tpu.memory_space<vmem_shared>> -> memref<125x8xf32, #tpu.memory_space<vmem_shared>>
      tpu.enqueue_dma source(%dma_start3A_617 : memref<125x8xf32, #tpu.memory_space<vmem_shared>>) target(%arg16 : memref<125x8xf32, #tpu.memory_space<vmem>>) target_semaphore(%run_scoped3A_613 : memref<!tpu.dma_semaphore, #tpu.memory_space<semaphore_mem>>)
      %dma_wait3A_618 = arith.constant 0 : i32
      %dma_wait3A_619 = tpu.memref_slice %arg15[%mul3A_602, %dma_wait3A_618] : memref<10000x8xf32, #tpu.memory_space<vmem_shared>> -> memref<125x8xf32, #tpu.memory_space<vmem_shared>>
      %dma_wait3A_620 = arith.constant 0 : i32
      %dma_wait3A_621 = tpu.memref_slice %arg15[%mul3A_602, %dma_wait3A_620] : memref<10000x8xf32, #tpu.memory_space<vmem_shared>> -> memref<125x8xf32, #tpu.memory_space<vmem_shared>>
      tpu.wait_dma2 semaphore(%run_scoped3A_613 : memref<!tpu.dma_semaphore, #tpu.memory_space<semaphore_mem>>) src(%dma_wait3A_621 : memref<125x8xf32, #tpu.memory_space<vmem_shared>>) dst(%arg16 : memref<125x8xf32, #tpu.memory_space<vmem>>)
      tpu.yield
    }) : () -> ()
    "tpu.region"() ({
      %run_scoped3A_613 = tpu.sem_alloc : memref<!tpu.dma_semaphore, #tpu.memory_space<semaphore_mem>>
      %dma_start3A_614 = arith.constant 0 : i32
      %dma_start3A_615 = tpu.memref_slice %arg9[%arg0, %mul3A_602, %dma_start3A_614] : memref<2x10000x8xf32, #tpu.memory_space<hbm>> -> memref<1x125x8xf32, #tpu.memory_space<hbm>>
      %dma_start3A_616 = tpu.memref_squeeze %dma_start3A_615 : memref<1x125x8xf32, #tpu.memory_space<hbm>> -> memref<125x8xf32, #tpu.memory_space<hbm>>
      %dma_start3A_617 = arith.constant 0 : i32
      %dma_start3A_618 = tpu.memref_slice %arg9[%arg0, %mul3A_602, %dma_start3A_617] : memref<2x10000x8xf32, #tpu.memory_space<hbm>> -> memref<1x125x8xf32, #tpu.memory_space<hbm>>
      %dma_start3A_619 = tpu.memref_squeeze %dma_start3A_618 : memref<1x125x8xf32, #tpu.memory_space<hbm>> -> memref<125x8xf32, #tpu.memory_space<hbm>>
      tpu.enqueue_dma source(%arg16 : memref<125x8xf32, #tpu.memory_space<vmem>>) target(%dma_start3A_619 : memref<125x8xf32, #tpu.memory_space<hbm>>) target_semaphore(%run_scoped3A_613 : memref<!tpu.dma_semaphore, #tpu.memory_space<semaphore_mem>>)
      %dma_wait3A_620 = arith.constant 0 : i32
      %dma_wait3A_621 = tpu.memref_slice %arg9[%arg0, %mul3A_602, %dma_wait3A_620] : memref<2x10000x8xf32, #tpu.memory_space<hbm>> -> memref<1x125x8xf32, #tpu.memory_space<hbm>>
      %dma_wait3A_622 = tpu.memref_squeeze %dma_wait3A_621 : memref<1x125x8xf32, #tpu.memory_space<hbm>> -> memref<125x8xf32, #tpu.memory_space<hbm>>
      %dma_wait3A_623 = arith.constant 0 : i32
      %dma_wait3A_624 = tpu.memref_slice %arg9[%arg0, %mul3A_602, %dma_wait3A_623] : memref<2x10000x8xf32, #tpu.memory_space<hbm>> -> memref<1x125x8xf32, #tpu.memory_space<hbm>>
      %dma_wait3A_625 = tpu.memref_squeeze %dma_wait3A_624 : memref<1x125x8xf32, #tpu.memory_space<hbm>> -> memref<125x8xf32, #tpu.memory_space<hbm>>
      tpu.wait_dma2 semaphore(%run_scoped3A_613 : memref<!tpu.dma_semaphore, #tpu.memory_space<semaphore_mem>>) src(%arg16 : memref<125x8xf32, #tpu.memory_space<vmem>>) dst(%dma_wait3A_625 : memref<125x8xf32, #tpu.memory_space<hbm>>)
      tpu.yield
    }) : () -> ()
    %add3A_605 = arith.constant 64 : i32
    %add3A_606 = arith.addi %arg1, %add3A_605 : i32
    %min3A_607 = arith.constant 79 : i32
    %min3A_608 = arith.minsi %add3A_606, %min3A_607 : i32
    %mul3A_609 = arith.constant 125 : i32
    %mul3A_610 = arith.muli %min3A_608, %mul3A_609 : i32
    %run_scoped3A_611 = arith.constant 0 : i32
    "tpu.region"() ({
      %run_scoped3A_613 = tpu.sem_alloc : memref<!tpu.dma_semaphore, #tpu.memory_space<semaphore_mem>>
      %dma_start3A_614 = arith.constant 0 : i32
      %dma_start3A_615 = arith.constant 0 : i32
      %dma_start3A_616 = tpu.memref_slice %arg13[%run_scoped3A_611, %dma_start3A_614, %dma_start3A_615] : memref<2x125x128xf32, #tpu.memory_space<vmem>> -> memref<1x125x128xf32, #tpu.memory_space<vmem>>
      %dma_start3A_617 = tpu.memref_squeeze %dma_start3A_616 : memref<1x125x128xf32, #tpu.memory_space<vmem>> -> memref<125x128xf32, #tpu.memory_space<vmem>>
      %dma_start3A_618 = arith.constant 0 : i32
      %dma_start3A_619 = tpu.memref_slice %arg10[%mul3A_610, %dma_start3A_618] : memref<10000x128xf32, #tpu.memory_space<vmem_shared>> -> memref<125x128xf32, #tpu.memory_space<vmem_shared>>
      %dma_start3A_620 = arith.constant 0 : i32
      %dma_start3A_621 = arith.constant 0 : i32
      %dma_start3A_622 = tpu.memref_slice %arg13[%run_scoped3A_611, %dma_start3A_620, %dma_start3A_621] : memref<2x125x128xf32, #tpu.memory_space<vmem>> -> memref<1x125x128xf32, #tpu.memory_space<vmem>>
      %dma_start3A_623 = tpu.memref_squeeze %dma_start3A_622 : memref<1x125x128xf32, #tpu.memory_space<vmem>> -> memref<125x128xf32, #tpu.memory_space<vmem>>
      %dma_start3A_624 = arith.constant 0 : i32
      %dma_start3A_625 = tpu.memref_slice %arg10[%mul3A_610, %dma_start3A_624] : memref<10000x128xf32, #tpu.memory_space<vmem_shared>> -> memref<125x128xf32, #tpu.memory_space<vmem_shared>>
      tpu.enqueue_dma source(%dma_start3A_625 : memref<125x128xf32, #tpu.memory_space<vmem_shared>>) target(%dma_start3A_623 : memref<125x128xf32, #tpu.memory_space<vmem>>) target_semaphore(%run_scoped3A_613 : memref<!tpu.dma_semaphore, #tpu.memory_space<semaphore_mem>>)
      %dma_wait3A_626 = arith.constant 0 : i32
      %dma_wait3A_627 = arith.constant 0 : i32
      %dma_wait3A_628 = tpu.memref_slice %arg13[%run_scoped3A_611, %dma_wait3A_626, %dma_wait3A_627] : memref<2x125x128xf32, #tpu.memory_space<vmem>> -> memref<1x125x128xf32, #tpu.memory_space<vmem>>
      %dma_wait3A_629 = tpu.memref_squeeze %dma_wait3A_628 : memref<1x125x128xf32, #tpu.memory_space<vmem>> -> memref<125x128xf32, #tpu.memory_space<vmem>>
      %dma_wait3A_630 = arith.constant 0 : i32
      %dma_wait3A_631 = tpu.memref_slice %arg10[%mul3A_610, %dma_wait3A_630] : memref<10000x128xf32, #tpu.memory_space<vmem_shared>> -> memref<125x128xf32, #tpu.memory_space<vmem_shared>>
      %dma_wait3A_632 = arith.constant 0 : i32
      %dma_wait3A_633 = arith.constant 0 : i32
      %dma_wait3A_634 = tpu.memref_slice %arg13[%run_scoped3A_611, %dma_wait3A_632, %dma_wait3A_633] : memref<2x125x128xf32, #tpu.memory_space<vmem>> -> memref<1x125x128xf32, #tpu.memory_space<vmem>>
      %dma_wait3A_635 = tpu.memref_squeeze %dma_wait3A_634 : memref<1x125x128xf32, #tpu.memory_space<vmem>> -> memref<125x128xf32, #tpu.memory_space<vmem>>
      %dma_wait3A_636 = arith.constant 0 : i32
      %dma_wait3A_637 = tpu.memref_slice %arg10[%mul3A_610, %dma_wait3A_636] : memref<10000x128xf32, #tpu.memory_space<vmem_shared>> -> memref<125x128xf32, #tpu.memory_space<vmem_shared>>
      tpu.wait_dma2 semaphore(%run_scoped3A_613 : memref<!tpu.dma_semaphore, #tpu.memory_space<semaphore_mem>>) src(%dma_wait3A_637 : memref<125x128xf32, #tpu.memory_space<vmem_shared>>) dst(%dma_wait3A_635 : memref<125x128xf32, #tpu.memory_space<vmem>>)
      tpu.yield
    }) : () -> ()
    %run_scoped3A_612 = arith.constant 0 : i32
    "tpu.region"() ({
      %run_scoped3A_613 = tpu.sem_alloc : memref<!tpu.dma_semaphore, #tpu.memory_space<semaphore_mem>>
      %dma_start3A_614 = arith.constant 0 : i32
      %dma_start3A_615 = arith.constant 0 : i32
      %dma_start3A_616 = tpu.memref_slice %arg13[%run_scoped3A_612, %dma_start3A_614, %dma_start3A_615] : memref<2x125x128xf32, #tpu.memory_space<vmem>> -> memref<1x125x128xf32, #tpu.memory_space<vmem>>
      %dma_start3A_617 = tpu.memref_squeeze %dma_start3A_616 : memref<1x125x128xf32, #tpu.memory_space<vmem>> -> memref<125x128xf32, #tpu.memory_space<vmem>>
      %dma_start3A_618 = arith.constant 0 : i32
      %dma_start3A_619 = tpu.memref_slice %arg8[%arg0, %mul3A_610, %dma_start3A_618] : memref<2x10000x128xf32, #tpu.memory_space<hbm>> -> memref<1x125x128xf32, #tpu.memory_space<hbm>>
      %dma_start3A_620 = tpu.memref_squeeze %dma_start3A_619 : memref<1x125x128xf32, #tpu.memory_space<hbm>> -> memref<125x128xf32, #tpu.memory_space<hbm>>
      %dma_start3A_621 = arith.constant 0 : i32
      %dma_start3A_622 = tpu.memref_slice %arg8[%arg0, %mul3A_610, %dma_start3A_621] : memref<2x10000x128xf32, #tpu.memory_space<hbm>> -> memref<1x125x128xf32, #tpu.memory_space<hbm>>
      %dma_start3A_623 = tpu.memref_squeeze %dma_start3A_622 : memref<1x125x128xf32, #tpu.memory_space<hbm>> -> memref<125x128xf32, #tpu.memory_space<hbm>>
      %dma_start3A_624 = arith.constant 0 : i32
      %dma_start3A_625 = arith.constant 0 : i32
      %dma_start3A_626 = tpu.memref_slice %arg13[%run_scoped3A_612, %dma_start3A_624, %dma_start3A_625] : memref<2x125x128xf32, #tpu.memory_space<vmem>> -> memref<1x125x128xf32, #tpu.memory_space<vmem>>
      %dma_start3A_627 = tpu.memref_squeeze %dma_start3A_626 : memref<1x125x128xf32, #tpu.memory_space<vmem>> -> memref<125x128xf32, #tpu.memory_space<vmem>>
      tpu.enqueue_dma source(%dma_start3A_627 : memref<125x128xf32, #tpu.memory_space<vmem>>) target(%dma_start3A_623 : memref<125x128xf32, #tpu.memory_space<hbm>>) target_semaphore(%run_scoped3A_613 : memref<!tpu.dma_semaphore, #tpu.memory_space<semaphore_mem>>)
      %dma_wait3A_628 = arith.constant 0 : i32
      %dma_wait3A_629 = arith.constant 0 : i32
      %dma_wait3A_630 = tpu.memref_slice %arg13[%run_scoped3A_612, %dma_wait3A_628, %dma_wait3A_629] : memref<2x125x128xf32, #tpu.memory_space<vmem>> -> memref<1x125x128xf32, #tpu.memory_space<vmem>>
      %dma_wait3A_631 = tpu.memref_squeeze %dma_wait3A_630 : memref<1x125x128xf32, #tpu.memory_space<vmem>> -> memref<125x128xf32, #tpu.memory_space<vmem>>
      %dma_wait3A_632 = arith.constant 0 : i32
      %dma_wait3A_633 = tpu.memref_slice %arg8[%arg0, %mul3A_610, %dma_wait3A_632] : memref<2x10000x128xf32, #tpu.memory_space<hbm>> -> memref<1x125x128xf32, #tpu.memory_space<hbm>>
      %dma_wait3A_634 = tpu.memref_squeeze %dma_wait3A_633 : memref<1x125x128xf32, #tpu.memory_space<hbm>> -> memref<125x128xf32, #tpu.memory_space<hbm>>
      %dma_wait3A_635 = arith.constant 0 : i32
      %dma_wait3A_636 = tpu.memref_slice %arg8[%arg0, %mul3A_610, %dma_wait3A_635] : memref<2x10000x128xf32, #tpu.memory_space<hbm>> -> memref<1x125x128xf32, #tpu.memory_space<hbm>>
      %dma_wait3A_637 = tpu.memref_squeeze %dma_wait3A_636 : memref<1x125x128xf32, #tpu.memory_space<hbm>> -> memref<125x128xf32, #tpu.memory_space<hbm>>
      %dma_wait3A_638 = arith.constant 0 : i32
      %dma_wait3A_639 = arith.constant 0 : i32
      %dma_wait3A_640 = tpu.memref_slice %arg13[%run_scoped3A_612, %dma_wait3A_638, %dma_wait3A_639] : memref<2x125x128xf32, #tpu.memory_space<vmem>> -> memref<1x125x128xf32, #tpu.memory_space<vmem>>
      %dma_wait3A_641 = tpu.memref_squeeze %dma_wait3A_640 : memref<1x125x128xf32, #tpu.memory_space<vmem>> -> memref<125x128xf32, #tpu.memory_space<vmem>>
      tpu.wait_dma2 semaphore(%run_scoped3A_613 : memref<!tpu.dma_semaphore, #tpu.memory_space<semaphore_mem>>) src(%dma_wait3A_641 : memref<125x128xf32, #tpu.memory_space<vmem>>) dst(%dma_wait3A_637 : memref<125x128xf32, #tpu.memory_space<hbm>>)
      tpu.yield
    }) : () -> ()
    "tpu.region"() ({
      %run_scoped3A_613 = tpu.sem_alloc : memref<!tpu.dma_semaphore, #tpu.memory_space<semaphore_mem>>
      %dma_start3A_614 = arith.constant 0 : i32
      %dma_start3A_615 = tpu.memref_slice %arg15[%mul3A_610, %dma_start3A_614] : memref<10000x8xf32, #tpu.memory_space<vmem_shared>> -> memref<125x8xf32, #tpu.memory_space<vmem_shared>>
      %dma_start3A_616 = arith.constant 0 : i32
      %dma_start3A_617 = tpu.memref_slice %arg15[%mul3A_610, %dma_start3A_616] : memref<10000x8xf32, #tpu.memory_space<vmem_shared>> -> memref<125x8xf32, #tpu.memory_space<vmem_shared>>
      tpu.enqueue_dma source(%dma_start3A_617 : memref<125x8xf32, #tpu.memory_space<vmem_shared>>) target(%arg16 : memref<125x8xf32, #tpu.memory_space<vmem>>) target_semaphore(%run_scoped3A_613 : memref<!tpu.dma_semaphore, #tpu.memory_space<semaphore_mem>>)
      %dma_wait3A_618 = arith.constant 0 : i32
      %dma_wait3A_619 = tpu.memref_slice %arg15[%mul3A_610, %dma_wait3A_618] : memref<10000x8xf32, #tpu.memory_space<vmem_shared>> -> memref<125x8xf32, #tpu.memory_space<vmem_shared>>
      %dma_wait3A_620 = arith.constant 0 : i32
      %dma_wait3A_621 = tpu.memref_slice %arg15[%mul3A_610, %dma_wait3A_620] : memref<10000x8xf32, #tpu.memory_space<vmem_shared>> -> memref<125x8xf32, #tpu.memory_space<vmem_shared>>
      tpu.wait_dma2 semaphore(%run_scoped3A_613 : memref<!tpu.dma_semaphore, #tpu.memory_space<semaphore_mem>>) src(%dma_wait3A_621 : memref<125x8xf32, #tpu.memory_space<vmem_shared>>) dst(%arg16 : memref<125x8xf32, #tpu.memory_space<vmem>>)
      tpu.yield
    }) : () -> ()
    "tpu.region"() ({
      %run_scoped3A_613 = tpu.sem_alloc : memref<!tpu.dma_semaphore, #tpu.memory_space<semaphore_mem>>
      %dma_start3A_614 = arith.constant 0 : i32
      %dma_start3A_615 = tpu.memref_slice %arg9[%arg0, %mul3A_610, %dma_start3A_614] : memref<2x10000x8xf32, #tpu.memory_space<hbm>> -> memref<1x125x8xf32, #tpu.memory_space<hbm>>
      %dma_start3A_616 = tpu.memref_squeeze %dma_start3A_615 : memref<1x125x8xf32, #tpu.memory_space<hbm>> -> memref<125x8xf32, #tpu.memory_space<hbm>>
      %dma_start3A_617 = arith.constant 0 : i32
      %dma_start3A_618 = tpu.memref_slice %arg9[%arg0, %mul3A_610, %dma_start3A_617] : memref<2x10000x8xf32, #tpu.memory_space<hbm>> -> memref<1x125x8xf32, #tpu.memory_space<hbm>>
      %dma_start3A_619 = tpu.memref_squeeze %dma_start3A_618 : memref<1x125x8xf32, #tpu.memory_space<hbm>> -> memref<125x8xf32, #tpu.memory_space<hbm>>
      tpu.enqueue_dma source(%arg16 : memref<125x8xf32, #tpu.memory_space<vmem>>) target(%dma_start3A_619 : memref<125x8xf32, #tpu.memory_space<hbm>>) target_semaphore(%run_scoped3A_613 : memref<!tpu.dma_semaphore, #tpu.memory_space<semaphore_mem>>)
      %dma_wait3A_620 = arith.constant 0 : i32
      %dma_wait3A_621 = tpu.memref_slice %arg9[%arg0, %mul3A_610, %dma_wait3A_620] : memref<2x10000x8xf32, #tpu.memory_space<hbm>> -> memref<1x125x8xf32, #tpu.memory_space<hbm>>
      %dma_wait3A_622 = tpu.memref_squeeze %dma_wait3A_621 : memref<1x125x8xf32, #tpu.memory_space<hbm>> -> memref<125x8xf32, #tpu.memory_space<hbm>>
      %dma_wait3A_623 = arith.constant 0 : i32
      %dma_wait3A_624 = tpu.memref_slice %arg9[%arg0, %mul3A_610, %dma_wait3A_623] : memref<2x10000x8xf32, #tpu.memory_space<hbm>> -> memref<1x125x8xf32, #tpu.memory_space<hbm>>
      %dma_wait3A_625 = tpu.memref_squeeze %dma_wait3A_624 : memref<1x125x8xf32, #tpu.memory_space<hbm>> -> memref<125x8xf32, #tpu.memory_space<hbm>>
      tpu.wait_dma2 semaphore(%run_scoped3A_613 : memref<!tpu.dma_semaphore, #tpu.memory_space<semaphore_mem>>) src(%arg16 : memref<125x8xf32, #tpu.memory_space<vmem>>) dst(%dma_wait3A_625 : memref<125x8xf32, #tpu.memory_space<hbm>>)
      tpu.yield
    }) : () -> ()
    return
  }
}

#map = affine_map<(d0, d1) -> (0, 0)>
#map1 = affine_map<(d0, d1) -> (0, 0, 0, 0)>
#map2 = affine_map<(d0, d1) -> (0, 0, 0)>
module attributes {stable_mosaic.version = 14 : i64} {
  func.func @body(%arg0: i32, %arg1: i32, %arg2: memref<10000x128xf32, #tpu.memory_space<hbm>>, %arg3: memref<32x5x16x125xi32, #tpu.memory_space<hbm>>, %arg4: memref<32x5x16x125xi32, #tpu.memory_space<hbm>>, %arg5: memref<125x8xf32, #tpu.memory_space<hbm>>, %arg6: memref<125x128xf32, #tpu.memory_space<hbm>>, %arg7: memref<125x8xf32, #tpu.memory_space<hbm>>, %arg8: memref<2x10000x128xf32, #tpu.memory_space<hbm>>, %arg9: memref<10000x128xf32, #tpu.memory_space<vmem_shared>>, %arg10: memref<2x16x125xi32, #tpu.memory_space<vmem>>, %arg11: memref<2x16x125xi32, #tpu.memory_space<vmem>>, %arg12: memref<2x125x128xf32, #tpu.memory_space<vmem>>, %arg13: memref<4x!tpu.dma_semaphore, #tpu.memory_space<semaphore_mem>>) attributes {dimension_semantics = [#tpu.dimension_semantics<core_parallel>, #tpu.dimension_semantics<subcore_parallel>], iteration_bounds = array<i64: 2, 16>, scalar_prefetch = 0 : i64, scratch_operands = 5 : i64, tpu.core_type = #tpu.core_type<sc_vector_subcore>, window_params = [{transform_indices = #map}, {transform_indices = #map1}, {transform_indices = #map1}, {transform_indices = #map}, {transform_indices = #map}, {transform_indices = #map}, {transform_indices = #map2}]} {
    %mul3A = arith.constant 16 : i32
    %mul3A_0 = arith.muli %arg0, %mul3A : i32
    %add3A = arith.addi %mul3A_0, %arg1 : i32
    %dma_start3A = arith.constant 0 : i32
    %dma_start3A_1 = arith.constant 0 : i32
    %dma_start3A_2 = arith.constant 2 : i32
    %dma_start3A_3 = arith.constant 0 : i32
    %dma_start3A_4 = arith.constant 0 : i32
    %dma_start3A_5 = tpu.memref_slice %arg10[%dma_start3A_1, %dma_start3A_3, %dma_start3A_4] : memref<2x16x125xi32, #tpu.memory_space<vmem>> -> memref<1x16x125xi32, #tpu.memory_space<vmem>>
    %dma_start3A_6 = tpu.memref_squeeze %dma_start3A_5 : memref<1x16x125xi32, #tpu.memory_space<vmem>> -> memref<16x125xi32, #tpu.memory_space<vmem>>
    %dma_start3A_7 = arith.constant 0 : i32
    %dma_start3A_8 = arith.constant 0 : i32
    %dma_start3A_9 = tpu.memref_slice %arg3[%add3A, %dma_start3A, %dma_start3A_7, %dma_start3A_8] : memref<32x5x16x125xi32, #tpu.memory_space<hbm>> -> memref<1x1x16x125xi32, #tpu.memory_space<hbm>>
    %dma_start3A_10 = tpu.memref_squeeze %dma_start3A_9 : memref<1x1x16x125xi32, #tpu.memory_space<hbm>> -> memref<16x125xi32, #tpu.memory_space<hbm>>
    %dma_start3A_11 = tpu.memref_slice %arg13[%dma_start3A_2] : memref<4x!tpu.dma_semaphore, #tpu.memory_space<semaphore_mem>> -> memref<1x!tpu.dma_semaphore, #tpu.memory_space<semaphore_mem>>
    %dma_start3A_12 = tpu.memref_squeeze %dma_start3A_11 : memref<1x!tpu.dma_semaphore, #tpu.memory_space<semaphore_mem>> -> memref<!tpu.dma_semaphore, #tpu.memory_space<semaphore_mem>>
    %dma_start3A_13 = arith.constant 0 : i32
    %dma_start3A_14 = arith.constant 0 : i32
    %dma_start3A_15 = tpu.memref_slice %arg10[%dma_start3A_1, %dma_start3A_13, %dma_start3A_14] : memref<2x16x125xi32, #tpu.memory_space<vmem>> -> memref<1x16x125xi32, #tpu.memory_space<vmem>>
    %dma_start3A_16 = tpu.memref_squeeze %dma_start3A_15 : memref<1x16x125xi32, #tpu.memory_space<vmem>> -> memref<16x125xi32, #tpu.memory_space<vmem>>
    %dma_start3A_17 = arith.constant 0 : i32
    %dma_start3A_18 = arith.constant 0 : i32
    %dma_start3A_19 = tpu.memref_slice %arg3[%add3A, %dma_start3A, %dma_start3A_17, %dma_start3A_18] : memref<32x5x16x125xi32, #tpu.memory_space<hbm>> -> memref<1x1x16x125xi32, #tpu.memory_space<hbm>>
    %dma_start3A_20 = tpu.memref_squeeze %dma_start3A_19 : memref<1x1x16x125xi32, #tpu.memory_space<hbm>> -> memref<16x125xi32, #tpu.memory_space<hbm>>
    tpu.enqueue_dma source(%dma_start3A_20 : memref<16x125xi32, #tpu.memory_space<hbm>>) target(%dma_start3A_16 : memref<16x125xi32, #tpu.memory_space<vmem>>) target_semaphore(%dma_start3A_12 : memref<!tpu.dma_semaphore, #tpu.memory_space<semaphore_mem>>)
    %dma_start3A_21 = arith.constant 0 : i32
    %dma_start3A_22 = arith.constant 0 : i32
    %dma_start3A_23 = arith.constant 3 : i32
    %dma_start3A_24 = arith.constant 0 : i32
    %dma_start3A_25 = arith.constant 0 : i32
    %dma_start3A_26 = tpu.memref_slice %arg11[%dma_start3A_22, %dma_start3A_24, %dma_start3A_25] : memref<2x16x125xi32, #tpu.memory_space<vmem>> -> memref<1x16x125xi32, #tpu.memory_space<vmem>>
    %dma_start3A_27 = tpu.memref_squeeze %dma_start3A_26 : memref<1x16x125xi32, #tpu.memory_space<vmem>> -> memref<16x125xi32, #tpu.memory_space<vmem>>
    %dma_start3A_28 = arith.constant 0 : i32
    %dma_start3A_29 = arith.constant 0 : i32
    %dma_start3A_30 = tpu.memref_slice %arg4[%add3A, %dma_start3A_21, %dma_start3A_28, %dma_start3A_29] : memref<32x5x16x125xi32, #tpu.memory_space<hbm>> -> memref<1x1x16x125xi32, #tpu.memory_space<hbm>>
    %dma_start3A_31 = tpu.memref_squeeze %dma_start3A_30 : memref<1x1x16x125xi32, #tpu.memory_space<hbm>> -> memref<16x125xi32, #tpu.memory_space<hbm>>
    %dma_start3A_32 = tpu.memref_slice %arg13[%dma_start3A_23] : memref<4x!tpu.dma_semaphore, #tpu.memory_space<semaphore_mem>> -> memref<1x!tpu.dma_semaphore, #tpu.memory_space<semaphore_mem>>
    %dma_start3A_33 = tpu.memref_squeeze %dma_start3A_32 : memref<1x!tpu.dma_semaphore, #tpu.memory_space<semaphore_mem>> -> memref<!tpu.dma_semaphore, #tpu.memory_space<semaphore_mem>>
    %dma_start3A_34 = arith.constant 0 : i32
    %dma_start3A_35 = arith.constant 0 : i32
    %dma_start3A_36 = tpu.memref_slice %arg11[%dma_start3A_22, %dma_start3A_34, %dma_start3A_35] : memref<2x16x125xi32, #tpu.memory_space<vmem>> -> memref<1x16x125xi32, #tpu.memory_space<vmem>>
    %dma_start3A_37 = tpu.memref_squeeze %dma_start3A_36 : memref<1x16x125xi32, #tpu.memory_space<vmem>> -> memref<16x125xi32, #tpu.memory_space<vmem>>
    %dma_start3A_38 = arith.constant 0 : i32
    %dma_start3A_39 = arith.constant 0 : i32
    %dma_start3A_40 = tpu.memref_slice %arg4[%add3A, %dma_start3A_21, %dma_start3A_38, %dma_start3A_39] : memref<32x5x16x125xi32, #tpu.memory_space<hbm>> -> memref<1x1x16x125xi32, #tpu.memory_space<hbm>>
    %dma_start3A_41 = tpu.memref_squeeze %dma_start3A_40 : memref<1x1x16x125xi32, #tpu.memory_space<hbm>> -> memref<16x125xi32, #tpu.memory_space<hbm>>
    tpu.enqueue_dma source(%dma_start3A_41 : memref<16x125xi32, #tpu.memory_space<hbm>>) target(%dma_start3A_37 : memref<16x125xi32, #tpu.memory_space<vmem>>) target_semaphore(%dma_start3A_33 : memref<!tpu.dma_semaphore, #tpu.memory_space<semaphore_mem>>)
    %run_scoped3A = arith.constant 0 : i32
    "tpu.region"() ({
      %run_scoped3A_603 = tpu.sem_alloc : memref<!tpu.dma_semaphore, #tpu.memory_space<semaphore_mem>>
      %dma_start3A_604 = arith.constant 0 : i32
      %dma_start3A_605 = arith.constant 0 : i32
      %dma_start3A_606 = tpu.memref_slice %arg12[%run_scoped3A, %dma_start3A_604, %dma_start3A_605] : memref<2x125x128xf32, #tpu.memory_space<vmem>> -> memref<1x125x128xf32, #tpu.memory_space<vmem>>
      %dma_start3A_607 = tpu.memref_squeeze %dma_start3A_606 : memref<1x125x128xf32, #tpu.memory_space<vmem>> -> memref<125x128xf32, #tpu.memory_space<vmem>>
      %dma_start3A_608 = arith.constant 0 : i32
      %dma_start3A_609 = arith.constant 0 : i32
      %dma_start3A_610 = tpu.memref_slice %arg12[%run_scoped3A, %dma_start3A_608, %dma_start3A_609] : memref<2x125x128xf32, #tpu.memory_space<vmem>> -> memref<1x125x128xf32, #tpu.memory_space<vmem>>
      %dma_start3A_611 = tpu.memref_squeeze %dma_start3A_610 : memref<1x125x128xf32, #tpu.memory_space<vmem>> -> memref<125x128xf32, #tpu.memory_space<vmem>>
      tpu.enqueue_dma source(%arg6 : memref<125x128xf32, #tpu.memory_space<hbm>>) target(%dma_start3A_611 : memref<125x128xf32, #tpu.memory_space<vmem>>) target_semaphore(%run_scoped3A_603 : memref<!tpu.dma_semaphore, #tpu.memory_space<semaphore_mem>>)
      %dma_wait3A_612 = arith.constant 0 : i32
      %dma_wait3A_613 = arith.constant 0 : i32
      %dma_wait3A_614 = tpu.memref_slice %arg12[%run_scoped3A, %dma_wait3A_612, %dma_wait3A_613] : memref<2x125x128xf32, #tpu.memory_space<vmem>> -> memref<1x125x128xf32, #tpu.memory_space<vmem>>
      %dma_wait3A_615 = tpu.memref_squeeze %dma_wait3A_614 : memref<1x125x128xf32, #tpu.memory_space<vmem>> -> memref<125x128xf32, #tpu.memory_space<vmem>>
      %dma_wait3A_616 = arith.constant 0 : i32
      %dma_wait3A_617 = arith.constant 0 : i32
      %dma_wait3A_618 = tpu.memref_slice %arg12[%run_scoped3A, %dma_wait3A_616, %dma_wait3A_617] : memref<2x125x128xf32, #tpu.memory_space<vmem>> -> memref<1x125x128xf32, #tpu.memory_space<vmem>>
      %dma_wait3A_619 = tpu.memref_squeeze %dma_wait3A_618 : memref<1x125x128xf32, #tpu.memory_space<vmem>> -> memref<125x128xf32, #tpu.memory_space<vmem>>
      tpu.wait_dma2 semaphore(%run_scoped3A_603 : memref<!tpu.dma_semaphore, #tpu.memory_space<semaphore_mem>>) src(%arg6 : memref<125x128xf32, #tpu.memory_space<hbm>>) dst(%dma_wait3A_619 : memref<125x128xf32, #tpu.memory_space<vmem>>)
      tpu.yield
    }) : () -> ()
    %add3A_42 = arith.constant 0 : i32
    %add3A_43 = arith.addi %arg1, %add3A_42 : i32
    %min3A = arith.constant 79 : i32
    %min3A_44 = arith.minsi %add3A_43, %min3A : i32
    %mul3A_45 = arith.constant 125 : i32
    %mul3A_46 = arith.muli %min3A_44, %mul3A_45 : i32
    %run_scoped3A_47 = arith.constant 0 : i32
    "tpu.region"() ({
      %run_scoped3A_603 = tpu.sem_alloc : memref<!tpu.dma_semaphore, #tpu.memory_space<semaphore_mem>>
      %dma_start3A_604 = arith.constant 0 : i32
      %dma_start3A_605 = arith.constant 0 : i32
      %dma_start3A_606 = tpu.memref_slice %arg12[%run_scoped3A_47, %dma_start3A_604, %dma_start3A_605] : memref<2x125x128xf32, #tpu.memory_space<vmem>> -> memref<1x125x128xf32, #tpu.memory_space<vmem>>
      %dma_start3A_607 = tpu.memref_squeeze %dma_start3A_606 : memref<1x125x128xf32, #tpu.memory_space<vmem>> -> memref<125x128xf32, #tpu.memory_space<vmem>>
      %dma_start3A_608 = arith.constant 0 : i32
      %dma_start3A_609 = tpu.memref_slice %arg9[%mul3A_46, %dma_start3A_608] : memref<10000x128xf32, #tpu.memory_space<vmem_shared>> -> memref<125x128xf32, #tpu.memory_space<vmem_shared>>
      %dma_start3A_610 = arith.constant 0 : i32
      %dma_start3A_611 = tpu.memref_slice %arg9[%mul3A_46, %dma_start3A_610] : memref<10000x128xf32, #tpu.memory_space<vmem_shared>> -> memref<125x128xf32, #tpu.memory_space<vmem_shared>>
      %dma_start3A_612 = arith.constant 0 : i32
      %dma_start3A_613 = arith.constant 0 : i32
      %dma_start3A_614 = tpu.memref_slice %arg12[%run_scoped3A_47, %dma_start3A_612, %dma_start3A_613] : memref<2x125x128xf32, #tpu.memory_space<vmem>> -> memref<1x125x128xf32, #tpu.memory_space<vmem>>
      %dma_start3A_615 = tpu.memref_squeeze %dma_start3A_614 : memref<1x125x128xf32, #tpu.memory_space<vmem>> -> memref<125x128xf32, #tpu.memory_space<vmem>>
      tpu.enqueue_dma source(%dma_start3A_615 : memref<125x128xf32, #tpu.memory_space<vmem>>) target(%dma_start3A_611 : memref<125x128xf32, #tpu.memory_space<vmem_shared>>) target_semaphore(%run_scoped3A_603 : memref<!tpu.dma_semaphore, #tpu.memory_space<semaphore_mem>>)
      %dma_wait3A_616 = arith.constant 0 : i32
      %dma_wait3A_617 = arith.constant 0 : i32
      %dma_wait3A_618 = tpu.memref_slice %arg12[%run_scoped3A_47, %dma_wait3A_616, %dma_wait3A_617] : memref<2x125x128xf32, #tpu.memory_space<vmem>> -> memref<1x125x128xf32, #tpu.memory_space<vmem>>
      %dma_wait3A_619 = tpu.memref_squeeze %dma_wait3A_618 : memref<1x125x128xf32, #tpu.memory_space<vmem>> -> memref<125x128xf32, #tpu.memory_space<vmem>>
      %dma_wait3A_620 = arith.constant 0 : i32
      %dma_wait3A_621 = tpu.memref_slice %arg9[%mul3A_46, %dma_wait3A_620] : memref<10000x128xf32, #tpu.memory_space<vmem_shared>> -> memref<125x128xf32, #tpu.memory_space<vmem_shared>>
      %dma_wait3A_622 = arith.constant 0 : i32
      %dma_wait3A_623 = tpu.memref_slice %arg9[%mul3A_46, %dma_wait3A_622] : memref<10000x128xf32, #tpu.memory_space<vmem_shared>> -> memref<125x128xf32, #tpu.memory_space<vmem_shared>>
      %dma_wait3A_624 = arith.constant 0 : i32
      %dma_wait3A_625 = arith.constant 0 : i32
      %dma_wait3A_626 = tpu.memref_slice %arg12[%run_scoped3A_47, %dma_wait3A_624, %dma_wait3A_625] : memref<2x125x128xf32, #tpu.memory_space<vmem>> -> memref<1x125x128xf32, #tpu.memory_space<vmem>>
      %dma_wait3A_627 = tpu.memref_squeeze %dma_wait3A_626 : memref<1x125x128xf32, #tpu.memory_space<vmem>> -> memref<125x128xf32, #tpu.memory_space<vmem>>
      tpu.wait_dma2 semaphore(%run_scoped3A_603 : memref<!tpu.dma_semaphore, #tpu.memory_space<semaphore_mem>>) src(%dma_wait3A_627 : memref<125x128xf32, #tpu.memory_space<vmem>>) dst(%dma_wait3A_623 : memref<125x128xf32, #tpu.memory_space<vmem_shared>>)
      tpu.yield
    }) : () -> ()
    %add3A_48 = arith.constant 16 : i32
    %add3A_49 = arith.addi %arg1, %add3A_48 : i32
    %min3A_50 = arith.constant 79 : i32
    %min3A_51 = arith.minsi %add3A_49, %min3A_50 : i32
    %mul3A_52 = arith.constant 125 : i32
    %mul3A_53 = arith.muli %min3A_51, %mul3A_52 : i32
    %run_scoped3A_54 = arith.constant 0 : i32
    "tpu.region"() ({
      %run_scoped3A_603 = tpu.sem_alloc : memref<!tpu.dma_semaphore, #tpu.memory_space<semaphore_mem>>
      %dma_start3A_604 = arith.constant 0 : i32
      %dma_start3A_605 = arith.constant 0 : i32
      %dma_start3A_606 = tpu.memref_slice %arg12[%run_scoped3A_54, %dma_start3A_604, %dma_start3A_605] : memref<2x125x128xf32, #tpu.memory_space<vmem>> -> memref<1x125x128xf32, #tpu.memory_space<vmem>>
      %dma_start3A_607 = tpu.memref_squeeze %dma_start3A_606 : memref<1x125x128xf32, #tpu.memory_space<vmem>> -> memref<125x128xf32, #tpu.memory_space<vmem>>
      %dma_start3A_608 = arith.constant 0 : i32
      %dma_start3A_609 = tpu.memref_slice %arg9[%mul3A_53, %dma_start3A_608] : memref<10000x128xf32, #tpu.memory_space<vmem_shared>> -> memref<125x128xf32, #tpu.memory_space<vmem_shared>>
      %dma_start3A_610 = arith.constant 0 : i32
      %dma_start3A_611 = tpu.memref_slice %arg9[%mul3A_53, %dma_start3A_610] : memref<10000x128xf32, #tpu.memory_space<vmem_shared>> -> memref<125x128xf32, #tpu.memory_space<vmem_shared>>
      %dma_start3A_612 = arith.constant 0 : i32
      %dma_start3A_613 = arith.constant 0 : i32
      %dma_start3A_614 = tpu.memref_slice %arg12[%run_scoped3A_54, %dma_start3A_612, %dma_start3A_613] : memref<2x125x128xf32, #tpu.memory_space<vmem>> -> memref<1x125x128xf32, #tpu.memory_space<vmem>>
      %dma_start3A_615 = tpu.memref_squeeze %dma_start3A_614 : memref<1x125x128xf32, #tpu.memory_space<vmem>> -> memref<125x128xf32, #tpu.memory_space<vmem>>
      tpu.enqueue_dma source(%dma_start3A_615 : memref<125x128xf32, #tpu.memory_space<vmem>>) target(%dma_start3A_611 : memref<125x128xf32, #tpu.memory_space<vmem_shared>>) target_semaphore(%run_scoped3A_603 : memref<!tpu.dma_semaphore, #tpu.memory_space<semaphore_mem>>)
      %dma_wait3A_616 = arith.constant 0 : i32
      %dma_wait3A_617 = arith.constant 0 : i32
      %dma_wait3A_618 = tpu.memref_slice %arg12[%run_scoped3A_54, %dma_wait3A_616, %dma_wait3A_617] : memref<2x125x128xf32, #tpu.memory_space<vmem>> -> memref<1x125x128xf32, #tpu.memory_space<vmem>>
      %dma_wait3A_619 = tpu.memref_squeeze %dma_wait3A_618 : memref<1x125x128xf32, #tpu.memory_space<vmem>> -> memref<125x128xf32, #tpu.memory_space<vmem>>
      %dma_wait3A_620 = arith.constant 0 : i32
      %dma_wait3A_621 = tpu.memref_slice %arg9[%mul3A_53, %dma_wait3A_620] : memref<10000x128xf32, #tpu.memory_space<vmem_shared>> -> memref<125x128xf32, #tpu.memory_space<vmem_shared>>
      %dma_wait3A_622 = arith.constant 0 : i32
      %dma_wait3A_623 = tpu.memref_slice %arg9[%mul3A_53, %dma_wait3A_622] : memref<10000x128xf32, #tpu.memory_space<vmem_shared>> -> memref<125x128xf32, #tpu.memory_space<vmem_shared>>
      %dma_wait3A_624 = arith.constant 0 : i32
      %dma_wait3A_625 = arith.constant 0 : i32
      %dma_wait3A_626 = tpu.memref_slice %arg12[%run_scoped3A_54, %dma_wait3A_624, %dma_wait3A_625] : memref<2x125x128xf32, #tpu.memory_space<vmem>> -> memref<1x125x128xf32, #tpu.memory_space<vmem>>
      %dma_wait3A_627 = tpu.memref_squeeze %dma_wait3A_626 : memref<1x125x128xf32, #tpu.memory_space<vmem>> -> memref<125x128xf32, #tpu.memory_space<vmem>>
      tpu.wait_dma2 semaphore(%run_scoped3A_603 : memref<!tpu.dma_semaphore, #tpu.memory_space<semaphore_mem>>) src(%dma_wait3A_627 : memref<125x128xf32, #tpu.memory_space<vmem>>) dst(%dma_wait3A_623 : memref<125x128xf32, #tpu.memory_space<vmem_shared>>)
      tpu.yield
    }) : () -> ()
    %add3A_55 = arith.constant 32 : i32
    %add3A_56 = arith.addi %arg1, %add3A_55 : i32
    %min3A_57 = arith.constant 79 : i32
    %min3A_58 = arith.minsi %add3A_56, %min3A_57 : i32
    %mul3A_59 = arith.constant 125 : i32
    %mul3A_60 = arith.muli %min3A_58, %mul3A_59 : i32
    %run_scoped3A_61 = arith.constant 0 : i32
    "tpu.region"() ({
      %run_scoped3A_603 = tpu.sem_alloc : memref<!tpu.dma_semaphore, #tpu.memory_space<semaphore_mem>>
      %dma_start3A_604 = arith.constant 0 : i32
      %dma_start3A_605 = arith.constant 0 : i32
      %dma_start3A_606 = tpu.memref_slice %arg12[%run_scoped3A_61, %dma_start3A_604, %dma_start3A_605] : memref<2x125x128xf32, #tpu.memory_space<vmem>> -> memref<1x125x128xf32, #tpu.memory_space<vmem>>
      %dma_start3A_607 = tpu.memref_squeeze %dma_start3A_606 : memref<1x125x128xf32, #tpu.memory_space<vmem>> -> memref<125x128xf32, #tpu.memory_space<vmem>>
      %dma_start3A_608 = arith.constant 0 : i32
      %dma_start3A_609 = tpu.memref_slice %arg9[%mul3A_60, %dma_start3A_608] : memref<10000x128xf32, #tpu.memory_space<vmem_shared>> -> memref<125x128xf32, #tpu.memory_space<vmem_shared>>
      %dma_start3A_610 = arith.constant 0 : i32
      %dma_start3A_611 = tpu.memref_slice %arg9[%mul3A_60, %dma_start3A_610] : memref<10000x128xf32, #tpu.memory_space<vmem_shared>> -> memref<125x128xf32, #tpu.memory_space<vmem_shared>>
      %dma_start3A_612 = arith.constant 0 : i32
      %dma_start3A_613 = arith.constant 0 : i32
      %dma_start3A_614 = tpu.memref_slice %arg12[%run_scoped3A_61, %dma_start3A_612, %dma_start3A_613] : memref<2x125x128xf32, #tpu.memory_space<vmem>> -> memref<1x125x128xf32, #tpu.memory_space<vmem>>
      %dma_start3A_615 = tpu.memref_squeeze %dma_start3A_614 : memref<1x125x128xf32, #tpu.memory_space<vmem>> -> memref<125x128xf32, #tpu.memory_space<vmem>>
      tpu.enqueue_dma source(%dma_start3A_615 : memref<125x128xf32, #tpu.memory_space<vmem>>) target(%dma_start3A_611 : memref<125x128xf32, #tpu.memory_space<vmem_shared>>) target_semaphore(%run_scoped3A_603 : memref<!tpu.dma_semaphore, #tpu.memory_space<semaphore_mem>>)
      %dma_wait3A_616 = arith.constant 0 : i32
      %dma_wait3A_617 = arith.constant 0 : i32
      %dma_wait3A_618 = tpu.memref_slice %arg12[%run_scoped3A_61, %dma_wait3A_616, %dma_wait3A_617] : memref<2x125x128xf32, #tpu.memory_space<vmem>> -> memref<1x125x128xf32, #tpu.memory_space<vmem>>
      %dma_wait3A_619 = tpu.memref_squeeze %dma_wait3A_618 : memref<1x125x128xf32, #tpu.memory_space<vmem>> -> memref<125x128xf32, #tpu.memory_space<vmem>>
      %dma_wait3A_620 = arith.constant 0 : i32
      %dma_wait3A_621 = tpu.memref_slice %arg9[%mul3A_60, %dma_wait3A_620] : memref<10000x128xf32, #tpu.memory_space<vmem_shared>> -> memref<125x128xf32, #tpu.memory_space<vmem_shared>>
      %dma_wait3A_622 = arith.constant 0 : i32
      %dma_wait3A_623 = tpu.memref_slice %arg9[%mul3A_60, %dma_wait3A_622] : memref<10000x128xf32, #tpu.memory_space<vmem_shared>> -> memref<125x128xf32, #tpu.memory_space<vmem_shared>>
      %dma_wait3A_624 = arith.constant 0 : i32
      %dma_wait3A_625 = arith.constant 0 : i32
      %dma_wait3A_626 = tpu.memref_slice %arg12[%run_scoped3A_61, %dma_wait3A_624, %dma_wait3A_625] : memref<2x125x128xf32, #tpu.memory_space<vmem>> -> memref<1x125x128xf32, #tpu.memory_space<vmem>>
      %dma_wait3A_627 = tpu.memref_squeeze %dma_wait3A_626 : memref<1x125x128xf32, #tpu.memory_space<vmem>> -> memref<125x128xf32, #tpu.memory_space<vmem>>
      tpu.wait_dma2 semaphore(%run_scoped3A_603 : memref<!tpu.dma_semaphore, #tpu.memory_space<semaphore_mem>>) src(%dma_wait3A_627 : memref<125x128xf32, #tpu.memory_space<vmem>>) dst(%dma_wait3A_623 : memref<125x128xf32, #tpu.memory_space<vmem_shared>>)
      tpu.yield
    }) : () -> ()
    %add3A_62 = arith.constant 48 : i32
    %add3A_63 = arith.addi %arg1, %add3A_62 : i32
    %min3A_64 = arith.constant 79 : i32
    %min3A_65 = arith.minsi %add3A_63, %min3A_64 : i32
    %mul3A_66 = arith.constant 125 : i32
    %mul3A_67 = arith.muli %min3A_65, %mul3A_66 : i32
    %run_scoped3A_68 = arith.constant 0 : i32
    "tpu.region"() ({
      %run_scoped3A_603 = tpu.sem_alloc : memref<!tpu.dma_semaphore, #tpu.memory_space<semaphore_mem>>
      %dma_start3A_604 = arith.constant 0 : i32
      %dma_start3A_605 = arith.constant 0 : i32
      %dma_start3A_606 = tpu.memref_slice %arg12[%run_scoped3A_68, %dma_start3A_604, %dma_start3A_605] : memref<2x125x128xf32, #tpu.memory_space<vmem>> -> memref<1x125x128xf32, #tpu.memory_space<vmem>>
      %dma_start3A_607 = tpu.memref_squeeze %dma_start3A_606 : memref<1x125x128xf32, #tpu.memory_space<vmem>> -> memref<125x128xf32, #tpu.memory_space<vmem>>
      %dma_start3A_608 = arith.constant 0 : i32
      %dma_start3A_609 = tpu.memref_slice %arg9[%mul3A_67, %dma_start3A_608] : memref<10000x128xf32, #tpu.memory_space<vmem_shared>> -> memref<125x128xf32, #tpu.memory_space<vmem_shared>>
      %dma_start3A_610 = arith.constant 0 : i32
      %dma_start3A_611 = tpu.memref_slice %arg9[%mul3A_67, %dma_start3A_610] : memref<10000x128xf32, #tpu.memory_space<vmem_shared>> -> memref<125x128xf32, #tpu.memory_space<vmem_shared>>
      %dma_start3A_612 = arith.constant 0 : i32
      %dma_start3A_613 = arith.constant 0 : i32
      %dma_start3A_614 = tpu.memref_slice %arg12[%run_scoped3A_68, %dma_start3A_612, %dma_start3A_613] : memref<2x125x128xf32, #tpu.memory_space<vmem>> -> memref<1x125x128xf32, #tpu.memory_space<vmem>>
      %dma_start3A_615 = tpu.memref_squeeze %dma_start3A_614 : memref<1x125x128xf32, #tpu.memory_space<vmem>> -> memref<125x128xf32, #tpu.memory_space<vmem>>
      tpu.enqueue_dma source(%dma_start3A_615 : memref<125x128xf32, #tpu.memory_space<vmem>>) target(%dma_start3A_611 : memref<125x128xf32, #tpu.memory_space<vmem_shared>>) target_semaphore(%run_scoped3A_603 : memref<!tpu.dma_semaphore, #tpu.memory_space<semaphore_mem>>)
      %dma_wait3A_616 = arith.constant 0 : i32
      %dma_wait3A_617 = arith.constant 0 : i32
      %dma_wait3A_618 = tpu.memref_slice %arg12[%run_scoped3A_68, %dma_wait3A_616, %dma_wait3A_617] : memref<2x125x128xf32, #tpu.memory_space<vmem>> -> memref<1x125x128xf32, #tpu.memory_space<vmem>>
      %dma_wait3A_619 = tpu.memref_squeeze %dma_wait3A_618 : memref<1x125x128xf32, #tpu.memory_space<vmem>> -> memref<125x128xf32, #tpu.memory_space<vmem>>
      %dma_wait3A_620 = arith.constant 0 : i32
      %dma_wait3A_621 = tpu.memref_slice %arg9[%mul3A_67, %dma_wait3A_620] : memref<10000x128xf32, #tpu.memory_space<vmem_shared>> -> memref<125x128xf32, #tpu.memory_space<vmem_shared>>
      %dma_wait3A_622 = arith.constant 0 : i32
      %dma_wait3A_623 = tpu.memref_slice %arg9[%mul3A_67, %dma_wait3A_622] : memref<10000x128xf32, #tpu.memory_space<vmem_shared>> -> memref<125x128xf32, #tpu.memory_space<vmem_shared>>
      %dma_wait3A_624 = arith.constant 0 : i32
      %dma_wait3A_625 = arith.constant 0 : i32
      %dma_wait3A_626 = tpu.memref_slice %arg12[%run_scoped3A_68, %dma_wait3A_624, %dma_wait3A_625] : memref<2x125x128xf32, #tpu.memory_space<vmem>> -> memref<1x125x128xf32, #tpu.memory_space<vmem>>
      %dma_wait3A_627 = tpu.memref_squeeze %dma_wait3A_626 : memref<1x125x128xf32, #tpu.memory_space<vmem>> -> memref<125x128xf32, #tpu.memory_space<vmem>>
      tpu.wait_dma2 semaphore(%run_scoped3A_603 : memref<!tpu.dma_semaphore, #tpu.memory_space<semaphore_mem>>) src(%dma_wait3A_627 : memref<125x128xf32, #tpu.memory_space<vmem>>) dst(%dma_wait3A_623 : memref<125x128xf32, #tpu.memory_space<vmem_shared>>)
      tpu.yield
    }) : () -> ()
    %add3A_69 = arith.constant 64 : i32
    %add3A_70 = arith.addi %arg1, %add3A_69 : i32
    %min3A_71 = arith.constant 79 : i32
    %min3A_72 = arith.minsi %add3A_70, %min3A_71 : i32
    %mul3A_73 = arith.constant 125 : i32
    %mul3A_74 = arith.muli %min3A_72, %mul3A_73 : i32
    %run_scoped3A_75 = arith.constant 0 : i32
    "tpu.region"() ({
      %run_scoped3A_603 = tpu.sem_alloc : memref<!tpu.dma_semaphore, #tpu.memory_space<semaphore_mem>>
      %dma_start3A_604 = arith.constant 0 : i32
      %dma_start3A_605 = arith.constant 0 : i32
      %dma_start3A_606 = tpu.memref_slice %arg12[%run_scoped3A_75, %dma_start3A_604, %dma_start3A_605] : memref<2x125x128xf32, #tpu.memory_space<vmem>> -> memref<1x125x128xf32, #tpu.memory_space<vmem>>
      %dma_start3A_607 = tpu.memref_squeeze %dma_start3A_606 : memref<1x125x128xf32, #tpu.memory_space<vmem>> -> memref<125x128xf32, #tpu.memory_space<vmem>>
      %dma_start3A_608 = arith.constant 0 : i32
      %dma_start3A_609 = tpu.memref_slice %arg9[%mul3A_74, %dma_start3A_608] : memref<10000x128xf32, #tpu.memory_space<vmem_shared>> -> memref<125x128xf32, #tpu.memory_space<vmem_shared>>
      %dma_start3A_610 = arith.constant 0 : i32
      %dma_start3A_611 = tpu.memref_slice %arg9[%mul3A_74, %dma_start3A_610] : memref<10000x128xf32, #tpu.memory_space<vmem_shared>> -> memref<125x128xf32, #tpu.memory_space<vmem_shared>>
      %dma_start3A_612 = arith.constant 0 : i32
      %dma_start3A_613 = arith.constant 0 : i32
      %dma_start3A_614 = tpu.memref_slice %arg12[%run_scoped3A_75, %dma_start3A_612, %dma_start3A_613] : memref<2x125x128xf32, #tpu.memory_space<vmem>> -> memref<1x125x128xf32, #tpu.memory_space<vmem>>
      %dma_start3A_615 = tpu.memref_squeeze %dma_start3A_614 : memref<1x125x128xf32, #tpu.memory_space<vmem>> -> memref<125x128xf32, #tpu.memory_space<vmem>>
      tpu.enqueue_dma source(%dma_start3A_615 : memref<125x128xf32, #tpu.memory_space<vmem>>) target(%dma_start3A_611 : memref<125x128xf32, #tpu.memory_space<vmem_shared>>) target_semaphore(%run_scoped3A_603 : memref<!tpu.dma_semaphore, #tpu.memory_space<semaphore_mem>>)
      %dma_wait3A_616 = arith.constant 0 : i32
      %dma_wait3A_617 = arith.constant 0 : i32
      %dma_wait3A_618 = tpu.memref_slice %arg12[%run_scoped3A_75, %dma_wait3A_616, %dma_wait3A_617] : memref<2x125x128xf32, #tpu.memory_space<vmem>> -> memref<1x125x128xf32, #tpu.memory_space<vmem>>
      %dma_wait3A_619 = tpu.memref_squeeze %dma_wait3A_618 : memref<1x125x128xf32, #tpu.memory_space<vmem>> -> memref<125x128xf32, #tpu.memory_space<vmem>>
      %dma_wait3A_620 = arith.constant 0 : i32
      %dma_wait3A_621 = tpu.memref_slice %arg9[%mul3A_74, %dma_wait3A_620] : memref<10000x128xf32, #tpu.memory_space<vmem_shared>> -> memref<125x128xf32, #tpu.memory_space<vmem_shared>>
      %dma_wait3A_622 = arith.constant 0 : i32
      %dma_wait3A_623 = tpu.memref_slice %arg9[%mul3A_74, %dma_wait3A_622] : memref<10000x128xf32, #tpu.memory_space<vmem_shared>> -> memref<125x128xf32, #tpu.memory_space<vmem_shared>>
      %dma_wait3A_624 = arith.constant 0 : i32
      %dma_wait3A_625 = arith.constant 0 : i32
      %dma_wait3A_626 = tpu.memref_slice %arg12[%run_scoped3A_75, %dma_wait3A_624, %dma_wait3A_625] : memref<2x125x128xf32, #tpu.memory_space<vmem>> -> memref<1x125x128xf32, #tpu.memory_space<vmem>>
      %dma_wait3A_627 = tpu.memref_squeeze %dma_wait3A_626 : memref<1x125x128xf32, #tpu.memory_space<vmem>> -> memref<125x128xf32, #tpu.memory_space<vmem>>
      tpu.wait_dma2 semaphore(%run_scoped3A_603 : memref<!tpu.dma_semaphore, #tpu.memory_space<semaphore_mem>>) src(%dma_wait3A_627 : memref<125x128xf32, #tpu.memory_space<vmem>>) dst(%dma_wait3A_623 : memref<125x128xf32, #tpu.memory_space<vmem_shared>>)
      tpu.yield
    }) : () -> ()
    %barrier3A = arith.constant 0 : index
    tpu.barrier barrier_id(%barrier3A)
    %dma_wait3A = arith.constant 0 : i32
    %dma_wait3A_76 = arith.constant 0 : i32
    %dma_wait3A_77 = arith.constant 2 : i32
    %dma_wait3A_78 = arith.constant 0 : i32
    %dma_wait3A_79 = arith.constant 0 : i32
    %dma_wait3A_80 = tpu.memref_slice %arg10[%dma_wait3A_76, %dma_wait3A_78, %dma_wait3A_79] : memref<2x16x125xi32, #tpu.memory_space<vmem>> -> memref<1x16x125xi32, #tpu.memory_space<vmem>>
    %dma_wait3A_81 = tpu.memref_squeeze %dma_wait3A_80 : memref<1x16x125xi32, #tpu.memory_space<vmem>> -> memref<16x125xi32, #tpu.memory_space<vmem>>
    %dma_wait3A_82 = arith.constant 0 : i32
    %dma_wait3A_83 = arith.constant 0 : i32
    %dma_wait3A_84 = tpu.memref_slice %arg3[%add3A, %dma_wait3A, %dma_wait3A_82, %dma_wait3A_83] : memref<32x5x16x125xi32, #tpu.memory_space<hbm>> -> memref<1x1x16x125xi32, #tpu.memory_space<hbm>>
    %dma_wait3A_85 = tpu.memref_squeeze %dma_wait3A_84 : memref<1x1x16x125xi32, #tpu.memory_space<hbm>> -> memref<16x125xi32, #tpu.memory_space<hbm>>
    %dma_wait3A_86 = tpu.memref_slice %arg13[%dma_wait3A_77] : memref<4x!tpu.dma_semaphore, #tpu.memory_space<semaphore_mem>> -> memref<1x!tpu.dma_semaphore, #tpu.memory_space<semaphore_mem>>
    %dma_wait3A_87 = tpu.memref_squeeze %dma_wait3A_86 : memref<1x!tpu.dma_semaphore, #tpu.memory_space<semaphore_mem>> -> memref<!tpu.dma_semaphore, #tpu.memory_space<semaphore_mem>>
    %dma_wait3A_88 = arith.constant 0 : i32
    %dma_wait3A_89 = arith.constant 0 : i32
    %dma_wait3A_90 = tpu.memref_slice %arg10[%dma_wait3A_76, %dma_wait3A_88, %dma_wait3A_89] : memref<2x16x125xi32, #tpu.memory_space<vmem>> -> memref<1x16x125xi32, #tpu.memory_space<vmem>>
    %dma_wait3A_91 = tpu.memref_squeeze %dma_wait3A_90 : memref<1x16x125xi32, #tpu.memory_space<vmem>> -> memref<16x125xi32, #tpu.memory_space<vmem>>
    %dma_wait3A_92 = arith.constant 0 : i32
    %dma_wait3A_93 = arith.constant 0 : i32
    %dma_wait3A_94 = tpu.memref_slice %arg3[%add3A, %dma_wait3A, %dma_wait3A_92, %dma_wait3A_93] : memref<32x5x16x125xi32, #tpu.memory_space<hbm>> -> memref<1x1x16x125xi32, #tpu.memory_space<hbm>>
    %dma_wait3A_95 = tpu.memref_squeeze %dma_wait3A_94 : memref<1x1x16x125xi32, #tpu.memory_space<hbm>> -> memref<16x125xi32, #tpu.memory_space<hbm>>
    tpu.wait_dma2 semaphore(%dma_wait3A_87 : memref<!tpu.dma_semaphore, #tpu.memory_space<semaphore_mem>>) src(%dma_wait3A_95 : memref<16x125xi32, #tpu.memory_space<hbm>>) dst(%dma_wait3A_91 : memref<16x125xi32, #tpu.memory_space<vmem>>)
    %dma_wait3A_96 = arith.constant 0 : i32
    %dma_wait3A_97 = arith.constant 0 : i32
    %dma_wait3A_98 = arith.constant 3 : i32
    %dma_wait3A_99 = arith.constant 0 : i32
    %dma_wait3A_100 = arith.constant 0 : i32
    %dma_wait3A_101 = tpu.memref_slice %arg11[%dma_wait3A_97, %dma_wait3A_99, %dma_wait3A_100] : memref<2x16x125xi32, #tpu.memory_space<vmem>> -> memref<1x16x125xi32, #tpu.memory_space<vmem>>
    %dma_wait3A_102 = tpu.memref_squeeze %dma_wait3A_101 : memref<1x16x125xi32, #tpu.memory_space<vmem>> -> memref<16x125xi32, #tpu.memory_space<vmem>>
    %dma_wait3A_103 = arith.constant 0 : i32
    %dma_wait3A_104 = arith.constant 0 : i32
    %dma_wait3A_105 = tpu.memref_slice %arg4[%add3A, %dma_wait3A_96, %dma_wait3A_103, %dma_wait3A_104] : memref<32x5x16x125xi32, #tpu.memory_space<hbm>> -> memref<1x1x16x125xi32, #tpu.memory_space<hbm>>
    %dma_wait3A_106 = tpu.memref_squeeze %dma_wait3A_105 : memref<1x1x16x125xi32, #tpu.memory_space<hbm>> -> memref<16x125xi32, #tpu.memory_space<hbm>>
    %dma_wait3A_107 = tpu.memref_slice %arg13[%dma_wait3A_98] : memref<4x!tpu.dma_semaphore, #tpu.memory_space<semaphore_mem>> -> memref<1x!tpu.dma_semaphore, #tpu.memory_space<semaphore_mem>>
    %dma_wait3A_108 = tpu.memref_squeeze %dma_wait3A_107 : memref<1x!tpu.dma_semaphore, #tpu.memory_space<semaphore_mem>> -> memref<!tpu.dma_semaphore, #tpu.memory_space<semaphore_mem>>
    %dma_wait3A_109 = arith.constant 0 : i32
    %dma_wait3A_110 = arith.constant 0 : i32
    %dma_wait3A_111 = tpu.memref_slice %arg11[%dma_wait3A_97, %dma_wait3A_109, %dma_wait3A_110] : memref<2x16x125xi32, #tpu.memory_space<vmem>> -> memref<1x16x125xi32, #tpu.memory_space<vmem>>
    %dma_wait3A_112 = tpu.memref_squeeze %dma_wait3A_111 : memref<1x16x125xi32, #tpu.memory_space<vmem>> -> memref<16x125xi32, #tpu.memory_space<vmem>>
    %dma_wait3A_113 = arith.constant 0 : i32
    %dma_wait3A_114 = arith.constant 0 : i32
    %dma_wait3A_115 = tpu.memref_slice %arg4[%add3A, %dma_wait3A_96, %dma_wait3A_113, %dma_wait3A_114] : memref<32x5x16x125xi32, #tpu.memory_space<hbm>> -> memref<1x1x16x125xi32, #tpu.memory_space<hbm>>
    %dma_wait3A_116 = tpu.memref_squeeze %dma_wait3A_115 : memref<1x1x16x125xi32, #tpu.memory_space<hbm>> -> memref<16x125xi32, #tpu.memory_space<hbm>>
    tpu.wait_dma2 semaphore(%dma_wait3A_108 : memref<!tpu.dma_semaphore, #tpu.memory_space<semaphore_mem>>) src(%dma_wait3A_116 : memref<16x125xi32, #tpu.memory_space<hbm>>) dst(%dma_wait3A_112 : memref<16x125xi32, #tpu.memory_space<vmem>>)
    %dma_start3A_117 = arith.constant 1 : i32
    %dma_start3A_118 = arith.constant 1 : i32
    %dma_start3A_119 = arith.constant 2 : i32
    %dma_start3A_120 = arith.constant 0 : i32
    %dma_start3A_121 = arith.constant 0 : i32
    %dma_start3A_122 = tpu.memref_slice %arg10[%dma_start3A_118, %dma_start3A_120, %dma_start3A_121] : memref<2x16x125xi32, #tpu.memory_space<vmem>> -> memref<1x16x125xi32, #tpu.memory_space<vmem>>
    %dma_start3A_123 = tpu.memref_squeeze %dma_start3A_122 : memref<1x16x125xi32, #tpu.memory_space<vmem>> -> memref<16x125xi32, #tpu.memory_space<vmem>>
    %dma_start3A_124 = arith.constant 0 : i32
    %dma_start3A_125 = arith.constant 0 : i32
    %dma_start3A_126 = tpu.memref_slice %arg3[%add3A, %dma_start3A_117, %dma_start3A_124, %dma_start3A_125] : memref<32x5x16x125xi32, #tpu.memory_space<hbm>> -> memref<1x1x16x125xi32, #tpu.memory_space<hbm>>
    %dma_start3A_127 = tpu.memref_squeeze %dma_start3A_126 : memref<1x1x16x125xi32, #tpu.memory_space<hbm>> -> memref<16x125xi32, #tpu.memory_space<hbm>>
    %dma_start3A_128 = tpu.memref_slice %arg13[%dma_start3A_119] : memref<4x!tpu.dma_semaphore, #tpu.memory_space<semaphore_mem>> -> memref<1x!tpu.dma_semaphore, #tpu.memory_space<semaphore_mem>>
    %dma_start3A_129 = tpu.memref_squeeze %dma_start3A_128 : memref<1x!tpu.dma_semaphore, #tpu.memory_space<semaphore_mem>> -> memref<!tpu.dma_semaphore, #tpu.memory_space<semaphore_mem>>
    %dma_start3A_130 = arith.constant 0 : i32
    %dma_start3A_131 = arith.constant 0 : i32
    %dma_start3A_132 = tpu.memref_slice %arg10[%dma_start3A_118, %dma_start3A_130, %dma_start3A_131] : memref<2x16x125xi32, #tpu.memory_space<vmem>> -> memref<1x16x125xi32, #tpu.memory_space<vmem>>
    %dma_start3A_133 = tpu.memref_squeeze %dma_start3A_132 : memref<1x16x125xi32, #tpu.memory_space<vmem>> -> memref<16x125xi32, #tpu.memory_space<vmem>>
    %dma_start3A_134 = arith.constant 0 : i32
    %dma_start3A_135 = arith.constant 0 : i32
    %dma_start3A_136 = tpu.memref_slice %arg3[%add3A, %dma_start3A_117, %dma_start3A_134, %dma_start3A_135] : memref<32x5x16x125xi32, #tpu.memory_space<hbm>> -> memref<1x1x16x125xi32, #tpu.memory_space<hbm>>
    %dma_start3A_137 = tpu.memref_squeeze %dma_start3A_136 : memref<1x1x16x125xi32, #tpu.memory_space<hbm>> -> memref<16x125xi32, #tpu.memory_space<hbm>>
    tpu.enqueue_dma source(%dma_start3A_137 : memref<16x125xi32, #tpu.memory_space<hbm>>) target(%dma_start3A_133 : memref<16x125xi32, #tpu.memory_space<vmem>>) target_semaphore(%dma_start3A_129 : memref<!tpu.dma_semaphore, #tpu.memory_space<semaphore_mem>>)
    %dma_start3A_138 = arith.constant 1 : i32
    %dma_start3A_139 = arith.constant 1 : i32
    %dma_start3A_140 = arith.constant 3 : i32
    %dma_start3A_141 = arith.constant 0 : i32
    %dma_start3A_142 = arith.constant 0 : i32
    %dma_start3A_143 = tpu.memref_slice %arg11[%dma_start3A_139, %dma_start3A_141, %dma_start3A_142] : memref<2x16x125xi32, #tpu.memory_space<vmem>> -> memref<1x16x125xi32, #tpu.memory_space<vmem>>
    %dma_start3A_144 = tpu.memref_squeeze %dma_start3A_143 : memref<1x16x125xi32, #tpu.memory_space<vmem>> -> memref<16x125xi32, #tpu.memory_space<vmem>>
    %dma_start3A_145 = arith.constant 0 : i32
    %dma_start3A_146 = arith.constant 0 : i32
    %dma_start3A_147 = tpu.memref_slice %arg4[%add3A, %dma_start3A_138, %dma_start3A_145, %dma_start3A_146] : memref<32x5x16x125xi32, #tpu.memory_space<hbm>> -> memref<1x1x16x125xi32, #tpu.memory_space<hbm>>
    %dma_start3A_148 = tpu.memref_squeeze %dma_start3A_147 : memref<1x1x16x125xi32, #tpu.memory_space<hbm>> -> memref<16x125xi32, #tpu.memory_space<hbm>>
    %dma_start3A_149 = tpu.memref_slice %arg13[%dma_start3A_140] : memref<4x!tpu.dma_semaphore, #tpu.memory_space<semaphore_mem>> -> memref<1x!tpu.dma_semaphore, #tpu.memory_space<semaphore_mem>>
    %dma_start3A_150 = tpu.memref_squeeze %dma_start3A_149 : memref<1x!tpu.dma_semaphore, #tpu.memory_space<semaphore_mem>> -> memref<!tpu.dma_semaphore, #tpu.memory_space<semaphore_mem>>
    %dma_start3A_151 = arith.constant 0 : i32
    %dma_start3A_152 = arith.constant 0 : i32
    %dma_start3A_153 = tpu.memref_slice %arg11[%dma_start3A_139, %dma_start3A_151, %dma_start3A_152] : memref<2x16x125xi32, #tpu.memory_space<vmem>> -> memref<1x16x125xi32, #tpu.memory_space<vmem>>
    %dma_start3A_154 = tpu.memref_squeeze %dma_start3A_153 : memref<1x16x125xi32, #tpu.memory_space<vmem>> -> memref<16x125xi32, #tpu.memory_space<vmem>>
    %dma_start3A_155 = arith.constant 0 : i32
    %dma_start3A_156 = arith.constant 0 : i32
    %dma_start3A_157 = tpu.memref_slice %arg4[%add3A, %dma_start3A_138, %dma_start3A_155, %dma_start3A_156] : memref<32x5x16x125xi32, #tpu.memory_space<hbm>> -> memref<1x1x16x125xi32, #tpu.memory_space<hbm>>
    %dma_start3A_158 = tpu.memref_squeeze %dma_start3A_157 : memref<1x1x16x125xi32, #tpu.memory_space<hbm>> -> memref<16x125xi32, #tpu.memory_space<hbm>>
    tpu.enqueue_dma source(%dma_start3A_158 : memref<16x125xi32, #tpu.memory_space<hbm>>) target(%dma_start3A_154 : memref<16x125xi32, #tpu.memory_space<vmem>>) target_semaphore(%dma_start3A_150 : memref<!tpu.dma_semaphore, #tpu.memory_space<semaphore_mem>>)
    %dma_start3A_159 = arith.constant 0 : i32
    %dma_start3A_160 = arith.constant 0 : i32
    %dma_start3A_161 = arith.constant 0 : i32
    %dma_start3A_162 = arith.constant 0 : i32
    %dma_start3A_163 = arith.constant 0 : i32
    %dma_start3A_164 = arith.constant 0 : i32
    %dma_start3A_165 = tpu.memref_slice %arg12[%dma_start3A_161, %dma_start3A_163, %dma_start3A_164] : memref<2x125x128xf32, #tpu.memory_space<vmem>> -> memref<1x125x128xf32, #tpu.memory_space<vmem>>
    %dma_start3A_166 = tpu.memref_squeeze %dma_start3A_165 : memref<1x125x128xf32, #tpu.memory_space<vmem>> -> memref<125x128xf32, #tpu.memory_space<vmem>>
    %dma_start3A_167 = arith.constant 0 : i32
    %dma_start3A_168 = tpu.memref_slice %arg10[%dma_start3A_159, %dma_start3A_160, %dma_start3A_167] : memref<2x16x125xi32, #tpu.memory_space<vmem>> -> memref<1x1x125xi32, #tpu.memory_space<vmem>>
    %dma_start3A_169 = tpu.memref_squeeze %dma_start3A_168 : memref<1x1x125xi32, #tpu.memory_space<vmem>> -> memref<125xi32, #tpu.memory_space<vmem>>
    %dma_start3A_170 = arith.constant 0 : i32
    %dma_start3A_171 = arith.constant 0 : i32
    %dma_start3A_172 = tpu.memref_slice %arg2[%dma_start3A_170, %dma_start3A_171] : memref<10000x128xf32, #tpu.memory_space<hbm>> -> memref<10000x128xf32, #tpu.memory_space<hbm>>
    %dma_start3A_173 = tpu.memref_slice %arg13[%dma_start3A_162] : memref<4x!tpu.dma_semaphore, #tpu.memory_space<semaphore_mem>> -> memref<1x!tpu.dma_semaphore, #tpu.memory_space<semaphore_mem>>
    %dma_start3A_174 = tpu.memref_squeeze %dma_start3A_173 : memref<1x!tpu.dma_semaphore, #tpu.memory_space<semaphore_mem>> -> memref<!tpu.dma_semaphore, #tpu.memory_space<semaphore_mem>>
    tpu.enqueue_indirect_dma source(%dma_start3A_172 : memref<10000x128xf32, #tpu.memory_space<hbm>>) target(%dma_start3A_166 : memref<125x128xf32, #tpu.memory_space<vmem>>) offsets(%dma_start3A_169 : memref<125xi32, #tpu.memory_space<vmem>>) semaphore(%dma_start3A_174 : memref<!tpu.dma_semaphore, #tpu.memory_space<semaphore_mem>>)
    %scan3A = arith.constant 0 : i32
    %scan3A_175 = arith.constant 0 : i32
    %scan3A_176 = arith.constant 16 : i32
    %scan3A_177 = arith.addi %scan3A_175, %scan3A_176 : i32
    %scan3A_178 = arith.constant 1 : i32
    scf.for %scan3A_603 = %scan3A_175 to %scan3A_177 step %scan3A_178  : i32 {
      %rem3A = arith.constant 2 : i32
      %rem3A_604 = arith.remsi %scan3A_603, %rem3A : i32
      %add3A_605 = arith.constant 1 : i32
      %add3A_606 = arith.addi %scan3A_603, %add3A_605 : i32
      %rem3A_607 = arith.constant 2 : i32
      %rem3A_608 = arith.remsi %add3A_606, %rem3A_607 : i32
      %add3A_609 = arith.constant 1 : i32
      %add3A_610 = arith.addi %scan3A_603, %add3A_609 : i32
      %lt3A = arith.constant 16 : i32
      %lt3A_611 = arith.cmpi slt, %add3A_610, %lt3A : i32
      %convert_element_type3A = arith.extui %lt3A_611 : i1 to i32
      %cond3A = arith.constant 0 : i32
      %cond3A_612 = arith.cmpi ne, %convert_element_type3A, %cond3A : i32
      scf.if %cond3A_612 {
        %add3A_627 = arith.constant 1 : i32
        %add3A_628 = arith.addi %scan3A_603, %add3A_627 : i32
        %dma_start3A_629 = arith.constant 0 : i32
        %dma_start3A_630 = arith.constant 0 : i32
        %dma_start3A_631 = arith.constant 0 : i32
        %dma_start3A_632 = tpu.memref_slice %arg12[%rem3A_608, %dma_start3A_630, %dma_start3A_631] : memref<2x125x128xf32, #tpu.memory_space<vmem>> -> memref<1x125x128xf32, #tpu.memory_space<vmem>>
        %dma_start3A_633 = tpu.memref_squeeze %dma_start3A_632 : memref<1x125x128xf32, #tpu.memory_space<vmem>> -> memref<125x128xf32, #tpu.memory_space<vmem>>
        %dma_start3A_634 = arith.constant 0 : i32
        %dma_start3A_635 = tpu.memref_slice %arg10[%dma_start3A_629, %add3A_628, %dma_start3A_634] : memref<2x16x125xi32, #tpu.memory_space<vmem>> -> memref<1x1x125xi32, #tpu.memory_space<vmem>>
        %dma_start3A_636 = tpu.memref_squeeze %dma_start3A_635 : memref<1x1x125xi32, #tpu.memory_space<vmem>> -> memref<125xi32, #tpu.memory_space<vmem>>
        %dma_start3A_637 = arith.constant 0 : i32
        %dma_start3A_638 = arith.constant 0 : i32
        %dma_start3A_639 = tpu.memref_slice %arg2[%dma_start3A_637, %dma_start3A_638] : memref<10000x128xf32, #tpu.memory_space<hbm>> -> memref<10000x128xf32, #tpu.memory_space<hbm>>
        %dma_start3A_640 = tpu.memref_slice %arg13[%rem3A_608] : memref<4x!tpu.dma_semaphore, #tpu.memory_space<semaphore_mem>> -> memref<1x!tpu.dma_semaphore, #tpu.memory_space<semaphore_mem>>
        %dma_start3A_641 = tpu.memref_squeeze %dma_start3A_640 : memref<1x!tpu.dma_semaphore, #tpu.memory_space<semaphore_mem>> -> memref<!tpu.dma_semaphore, #tpu.memory_space<semaphore_mem>>
        tpu.enqueue_indirect_dma source(%dma_start3A_639 : memref<10000x128xf32, #tpu.memory_space<hbm>>) target(%dma_start3A_633 : memref<125x128xf32, #tpu.memory_space<vmem>>) offsets(%dma_start3A_636 : memref<125xi32, #tpu.memory_space<vmem>>) semaphore(%dma_start3A_641 : memref<!tpu.dma_semaphore, #tpu.memory_space<semaphore_mem>>)
      } else {
      }
      %dma_wait3A_613 = arith.constant 0 : i32
      %dma_wait3A_614 = arith.constant 0 : i32
      %dma_wait3A_615 = arith.constant 0 : i32
      %dma_wait3A_616 = tpu.memref_slice %arg12[%rem3A_604, %dma_wait3A_614, %dma_wait3A_615] : memref<2x125x128xf32, #tpu.memory_space<vmem>> -> memref<1x125x128xf32, #tpu.memory_space<vmem>>
      %dma_wait3A_617 = tpu.memref_squeeze %dma_wait3A_616 : memref<1x125x128xf32, #tpu.memory_space<vmem>> -> memref<125x128xf32, #tpu.memory_space<vmem>>
      %dma_wait3A_618 = arith.constant 0 : i32
      %dma_wait3A_619 = tpu.memref_slice %arg10[%dma_wait3A_613, %scan3A_603, %dma_wait3A_618] : memref<2x16x125xi32, #tpu.memory_space<vmem>> -> memref<1x1x125xi32, #tpu.memory_space<vmem>>
      %dma_wait3A_620 = tpu.memref_squeeze %dma_wait3A_619 : memref<1x1x125xi32, #tpu.memory_space<vmem>> -> memref<125xi32, #tpu.memory_space<vmem>>
      %dma_wait3A_621 = arith.constant 0 : i32
      %dma_wait3A_622 = arith.constant 0 : i32
      %dma_wait3A_623 = tpu.memref_slice %arg2[%dma_wait3A_621, %dma_wait3A_622] : memref<10000x128xf32, #tpu.memory_space<hbm>> -> memref<10000x128xf32, #tpu.memory_space<hbm>>
      %dma_wait3A_624 = tpu.memref_slice %arg13[%rem3A_604] : memref<4x!tpu.dma_semaphore, #tpu.memory_space<semaphore_mem>> -> memref<1x!tpu.dma_semaphore, #tpu.memory_space<semaphore_mem>>
      %dma_wait3A_625 = tpu.memref_squeeze %dma_wait3A_624 : memref<1x!tpu.dma_semaphore, #tpu.memory_space<semaphore_mem>> -> memref<!tpu.dma_semaphore, #tpu.memory_space<semaphore_mem>>
      tpu.wait_indirect_dma semaphore(%dma_wait3A_625 : memref<!tpu.dma_semaphore, #tpu.memory_space<semaphore_mem>>) src(%dma_wait3A_623 : memref<10000x128xf32, #tpu.memory_space<hbm>>) dst(%dma_wait3A_617 : memref<125x128xf32, #tpu.memory_space<vmem>>)
      %run_scoped3A_626 = arith.constant 0 : i32
      "tpu.region"() ({
        %run_scoped3A_627 = tpu.sem_alloc : memref<!tpu.dma_semaphore, #tpu.memory_space<semaphore_mem>>
        %dma_start3A_628 = arith.constant 0 : i32
        %dma_start3A_629 = arith.constant 0 : i32
        %dma_start3A_630 = tpu.memref_slice %arg12[%rem3A_604, %dma_start3A_628, %dma_start3A_629] : memref<2x125x128xf32, #tpu.memory_space<vmem>> -> memref<1x125x128xf32, #tpu.memory_space<vmem>>
        %dma_start3A_631 = tpu.memref_squeeze %dma_start3A_630 : memref<1x125x128xf32, #tpu.memory_space<vmem>> -> memref<125x128xf32, #tpu.memory_space<vmem>>
        %dma_start3A_632 = arith.constant 0 : i32
        %dma_start3A_633 = tpu.memref_slice %arg11[%run_scoped3A_626, %scan3A_603, %dma_start3A_632] : memref<2x16x125xi32, #tpu.memory_space<vmem>> -> memref<1x1x125xi32, #tpu.memory_space<vmem>>
        %dma_start3A_634 = tpu.memref_squeeze %dma_start3A_633 : memref<1x1x125xi32, #tpu.memory_space<vmem>> -> memref<125xi32, #tpu.memory_space<vmem>>
        %dma_start3A_635 = arith.constant 0 : i32
        %dma_start3A_636 = arith.constant 0 : i32
        %dma_start3A_637 = tpu.memref_slice %arg9[%dma_start3A_635, %dma_start3A_636] : memref<10000x128xf32, #tpu.memory_space<vmem_shared>> -> memref<10000x128xf32, #tpu.memory_space<vmem_shared>>
        tpu.enqueue_indirect_dma source(%dma_start3A_631 : memref<125x128xf32, #tpu.memory_space<vmem>>) target(%dma_start3A_637 : memref<10000x128xf32, #tpu.memory_space<vmem_shared>>) offsets(%dma_start3A_634 : memref<125xi32, #tpu.memory_space<vmem>>) semaphore(%run_scoped3A_627 : memref<!tpu.dma_semaphore, #tpu.memory_space<semaphore_mem>>) {add = true}
        %dma_wait3A_638 = arith.constant 0 : i32
        %dma_wait3A_639 = arith.constant 0 : i32
        %dma_wait3A_640 = tpu.memref_slice %arg12[%rem3A_604, %dma_wait3A_638, %dma_wait3A_639] : memref<2x125x128xf32, #tpu.memory_space<vmem>> -> memref<1x125x128xf32, #tpu.memory_space<vmem>>
        %dma_wait3A_641 = tpu.memref_squeeze %dma_wait3A_640 : memref<1x125x128xf32, #tpu.memory_space<vmem>> -> memref<125x128xf32, #tpu.memory_space<vmem>>
        %dma_wait3A_642 = arith.constant 0 : i32
        %dma_wait3A_643 = tpu.memref_slice %arg11[%run_scoped3A_626, %scan3A_603, %dma_wait3A_642] : memref<2x16x125xi32, #tpu.memory_space<vmem>> -> memref<1x1x125xi32, #tpu.memory_space<vmem>>
        %dma_wait3A_644 = tpu.memref_squeeze %dma_wait3A_643 : memref<1x1x125xi32, #tpu.memory_space<vmem>> -> memref<125xi32, #tpu.memory_space<vmem>>
        %dma_wait3A_645 = arith.constant 0 : i32
        %dma_wait3A_646 = arith.constant 0 : i32
        %dma_wait3A_647 = tpu.memref_slice %arg9[%dma_wait3A_645, %dma_wait3A_646] : memref<10000x128xf32, #tpu.memory_space<vmem_shared>> -> memref<10000x128xf32, #tpu.memory_space<vmem_shared>>
        tpu.wait_indirect_dma semaphore(%run_scoped3A_627 : memref<!tpu.dma_semaphore, #tpu.memory_space<semaphore_mem>>) src(%dma_wait3A_641 : memref<125x128xf32, #tpu.memory_space<vmem>>) dst(%dma_wait3A_647 : memref<10000x128xf32, #tpu.memory_space<vmem_shared>>)
        tpu.yield
      }) : () -> ()
    }
    %scan3A_179 = arith.constant 16 : i32
    %dma_wait3A_180 = arith.constant 1 : i32
    %dma_wait3A_181 = arith.constant 1 : i32
    %dma_wait3A_182 = arith.constant 2 : i32
    %dma_wait3A_183 = arith.constant 0 : i32
    %dma_wait3A_184 = arith.constant 0 : i32
    %dma_wait3A_185 = tpu.memref_slice %arg10[%dma_wait3A_181, %dma_wait3A_183, %dma_wait3A_184] : memref<2x16x125xi32, #tpu.memory_space<vmem>> -> memref<1x16x125xi32, #tpu.memory_space<vmem>>
    %dma_wait3A_186 = tpu.memref_squeeze %dma_wait3A_185 : memref<1x16x125xi32, #tpu.memory_space<vmem>> -> memref<16x125xi32, #tpu.memory_space<vmem>>
    %dma_wait3A_187 = arith.constant 0 : i32
    %dma_wait3A_188 = arith.constant 0 : i32
    %dma_wait3A_189 = tpu.memref_slice %arg3[%add3A, %dma_wait3A_180, %dma_wait3A_187, %dma_wait3A_188] : memref<32x5x16x125xi32, #tpu.memory_space<hbm>> -> memref<1x1x16x125xi32, #tpu.memory_space<hbm>>
    %dma_wait3A_190 = tpu.memref_squeeze %dma_wait3A_189 : memref<1x1x16x125xi32, #tpu.memory_space<hbm>> -> memref<16x125xi32, #tpu.memory_space<hbm>>
    %dma_wait3A_191 = tpu.memref_slice %arg13[%dma_wait3A_182] : memref<4x!tpu.dma_semaphore, #tpu.memory_space<semaphore_mem>> -> memref<1x!tpu.dma_semaphore, #tpu.memory_space<semaphore_mem>>
    %dma_wait3A_192 = tpu.memref_squeeze %dma_wait3A_191 : memref<1x!tpu.dma_semaphore, #tpu.memory_space<semaphore_mem>> -> memref<!tpu.dma_semaphore, #tpu.memory_space<semaphore_mem>>
    %dma_wait3A_193 = arith.constant 0 : i32
    %dma_wait3A_194 = arith.constant 0 : i32
    %dma_wait3A_195 = tpu.memref_slice %arg10[%dma_wait3A_181, %dma_wait3A_193, %dma_wait3A_194] : memref<2x16x125xi32, #tpu.memory_space<vmem>> -> memref<1x16x125xi32, #tpu.memory_space<vmem>>
    %dma_wait3A_196 = tpu.memref_squeeze %dma_wait3A_195 : memref<1x16x125xi32, #tpu.memory_space<vmem>> -> memref<16x125xi32, #tpu.memory_space<vmem>>
    %dma_wait3A_197 = arith.constant 0 : i32
    %dma_wait3A_198 = arith.constant 0 : i32
    %dma_wait3A_199 = tpu.memref_slice %arg3[%add3A, %dma_wait3A_180, %dma_wait3A_197, %dma_wait3A_198] : memref<32x5x16x125xi32, #tpu.memory_space<hbm>> -> memref<1x1x16x125xi32, #tpu.memory_space<hbm>>
    %dma_wait3A_200 = tpu.memref_squeeze %dma_wait3A_199 : memref<1x1x16x125xi32, #tpu.memory_space<hbm>> -> memref<16x125xi32, #tpu.memory_space<hbm>>
    tpu.wait_dma2 semaphore(%dma_wait3A_192 : memref<!tpu.dma_semaphore, #tpu.memory_space<semaphore_mem>>) src(%dma_wait3A_200 : memref<16x125xi32, #tpu.memory_space<hbm>>) dst(%dma_wait3A_196 : memref<16x125xi32, #tpu.memory_space<vmem>>)
    %dma_wait3A_201 = arith.constant 1 : i32
    %dma_wait3A_202 = arith.constant 1 : i32
    %dma_wait3A_203 = arith.constant 3 : i32
    %dma_wait3A_204 = arith.constant 0 : i32
    %dma_wait3A_205 = arith.constant 0 : i32
    %dma_wait3A_206 = tpu.memref_slice %arg11[%dma_wait3A_202, %dma_wait3A_204, %dma_wait3A_205] : memref<2x16x125xi32, #tpu.memory_space<vmem>> -> memref<1x16x125xi32, #tpu.memory_space<vmem>>
    %dma_wait3A_207 = tpu.memref_squeeze %dma_wait3A_206 : memref<1x16x125xi32, #tpu.memory_space<vmem>> -> memref<16x125xi32, #tpu.memory_space<vmem>>
    %dma_wait3A_208 = arith.constant 0 : i32
    %dma_wait3A_209 = arith.constant 0 : i32
    %dma_wait3A_210 = tpu.memref_slice %arg4[%add3A, %dma_wait3A_201, %dma_wait3A_208, %dma_wait3A_209] : memref<32x5x16x125xi32, #tpu.memory_space<hbm>> -> memref<1x1x16x125xi32, #tpu.memory_space<hbm>>
    %dma_wait3A_211 = tpu.memref_squeeze %dma_wait3A_210 : memref<1x1x16x125xi32, #tpu.memory_space<hbm>> -> memref<16x125xi32, #tpu.memory_space<hbm>>
    %dma_wait3A_212 = tpu.memref_slice %arg13[%dma_wait3A_203] : memref<4x!tpu.dma_semaphore, #tpu.memory_space<semaphore_mem>> -> memref<1x!tpu.dma_semaphore, #tpu.memory_space<semaphore_mem>>
    %dma_wait3A_213 = tpu.memref_squeeze %dma_wait3A_212 : memref<1x!tpu.dma_semaphore, #tpu.memory_space<semaphore_mem>> -> memref<!tpu.dma_semaphore, #tpu.memory_space<semaphore_mem>>
    %dma_wait3A_214 = arith.constant 0 : i32
    %dma_wait3A_215 = arith.constant 0 : i32
    %dma_wait3A_216 = tpu.memref_slice %arg11[%dma_wait3A_202, %dma_wait3A_214, %dma_wait3A_215] : memref<2x16x125xi32, #tpu.memory_space<vmem>> -> memref<1x16x125xi32, #tpu.memory_space<vmem>>
    %dma_wait3A_217 = tpu.memref_squeeze %dma_wait3A_216 : memref<1x16x125xi32, #tpu.memory_space<vmem>> -> memref<16x125xi32, #tpu.memory_space<vmem>>
    %dma_wait3A_218 = arith.constant 0 : i32
    %dma_wait3A_219 = arith.constant 0 : i32
    %dma_wait3A_220 = tpu.memref_slice %arg4[%add3A, %dma_wait3A_201, %dma_wait3A_218, %dma_wait3A_219] : memref<32x5x16x125xi32, #tpu.memory_space<hbm>> -> memref<1x1x16x125xi32, #tpu.memory_space<hbm>>
    %dma_wait3A_221 = tpu.memref_squeeze %dma_wait3A_220 : memref<1x1x16x125xi32, #tpu.memory_space<hbm>> -> memref<16x125xi32, #tpu.memory_space<hbm>>
    tpu.wait_dma2 semaphore(%dma_wait3A_213 : memref<!tpu.dma_semaphore, #tpu.memory_space<semaphore_mem>>) src(%dma_wait3A_221 : memref<16x125xi32, #tpu.memory_space<hbm>>) dst(%dma_wait3A_217 : memref<16x125xi32, #tpu.memory_space<vmem>>)
    %dma_start3A_222 = arith.constant 2 : i32
    %dma_start3A_223 = arith.constant 0 : i32
    %dma_start3A_224 = arith.constant 2 : i32
    %dma_start3A_225 = arith.constant 0 : i32
    %dma_start3A_226 = arith.constant 0 : i32
    %dma_start3A_227 = tpu.memref_slice %arg10[%dma_start3A_223, %dma_start3A_225, %dma_start3A_226] : memref<2x16x125xi32, #tpu.memory_space<vmem>> -> memref<1x16x125xi32, #tpu.memory_space<vmem>>
    %dma_start3A_228 = tpu.memref_squeeze %dma_start3A_227 : memref<1x16x125xi32, #tpu.memory_space<vmem>> -> memref<16x125xi32, #tpu.memory_space<vmem>>
    %dma_start3A_229 = arith.constant 0 : i32
    %dma_start3A_230 = arith.constant 0 : i32
    %dma_start3A_231 = tpu.memref_slice %arg3[%add3A, %dma_start3A_222, %dma_start3A_229, %dma_start3A_230] : memref<32x5x16x125xi32, #tpu.memory_space<hbm>> -> memref<1x1x16x125xi32, #tpu.memory_space<hbm>>
    %dma_start3A_232 = tpu.memref_squeeze %dma_start3A_231 : memref<1x1x16x125xi32, #tpu.memory_space<hbm>> -> memref<16x125xi32, #tpu.memory_space<hbm>>
    %dma_start3A_233 = tpu.memref_slice %arg13[%dma_start3A_224] : memref<4x!tpu.dma_semaphore, #tpu.memory_space<semaphore_mem>> -> memref<1x!tpu.dma_semaphore, #tpu.memory_space<semaphore_mem>>
    %dma_start3A_234 = tpu.memref_squeeze %dma_start3A_233 : memref<1x!tpu.dma_semaphore, #tpu.memory_space<semaphore_mem>> -> memref<!tpu.dma_semaphore, #tpu.memory_space<semaphore_mem>>
    %dma_start3A_235 = arith.constant 0 : i32
    %dma_start3A_236 = arith.constant 0 : i32
    %dma_start3A_237 = tpu.memref_slice %arg10[%dma_start3A_223, %dma_start3A_235, %dma_start3A_236] : memref<2x16x125xi32, #tpu.memory_space<vmem>> -> memref<1x16x125xi32, #tpu.memory_space<vmem>>
    %dma_start3A_238 = tpu.memref_squeeze %dma_start3A_237 : memref<1x16x125xi32, #tpu.memory_space<vmem>> -> memref<16x125xi32, #tpu.memory_space<vmem>>
    %dma_start3A_239 = arith.constant 0 : i32
    %dma_start3A_240 = arith.constant 0 : i32
    %dma_start3A_241 = tpu.memref_slice %arg3[%add3A, %dma_start3A_222, %dma_start3A_239, %dma_start3A_240] : memref<32x5x16x125xi32, #tpu.memory_space<hbm>> -> memref<1x1x16x125xi32, #tpu.memory_space<hbm>>
    %dma_start3A_242 = tpu.memref_squeeze %dma_start3A_241 : memref<1x1x16x125xi32, #tpu.memory_space<hbm>> -> memref<16x125xi32, #tpu.memory_space<hbm>>
    tpu.enqueue_dma source(%dma_start3A_242 : memref<16x125xi32, #tpu.memory_space<hbm>>) target(%dma_start3A_238 : memref<16x125xi32, #tpu.memory_space<vmem>>) target_semaphore(%dma_start3A_234 : memref<!tpu.dma_semaphore, #tpu.memory_space<semaphore_mem>>)
    %dma_start3A_243 = arith.constant 2 : i32
    %dma_start3A_244 = arith.constant 0 : i32
    %dma_start3A_245 = arith.constant 3 : i32
    %dma_start3A_246 = arith.constant 0 : i32
    %dma_start3A_247 = arith.constant 0 : i32
    %dma_start3A_248 = tpu.memref_slice %arg11[%dma_start3A_244, %dma_start3A_246, %dma_start3A_247] : memref<2x16x125xi32, #tpu.memory_space<vmem>> -> memref<1x16x125xi32, #tpu.memory_space<vmem>>
    %dma_start3A_249 = tpu.memref_squeeze %dma_start3A_248 : memref<1x16x125xi32, #tpu.memory_space<vmem>> -> memref<16x125xi32, #tpu.memory_space<vmem>>
    %dma_start3A_250 = arith.constant 0 : i32
    %dma_start3A_251 = arith.constant 0 : i32
    %dma_start3A_252 = tpu.memref_slice %arg4[%add3A, %dma_start3A_243, %dma_start3A_250, %dma_start3A_251] : memref<32x5x16x125xi32, #tpu.memory_space<hbm>> -> memref<1x1x16x125xi32, #tpu.memory_space<hbm>>
    %dma_start3A_253 = tpu.memref_squeeze %dma_start3A_252 : memref<1x1x16x125xi32, #tpu.memory_space<hbm>> -> memref<16x125xi32, #tpu.memory_space<hbm>>
    %dma_start3A_254 = tpu.memref_slice %arg13[%dma_start3A_245] : memref<4x!tpu.dma_semaphore, #tpu.memory_space<semaphore_mem>> -> memref<1x!tpu.dma_semaphore, #tpu.memory_space<semaphore_mem>>
    %dma_start3A_255 = tpu.memref_squeeze %dma_start3A_254 : memref<1x!tpu.dma_semaphore, #tpu.memory_space<semaphore_mem>> -> memref<!tpu.dma_semaphore, #tpu.memory_space<semaphore_mem>>
    %dma_start3A_256 = arith.constant 0 : i32
    %dma_start3A_257 = arith.constant 0 : i32
    %dma_start3A_258 = tpu.memref_slice %arg11[%dma_start3A_244, %dma_start3A_256, %dma_start3A_257] : memref<2x16x125xi32, #tpu.memory_space<vmem>> -> memref<1x16x125xi32, #tpu.memory_space<vmem>>
    %dma_start3A_259 = tpu.memref_squeeze %dma_start3A_258 : memref<1x16x125xi32, #tpu.memory_space<vmem>> -> memref<16x125xi32, #tpu.memory_space<vmem>>
    %dma_start3A_260 = arith.constant 0 : i32
    %dma_start3A_261 = arith.constant 0 : i32
    %dma_start3A_262 = tpu.memref_slice %arg4[%add3A, %dma_start3A_243, %dma_start3A_260, %dma_start3A_261] : memref<32x5x16x125xi32, #tpu.memory_space<hbm>> -> memref<1x1x16x125xi32, #tpu.memory_space<hbm>>
    %dma_start3A_263 = tpu.memref_squeeze %dma_start3A_262 : memref<1x1x16x125xi32, #tpu.memory_space<hbm>> -> memref<16x125xi32, #tpu.memory_space<hbm>>
    tpu.enqueue_dma source(%dma_start3A_263 : memref<16x125xi32, #tpu.memory_space<hbm>>) target(%dma_start3A_259 : memref<16x125xi32, #tpu.memory_space<vmem>>) target_semaphore(%dma_start3A_255 : memref<!tpu.dma_semaphore, #tpu.memory_space<semaphore_mem>>)
    %dma_start3A_264 = arith.constant 1 : i32
    %dma_start3A_265 = arith.constant 0 : i32
    %dma_start3A_266 = arith.constant 0 : i32
    %dma_start3A_267 = arith.constant 0 : i32
    %dma_start3A_268 = arith.constant 0 : i32
    %dma_start3A_269 = arith.constant 0 : i32
    %dma_start3A_270 = tpu.memref_slice %arg12[%dma_start3A_266, %dma_start3A_268, %dma_start3A_269] : memref<2x125x128xf32, #tpu.memory_space<vmem>> -> memref<1x125x128xf32, #tpu.memory_space<vmem>>
    %dma_start3A_271 = tpu.memref_squeeze %dma_start3A_270 : memref<1x125x128xf32, #tpu.memory_space<vmem>> -> memref<125x128xf32, #tpu.memory_space<vmem>>
    %dma_start3A_272 = arith.constant 0 : i32
    %dma_start3A_273 = tpu.memref_slice %arg10[%dma_start3A_264, %dma_start3A_265, %dma_start3A_272] : memref<2x16x125xi32, #tpu.memory_space<vmem>> -> memref<1x1x125xi32, #tpu.memory_space<vmem>>
    %dma_start3A_274 = tpu.memref_squeeze %dma_start3A_273 : memref<1x1x125xi32, #tpu.memory_space<vmem>> -> memref<125xi32, #tpu.memory_space<vmem>>
    %dma_start3A_275 = arith.constant 0 : i32
    %dma_start3A_276 = arith.constant 0 : i32
    %dma_start3A_277 = tpu.memref_slice %arg2[%dma_start3A_275, %dma_start3A_276] : memref<10000x128xf32, #tpu.memory_space<hbm>> -> memref<10000x128xf32, #tpu.memory_space<hbm>>
    %dma_start3A_278 = tpu.memref_slice %arg13[%dma_start3A_267] : memref<4x!tpu.dma_semaphore, #tpu.memory_space<semaphore_mem>> -> memref<1x!tpu.dma_semaphore, #tpu.memory_space<semaphore_mem>>
    %dma_start3A_279 = tpu.memref_squeeze %dma_start3A_278 : memref<1x!tpu.dma_semaphore, #tpu.memory_space<semaphore_mem>> -> memref<!tpu.dma_semaphore, #tpu.memory_space<semaphore_mem>>
    tpu.enqueue_indirect_dma source(%dma_start3A_277 : memref<10000x128xf32, #tpu.memory_space<hbm>>) target(%dma_start3A_271 : memref<125x128xf32, #tpu.memory_space<vmem>>) offsets(%dma_start3A_274 : memref<125xi32, #tpu.memory_space<vmem>>) semaphore(%dma_start3A_279 : memref<!tpu.dma_semaphore, #tpu.memory_space<semaphore_mem>>)
    %scan3A_280 = arith.constant 0 : i32
    %scan3A_281 = arith.constant 0 : i32
    %scan3A_282 = arith.constant 16 : i32
    %scan3A_283 = arith.addi %scan3A_281, %scan3A_282 : i32
    %scan3A_284 = arith.constant 1 : i32
    scf.for %scan3A_603 = %scan3A_281 to %scan3A_283 step %scan3A_284  : i32 {
      %rem3A = arith.constant 2 : i32
      %rem3A_604 = arith.remsi %scan3A_603, %rem3A : i32
      %add3A_605 = arith.constant 1 : i32
      %add3A_606 = arith.addi %scan3A_603, %add3A_605 : i32
      %rem3A_607 = arith.constant 2 : i32
      %rem3A_608 = arith.remsi %add3A_606, %rem3A_607 : i32
      %add3A_609 = arith.constant 1 : i32
      %add3A_610 = arith.addi %scan3A_603, %add3A_609 : i32
      %lt3A = arith.constant 16 : i32
      %lt3A_611 = arith.cmpi slt, %add3A_610, %lt3A : i32
      %convert_element_type3A = arith.extui %lt3A_611 : i1 to i32
      %cond3A = arith.constant 0 : i32
      %cond3A_612 = arith.cmpi ne, %convert_element_type3A, %cond3A : i32
      scf.if %cond3A_612 {
        %add3A_627 = arith.constant 1 : i32
        %add3A_628 = arith.addi %scan3A_603, %add3A_627 : i32
        %dma_start3A_629 = arith.constant 1 : i32
        %dma_start3A_630 = arith.constant 0 : i32
        %dma_start3A_631 = arith.constant 0 : i32
        %dma_start3A_632 = tpu.memref_slice %arg12[%rem3A_608, %dma_start3A_630, %dma_start3A_631] : memref<2x125x128xf32, #tpu.memory_space<vmem>> -> memref<1x125x128xf32, #tpu.memory_space<vmem>>
        %dma_start3A_633 = tpu.memref_squeeze %dma_start3A_632 : memref<1x125x128xf32, #tpu.memory_space<vmem>> -> memref<125x128xf32, #tpu.memory_space<vmem>>
        %dma_start3A_634 = arith.constant 0 : i32
        %dma_start3A_635 = tpu.memref_slice %arg10[%dma_start3A_629, %add3A_628, %dma_start3A_634] : memref<2x16x125xi32, #tpu.memory_space<vmem>> -> memref<1x1x125xi32, #tpu.memory_space<vmem>>
        %dma_start3A_636 = tpu.memref_squeeze %dma_start3A_635 : memref<1x1x125xi32, #tpu.memory_space<vmem>> -> memref<125xi32, #tpu.memory_space<vmem>>
        %dma_start3A_637 = arith.constant 0 : i32
        %dma_start3A_638 = arith.constant 0 : i32
        %dma_start3A_639 = tpu.memref_slice %arg2[%dma_start3A_637, %dma_start3A_638] : memref<10000x128xf32, #tpu.memory_space<hbm>> -> memref<10000x128xf32, #tpu.memory_space<hbm>>
        %dma_start3A_640 = tpu.memref_slice %arg13[%rem3A_608] : memref<4x!tpu.dma_semaphore, #tpu.memory_space<semaphore_mem>> -> memref<1x!tpu.dma_semaphore, #tpu.memory_space<semaphore_mem>>
        %dma_start3A_641 = tpu.memref_squeeze %dma_start3A_640 : memref<1x!tpu.dma_semaphore, #tpu.memory_space<semaphore_mem>> -> memref<!tpu.dma_semaphore, #tpu.memory_space<semaphore_mem>>
        tpu.enqueue_indirect_dma source(%dma_start3A_639 : memref<10000x128xf32, #tpu.memory_space<hbm>>) target(%dma_start3A_633 : memref<125x128xf32, #tpu.memory_space<vmem>>) offsets(%dma_start3A_636 : memref<125xi32, #tpu.memory_space<vmem>>) semaphore(%dma_start3A_641 : memref<!tpu.dma_semaphore, #tpu.memory_space<semaphore_mem>>)
      } else {
      }
      %dma_wait3A_613 = arith.constant 1 : i32
      %dma_wait3A_614 = arith.constant 0 : i32
      %dma_wait3A_615 = arith.constant 0 : i32
      %dma_wait3A_616 = tpu.memref_slice %arg12[%rem3A_604, %dma_wait3A_614, %dma_wait3A_615] : memref<2x125x128xf32, #tpu.memory_space<vmem>> -> memref<1x125x128xf32, #tpu.memory_space<vmem>>
      %dma_wait3A_617 = tpu.memref_squeeze %dma_wait3A_616 : memref<1x125x128xf32, #tpu.memory_space<vmem>> -> memref<125x128xf32, #tpu.memory_space<vmem>>
      %dma_wait3A_618 = arith.constant 0 : i32
      %dma_wait3A_619 = tpu.memref_slice %arg10[%dma_wait3A_613, %scan3A_603, %dma_wait3A_618] : memref<2x16x125xi32, #tpu.memory_space<vmem>> -> memref<1x1x125xi32, #tpu.memory_space<vmem>>
      %dma_wait3A_620 = tpu.memref_squeeze %dma_wait3A_619 : memref<1x1x125xi32, #tpu.memory_space<vmem>> -> memref<125xi32, #tpu.memory_space<vmem>>
      %dma_wait3A_621 = arith.constant 0 : i32
      %dma_wait3A_622 = arith.constant 0 : i32
      %dma_wait3A_623 = tpu.memref_slice %arg2[%dma_wait3A_621, %dma_wait3A_622] : memref<10000x128xf32, #tpu.memory_space<hbm>> -> memref<10000x128xf32, #tpu.memory_space<hbm>>
      %dma_wait3A_624 = tpu.memref_slice %arg13[%rem3A_604] : memref<4x!tpu.dma_semaphore, #tpu.memory_space<semaphore_mem>> -> memref<1x!tpu.dma_semaphore, #tpu.memory_space<semaphore_mem>>
      %dma_wait3A_625 = tpu.memref_squeeze %dma_wait3A_624 : memref<1x!tpu.dma_semaphore, #tpu.memory_space<semaphore_mem>> -> memref<!tpu.dma_semaphore, #tpu.memory_space<semaphore_mem>>
      tpu.wait_indirect_dma semaphore(%dma_wait3A_625 : memref<!tpu.dma_semaphore, #tpu.memory_space<semaphore_mem>>) src(%dma_wait3A_623 : memref<10000x128xf32, #tpu.memory_space<hbm>>) dst(%dma_wait3A_617 : memref<125x128xf32, #tpu.memory_space<vmem>>)
      %run_scoped3A_626 = arith.constant 1 : i32
      "tpu.region"() ({
        %run_scoped3A_627 = tpu.sem_alloc : memref<!tpu.dma_semaphore, #tpu.memory_space<semaphore_mem>>
        %dma_start3A_628 = arith.constant 0 : i32
        %dma_start3A_629 = arith.constant 0 : i32
        %dma_start3A_630 = tpu.memref_slice %arg12[%rem3A_604, %dma_start3A_628, %dma_start3A_629] : memref<2x125x128xf32, #tpu.memory_space<vmem>> -> memref<1x125x128xf32, #tpu.memory_space<vmem>>
        %dma_start3A_631 = tpu.memref_squeeze %dma_start3A_630 : memref<1x125x128xf32, #tpu.memory_space<vmem>> -> memref<125x128xf32, #tpu.memory_space<vmem>>
        %dma_start3A_632 = arith.constant 0 : i32
        %dma_start3A_633 = tpu.memref_slice %arg11[%run_scoped3A_626, %scan3A_603, %dma_start3A_632] : memref<2x16x125xi32, #tpu.memory_space<vmem>> -> memref<1x1x125xi32, #tpu.memory_space<vmem>>
        %dma_start3A_634 = tpu.memref_squeeze %dma_start3A_633 : memref<1x1x125xi32, #tpu.memory_space<vmem>> -> memref<125xi32, #tpu.memory_space<vmem>>
        %dma_start3A_635 = arith.constant 0 : i32
        %dma_start3A_636 = arith.constant 0 : i32
        %dma_start3A_637 = tpu.memref_slice %arg9[%dma_start3A_635, %dma_start3A_636] : memref<10000x128xf32, #tpu.memory_space<vmem_shared>> -> memref<10000x128xf32, #tpu.memory_space<vmem_shared>>
        tpu.enqueue_indirect_dma source(%dma_start3A_631 : memref<125x128xf32, #tpu.memory_space<vmem>>) target(%dma_start3A_637 : memref<10000x128xf32, #tpu.memory_space<vmem_shared>>) offsets(%dma_start3A_634 : memref<125xi32, #tpu.memory_space<vmem>>) semaphore(%run_scoped3A_627 : memref<!tpu.dma_semaphore, #tpu.memory_space<semaphore_mem>>) {add = true}
        %dma_wait3A_638 = arith.constant 0 : i32
        %dma_wait3A_639 = arith.constant 0 : i32
        %dma_wait3A_640 = tpu.memref_slice %arg12[%rem3A_604, %dma_wait3A_638, %dma_wait3A_639] : memref<2x125x128xf32, #tpu.memory_space<vmem>> -> memref<1x125x128xf32, #tpu.memory_space<vmem>>
        %dma_wait3A_641 = tpu.memref_squeeze %dma_wait3A_640 : memref<1x125x128xf32, #tpu.memory_space<vmem>> -> memref<125x128xf32, #tpu.memory_space<vmem>>
        %dma_wait3A_642 = arith.constant 0 : i32
        %dma_wait3A_643 = tpu.memref_slice %arg11[%run_scoped3A_626, %scan3A_603, %dma_wait3A_642] : memref<2x16x125xi32, #tpu.memory_space<vmem>> -> memref<1x1x125xi32, #tpu.memory_space<vmem>>
        %dma_wait3A_644 = tpu.memref_squeeze %dma_wait3A_643 : memref<1x1x125xi32, #tpu.memory_space<vmem>> -> memref<125xi32, #tpu.memory_space<vmem>>
        %dma_wait3A_645 = arith.constant 0 : i32
        %dma_wait3A_646 = arith.constant 0 : i32
        %dma_wait3A_647 = tpu.memref_slice %arg9[%dma_wait3A_645, %dma_wait3A_646] : memref<10000x128xf32, #tpu.memory_space<vmem_shared>> -> memref<10000x128xf32, #tpu.memory_space<vmem_shared>>
        tpu.wait_indirect_dma semaphore(%run_scoped3A_627 : memref<!tpu.dma_semaphore, #tpu.memory_space<semaphore_mem>>) src(%dma_wait3A_641 : memref<125x128xf32, #tpu.memory_space<vmem>>) dst(%dma_wait3A_647 : memref<10000x128xf32, #tpu.memory_space<vmem_shared>>)
        tpu.yield
      }) : () -> ()
    }
    %scan3A_285 = arith.constant 16 : i32
    %dma_wait3A_286 = arith.constant 2 : i32
    %dma_wait3A_287 = arith.constant 0 : i32
    %dma_wait3A_288 = arith.constant 2 : i32
    %dma_wait3A_289 = arith.constant 0 : i32
    %dma_wait3A_290 = arith.constant 0 : i32
    %dma_wait3A_291 = tpu.memref_slice %arg10[%dma_wait3A_287, %dma_wait3A_289, %dma_wait3A_290] : memref<2x16x125xi32, #tpu.memory_space<vmem>> -> memref<1x16x125xi32, #tpu.memory_space<vmem>>
    %dma_wait3A_292 = tpu.memref_squeeze %dma_wait3A_291 : memref<1x16x125xi32, #tpu.memory_space<vmem>> -> memref<16x125xi32, #tpu.memory_space<vmem>>
    %dma_wait3A_293 = arith.constant 0 : i32
    %dma_wait3A_294 = arith.constant 0 : i32
    %dma_wait3A_295 = tpu.memref_slice %arg3[%add3A, %dma_wait3A_286, %dma_wait3A_293, %dma_wait3A_294] : memref<32x5x16x125xi32, #tpu.memory_space<hbm>> -> memref<1x1x16x125xi32, #tpu.memory_space<hbm>>
    %dma_wait3A_296 = tpu.memref_squeeze %dma_wait3A_295 : memref<1x1x16x125xi32, #tpu.memory_space<hbm>> -> memref<16x125xi32, #tpu.memory_space<hbm>>
    %dma_wait3A_297 = tpu.memref_slice %arg13[%dma_wait3A_288] : memref<4x!tpu.dma_semaphore, #tpu.memory_space<semaphore_mem>> -> memref<1x!tpu.dma_semaphore, #tpu.memory_space<semaphore_mem>>
    %dma_wait3A_298 = tpu.memref_squeeze %dma_wait3A_297 : memref<1x!tpu.dma_semaphore, #tpu.memory_space<semaphore_mem>> -> memref<!tpu.dma_semaphore, #tpu.memory_space<semaphore_mem>>
    %dma_wait3A_299 = arith.constant 0 : i32
    %dma_wait3A_300 = arith.constant 0 : i32
    %dma_wait3A_301 = tpu.memref_slice %arg10[%dma_wait3A_287, %dma_wait3A_299, %dma_wait3A_300] : memref<2x16x125xi32, #tpu.memory_space<vmem>> -> memref<1x16x125xi32, #tpu.memory_space<vmem>>
    %dma_wait3A_302 = tpu.memref_squeeze %dma_wait3A_301 : memref<1x16x125xi32, #tpu.memory_space<vmem>> -> memref<16x125xi32, #tpu.memory_space<vmem>>
    %dma_wait3A_303 = arith.constant 0 : i32
    %dma_wait3A_304 = arith.constant 0 : i32
    %dma_wait3A_305 = tpu.memref_slice %arg3[%add3A, %dma_wait3A_286, %dma_wait3A_303, %dma_wait3A_304] : memref<32x5x16x125xi32, #tpu.memory_space<hbm>> -> memref<1x1x16x125xi32, #tpu.memory_space<hbm>>
    %dma_wait3A_306 = tpu.memref_squeeze %dma_wait3A_305 : memref<1x1x16x125xi32, #tpu.memory_space<hbm>> -> memref<16x125xi32, #tpu.memory_space<hbm>>
    tpu.wait_dma2 semaphore(%dma_wait3A_298 : memref<!tpu.dma_semaphore, #tpu.memory_space<semaphore_mem>>) src(%dma_wait3A_306 : memref<16x125xi32, #tpu.memory_space<hbm>>) dst(%dma_wait3A_302 : memref<16x125xi32, #tpu.memory_space<vmem>>)
    %dma_wait3A_307 = arith.constant 2 : i32
    %dma_wait3A_308 = arith.constant 0 : i32
    %dma_wait3A_309 = arith.constant 3 : i32
    %dma_wait3A_310 = arith.constant 0 : i32
    %dma_wait3A_311 = arith.constant 0 : i32
    %dma_wait3A_312 = tpu.memref_slice %arg11[%dma_wait3A_308, %dma_wait3A_310, %dma_wait3A_311] : memref<2x16x125xi32, #tpu.memory_space<vmem>> -> memref<1x16x125xi32, #tpu.memory_space<vmem>>
    %dma_wait3A_313 = tpu.memref_squeeze %dma_wait3A_312 : memref<1x16x125xi32, #tpu.memory_space<vmem>> -> memref<16x125xi32, #tpu.memory_space<vmem>>
    %dma_wait3A_314 = arith.constant 0 : i32
    %dma_wait3A_315 = arith.constant 0 : i32
    %dma_wait3A_316 = tpu.memref_slice %arg4[%add3A, %dma_wait3A_307, %dma_wait3A_314, %dma_wait3A_315] : memref<32x5x16x125xi32, #tpu.memory_space<hbm>> -> memref<1x1x16x125xi32, #tpu.memory_space<hbm>>
    %dma_wait3A_317 = tpu.memref_squeeze %dma_wait3A_316 : memref<1x1x16x125xi32, #tpu.memory_space<hbm>> -> memref<16x125xi32, #tpu.memory_space<hbm>>
    %dma_wait3A_318 = tpu.memref_slice %arg13[%dma_wait3A_309] : memref<4x!tpu.dma_semaphore, #tpu.memory_space<semaphore_mem>> -> memref<1x!tpu.dma_semaphore, #tpu.memory_space<semaphore_mem>>
    %dma_wait3A_319 = tpu.memref_squeeze %dma_wait3A_318 : memref<1x!tpu.dma_semaphore, #tpu.memory_space<semaphore_mem>> -> memref<!tpu.dma_semaphore, #tpu.memory_space<semaphore_mem>>
    %dma_wait3A_320 = arith.constant 0 : i32
    %dma_wait3A_321 = arith.constant 0 : i32
    %dma_wait3A_322 = tpu.memref_slice %arg11[%dma_wait3A_308, %dma_wait3A_320, %dma_wait3A_321] : memref<2x16x125xi32, #tpu.memory_space<vmem>> -> memref<1x16x125xi32, #tpu.memory_space<vmem>>
    %dma_wait3A_323 = tpu.memref_squeeze %dma_wait3A_322 : memref<1x16x125xi32, #tpu.memory_space<vmem>> -> memref<16x125xi32, #tpu.memory_space<vmem>>
    %dma_wait3A_324 = arith.constant 0 : i32
    %dma_wait3A_325 = arith.constant 0 : i32
    %dma_wait3A_326 = tpu.memref_slice %arg4[%add3A, %dma_wait3A_307, %dma_wait3A_324, %dma_wait3A_325] : memref<32x5x16x125xi32, #tpu.memory_space<hbm>> -> memref<1x1x16x125xi32, #tpu.memory_space<hbm>>
    %dma_wait3A_327 = tpu.memref_squeeze %dma_wait3A_326 : memref<1x1x16x125xi32, #tpu.memory_space<hbm>> -> memref<16x125xi32, #tpu.memory_space<hbm>>
    tpu.wait_dma2 semaphore(%dma_wait3A_319 : memref<!tpu.dma_semaphore, #tpu.memory_space<semaphore_mem>>) src(%dma_wait3A_327 : memref<16x125xi32, #tpu.memory_space<hbm>>) dst(%dma_wait3A_323 : memref<16x125xi32, #tpu.memory_space<vmem>>)
    %dma_start3A_328 = arith.constant 3 : i32
    %dma_start3A_329 = arith.constant 1 : i32
    %dma_start3A_330 = arith.constant 2 : i32
    %dma_start3A_331 = arith.constant 0 : i32
    %dma_start3A_332 = arith.constant 0 : i32
    %dma_start3A_333 = tpu.memref_slice %arg10[%dma_start3A_329, %dma_start3A_331, %dma_start3A_332] : memref<2x16x125xi32, #tpu.memory_space<vmem>> -> memref<1x16x125xi32, #tpu.memory_space<vmem>>
    %dma_start3A_334 = tpu.memref_squeeze %dma_start3A_333 : memref<1x16x125xi32, #tpu.memory_space<vmem>> -> memref<16x125xi32, #tpu.memory_space<vmem>>
    %dma_start3A_335 = arith.constant 0 : i32
    %dma_start3A_336 = arith.constant 0 : i32
    %dma_start3A_337 = tpu.memref_slice %arg3[%add3A, %dma_start3A_328, %dma_start3A_335, %dma_start3A_336] : memref<32x5x16x125xi32, #tpu.memory_space<hbm>> -> memref<1x1x16x125xi32, #tpu.memory_space<hbm>>
    %dma_start3A_338 = tpu.memref_squeeze %dma_start3A_337 : memref<1x1x16x125xi32, #tpu.memory_space<hbm>> -> memref<16x125xi32, #tpu.memory_space<hbm>>
    %dma_start3A_339 = tpu.memref_slice %arg13[%dma_start3A_330] : memref<4x!tpu.dma_semaphore, #tpu.memory_space<semaphore_mem>> -> memref<1x!tpu.dma_semaphore, #tpu.memory_space<semaphore_mem>>
    %dma_start3A_340 = tpu.memref_squeeze %dma_start3A_339 : memref<1x!tpu.dma_semaphore, #tpu.memory_space<semaphore_mem>> -> memref<!tpu.dma_semaphore, #tpu.memory_space<semaphore_mem>>
    %dma_start3A_341 = arith.constant 0 : i32
    %dma_start3A_342 = arith.constant 0 : i32
    %dma_start3A_343 = tpu.memref_slice %arg10[%dma_start3A_329, %dma_start3A_341, %dma_start3A_342] : memref<2x16x125xi32, #tpu.memory_space<vmem>> -> memref<1x16x125xi32, #tpu.memory_space<vmem>>
    %dma_start3A_344 = tpu.memref_squeeze %dma_start3A_343 : memref<1x16x125xi32, #tpu.memory_space<vmem>> -> memref<16x125xi32, #tpu.memory_space<vmem>>
    %dma_start3A_345 = arith.constant 0 : i32
    %dma_start3A_346 = arith.constant 0 : i32
    %dma_start3A_347 = tpu.memref_slice %arg3[%add3A, %dma_start3A_328, %dma_start3A_345, %dma_start3A_346] : memref<32x5x16x125xi32, #tpu.memory_space<hbm>> -> memref<1x1x16x125xi32, #tpu.memory_space<hbm>>
    %dma_start3A_348 = tpu.memref_squeeze %dma_start3A_347 : memref<1x1x16x125xi32, #tpu.memory_space<hbm>> -> memref<16x125xi32, #tpu.memory_space<hbm>>
    tpu.enqueue_dma source(%dma_start3A_348 : memref<16x125xi32, #tpu.memory_space<hbm>>) target(%dma_start3A_344 : memref<16x125xi32, #tpu.memory_space<vmem>>) target_semaphore(%dma_start3A_340 : memref<!tpu.dma_semaphore, #tpu.memory_space<semaphore_mem>>)
    %dma_start3A_349 = arith.constant 3 : i32
    %dma_start3A_350 = arith.constant 1 : i32
    %dma_start3A_351 = arith.constant 3 : i32
    %dma_start3A_352 = arith.constant 0 : i32
    %dma_start3A_353 = arith.constant 0 : i32
    %dma_start3A_354 = tpu.memref_slice %arg11[%dma_start3A_350, %dma_start3A_352, %dma_start3A_353] : memref<2x16x125xi32, #tpu.memory_space<vmem>> -> memref<1x16x125xi32, #tpu.memory_space<vmem>>
    %dma_start3A_355 = tpu.memref_squeeze %dma_start3A_354 : memref<1x16x125xi32, #tpu.memory_space<vmem>> -> memref<16x125xi32, #tpu.memory_space<vmem>>
    %dma_start3A_356 = arith.constant 0 : i32
    %dma_start3A_357 = arith.constant 0 : i32
    %dma_start3A_358 = tpu.memref_slice %arg4[%add3A, %dma_start3A_349, %dma_start3A_356, %dma_start3A_357] : memref<32x5x16x125xi32, #tpu.memory_space<hbm>> -> memref<1x1x16x125xi32, #tpu.memory_space<hbm>>
    %dma_start3A_359 = tpu.memref_squeeze %dma_start3A_358 : memref<1x1x16x125xi32, #tpu.memory_space<hbm>> -> memref<16x125xi32, #tpu.memory_space<hbm>>
    %dma_start3A_360 = tpu.memref_slice %arg13[%dma_start3A_351] : memref<4x!tpu.dma_semaphore, #tpu.memory_space<semaphore_mem>> -> memref<1x!tpu.dma_semaphore, #tpu.memory_space<semaphore_mem>>
    %dma_start3A_361 = tpu.memref_squeeze %dma_start3A_360 : memref<1x!tpu.dma_semaphore, #tpu.memory_space<semaphore_mem>> -> memref<!tpu.dma_semaphore, #tpu.memory_space<semaphore_mem>>
    %dma_start3A_362 = arith.constant 0 : i32
    %dma_start3A_363 = arith.constant 0 : i32
    %dma_start3A_364 = tpu.memref_slice %arg11[%dma_start3A_350, %dma_start3A_362, %dma_start3A_363] : memref<2x16x125xi32, #tpu.memory_space<vmem>> -> memref<1x16x125xi32, #tpu.memory_space<vmem>>
    %dma_start3A_365 = tpu.memref_squeeze %dma_start3A_364 : memref<1x16x125xi32, #tpu.memory_space<vmem>> -> memref<16x125xi32, #tpu.memory_space<vmem>>
    %dma_start3A_366 = arith.constant 0 : i32
    %dma_start3A_367 = arith.constant 0 : i32
    %dma_start3A_368 = tpu.memref_slice %arg4[%add3A, %dma_start3A_349, %dma_start3A_366, %dma_start3A_367] : memref<32x5x16x125xi32, #tpu.memory_space<hbm>> -> memref<1x1x16x125xi32, #tpu.memory_space<hbm>>
    %dma_start3A_369 = tpu.memref_squeeze %dma_start3A_368 : memref<1x1x16x125xi32, #tpu.memory_space<hbm>> -> memref<16x125xi32, #tpu.memory_space<hbm>>
    tpu.enqueue_dma source(%dma_start3A_369 : memref<16x125xi32, #tpu.memory_space<hbm>>) target(%dma_start3A_365 : memref<16x125xi32, #tpu.memory_space<vmem>>) target_semaphore(%dma_start3A_361 : memref<!tpu.dma_semaphore, #tpu.memory_space<semaphore_mem>>)
    %dma_start3A_370 = arith.constant 0 : i32
    %dma_start3A_371 = arith.constant 0 : i32
    %dma_start3A_372 = arith.constant 0 : i32
    %dma_start3A_373 = arith.constant 0 : i32
    %dma_start3A_374 = arith.constant 0 : i32
    %dma_start3A_375 = arith.constant 0 : i32
    %dma_start3A_376 = tpu.memref_slice %arg12[%dma_start3A_372, %dma_start3A_374, %dma_start3A_375] : memref<2x125x128xf32, #tpu.memory_space<vmem>> -> memref<1x125x128xf32, #tpu.memory_space<vmem>>
    %dma_start3A_377 = tpu.memref_squeeze %dma_start3A_376 : memref<1x125x128xf32, #tpu.memory_space<vmem>> -> memref<125x128xf32, #tpu.memory_space<vmem>>
    %dma_start3A_378 = arith.constant 0 : i32
    %dma_start3A_379 = tpu.memref_slice %arg10[%dma_start3A_370, %dma_start3A_371, %dma_start3A_378] : memref<2x16x125xi32, #tpu.memory_space<vmem>> -> memref<1x1x125xi32, #tpu.memory_space<vmem>>
    %dma_start3A_380 = tpu.memref_squeeze %dma_start3A_379 : memref<1x1x125xi32, #tpu.memory_space<vmem>> -> memref<125xi32, #tpu.memory_space<vmem>>
    %dma_start3A_381 = arith.constant 0 : i32
    %dma_start3A_382 = arith.constant 0 : i32
    %dma_start3A_383 = tpu.memref_slice %arg2[%dma_start3A_381, %dma_start3A_382] : memref<10000x128xf32, #tpu.memory_space<hbm>> -> memref<10000x128xf32, #tpu.memory_space<hbm>>
    %dma_start3A_384 = tpu.memref_slice %arg13[%dma_start3A_373] : memref<4x!tpu.dma_semaphore, #tpu.memory_space<semaphore_mem>> -> memref<1x!tpu.dma_semaphore, #tpu.memory_space<semaphore_mem>>
    %dma_start3A_385 = tpu.memref_squeeze %dma_start3A_384 : memref<1x!tpu.dma_semaphore, #tpu.memory_space<semaphore_mem>> -> memref<!tpu.dma_semaphore, #tpu.memory_space<semaphore_mem>>
    tpu.enqueue_indirect_dma source(%dma_start3A_383 : memref<10000x128xf32, #tpu.memory_space<hbm>>) target(%dma_start3A_377 : memref<125x128xf32, #tpu.memory_space<vmem>>) offsets(%dma_start3A_380 : memref<125xi32, #tpu.memory_space<vmem>>) semaphore(%dma_start3A_385 : memref<!tpu.dma_semaphore, #tpu.memory_space<semaphore_mem>>)
    %scan3A_386 = arith.constant 0 : i32
    %scan3A_387 = arith.constant 0 : i32
    %scan3A_388 = arith.constant 16 : i32
    %scan3A_389 = arith.addi %scan3A_387, %scan3A_388 : i32
    %scan3A_390 = arith.constant 1 : i32
    scf.for %scan3A_603 = %scan3A_387 to %scan3A_389 step %scan3A_390  : i32 {
      %rem3A = arith.constant 2 : i32
      %rem3A_604 = arith.remsi %scan3A_603, %rem3A : i32
      %add3A_605 = arith.constant 1 : i32
      %add3A_606 = arith.addi %scan3A_603, %add3A_605 : i32
      %rem3A_607 = arith.constant 2 : i32
      %rem3A_608 = arith.remsi %add3A_606, %rem3A_607 : i32
      %add3A_609 = arith.constant 1 : i32
      %add3A_610 = arith.addi %scan3A_603, %add3A_609 : i32
      %lt3A = arith.constant 16 : i32
      %lt3A_611 = arith.cmpi slt, %add3A_610, %lt3A : i32
      %convert_element_type3A = arith.extui %lt3A_611 : i1 to i32
      %cond3A = arith.constant 0 : i32
      %cond3A_612 = arith.cmpi ne, %convert_element_type3A, %cond3A : i32
      scf.if %cond3A_612 {
        %add3A_627 = arith.constant 1 : i32
        %add3A_628 = arith.addi %scan3A_603, %add3A_627 : i32
        %dma_start3A_629 = arith.constant 0 : i32
        %dma_start3A_630 = arith.constant 0 : i32
        %dma_start3A_631 = arith.constant 0 : i32
        %dma_start3A_632 = tpu.memref_slice %arg12[%rem3A_608, %dma_start3A_630, %dma_start3A_631] : memref<2x125x128xf32, #tpu.memory_space<vmem>> -> memref<1x125x128xf32, #tpu.memory_space<vmem>>
        %dma_start3A_633 = tpu.memref_squeeze %dma_start3A_632 : memref<1x125x128xf32, #tpu.memory_space<vmem>> -> memref<125x128xf32, #tpu.memory_space<vmem>>
        %dma_start3A_634 = arith.constant 0 : i32
        %dma_start3A_635 = tpu.memref_slice %arg10[%dma_start3A_629, %add3A_628, %dma_start3A_634] : memref<2x16x125xi32, #tpu.memory_space<vmem>> -> memref<1x1x125xi32, #tpu.memory_space<vmem>>
        %dma_start3A_636 = tpu.memref_squeeze %dma_start3A_635 : memref<1x1x125xi32, #tpu.memory_space<vmem>> -> memref<125xi32, #tpu.memory_space<vmem>>
        %dma_start3A_637 = arith.constant 0 : i32
        %dma_start3A_638 = arith.constant 0 : i32
        %dma_start3A_639 = tpu.memref_slice %arg2[%dma_start3A_637, %dma_start3A_638] : memref<10000x128xf32, #tpu.memory_space<hbm>> -> memref<10000x128xf32, #tpu.memory_space<hbm>>
        %dma_start3A_640 = tpu.memref_slice %arg13[%rem3A_608] : memref<4x!tpu.dma_semaphore, #tpu.memory_space<semaphore_mem>> -> memref<1x!tpu.dma_semaphore, #tpu.memory_space<semaphore_mem>>
        %dma_start3A_641 = tpu.memref_squeeze %dma_start3A_640 : memref<1x!tpu.dma_semaphore, #tpu.memory_space<semaphore_mem>> -> memref<!tpu.dma_semaphore, #tpu.memory_space<semaphore_mem>>
        tpu.enqueue_indirect_dma source(%dma_start3A_639 : memref<10000x128xf32, #tpu.memory_space<hbm>>) target(%dma_start3A_633 : memref<125x128xf32, #tpu.memory_space<vmem>>) offsets(%dma_start3A_636 : memref<125xi32, #tpu.memory_space<vmem>>) semaphore(%dma_start3A_641 : memref<!tpu.dma_semaphore, #tpu.memory_space<semaphore_mem>>)
      } else {
      }
      %dma_wait3A_613 = arith.constant 0 : i32
      %dma_wait3A_614 = arith.constant 0 : i32
      %dma_wait3A_615 = arith.constant 0 : i32
      %dma_wait3A_616 = tpu.memref_slice %arg12[%rem3A_604, %dma_wait3A_614, %dma_wait3A_615] : memref<2x125x128xf32, #tpu.memory_space<vmem>> -> memref<1x125x128xf32, #tpu.memory_space<vmem>>
      %dma_wait3A_617 = tpu.memref_squeeze %dma_wait3A_616 : memref<1x125x128xf32, #tpu.memory_space<vmem>> -> memref<125x128xf32, #tpu.memory_space<vmem>>
      %dma_wait3A_618 = arith.constant 0 : i32
      %dma_wait3A_619 = tpu.memref_slice %arg10[%dma_wait3A_613, %scan3A_603, %dma_wait3A_618] : memref<2x16x125xi32, #tpu.memory_space<vmem>> -> memref<1x1x125xi32, #tpu.memory_space<vmem>>
      %dma_wait3A_620 = tpu.memref_squeeze %dma_wait3A_619 : memref<1x1x125xi32, #tpu.memory_space<vmem>> -> memref<125xi32, #tpu.memory_space<vmem>>
      %dma_wait3A_621 = arith.constant 0 : i32
      %dma_wait3A_622 = arith.constant 0 : i32
      %dma_wait3A_623 = tpu.memref_slice %arg2[%dma_wait3A_621, %dma_wait3A_622] : memref<10000x128xf32, #tpu.memory_space<hbm>> -> memref<10000x128xf32, #tpu.memory_space<hbm>>
      %dma_wait3A_624 = tpu.memref_slice %arg13[%rem3A_604] : memref<4x!tpu.dma_semaphore, #tpu.memory_space<semaphore_mem>> -> memref<1x!tpu.dma_semaphore, #tpu.memory_space<semaphore_mem>>
      %dma_wait3A_625 = tpu.memref_squeeze %dma_wait3A_624 : memref<1x!tpu.dma_semaphore, #tpu.memory_space<semaphore_mem>> -> memref<!tpu.dma_semaphore, #tpu.memory_space<semaphore_mem>>
      tpu.wait_indirect_dma semaphore(%dma_wait3A_625 : memref<!tpu.dma_semaphore, #tpu.memory_space<semaphore_mem>>) src(%dma_wait3A_623 : memref<10000x128xf32, #tpu.memory_space<hbm>>) dst(%dma_wait3A_617 : memref<125x128xf32, #tpu.memory_space<vmem>>)
      %run_scoped3A_626 = arith.constant 0 : i32
      "tpu.region"() ({
        %run_scoped3A_627 = tpu.sem_alloc : memref<!tpu.dma_semaphore, #tpu.memory_space<semaphore_mem>>
        %dma_start3A_628 = arith.constant 0 : i32
        %dma_start3A_629 = arith.constant 0 : i32
        %dma_start3A_630 = tpu.memref_slice %arg12[%rem3A_604, %dma_start3A_628, %dma_start3A_629] : memref<2x125x128xf32, #tpu.memory_space<vmem>> -> memref<1x125x128xf32, #tpu.memory_space<vmem>>
        %dma_start3A_631 = tpu.memref_squeeze %dma_start3A_630 : memref<1x125x128xf32, #tpu.memory_space<vmem>> -> memref<125x128xf32, #tpu.memory_space<vmem>>
        %dma_start3A_632 = arith.constant 0 : i32
        %dma_start3A_633 = tpu.memref_slice %arg11[%run_scoped3A_626, %scan3A_603, %dma_start3A_632] : memref<2x16x125xi32, #tpu.memory_space<vmem>> -> memref<1x1x125xi32, #tpu.memory_space<vmem>>
        %dma_start3A_634 = tpu.memref_squeeze %dma_start3A_633 : memref<1x1x125xi32, #tpu.memory_space<vmem>> -> memref<125xi32, #tpu.memory_space<vmem>>
        %dma_start3A_635 = arith.constant 0 : i32
        %dma_start3A_636 = arith.constant 0 : i32
        %dma_start3A_637 = tpu.memref_slice %arg9[%dma_start3A_635, %dma_start3A_636] : memref<10000x128xf32, #tpu.memory_space<vmem_shared>> -> memref<10000x128xf32, #tpu.memory_space<vmem_shared>>
        tpu.enqueue_indirect_dma source(%dma_start3A_631 : memref<125x128xf32, #tpu.memory_space<vmem>>) target(%dma_start3A_637 : memref<10000x128xf32, #tpu.memory_space<vmem_shared>>) offsets(%dma_start3A_634 : memref<125xi32, #tpu.memory_space<vmem>>) semaphore(%run_scoped3A_627 : memref<!tpu.dma_semaphore, #tpu.memory_space<semaphore_mem>>) {add = true}
        %dma_wait3A_638 = arith.constant 0 : i32
        %dma_wait3A_639 = arith.constant 0 : i32
        %dma_wait3A_640 = tpu.memref_slice %arg12[%rem3A_604, %dma_wait3A_638, %dma_wait3A_639] : memref<2x125x128xf32, #tpu.memory_space<vmem>> -> memref<1x125x128xf32, #tpu.memory_space<vmem>>
        %dma_wait3A_641 = tpu.memref_squeeze %dma_wait3A_640 : memref<1x125x128xf32, #tpu.memory_space<vmem>> -> memref<125x128xf32, #tpu.memory_space<vmem>>
        %dma_wait3A_642 = arith.constant 0 : i32
        %dma_wait3A_643 = tpu.memref_slice %arg11[%run_scoped3A_626, %scan3A_603, %dma_wait3A_642] : memref<2x16x125xi32, #tpu.memory_space<vmem>> -> memref<1x1x125xi32, #tpu.memory_space<vmem>>
        %dma_wait3A_644 = tpu.memref_squeeze %dma_wait3A_643 : memref<1x1x125xi32, #tpu.memory_space<vmem>> -> memref<125xi32, #tpu.memory_space<vmem>>
        %dma_wait3A_645 = arith.constant 0 : i32
        %dma_wait3A_646 = arith.constant 0 : i32
        %dma_wait3A_647 = tpu.memref_slice %arg9[%dma_wait3A_645, %dma_wait3A_646] : memref<10000x128xf32, #tpu.memory_space<vmem_shared>> -> memref<10000x128xf32, #tpu.memory_space<vmem_shared>>
        tpu.wait_indirect_dma semaphore(%run_scoped3A_627 : memref<!tpu.dma_semaphore, #tpu.memory_space<semaphore_mem>>) src(%dma_wait3A_641 : memref<125x128xf32, #tpu.memory_space<vmem>>) dst(%dma_wait3A_647 : memref<10000x128xf32, #tpu.memory_space<vmem_shared>>)
        tpu.yield
      }) : () -> ()
    }
    %scan3A_391 = arith.constant 16 : i32
    %dma_wait3A_392 = arith.constant 3 : i32
    %dma_wait3A_393 = arith.constant 1 : i32
    %dma_wait3A_394 = arith.constant 2 : i32
    %dma_wait3A_395 = arith.constant 0 : i32
    %dma_wait3A_396 = arith.constant 0 : i32
    %dma_wait3A_397 = tpu.memref_slice %arg10[%dma_wait3A_393, %dma_wait3A_395, %dma_wait3A_396] : memref<2x16x125xi32, #tpu.memory_space<vmem>> -> memref<1x16x125xi32, #tpu.memory_space<vmem>>
    %dma_wait3A_398 = tpu.memref_squeeze %dma_wait3A_397 : memref<1x16x125xi32, #tpu.memory_space<vmem>> -> memref<16x125xi32, #tpu.memory_space<vmem>>
    %dma_wait3A_399 = arith.constant 0 : i32
    %dma_wait3A_400 = arith.constant 0 : i32
    %dma_wait3A_401 = tpu.memref_slice %arg3[%add3A, %dma_wait3A_392, %dma_wait3A_399, %dma_wait3A_400] : memref<32x5x16x125xi32, #tpu.memory_space<hbm>> -> memref<1x1x16x125xi32, #tpu.memory_space<hbm>>
    %dma_wait3A_402 = tpu.memref_squeeze %dma_wait3A_401 : memref<1x1x16x125xi32, #tpu.memory_space<hbm>> -> memref<16x125xi32, #tpu.memory_space<hbm>>
    %dma_wait3A_403 = tpu.memref_slice %arg13[%dma_wait3A_394] : memref<4x!tpu.dma_semaphore, #tpu.memory_space<semaphore_mem>> -> memref<1x!tpu.dma_semaphore, #tpu.memory_space<semaphore_mem>>
    %dma_wait3A_404 = tpu.memref_squeeze %dma_wait3A_403 : memref<1x!tpu.dma_semaphore, #tpu.memory_space<semaphore_mem>> -> memref<!tpu.dma_semaphore, #tpu.memory_space<semaphore_mem>>
    %dma_wait3A_405 = arith.constant 0 : i32
    %dma_wait3A_406 = arith.constant 0 : i32
    %dma_wait3A_407 = tpu.memref_slice %arg10[%dma_wait3A_393, %dma_wait3A_405, %dma_wait3A_406] : memref<2x16x125xi32, #tpu.memory_space<vmem>> -> memref<1x16x125xi32, #tpu.memory_space<vmem>>
    %dma_wait3A_408 = tpu.memref_squeeze %dma_wait3A_407 : memref<1x16x125xi32, #tpu.memory_space<vmem>> -> memref<16x125xi32, #tpu.memory_space<vmem>>
    %dma_wait3A_409 = arith.constant 0 : i32
    %dma_wait3A_410 = arith.constant 0 : i32
    %dma_wait3A_411 = tpu.memref_slice %arg3[%add3A, %dma_wait3A_392, %dma_wait3A_409, %dma_wait3A_410] : memref<32x5x16x125xi32, #tpu.memory_space<hbm>> -> memref<1x1x16x125xi32, #tpu.memory_space<hbm>>
    %dma_wait3A_412 = tpu.memref_squeeze %dma_wait3A_411 : memref<1x1x16x125xi32, #tpu.memory_space<hbm>> -> memref<16x125xi32, #tpu.memory_space<hbm>>
    tpu.wait_dma2 semaphore(%dma_wait3A_404 : memref<!tpu.dma_semaphore, #tpu.memory_space<semaphore_mem>>) src(%dma_wait3A_412 : memref<16x125xi32, #tpu.memory_space<hbm>>) dst(%dma_wait3A_408 : memref<16x125xi32, #tpu.memory_space<vmem>>)
    %dma_wait3A_413 = arith.constant 3 : i32
    %dma_wait3A_414 = arith.constant 1 : i32
    %dma_wait3A_415 = arith.constant 3 : i32
    %dma_wait3A_416 = arith.constant 0 : i32
    %dma_wait3A_417 = arith.constant 0 : i32
    %dma_wait3A_418 = tpu.memref_slice %arg11[%dma_wait3A_414, %dma_wait3A_416, %dma_wait3A_417] : memref<2x16x125xi32, #tpu.memory_space<vmem>> -> memref<1x16x125xi32, #tpu.memory_space<vmem>>
    %dma_wait3A_419 = tpu.memref_squeeze %dma_wait3A_418 : memref<1x16x125xi32, #tpu.memory_space<vmem>> -> memref<16x125xi32, #tpu.memory_space<vmem>>
    %dma_wait3A_420 = arith.constant 0 : i32
    %dma_wait3A_421 = arith.constant 0 : i32
    %dma_wait3A_422 = tpu.memref_slice %arg4[%add3A, %dma_wait3A_413, %dma_wait3A_420, %dma_wait3A_421] : memref<32x5x16x125xi32, #tpu.memory_space<hbm>> -> memref<1x1x16x125xi32, #tpu.memory_space<hbm>>
    %dma_wait3A_423 = tpu.memref_squeeze %dma_wait3A_422 : memref<1x1x16x125xi32, #tpu.memory_space<hbm>> -> memref<16x125xi32, #tpu.memory_space<hbm>>
    %dma_wait3A_424 = tpu.memref_slice %arg13[%dma_wait3A_415] : memref<4x!tpu.dma_semaphore, #tpu.memory_space<semaphore_mem>> -> memref<1x!tpu.dma_semaphore, #tpu.memory_space<semaphore_mem>>
    %dma_wait3A_425 = tpu.memref_squeeze %dma_wait3A_424 : memref<1x!tpu.dma_semaphore, #tpu.memory_space<semaphore_mem>> -> memref<!tpu.dma_semaphore, #tpu.memory_space<semaphore_mem>>
    %dma_wait3A_426 = arith.constant 0 : i32
    %dma_wait3A_427 = arith.constant 0 : i32
    %dma_wait3A_428 = tpu.memref_slice %arg11[%dma_wait3A_414, %dma_wait3A_426, %dma_wait3A_427] : memref<2x16x125xi32, #tpu.memory_space<vmem>> -> memref<1x16x125xi32, #tpu.memory_space<vmem>>
    %dma_wait3A_429 = tpu.memref_squeeze %dma_wait3A_428 : memref<1x16x125xi32, #tpu.memory_space<vmem>> -> memref<16x125xi32, #tpu.memory_space<vmem>>
    %dma_wait3A_430 = arith.constant 0 : i32
    %dma_wait3A_431 = arith.constant 0 : i32
    %dma_wait3A_432 = tpu.memref_slice %arg4[%add3A, %dma_wait3A_413, %dma_wait3A_430, %dma_wait3A_431] : memref<32x5x16x125xi32, #tpu.memory_space<hbm>> -> memref<1x1x16x125xi32, #tpu.memory_space<hbm>>
    %dma_wait3A_433 = tpu.memref_squeeze %dma_wait3A_432 : memref<1x1x16x125xi32, #tpu.memory_space<hbm>> -> memref<16x125xi32, #tpu.memory_space<hbm>>
    tpu.wait_dma2 semaphore(%dma_wait3A_425 : memref<!tpu.dma_semaphore, #tpu.memory_space<semaphore_mem>>) src(%dma_wait3A_433 : memref<16x125xi32, #tpu.memory_space<hbm>>) dst(%dma_wait3A_429 : memref<16x125xi32, #tpu.memory_space<vmem>>)
    %dma_start3A_434 = arith.constant 4 : i32
    %dma_start3A_435 = arith.constant 0 : i32
    %dma_start3A_436 = arith.constant 2 : i32
    %dma_start3A_437 = arith.constant 0 : i32
    %dma_start3A_438 = arith.constant 0 : i32
    %dma_start3A_439 = tpu.memref_slice %arg10[%dma_start3A_435, %dma_start3A_437, %dma_start3A_438] : memref<2x16x125xi32, #tpu.memory_space<vmem>> -> memref<1x16x125xi32, #tpu.memory_space<vmem>>
    %dma_start3A_440 = tpu.memref_squeeze %dma_start3A_439 : memref<1x16x125xi32, #tpu.memory_space<vmem>> -> memref<16x125xi32, #tpu.memory_space<vmem>>
    %dma_start3A_441 = arith.constant 0 : i32
    %dma_start3A_442 = arith.constant 0 : i32
    %dma_start3A_443 = tpu.memref_slice %arg3[%add3A, %dma_start3A_434, %dma_start3A_441, %dma_start3A_442] : memref<32x5x16x125xi32, #tpu.memory_space<hbm>> -> memref<1x1x16x125xi32, #tpu.memory_space<hbm>>
    %dma_start3A_444 = tpu.memref_squeeze %dma_start3A_443 : memref<1x1x16x125xi32, #tpu.memory_space<hbm>> -> memref<16x125xi32, #tpu.memory_space<hbm>>
    %dma_start3A_445 = tpu.memref_slice %arg13[%dma_start3A_436] : memref<4x!tpu.dma_semaphore, #tpu.memory_space<semaphore_mem>> -> memref<1x!tpu.dma_semaphore, #tpu.memory_space<semaphore_mem>>
    %dma_start3A_446 = tpu.memref_squeeze %dma_start3A_445 : memref<1x!tpu.dma_semaphore, #tpu.memory_space<semaphore_mem>> -> memref<!tpu.dma_semaphore, #tpu.memory_space<semaphore_mem>>
    %dma_start3A_447 = arith.constant 0 : i32
    %dma_start3A_448 = arith.constant 0 : i32
    %dma_start3A_449 = tpu.memref_slice %arg10[%dma_start3A_435, %dma_start3A_447, %dma_start3A_448] : memref<2x16x125xi32, #tpu.memory_space<vmem>> -> memref<1x16x125xi32, #tpu.memory_space<vmem>>
    %dma_start3A_450 = tpu.memref_squeeze %dma_start3A_449 : memref<1x16x125xi32, #tpu.memory_space<vmem>> -> memref<16x125xi32, #tpu.memory_space<vmem>>
    %dma_start3A_451 = arith.constant 0 : i32
    %dma_start3A_452 = arith.constant 0 : i32
    %dma_start3A_453 = tpu.memref_slice %arg3[%add3A, %dma_start3A_434, %dma_start3A_451, %dma_start3A_452] : memref<32x5x16x125xi32, #tpu.memory_space<hbm>> -> memref<1x1x16x125xi32, #tpu.memory_space<hbm>>
    %dma_start3A_454 = tpu.memref_squeeze %dma_start3A_453 : memref<1x1x16x125xi32, #tpu.memory_space<hbm>> -> memref<16x125xi32, #tpu.memory_space<hbm>>
    tpu.enqueue_dma source(%dma_start3A_454 : memref<16x125xi32, #tpu.memory_space<hbm>>) target(%dma_start3A_450 : memref<16x125xi32, #tpu.memory_space<vmem>>) target_semaphore(%dma_start3A_446 : memref<!tpu.dma_semaphore, #tpu.memory_space<semaphore_mem>>)
    %dma_start3A_455 = arith.constant 4 : i32
    %dma_start3A_456 = arith.constant 0 : i32
    %dma_start3A_457 = arith.constant 3 : i32
    %dma_start3A_458 = arith.constant 0 : i32
    %dma_start3A_459 = arith.constant 0 : i32
    %dma_start3A_460 = tpu.memref_slice %arg11[%dma_start3A_456, %dma_start3A_458, %dma_start3A_459] : memref<2x16x125xi32, #tpu.memory_space<vmem>> -> memref<1x16x125xi32, #tpu.memory_space<vmem>>
    %dma_start3A_461 = tpu.memref_squeeze %dma_start3A_460 : memref<1x16x125xi32, #tpu.memory_space<vmem>> -> memref<16x125xi32, #tpu.memory_space<vmem>>
    %dma_start3A_462 = arith.constant 0 : i32
    %dma_start3A_463 = arith.constant 0 : i32
    %dma_start3A_464 = tpu.memref_slice %arg4[%add3A, %dma_start3A_455, %dma_start3A_462, %dma_start3A_463] : memref<32x5x16x125xi32, #tpu.memory_space<hbm>> -> memref<1x1x16x125xi32, #tpu.memory_space<hbm>>
    %dma_start3A_465 = tpu.memref_squeeze %dma_start3A_464 : memref<1x1x16x125xi32, #tpu.memory_space<hbm>> -> memref<16x125xi32, #tpu.memory_space<hbm>>
    %dma_start3A_466 = tpu.memref_slice %arg13[%dma_start3A_457] : memref<4x!tpu.dma_semaphore, #tpu.memory_space<semaphore_mem>> -> memref<1x!tpu.dma_semaphore, #tpu.memory_space<semaphore_mem>>
    %dma_start3A_467 = tpu.memref_squeeze %dma_start3A_466 : memref<1x!tpu.dma_semaphore, #tpu.memory_space<semaphore_mem>> -> memref<!tpu.dma_semaphore, #tpu.memory_space<semaphore_mem>>
    %dma_start3A_468 = arith.constant 0 : i32
    %dma_start3A_469 = arith.constant 0 : i32
    %dma_start3A_470 = tpu.memref_slice %arg11[%dma_start3A_456, %dma_start3A_468, %dma_start3A_469] : memref<2x16x125xi32, #tpu.memory_space<vmem>> -> memref<1x16x125xi32, #tpu.memory_space<vmem>>
    %dma_start3A_471 = tpu.memref_squeeze %dma_start3A_470 : memref<1x16x125xi32, #tpu.memory_space<vmem>> -> memref<16x125xi32, #tpu.memory_space<vmem>>
    %dma_start3A_472 = arith.constant 0 : i32
    %dma_start3A_473 = arith.constant 0 : i32
    %dma_start3A_474 = tpu.memref_slice %arg4[%add3A, %dma_start3A_455, %dma_start3A_472, %dma_start3A_473] : memref<32x5x16x125xi32, #tpu.memory_space<hbm>> -> memref<1x1x16x125xi32, #tpu.memory_space<hbm>>
    %dma_start3A_475 = tpu.memref_squeeze %dma_start3A_474 : memref<1x1x16x125xi32, #tpu.memory_space<hbm>> -> memref<16x125xi32, #tpu.memory_space<hbm>>
    tpu.enqueue_dma source(%dma_start3A_475 : memref<16x125xi32, #tpu.memory_space<hbm>>) target(%dma_start3A_471 : memref<16x125xi32, #tpu.memory_space<vmem>>) target_semaphore(%dma_start3A_467 : memref<!tpu.dma_semaphore, #tpu.memory_space<semaphore_mem>>)
    %dma_start3A_476 = arith.constant 1 : i32
    %dma_start3A_477 = arith.constant 0 : i32
    %dma_start3A_478 = arith.constant 0 : i32
    %dma_start3A_479 = arith.constant 0 : i32
    %dma_start3A_480 = arith.constant 0 : i32
    %dma_start3A_481 = arith.constant 0 : i32
    %dma_start3A_482 = tpu.memref_slice %arg12[%dma_start3A_478, %dma_start3A_480, %dma_start3A_481] : memref<2x125x128xf32, #tpu.memory_space<vmem>> -> memref<1x125x128xf32, #tpu.memory_space<vmem>>
    %dma_start3A_483 = tpu.memref_squeeze %dma_start3A_482 : memref<1x125x128xf32, #tpu.memory_space<vmem>> -> memref<125x128xf32, #tpu.memory_space<vmem>>
    %dma_start3A_484 = arith.constant 0 : i32
    %dma_start3A_485 = tpu.memref_slice %arg10[%dma_start3A_476, %dma_start3A_477, %dma_start3A_484] : memref<2x16x125xi32, #tpu.memory_space<vmem>> -> memref<1x1x125xi32, #tpu.memory_space<vmem>>
    %dma_start3A_486 = tpu.memref_squeeze %dma_start3A_485 : memref<1x1x125xi32, #tpu.memory_space<vmem>> -> memref<125xi32, #tpu.memory_space<vmem>>
    %dma_start3A_487 = arith.constant 0 : i32
    %dma_start3A_488 = arith.constant 0 : i32
    %dma_start3A_489 = tpu.memref_slice %arg2[%dma_start3A_487, %dma_start3A_488] : memref<10000x128xf32, #tpu.memory_space<hbm>> -> memref<10000x128xf32, #tpu.memory_space<hbm>>
    %dma_start3A_490 = tpu.memref_slice %arg13[%dma_start3A_479] : memref<4x!tpu.dma_semaphore, #tpu.memory_space<semaphore_mem>> -> memref<1x!tpu.dma_semaphore, #tpu.memory_space<semaphore_mem>>
    %dma_start3A_491 = tpu.memref_squeeze %dma_start3A_490 : memref<1x!tpu.dma_semaphore, #tpu.memory_space<semaphore_mem>> -> memref<!tpu.dma_semaphore, #tpu.memory_space<semaphore_mem>>
    tpu.enqueue_indirect_dma source(%dma_start3A_489 : memref<10000x128xf32, #tpu.memory_space<hbm>>) target(%dma_start3A_483 : memref<125x128xf32, #tpu.memory_space<vmem>>) offsets(%dma_start3A_486 : memref<125xi32, #tpu.memory_space<vmem>>) semaphore(%dma_start3A_491 : memref<!tpu.dma_semaphore, #tpu.memory_space<semaphore_mem>>)
    %scan3A_492 = arith.constant 0 : i32
    %scan3A_493 = arith.constant 0 : i32
    %scan3A_494 = arith.constant 16 : i32
    %scan3A_495 = arith.addi %scan3A_493, %scan3A_494 : i32
    %scan3A_496 = arith.constant 1 : i32
    scf.for %scan3A_603 = %scan3A_493 to %scan3A_495 step %scan3A_496  : i32 {
      %rem3A = arith.constant 2 : i32
      %rem3A_604 = arith.remsi %scan3A_603, %rem3A : i32
      %add3A_605 = arith.constant 1 : i32
      %add3A_606 = arith.addi %scan3A_603, %add3A_605 : i32
      %rem3A_607 = arith.constant 2 : i32
      %rem3A_608 = arith.remsi %add3A_606, %rem3A_607 : i32
      %add3A_609 = arith.constant 1 : i32
      %add3A_610 = arith.addi %scan3A_603, %add3A_609 : i32
      %lt3A = arith.constant 16 : i32
      %lt3A_611 = arith.cmpi slt, %add3A_610, %lt3A : i32
      %convert_element_type3A = arith.extui %lt3A_611 : i1 to i32
      %cond3A = arith.constant 0 : i32
      %cond3A_612 = arith.cmpi ne, %convert_element_type3A, %cond3A : i32
      scf.if %cond3A_612 {
        %add3A_627 = arith.constant 1 : i32
        %add3A_628 = arith.addi %scan3A_603, %add3A_627 : i32
        %dma_start3A_629 = arith.constant 1 : i32
        %dma_start3A_630 = arith.constant 0 : i32
        %dma_start3A_631 = arith.constant 0 : i32
        %dma_start3A_632 = tpu.memref_slice %arg12[%rem3A_608, %dma_start3A_630, %dma_start3A_631] : memref<2x125x128xf32, #tpu.memory_space<vmem>> -> memref<1x125x128xf32, #tpu.memory_space<vmem>>
        %dma_start3A_633 = tpu.memref_squeeze %dma_start3A_632 : memref<1x125x128xf32, #tpu.memory_space<vmem>> -> memref<125x128xf32, #tpu.memory_space<vmem>>
        %dma_start3A_634 = arith.constant 0 : i32
        %dma_start3A_635 = tpu.memref_slice %arg10[%dma_start3A_629, %add3A_628, %dma_start3A_634] : memref<2x16x125xi32, #tpu.memory_space<vmem>> -> memref<1x1x125xi32, #tpu.memory_space<vmem>>
        %dma_start3A_636 = tpu.memref_squeeze %dma_start3A_635 : memref<1x1x125xi32, #tpu.memory_space<vmem>> -> memref<125xi32, #tpu.memory_space<vmem>>
        %dma_start3A_637 = arith.constant 0 : i32
        %dma_start3A_638 = arith.constant 0 : i32
        %dma_start3A_639 = tpu.memref_slice %arg2[%dma_start3A_637, %dma_start3A_638] : memref<10000x128xf32, #tpu.memory_space<hbm>> -> memref<10000x128xf32, #tpu.memory_space<hbm>>
        %dma_start3A_640 = tpu.memref_slice %arg13[%rem3A_608] : memref<4x!tpu.dma_semaphore, #tpu.memory_space<semaphore_mem>> -> memref<1x!tpu.dma_semaphore, #tpu.memory_space<semaphore_mem>>
        %dma_start3A_641 = tpu.memref_squeeze %dma_start3A_640 : memref<1x!tpu.dma_semaphore, #tpu.memory_space<semaphore_mem>> -> memref<!tpu.dma_semaphore, #tpu.memory_space<semaphore_mem>>
        tpu.enqueue_indirect_dma source(%dma_start3A_639 : memref<10000x128xf32, #tpu.memory_space<hbm>>) target(%dma_start3A_633 : memref<125x128xf32, #tpu.memory_space<vmem>>) offsets(%dma_start3A_636 : memref<125xi32, #tpu.memory_space<vmem>>) semaphore(%dma_start3A_641 : memref<!tpu.dma_semaphore, #tpu.memory_space<semaphore_mem>>)
      } else {
      }
      %dma_wait3A_613 = arith.constant 1 : i32
      %dma_wait3A_614 = arith.constant 0 : i32
      %dma_wait3A_615 = arith.constant 0 : i32
      %dma_wait3A_616 = tpu.memref_slice %arg12[%rem3A_604, %dma_wait3A_614, %dma_wait3A_615] : memref<2x125x128xf32, #tpu.memory_space<vmem>> -> memref<1x125x128xf32, #tpu.memory_space<vmem>>
      %dma_wait3A_617 = tpu.memref_squeeze %dma_wait3A_616 : memref<1x125x128xf32, #tpu.memory_space<vmem>> -> memref<125x128xf32, #tpu.memory_space<vmem>>
      %dma_wait3A_618 = arith.constant 0 : i32
      %dma_wait3A_619 = tpu.memref_slice %arg10[%dma_wait3A_613, %scan3A_603, %dma_wait3A_618] : memref<2x16x125xi32, #tpu.memory_space<vmem>> -> memref<1x1x125xi32, #tpu.memory_space<vmem>>
      %dma_wait3A_620 = tpu.memref_squeeze %dma_wait3A_619 : memref<1x1x125xi32, #tpu.memory_space<vmem>> -> memref<125xi32, #tpu.memory_space<vmem>>
      %dma_wait3A_621 = arith.constant 0 : i32
      %dma_wait3A_622 = arith.constant 0 : i32
      %dma_wait3A_623 = tpu.memref_slice %arg2[%dma_wait3A_621, %dma_wait3A_622] : memref<10000x128xf32, #tpu.memory_space<hbm>> -> memref<10000x128xf32, #tpu.memory_space<hbm>>
      %dma_wait3A_624 = tpu.memref_slice %arg13[%rem3A_604] : memref<4x!tpu.dma_semaphore, #tpu.memory_space<semaphore_mem>> -> memref<1x!tpu.dma_semaphore, #tpu.memory_space<semaphore_mem>>
      %dma_wait3A_625 = tpu.memref_squeeze %dma_wait3A_624 : memref<1x!tpu.dma_semaphore, #tpu.memory_space<semaphore_mem>> -> memref<!tpu.dma_semaphore, #tpu.memory_space<semaphore_mem>>
      tpu.wait_indirect_dma semaphore(%dma_wait3A_625 : memref<!tpu.dma_semaphore, #tpu.memory_space<semaphore_mem>>) src(%dma_wait3A_623 : memref<10000x128xf32, #tpu.memory_space<hbm>>) dst(%dma_wait3A_617 : memref<125x128xf32, #tpu.memory_space<vmem>>)
      %run_scoped3A_626 = arith.constant 1 : i32
      "tpu.region"() ({
        %run_scoped3A_627 = tpu.sem_alloc : memref<!tpu.dma_semaphore, #tpu.memory_space<semaphore_mem>>
        %dma_start3A_628 = arith.constant 0 : i32
        %dma_start3A_629 = arith.constant 0 : i32
        %dma_start3A_630 = tpu.memref_slice %arg12[%rem3A_604, %dma_start3A_628, %dma_start3A_629] : memref<2x125x128xf32, #tpu.memory_space<vmem>> -> memref<1x125x128xf32, #tpu.memory_space<vmem>>
        %dma_start3A_631 = tpu.memref_squeeze %dma_start3A_630 : memref<1x125x128xf32, #tpu.memory_space<vmem>> -> memref<125x128xf32, #tpu.memory_space<vmem>>
        %dma_start3A_632 = arith.constant 0 : i32
        %dma_start3A_633 = tpu.memref_slice %arg11[%run_scoped3A_626, %scan3A_603, %dma_start3A_632] : memref<2x16x125xi32, #tpu.memory_space<vmem>> -> memref<1x1x125xi32, #tpu.memory_space<vmem>>
        %dma_start3A_634 = tpu.memref_squeeze %dma_start3A_633 : memref<1x1x125xi32, #tpu.memory_space<vmem>> -> memref<125xi32, #tpu.memory_space<vmem>>
        %dma_start3A_635 = arith.constant 0 : i32
        %dma_start3A_636 = arith.constant 0 : i32
        %dma_start3A_637 = tpu.memref_slice %arg9[%dma_start3A_635, %dma_start3A_636] : memref<10000x128xf32, #tpu.memory_space<vmem_shared>> -> memref<10000x128xf32, #tpu.memory_space<vmem_shared>>
        tpu.enqueue_indirect_dma source(%dma_start3A_631 : memref<125x128xf32, #tpu.memory_space<vmem>>) target(%dma_start3A_637 : memref<10000x128xf32, #tpu.memory_space<vmem_shared>>) offsets(%dma_start3A_634 : memref<125xi32, #tpu.memory_space<vmem>>) semaphore(%run_scoped3A_627 : memref<!tpu.dma_semaphore, #tpu.memory_space<semaphore_mem>>) {add = true}
        %dma_wait3A_638 = arith.constant 0 : i32
        %dma_wait3A_639 = arith.constant 0 : i32
        %dma_wait3A_640 = tpu.memref_slice %arg12[%rem3A_604, %dma_wait3A_638, %dma_wait3A_639] : memref<2x125x128xf32, #tpu.memory_space<vmem>> -> memref<1x125x128xf32, #tpu.memory_space<vmem>>
        %dma_wait3A_641 = tpu.memref_squeeze %dma_wait3A_640 : memref<1x125x128xf32, #tpu.memory_space<vmem>> -> memref<125x128xf32, #tpu.memory_space<vmem>>
        %dma_wait3A_642 = arith.constant 0 : i32
        %dma_wait3A_643 = tpu.memref_slice %arg11[%run_scoped3A_626, %scan3A_603, %dma_wait3A_642] : memref<2x16x125xi32, #tpu.memory_space<vmem>> -> memref<1x1x125xi32, #tpu.memory_space<vmem>>
        %dma_wait3A_644 = tpu.memref_squeeze %dma_wait3A_643 : memref<1x1x125xi32, #tpu.memory_space<vmem>> -> memref<125xi32, #tpu.memory_space<vmem>>
        %dma_wait3A_645 = arith.constant 0 : i32
        %dma_wait3A_646 = arith.constant 0 : i32
        %dma_wait3A_647 = tpu.memref_slice %arg9[%dma_wait3A_645, %dma_wait3A_646] : memref<10000x128xf32, #tpu.memory_space<vmem_shared>> -> memref<10000x128xf32, #tpu.memory_space<vmem_shared>>
        tpu.wait_indirect_dma semaphore(%run_scoped3A_627 : memref<!tpu.dma_semaphore, #tpu.memory_space<semaphore_mem>>) src(%dma_wait3A_641 : memref<125x128xf32, #tpu.memory_space<vmem>>) dst(%dma_wait3A_647 : memref<10000x128xf32, #tpu.memory_space<vmem_shared>>)
        tpu.yield
      }) : () -> ()
    }
    %scan3A_497 = arith.constant 16 : i32
    %dma_wait3A_498 = arith.constant 4 : i32
    %dma_wait3A_499 = arith.constant 0 : i32
    %dma_wait3A_500 = arith.constant 2 : i32
    %dma_wait3A_501 = arith.constant 0 : i32
    %dma_wait3A_502 = arith.constant 0 : i32
    %dma_wait3A_503 = tpu.memref_slice %arg10[%dma_wait3A_499, %dma_wait3A_501, %dma_wait3A_502] : memref<2x16x125xi32, #tpu.memory_space<vmem>> -> memref<1x16x125xi32, #tpu.memory_space<vmem>>
    %dma_wait3A_504 = tpu.memref_squeeze %dma_wait3A_503 : memref<1x16x125xi32, #tpu.memory_space<vmem>> -> memref<16x125xi32, #tpu.memory_space<vmem>>
    %dma_wait3A_505 = arith.constant 0 : i32
    %dma_wait3A_506 = arith.constant 0 : i32
    %dma_wait3A_507 = tpu.memref_slice %arg3[%add3A, %dma_wait3A_498, %dma_wait3A_505, %dma_wait3A_506] : memref<32x5x16x125xi32, #tpu.memory_space<hbm>> -> memref<1x1x16x125xi32, #tpu.memory_space<hbm>>
    %dma_wait3A_508 = tpu.memref_squeeze %dma_wait3A_507 : memref<1x1x16x125xi32, #tpu.memory_space<hbm>> -> memref<16x125xi32, #tpu.memory_space<hbm>>
    %dma_wait3A_509 = tpu.memref_slice %arg13[%dma_wait3A_500] : memref<4x!tpu.dma_semaphore, #tpu.memory_space<semaphore_mem>> -> memref<1x!tpu.dma_semaphore, #tpu.memory_space<semaphore_mem>>
    %dma_wait3A_510 = tpu.memref_squeeze %dma_wait3A_509 : memref<1x!tpu.dma_semaphore, #tpu.memory_space<semaphore_mem>> -> memref<!tpu.dma_semaphore, #tpu.memory_space<semaphore_mem>>
    %dma_wait3A_511 = arith.constant 0 : i32
    %dma_wait3A_512 = arith.constant 0 : i32
    %dma_wait3A_513 = tpu.memref_slice %arg10[%dma_wait3A_499, %dma_wait3A_511, %dma_wait3A_512] : memref<2x16x125xi32, #tpu.memory_space<vmem>> -> memref<1x16x125xi32, #tpu.memory_space<vmem>>
    %dma_wait3A_514 = tpu.memref_squeeze %dma_wait3A_513 : memref<1x16x125xi32, #tpu.memory_space<vmem>> -> memref<16x125xi32, #tpu.memory_space<vmem>>
    %dma_wait3A_515 = arith.constant 0 : i32
    %dma_wait3A_516 = arith.constant 0 : i32
    %dma_wait3A_517 = tpu.memref_slice %arg3[%add3A, %dma_wait3A_498, %dma_wait3A_515, %dma_wait3A_516] : memref<32x5x16x125xi32, #tpu.memory_space<hbm>> -> memref<1x1x16x125xi32, #tpu.memory_space<hbm>>
    %dma_wait3A_518 = tpu.memref_squeeze %dma_wait3A_517 : memref<1x1x16x125xi32, #tpu.memory_space<hbm>> -> memref<16x125xi32, #tpu.memory_space<hbm>>
    tpu.wait_dma2 semaphore(%dma_wait3A_510 : memref<!tpu.dma_semaphore, #tpu.memory_space<semaphore_mem>>) src(%dma_wait3A_518 : memref<16x125xi32, #tpu.memory_space<hbm>>) dst(%dma_wait3A_514 : memref<16x125xi32, #tpu.memory_space<vmem>>)
    %dma_wait3A_519 = arith.constant 4 : i32
    %dma_wait3A_520 = arith.constant 0 : i32
    %dma_wait3A_521 = arith.constant 3 : i32
    %dma_wait3A_522 = arith.constant 0 : i32
    %dma_wait3A_523 = arith.constant 0 : i32
    %dma_wait3A_524 = tpu.memref_slice %arg11[%dma_wait3A_520, %dma_wait3A_522, %dma_wait3A_523] : memref<2x16x125xi32, #tpu.memory_space<vmem>> -> memref<1x16x125xi32, #tpu.memory_space<vmem>>
    %dma_wait3A_525 = tpu.memref_squeeze %dma_wait3A_524 : memref<1x16x125xi32, #tpu.memory_space<vmem>> -> memref<16x125xi32, #tpu.memory_space<vmem>>
    %dma_wait3A_526 = arith.constant 0 : i32
    %dma_wait3A_527 = arith.constant 0 : i32
    %dma_wait3A_528 = tpu.memref_slice %arg4[%add3A, %dma_wait3A_519, %dma_wait3A_526, %dma_wait3A_527] : memref<32x5x16x125xi32, #tpu.memory_space<hbm>> -> memref<1x1x16x125xi32, #tpu.memory_space<hbm>>
    %dma_wait3A_529 = tpu.memref_squeeze %dma_wait3A_528 : memref<1x1x16x125xi32, #tpu.memory_space<hbm>> -> memref<16x125xi32, #tpu.memory_space<hbm>>
    %dma_wait3A_530 = tpu.memref_slice %arg13[%dma_wait3A_521] : memref<4x!tpu.dma_semaphore, #tpu.memory_space<semaphore_mem>> -> memref<1x!tpu.dma_semaphore, #tpu.memory_space<semaphore_mem>>
    %dma_wait3A_531 = tpu.memref_squeeze %dma_wait3A_530 : memref<1x!tpu.dma_semaphore, #tpu.memory_space<semaphore_mem>> -> memref<!tpu.dma_semaphore, #tpu.memory_space<semaphore_mem>>
    %dma_wait3A_532 = arith.constant 0 : i32
    %dma_wait3A_533 = arith.constant 0 : i32
    %dma_wait3A_534 = tpu.memref_slice %arg11[%dma_wait3A_520, %dma_wait3A_532, %dma_wait3A_533] : memref<2x16x125xi32, #tpu.memory_space<vmem>> -> memref<1x16x125xi32, #tpu.memory_space<vmem>>
    %dma_wait3A_535 = tpu.memref_squeeze %dma_wait3A_534 : memref<1x16x125xi32, #tpu.memory_space<vmem>> -> memref<16x125xi32, #tpu.memory_space<vmem>>
    %dma_wait3A_536 = arith.constant 0 : i32
    %dma_wait3A_537 = arith.constant 0 : i32
    %dma_wait3A_538 = tpu.memref_slice %arg4[%add3A, %dma_wait3A_519, %dma_wait3A_536, %dma_wait3A_537] : memref<32x5x16x125xi32, #tpu.memory_space<hbm>> -> memref<1x1x16x125xi32, #tpu.memory_space<hbm>>
    %dma_wait3A_539 = tpu.memref_squeeze %dma_wait3A_538 : memref<1x1x16x125xi32, #tpu.memory_space<hbm>> -> memref<16x125xi32, #tpu.memory_space<hbm>>
    tpu.wait_dma2 semaphore(%dma_wait3A_531 : memref<!tpu.dma_semaphore, #tpu.memory_space<semaphore_mem>>) src(%dma_wait3A_539 : memref<16x125xi32, #tpu.memory_space<hbm>>) dst(%dma_wait3A_535 : memref<16x125xi32, #tpu.memory_space<vmem>>)
    %dma_start3A_540 = arith.constant 0 : i32
    %dma_start3A_541 = arith.constant 0 : i32
    %dma_start3A_542 = arith.constant 0 : i32
    %dma_start3A_543 = arith.constant 0 : i32
    %dma_start3A_544 = arith.constant 0 : i32
    %dma_start3A_545 = arith.constant 0 : i32
    %dma_start3A_546 = tpu.memref_slice %arg12[%dma_start3A_542, %dma_start3A_544, %dma_start3A_545] : memref<2x125x128xf32, #tpu.memory_space<vmem>> -> memref<1x125x128xf32, #tpu.memory_space<vmem>>
    %dma_start3A_547 = tpu.memref_squeeze %dma_start3A_546 : memref<1x125x128xf32, #tpu.memory_space<vmem>> -> memref<125x128xf32, #tpu.memory_space<vmem>>
    %dma_start3A_548 = arith.constant 0 : i32
    %dma_start3A_549 = tpu.memref_slice %arg10[%dma_start3A_540, %dma_start3A_541, %dma_start3A_548] : memref<2x16x125xi32, #tpu.memory_space<vmem>> -> memref<1x1x125xi32, #tpu.memory_space<vmem>>
    %dma_start3A_550 = tpu.memref_squeeze %dma_start3A_549 : memref<1x1x125xi32, #tpu.memory_space<vmem>> -> memref<125xi32, #tpu.memory_space<vmem>>
    %dma_start3A_551 = arith.constant 0 : i32
    %dma_start3A_552 = arith.constant 0 : i32
    %dma_start3A_553 = tpu.memref_slice %arg2[%dma_start3A_551, %dma_start3A_552] : memref<10000x128xf32, #tpu.memory_space<hbm>> -> memref<10000x128xf32, #tpu.memory_space<hbm>>
    %dma_start3A_554 = tpu.memref_slice %arg13[%dma_start3A_543] : memref<4x!tpu.dma_semaphore, #tpu.memory_space<semaphore_mem>> -> memref<1x!tpu.dma_semaphore, #tpu.memory_space<semaphore_mem>>
    %dma_start3A_555 = tpu.memref_squeeze %dma_start3A_554 : memref<1x!tpu.dma_semaphore, #tpu.memory_space<semaphore_mem>> -> memref<!tpu.dma_semaphore, #tpu.memory_space<semaphore_mem>>
    tpu.enqueue_indirect_dma source(%dma_start3A_553 : memref<10000x128xf32, #tpu.memory_space<hbm>>) target(%dma_start3A_547 : memref<125x128xf32, #tpu.memory_space<vmem>>) offsets(%dma_start3A_550 : memref<125xi32, #tpu.memory_space<vmem>>) semaphore(%dma_start3A_555 : memref<!tpu.dma_semaphore, #tpu.memory_space<semaphore_mem>>)
    %scan3A_556 = arith.constant 0 : i32
    %scan3A_557 = arith.constant 0 : i32
    %scan3A_558 = arith.constant 16 : i32
    %scan3A_559 = arith.addi %scan3A_557, %scan3A_558 : i32
    %scan3A_560 = arith.constant 1 : i32
    scf.for %scan3A_603 = %scan3A_557 to %scan3A_559 step %scan3A_560  : i32 {
      %rem3A = arith.constant 2 : i32
      %rem3A_604 = arith.remsi %scan3A_603, %rem3A : i32
      %add3A_605 = arith.constant 1 : i32
      %add3A_606 = arith.addi %scan3A_603, %add3A_605 : i32
      %rem3A_607 = arith.constant 2 : i32
      %rem3A_608 = arith.remsi %add3A_606, %rem3A_607 : i32
      %add3A_609 = arith.constant 1 : i32
      %add3A_610 = arith.addi %scan3A_603, %add3A_609 : i32
      %lt3A = arith.constant 16 : i32
      %lt3A_611 = arith.cmpi slt, %add3A_610, %lt3A : i32
      %convert_element_type3A = arith.extui %lt3A_611 : i1 to i32
      %cond3A = arith.constant 0 : i32
      %cond3A_612 = arith.cmpi ne, %convert_element_type3A, %cond3A : i32
      scf.if %cond3A_612 {
        %add3A_627 = arith.constant 1 : i32
        %add3A_628 = arith.addi %scan3A_603, %add3A_627 : i32
        %dma_start3A_629 = arith.constant 0 : i32
        %dma_start3A_630 = arith.constant 0 : i32
        %dma_start3A_631 = arith.constant 0 : i32
        %dma_start3A_632 = tpu.memref_slice %arg12[%rem3A_608, %dma_start3A_630, %dma_start3A_631] : memref<2x125x128xf32, #tpu.memory_space<vmem>> -> memref<1x125x128xf32, #tpu.memory_space<vmem>>
        %dma_start3A_633 = tpu.memref_squeeze %dma_start3A_632 : memref<1x125x128xf32, #tpu.memory_space<vmem>> -> memref<125x128xf32, #tpu.memory_space<vmem>>
        %dma_start3A_634 = arith.constant 0 : i32
        %dma_start3A_635 = tpu.memref_slice %arg10[%dma_start3A_629, %add3A_628, %dma_start3A_634] : memref<2x16x125xi32, #tpu.memory_space<vmem>> -> memref<1x1x125xi32, #tpu.memory_space<vmem>>
        %dma_start3A_636 = tpu.memref_squeeze %dma_start3A_635 : memref<1x1x125xi32, #tpu.memory_space<vmem>> -> memref<125xi32, #tpu.memory_space<vmem>>
        %dma_start3A_637 = arith.constant 0 : i32
        %dma_start3A_638 = arith.constant 0 : i32
        %dma_start3A_639 = tpu.memref_slice %arg2[%dma_start3A_637, %dma_start3A_638] : memref<10000x128xf32, #tpu.memory_space<hbm>> -> memref<10000x128xf32, #tpu.memory_space<hbm>>
        %dma_start3A_640 = tpu.memref_slice %arg13[%rem3A_608] : memref<4x!tpu.dma_semaphore, #tpu.memory_space<semaphore_mem>> -> memref<1x!tpu.dma_semaphore, #tpu.memory_space<semaphore_mem>>
        %dma_start3A_641 = tpu.memref_squeeze %dma_start3A_640 : memref<1x!tpu.dma_semaphore, #tpu.memory_space<semaphore_mem>> -> memref<!tpu.dma_semaphore, #tpu.memory_space<semaphore_mem>>
        tpu.enqueue_indirect_dma source(%dma_start3A_639 : memref<10000x128xf32, #tpu.memory_space<hbm>>) target(%dma_start3A_633 : memref<125x128xf32, #tpu.memory_space<vmem>>) offsets(%dma_start3A_636 : memref<125xi32, #tpu.memory_space<vmem>>) semaphore(%dma_start3A_641 : memref<!tpu.dma_semaphore, #tpu.memory_space<semaphore_mem>>)
      } else {
      }
      %dma_wait3A_613 = arith.constant 0 : i32
      %dma_wait3A_614 = arith.constant 0 : i32
      %dma_wait3A_615 = arith.constant 0 : i32
      %dma_wait3A_616 = tpu.memref_slice %arg12[%rem3A_604, %dma_wait3A_614, %dma_wait3A_615] : memref<2x125x128xf32, #tpu.memory_space<vmem>> -> memref<1x125x128xf32, #tpu.memory_space<vmem>>
      %dma_wait3A_617 = tpu.memref_squeeze %dma_wait3A_616 : memref<1x125x128xf32, #tpu.memory_space<vmem>> -> memref<125x128xf32, #tpu.memory_space<vmem>>
      %dma_wait3A_618 = arith.constant 0 : i32
      %dma_wait3A_619 = tpu.memref_slice %arg10[%dma_wait3A_613, %scan3A_603, %dma_wait3A_618] : memref<2x16x125xi32, #tpu.memory_space<vmem>> -> memref<1x1x125xi32, #tpu.memory_space<vmem>>
      %dma_wait3A_620 = tpu.memref_squeeze %dma_wait3A_619 : memref<1x1x125xi32, #tpu.memory_space<vmem>> -> memref<125xi32, #tpu.memory_space<vmem>>
      %dma_wait3A_621 = arith.constant 0 : i32
      %dma_wait3A_622 = arith.constant 0 : i32
      %dma_wait3A_623 = tpu.memref_slice %arg2[%dma_wait3A_621, %dma_wait3A_622] : memref<10000x128xf32, #tpu.memory_space<hbm>> -> memref<10000x128xf32, #tpu.memory_space<hbm>>
      %dma_wait3A_624 = tpu.memref_slice %arg13[%rem3A_604] : memref<4x!tpu.dma_semaphore, #tpu.memory_space<semaphore_mem>> -> memref<1x!tpu.dma_semaphore, #tpu.memory_space<semaphore_mem>>
      %dma_wait3A_625 = tpu.memref_squeeze %dma_wait3A_624 : memref<1x!tpu.dma_semaphore, #tpu.memory_space<semaphore_mem>> -> memref<!tpu.dma_semaphore, #tpu.memory_space<semaphore_mem>>
      tpu.wait_indirect_dma semaphore(%dma_wait3A_625 : memref<!tpu.dma_semaphore, #tpu.memory_space<semaphore_mem>>) src(%dma_wait3A_623 : memref<10000x128xf32, #tpu.memory_space<hbm>>) dst(%dma_wait3A_617 : memref<125x128xf32, #tpu.memory_space<vmem>>)
      %run_scoped3A_626 = arith.constant 0 : i32
      "tpu.region"() ({
        %run_scoped3A_627 = tpu.sem_alloc : memref<!tpu.dma_semaphore, #tpu.memory_space<semaphore_mem>>
        %dma_start3A_628 = arith.constant 0 : i32
        %dma_start3A_629 = arith.constant 0 : i32
        %dma_start3A_630 = tpu.memref_slice %arg12[%rem3A_604, %dma_start3A_628, %dma_start3A_629] : memref<2x125x128xf32, #tpu.memory_space<vmem>> -> memref<1x125x128xf32, #tpu.memory_space<vmem>>
        %dma_start3A_631 = tpu.memref_squeeze %dma_start3A_630 : memref<1x125x128xf32, #tpu.memory_space<vmem>> -> memref<125x128xf32, #tpu.memory_space<vmem>>
        %dma_start3A_632 = arith.constant 0 : i32
        %dma_start3A_633 = tpu.memref_slice %arg11[%run_scoped3A_626, %scan3A_603, %dma_start3A_632] : memref<2x16x125xi32, #tpu.memory_space<vmem>> -> memref<1x1x125xi32, #tpu.memory_space<vmem>>
        %dma_start3A_634 = tpu.memref_squeeze %dma_start3A_633 : memref<1x1x125xi32, #tpu.memory_space<vmem>> -> memref<125xi32, #tpu.memory_space<vmem>>
        %dma_start3A_635 = arith.constant 0 : i32
        %dma_start3A_636 = arith.constant 0 : i32
        %dma_start3A_637 = tpu.memref_slice %arg9[%dma_start3A_635, %dma_start3A_636] : memref<10000x128xf32, #tpu.memory_space<vmem_shared>> -> memref<10000x128xf32, #tpu.memory_space<vmem_shared>>
        tpu.enqueue_indirect_dma source(%dma_start3A_631 : memref<125x128xf32, #tpu.memory_space<vmem>>) target(%dma_start3A_637 : memref<10000x128xf32, #tpu.memory_space<vmem_shared>>) offsets(%dma_start3A_634 : memref<125xi32, #tpu.memory_space<vmem>>) semaphore(%run_scoped3A_627 : memref<!tpu.dma_semaphore, #tpu.memory_space<semaphore_mem>>) {add = true}
        %dma_wait3A_638 = arith.constant 0 : i32
        %dma_wait3A_639 = arith.constant 0 : i32
        %dma_wait3A_640 = tpu.memref_slice %arg12[%rem3A_604, %dma_wait3A_638, %dma_wait3A_639] : memref<2x125x128xf32, #tpu.memory_space<vmem>> -> memref<1x125x128xf32, #tpu.memory_space<vmem>>
        %dma_wait3A_641 = tpu.memref_squeeze %dma_wait3A_640 : memref<1x125x128xf32, #tpu.memory_space<vmem>> -> memref<125x128xf32, #tpu.memory_space<vmem>>
        %dma_wait3A_642 = arith.constant 0 : i32
        %dma_wait3A_643 = tpu.memref_slice %arg11[%run_scoped3A_626, %scan3A_603, %dma_wait3A_642] : memref<2x16x125xi32, #tpu.memory_space<vmem>> -> memref<1x1x125xi32, #tpu.memory_space<vmem>>
        %dma_wait3A_644 = tpu.memref_squeeze %dma_wait3A_643 : memref<1x1x125xi32, #tpu.memory_space<vmem>> -> memref<125xi32, #tpu.memory_space<vmem>>
        %dma_wait3A_645 = arith.constant 0 : i32
        %dma_wait3A_646 = arith.constant 0 : i32
        %dma_wait3A_647 = tpu.memref_slice %arg9[%dma_wait3A_645, %dma_wait3A_646] : memref<10000x128xf32, #tpu.memory_space<vmem_shared>> -> memref<10000x128xf32, #tpu.memory_space<vmem_shared>>
        tpu.wait_indirect_dma semaphore(%run_scoped3A_627 : memref<!tpu.dma_semaphore, #tpu.memory_space<semaphore_mem>>) src(%dma_wait3A_641 : memref<125x128xf32, #tpu.memory_space<vmem>>) dst(%dma_wait3A_647 : memref<10000x128xf32, #tpu.memory_space<vmem_shared>>)
        tpu.yield
      }) : () -> ()
    }
    %scan3A_561 = arith.constant 16 : i32
    %barrier3A_562 = arith.constant 0 : index
    tpu.barrier barrier_id(%barrier3A_562)
    %add3A_563 = arith.constant 0 : i32
    %add3A_564 = arith.addi %arg1, %add3A_563 : i32
    %min3A_565 = arith.constant 79 : i32
    %min3A_566 = arith.minsi %add3A_564, %min3A_565 : i32
    %mul3A_567 = arith.constant 125 : i32
    %mul3A_568 = arith.muli %min3A_566, %mul3A_567 : i32
    %run_scoped3A_569 = arith.constant 0 : i32
    "tpu.region"() ({
      %run_scoped3A_603 = tpu.sem_alloc : memref<!tpu.dma_semaphore, #tpu.memory_space<semaphore_mem>>
      %dma_start3A_604 = arith.constant 0 : i32
      %dma_start3A_605 = arith.constant 0 : i32
      %dma_start3A_606 = tpu.memref_slice %arg12[%run_scoped3A_569, %dma_start3A_604, %dma_start3A_605] : memref<2x125x128xf32, #tpu.memory_space<vmem>> -> memref<1x125x128xf32, #tpu.memory_space<vmem>>
      %dma_start3A_607 = tpu.memref_squeeze %dma_start3A_606 : memref<1x125x128xf32, #tpu.memory_space<vmem>> -> memref<125x128xf32, #tpu.memory_space<vmem>>
      %dma_start3A_608 = arith.constant 0 : i32
      %dma_start3A_609 = tpu.memref_slice %arg9[%mul3A_568, %dma_start3A_608] : memref<10000x128xf32, #tpu.memory_space<vmem_shared>> -> memref<125x128xf32, #tpu.memory_space<vmem_shared>>
      %dma_start3A_610 = arith.constant 0 : i32
      %dma_start3A_611 = arith.constant 0 : i32
      %dma_start3A_612 = tpu.memref_slice %arg12[%run_scoped3A_569, %dma_start3A_610, %dma_start3A_611] : memref<2x125x128xf32, #tpu.memory_space<vmem>> -> memref<1x125x128xf32, #tpu.memory_space<vmem>>
      %dma_start3A_613 = tpu.memref_squeeze %dma_start3A_612 : memref<1x125x128xf32, #tpu.memory_space<vmem>> -> memref<125x128xf32, #tpu.memory_space<vmem>>
      %dma_start3A_614 = arith.constant 0 : i32
      %dma_start3A_615 = tpu.memref_slice %arg9[%mul3A_568, %dma_start3A_614] : memref<10000x128xf32, #tpu.memory_space<vmem_shared>> -> memref<125x128xf32, #tpu.memory_space<vmem_shared>>
      tpu.enqueue_dma source(%dma_start3A_615 : memref<125x128xf32, #tpu.memory_space<vmem_shared>>) target(%dma_start3A_613 : memref<125x128xf32, #tpu.memory_space<vmem>>) target_semaphore(%run_scoped3A_603 : memref<!tpu.dma_semaphore, #tpu.memory_space<semaphore_mem>>)
      %dma_wait3A_616 = arith.constant 0 : i32
      %dma_wait3A_617 = arith.constant 0 : i32
      %dma_wait3A_618 = tpu.memref_slice %arg12[%run_scoped3A_569, %dma_wait3A_616, %dma_wait3A_617] : memref<2x125x128xf32, #tpu.memory_space<vmem>> -> memref<1x125x128xf32, #tpu.memory_space<vmem>>
      %dma_wait3A_619 = tpu.memref_squeeze %dma_wait3A_618 : memref<1x125x128xf32, #tpu.memory_space<vmem>> -> memref<125x128xf32, #tpu.memory_space<vmem>>
      %dma_wait3A_620 = arith.constant 0 : i32
      %dma_wait3A_621 = tpu.memref_slice %arg9[%mul3A_568, %dma_wait3A_620] : memref<10000x128xf32, #tpu.memory_space<vmem_shared>> -> memref<125x128xf32, #tpu.memory_space<vmem_shared>>
      %dma_wait3A_622 = arith.constant 0 : i32
      %dma_wait3A_623 = arith.constant 0 : i32
      %dma_wait3A_624 = tpu.memref_slice %arg12[%run_scoped3A_569, %dma_wait3A_622, %dma_wait3A_623] : memref<2x125x128xf32, #tpu.memory_space<vmem>> -> memref<1x125x128xf32, #tpu.memory_space<vmem>>
      %dma_wait3A_625 = tpu.memref_squeeze %dma_wait3A_624 : memref<1x125x128xf32, #tpu.memory_space<vmem>> -> memref<125x128xf32, #tpu.memory_space<vmem>>
      %dma_wait3A_626 = arith.constant 0 : i32
      %dma_wait3A_627 = tpu.memref_slice %arg9[%mul3A_568, %dma_wait3A_626] : memref<10000x128xf32, #tpu.memory_space<vmem_shared>> -> memref<125x128xf32, #tpu.memory_space<vmem_shared>>
      tpu.wait_dma2 semaphore(%run_scoped3A_603 : memref<!tpu.dma_semaphore, #tpu.memory_space<semaphore_mem>>) src(%dma_wait3A_627 : memref<125x128xf32, #tpu.memory_space<vmem_shared>>) dst(%dma_wait3A_625 : memref<125x128xf32, #tpu.memory_space<vmem>>)
      tpu.yield
    }) : () -> ()
    %run_scoped3A_570 = arith.constant 0 : i32
    "tpu.region"() ({
      %run_scoped3A_603 = tpu.sem_alloc : memref<!tpu.dma_semaphore, #tpu.memory_space<semaphore_mem>>
      %dma_start3A_604 = arith.constant 0 : i32
      %dma_start3A_605 = arith.constant 0 : i32
      %dma_start3A_606 = tpu.memref_slice %arg12[%run_scoped3A_570, %dma_start3A_604, %dma_start3A_605] : memref<2x125x128xf32, #tpu.memory_space<vmem>> -> memref<1x125x128xf32, #tpu.memory_space<vmem>>
      %dma_start3A_607 = tpu.memref_squeeze %dma_start3A_606 : memref<1x125x128xf32, #tpu.memory_space<vmem>> -> memref<125x128xf32, #tpu.memory_space<vmem>>
      %dma_start3A_608 = arith.constant 0 : i32
      %dma_start3A_609 = tpu.memref_slice %arg8[%arg0, %mul3A_568, %dma_start3A_608] : memref<2x10000x128xf32, #tpu.memory_space<hbm>> -> memref<1x125x128xf32, #tpu.memory_space<hbm>>
      %dma_start3A_610 = tpu.memref_squeeze %dma_start3A_609 : memref<1x125x128xf32, #tpu.memory_space<hbm>> -> memref<125x128xf32, #tpu.memory_space<hbm>>
      %dma_start3A_611 = arith.constant 0 : i32
      %dma_start3A_612 = tpu.memref_slice %arg8[%arg0, %mul3A_568, %dma_start3A_611] : memref<2x10000x128xf32, #tpu.memory_space<hbm>> -> memref<1x125x128xf32, #tpu.memory_space<hbm>>
      %dma_start3A_613 = tpu.memref_squeeze %dma_start3A_612 : memref<1x125x128xf32, #tpu.memory_space<hbm>> -> memref<125x128xf32, #tpu.memory_space<hbm>>
      %dma_start3A_614 = arith.constant 0 : i32
      %dma_start3A_615 = arith.constant 0 : i32
      %dma_start3A_616 = tpu.memref_slice %arg12[%run_scoped3A_570, %dma_start3A_614, %dma_start3A_615] : memref<2x125x128xf32, #tpu.memory_space<vmem>> -> memref<1x125x128xf32, #tpu.memory_space<vmem>>
      %dma_start3A_617 = tpu.memref_squeeze %dma_start3A_616 : memref<1x125x128xf32, #tpu.memory_space<vmem>> -> memref<125x128xf32, #tpu.memory_space<vmem>>
      tpu.enqueue_dma source(%dma_start3A_617 : memref<125x128xf32, #tpu.memory_space<vmem>>) target(%dma_start3A_613 : memref<125x128xf32, #tpu.memory_space<hbm>>) target_semaphore(%run_scoped3A_603 : memref<!tpu.dma_semaphore, #tpu.memory_space<semaphore_mem>>)
      %dma_wait3A_618 = arith.constant 0 : i32
      %dma_wait3A_619 = arith.constant 0 : i32
      %dma_wait3A_620 = tpu.memref_slice %arg12[%run_scoped3A_570, %dma_wait3A_618, %dma_wait3A_619] : memref<2x125x128xf32, #tpu.memory_space<vmem>> -> memref<1x125x128xf32, #tpu.memory_space<vmem>>
      %dma_wait3A_621 = tpu.memref_squeeze %dma_wait3A_620 : memref<1x125x128xf32, #tpu.memory_space<vmem>> -> memref<125x128xf32, #tpu.memory_space<vmem>>
      %dma_wait3A_622 = arith.constant 0 : i32
      %dma_wait3A_623 = tpu.memref_slice %arg8[%arg0, %mul3A_568, %dma_wait3A_622] : memref<2x10000x128xf32, #tpu.memory_space<hbm>> -> memref<1x125x128xf32, #tpu.memory_space<hbm>>
      %dma_wait3A_624 = tpu.memref_squeeze %dma_wait3A_623 : memref<1x125x128xf32, #tpu.memory_space<hbm>> -> memref<125x128xf32, #tpu.memory_space<hbm>>
      %dma_wait3A_625 = arith.constant 0 : i32
      %dma_wait3A_626 = tpu.memref_slice %arg8[%arg0, %mul3A_568, %dma_wait3A_625] : memref<2x10000x128xf32, #tpu.memory_space<hbm>> -> memref<1x125x128xf32, #tpu.memory_space<hbm>>
      %dma_wait3A_627 = tpu.memref_squeeze %dma_wait3A_626 : memref<1x125x128xf32, #tpu.memory_space<hbm>> -> memref<125x128xf32, #tpu.memory_space<hbm>>
      %dma_wait3A_628 = arith.constant 0 : i32
      %dma_wait3A_629 = arith.constant 0 : i32
      %dma_wait3A_630 = tpu.memref_slice %arg12[%run_scoped3A_570, %dma_wait3A_628, %dma_wait3A_629] : memref<2x125x128xf32, #tpu.memory_space<vmem>> -> memref<1x125x128xf32, #tpu.memory_space<vmem>>
      %dma_wait3A_631 = tpu.memref_squeeze %dma_wait3A_630 : memref<1x125x128xf32, #tpu.memory_space<vmem>> -> memref<125x128xf32, #tpu.memory_space<vmem>>
      tpu.wait_dma2 semaphore(%run_scoped3A_603 : memref<!tpu.dma_semaphore, #tpu.memory_space<semaphore_mem>>) src(%dma_wait3A_631 : memref<125x128xf32, #tpu.memory_space<vmem>>) dst(%dma_wait3A_627 : memref<125x128xf32, #tpu.memory_space<hbm>>)
      tpu.yield
    }) : () -> ()
    %add3A_571 = arith.constant 16 : i32
    %add3A_572 = arith.addi %arg1, %add3A_571 : i32
    %min3A_573 = arith.constant 79 : i32
    %min3A_574 = arith.minsi %add3A_572, %min3A_573 : i32
    %mul3A_575 = arith.constant 125 : i32
    %mul3A_576 = arith.muli %min3A_574, %mul3A_575 : i32
    %run_scoped3A_577 = arith.constant 0 : i32
    "tpu.region"() ({
      %run_scoped3A_603 = tpu.sem_alloc : memref<!tpu.dma_semaphore, #tpu.memory_space<semaphore_mem>>
      %dma_start3A_604 = arith.constant 0 : i32
      %dma_start3A_605 = arith.constant 0 : i32
      %dma_start3A_606 = tpu.memref_slice %arg12[%run_scoped3A_577, %dma_start3A_604, %dma_start3A_605] : memref<2x125x128xf32, #tpu.memory_space<vmem>> -> memref<1x125x128xf32, #tpu.memory_space<vmem>>
      %dma_start3A_607 = tpu.memref_squeeze %dma_start3A_606 : memref<1x125x128xf32, #tpu.memory_space<vmem>> -> memref<125x128xf32, #tpu.memory_space<vmem>>
      %dma_start3A_608 = arith.constant 0 : i32
      %dma_start3A_609 = tpu.memref_slice %arg9[%mul3A_576, %dma_start3A_608] : memref<10000x128xf32, #tpu.memory_space<vmem_shared>> -> memref<125x128xf32, #tpu.memory_space<vmem_shared>>
      %dma_start3A_610 = arith.constant 0 : i32
      %dma_start3A_611 = arith.constant 0 : i32
      %dma_start3A_612 = tpu.memref_slice %arg12[%run_scoped3A_577, %dma_start3A_610, %dma_start3A_611] : memref<2x125x128xf32, #tpu.memory_space<vmem>> -> memref<1x125x128xf32, #tpu.memory_space<vmem>>
      %dma_start3A_613 = tpu.memref_squeeze %dma_start3A_612 : memref<1x125x128xf32, #tpu.memory_space<vmem>> -> memref<125x128xf32, #tpu.memory_space<vmem>>
      %dma_start3A_614 = arith.constant 0 : i32
      %dma_start3A_615 = tpu.memref_slice %arg9[%mul3A_576, %dma_start3A_614] : memref<10000x128xf32, #tpu.memory_space<vmem_shared>> -> memref<125x128xf32, #tpu.memory_space<vmem_shared>>
      tpu.enqueue_dma source(%dma_start3A_615 : memref<125x128xf32, #tpu.memory_space<vmem_shared>>) target(%dma_start3A_613 : memref<125x128xf32, #tpu.memory_space<vmem>>) target_semaphore(%run_scoped3A_603 : memref<!tpu.dma_semaphore, #tpu.memory_space<semaphore_mem>>)
      %dma_wait3A_616 = arith.constant 0 : i32
      %dma_wait3A_617 = arith.constant 0 : i32
      %dma_wait3A_618 = tpu.memref_slice %arg12[%run_scoped3A_577, %dma_wait3A_616, %dma_wait3A_617] : memref<2x125x128xf32, #tpu.memory_space<vmem>> -> memref<1x125x128xf32, #tpu.memory_space<vmem>>
      %dma_wait3A_619 = tpu.memref_squeeze %dma_wait3A_618 : memref<1x125x128xf32, #tpu.memory_space<vmem>> -> memref<125x128xf32, #tpu.memory_space<vmem>>
      %dma_wait3A_620 = arith.constant 0 : i32
      %dma_wait3A_621 = tpu.memref_slice %arg9[%mul3A_576, %dma_wait3A_620] : memref<10000x128xf32, #tpu.memory_space<vmem_shared>> -> memref<125x128xf32, #tpu.memory_space<vmem_shared>>
      %dma_wait3A_622 = arith.constant 0 : i32
      %dma_wait3A_623 = arith.constant 0 : i32
      %dma_wait3A_624 = tpu.memref_slice %arg12[%run_scoped3A_577, %dma_wait3A_622, %dma_wait3A_623] : memref<2x125x128xf32, #tpu.memory_space<vmem>> -> memref<1x125x128xf32, #tpu.memory_space<vmem>>
      %dma_wait3A_625 = tpu.memref_squeeze %dma_wait3A_624 : memref<1x125x128xf32, #tpu.memory_space<vmem>> -> memref<125x128xf32, #tpu.memory_space<vmem>>
      %dma_wait3A_626 = arith.constant 0 : i32
      %dma_wait3A_627 = tpu.memref_slice %arg9[%mul3A_576, %dma_wait3A_626] : memref<10000x128xf32, #tpu.memory_space<vmem_shared>> -> memref<125x128xf32, #tpu.memory_space<vmem_shared>>
      tpu.wait_dma2 semaphore(%run_scoped3A_603 : memref<!tpu.dma_semaphore, #tpu.memory_space<semaphore_mem>>) src(%dma_wait3A_627 : memref<125x128xf32, #tpu.memory_space<vmem_shared>>) dst(%dma_wait3A_625 : memref<125x128xf32, #tpu.memory_space<vmem>>)
      tpu.yield
    }) : () -> ()
    %run_scoped3A_578 = arith.constant 0 : i32
    "tpu.region"() ({
      %run_scoped3A_603 = tpu.sem_alloc : memref<!tpu.dma_semaphore, #tpu.memory_space<semaphore_mem>>
      %dma_start3A_604 = arith.constant 0 : i32
      %dma_start3A_605 = arith.constant 0 : i32
      %dma_start3A_606 = tpu.memref_slice %arg12[%run_scoped3A_578, %dma_start3A_604, %dma_start3A_605] : memref<2x125x128xf32, #tpu.memory_space<vmem>> -> memref<1x125x128xf32, #tpu.memory_space<vmem>>
      %dma_start3A_607 = tpu.memref_squeeze %dma_start3A_606 : memref<1x125x128xf32, #tpu.memory_space<vmem>> -> memref<125x128xf32, #tpu.memory_space<vmem>>
      %dma_start3A_608 = arith.constant 0 : i32
      %dma_start3A_609 = tpu.memref_slice %arg8[%arg0, %mul3A_576, %dma_start3A_608] : memref<2x10000x128xf32, #tpu.memory_space<hbm>> -> memref<1x125x128xf32, #tpu.memory_space<hbm>>
      %dma_start3A_610 = tpu.memref_squeeze %dma_start3A_609 : memref<1x125x128xf32, #tpu.memory_space<hbm>> -> memref<125x128xf32, #tpu.memory_space<hbm>>
      %dma_start3A_611 = arith.constant 0 : i32
      %dma_start3A_612 = tpu.memref_slice %arg8[%arg0, %mul3A_576, %dma_start3A_611] : memref<2x10000x128xf32, #tpu.memory_space<hbm>> -> memref<1x125x128xf32, #tpu.memory_space<hbm>>
      %dma_start3A_613 = tpu.memref_squeeze %dma_start3A_612 : memref<1x125x128xf32, #tpu.memory_space<hbm>> -> memref<125x128xf32, #tpu.memory_space<hbm>>
      %dma_start3A_614 = arith.constant 0 : i32
      %dma_start3A_615 = arith.constant 0 : i32
      %dma_start3A_616 = tpu.memref_slice %arg12[%run_scoped3A_578, %dma_start3A_614, %dma_start3A_615] : memref<2x125x128xf32, #tpu.memory_space<vmem>> -> memref<1x125x128xf32, #tpu.memory_space<vmem>>
      %dma_start3A_617 = tpu.memref_squeeze %dma_start3A_616 : memref<1x125x128xf32, #tpu.memory_space<vmem>> -> memref<125x128xf32, #tpu.memory_space<vmem>>
      tpu.enqueue_dma source(%dma_start3A_617 : memref<125x128xf32, #tpu.memory_space<vmem>>) target(%dma_start3A_613 : memref<125x128xf32, #tpu.memory_space<hbm>>) target_semaphore(%run_scoped3A_603 : memref<!tpu.dma_semaphore, #tpu.memory_space<semaphore_mem>>)
      %dma_wait3A_618 = arith.constant 0 : i32
      %dma_wait3A_619 = arith.constant 0 : i32
      %dma_wait3A_620 = tpu.memref_slice %arg12[%run_scoped3A_578, %dma_wait3A_618, %dma_wait3A_619] : memref<2x125x128xf32, #tpu.memory_space<vmem>> -> memref<1x125x128xf32, #tpu.memory_space<vmem>>
      %dma_wait3A_621 = tpu.memref_squeeze %dma_wait3A_620 : memref<1x125x128xf32, #tpu.memory_space<vmem>> -> memref<125x128xf32, #tpu.memory_space<vmem>>
      %dma_wait3A_622 = arith.constant 0 : i32
      %dma_wait3A_623 = tpu.memref_slice %arg8[%arg0, %mul3A_576, %dma_wait3A_622] : memref<2x10000x128xf32, #tpu.memory_space<hbm>> -> memref<1x125x128xf32, #tpu.memory_space<hbm>>
      %dma_wait3A_624 = tpu.memref_squeeze %dma_wait3A_623 : memref<1x125x128xf32, #tpu.memory_space<hbm>> -> memref<125x128xf32, #tpu.memory_space<hbm>>
      %dma_wait3A_625 = arith.constant 0 : i32
      %dma_wait3A_626 = tpu.memref_slice %arg8[%arg0, %mul3A_576, %dma_wait3A_625] : memref<2x10000x128xf32, #tpu.memory_space<hbm>> -> memref<1x125x128xf32, #tpu.memory_space<hbm>>
      %dma_wait3A_627 = tpu.memref_squeeze %dma_wait3A_626 : memref<1x125x128xf32, #tpu.memory_space<hbm>> -> memref<125x128xf32, #tpu.memory_space<hbm>>
      %dma_wait3A_628 = arith.constant 0 : i32
      %dma_wait3A_629 = arith.constant 0 : i32
      %dma_wait3A_630 = tpu.memref_slice %arg12[%run_scoped3A_578, %dma_wait3A_628, %dma_wait3A_629] : memref<2x125x128xf32, #tpu.memory_space<vmem>> -> memref<1x125x128xf32, #tpu.memory_space<vmem>>
      %dma_wait3A_631 = tpu.memref_squeeze %dma_wait3A_630 : memref<1x125x128xf32, #tpu.memory_space<vmem>> -> memref<125x128xf32, #tpu.memory_space<vmem>>
      tpu.wait_dma2 semaphore(%run_scoped3A_603 : memref<!tpu.dma_semaphore, #tpu.memory_space<semaphore_mem>>) src(%dma_wait3A_631 : memref<125x128xf32, #tpu.memory_space<vmem>>) dst(%dma_wait3A_627 : memref<125x128xf32, #tpu.memory_space<hbm>>)
      tpu.yield
    }) : () -> ()
    %add3A_579 = arith.constant 32 : i32
    %add3A_580 = arith.addi %arg1, %add3A_579 : i32
    %min3A_581 = arith.constant 79 : i32
    %min3A_582 = arith.minsi %add3A_580, %min3A_581 : i32
    %mul3A_583 = arith.constant 125 : i32
    %mul3A_584 = arith.muli %min3A_582, %mul3A_583 : i32
    %run_scoped3A_585 = arith.constant 0 : i32
    "tpu.region"() ({
      %run_scoped3A_603 = tpu.sem_alloc : memref<!tpu.dma_semaphore, #tpu.memory_space<semaphore_mem>>
      %dma_start3A_604 = arith.constant 0 : i32
      %dma_start3A_605 = arith.constant 0 : i32
      %dma_start3A_606 = tpu.memref_slice %arg12[%run_scoped3A_585, %dma_start3A_604, %dma_start3A_605] : memref<2x125x128xf32, #tpu.memory_space<vmem>> -> memref<1x125x128xf32, #tpu.memory_space<vmem>>
      %dma_start3A_607 = tpu.memref_squeeze %dma_start3A_606 : memref<1x125x128xf32, #tpu.memory_space<vmem>> -> memref<125x128xf32, #tpu.memory_space<vmem>>
      %dma_start3A_608 = arith.constant 0 : i32
      %dma_start3A_609 = tpu.memref_slice %arg9[%mul3A_584, %dma_start3A_608] : memref<10000x128xf32, #tpu.memory_space<vmem_shared>> -> memref<125x128xf32, #tpu.memory_space<vmem_shared>>
      %dma_start3A_610 = arith.constant 0 : i32
      %dma_start3A_611 = arith.constant 0 : i32
      %dma_start3A_612 = tpu.memref_slice %arg12[%run_scoped3A_585, %dma_start3A_610, %dma_start3A_611] : memref<2x125x128xf32, #tpu.memory_space<vmem>> -> memref<1x125x128xf32, #tpu.memory_space<vmem>>
      %dma_start3A_613 = tpu.memref_squeeze %dma_start3A_612 : memref<1x125x128xf32, #tpu.memory_space<vmem>> -> memref<125x128xf32, #tpu.memory_space<vmem>>
      %dma_start3A_614 = arith.constant 0 : i32
      %dma_start3A_615 = tpu.memref_slice %arg9[%mul3A_584, %dma_start3A_614] : memref<10000x128xf32, #tpu.memory_space<vmem_shared>> -> memref<125x128xf32, #tpu.memory_space<vmem_shared>>
      tpu.enqueue_dma source(%dma_start3A_615 : memref<125x128xf32, #tpu.memory_space<vmem_shared>>) target(%dma_start3A_613 : memref<125x128xf32, #tpu.memory_space<vmem>>) target_semaphore(%run_scoped3A_603 : memref<!tpu.dma_semaphore, #tpu.memory_space<semaphore_mem>>)
      %dma_wait3A_616 = arith.constant 0 : i32
      %dma_wait3A_617 = arith.constant 0 : i32
      %dma_wait3A_618 = tpu.memref_slice %arg12[%run_scoped3A_585, %dma_wait3A_616, %dma_wait3A_617] : memref<2x125x128xf32, #tpu.memory_space<vmem>> -> memref<1x125x128xf32, #tpu.memory_space<vmem>>
      %dma_wait3A_619 = tpu.memref_squeeze %dma_wait3A_618 : memref<1x125x128xf32, #tpu.memory_space<vmem>> -> memref<125x128xf32, #tpu.memory_space<vmem>>
      %dma_wait3A_620 = arith.constant 0 : i32
      %dma_wait3A_621 = tpu.memref_slice %arg9[%mul3A_584, %dma_wait3A_620] : memref<10000x128xf32, #tpu.memory_space<vmem_shared>> -> memref<125x128xf32, #tpu.memory_space<vmem_shared>>
      %dma_wait3A_622 = arith.constant 0 : i32
      %dma_wait3A_623 = arith.constant 0 : i32
      %dma_wait3A_624 = tpu.memref_slice %arg12[%run_scoped3A_585, %dma_wait3A_622, %dma_wait3A_623] : memref<2x125x128xf32, #tpu.memory_space<vmem>> -> memref<1x125x128xf32, #tpu.memory_space<vmem>>
      %dma_wait3A_625 = tpu.memref_squeeze %dma_wait3A_624 : memref<1x125x128xf32, #tpu.memory_space<vmem>> -> memref<125x128xf32, #tpu.memory_space<vmem>>
      %dma_wait3A_626 = arith.constant 0 : i32
      %dma_wait3A_627 = tpu.memref_slice %arg9[%mul3A_584, %dma_wait3A_626] : memref<10000x128xf32, #tpu.memory_space<vmem_shared>> -> memref<125x128xf32, #tpu.memory_space<vmem_shared>>
      tpu.wait_dma2 semaphore(%run_scoped3A_603 : memref<!tpu.dma_semaphore, #tpu.memory_space<semaphore_mem>>) src(%dma_wait3A_627 : memref<125x128xf32, #tpu.memory_space<vmem_shared>>) dst(%dma_wait3A_625 : memref<125x128xf32, #tpu.memory_space<vmem>>)
      tpu.yield
    }) : () -> ()
    %run_scoped3A_586 = arith.constant 0 : i32
    "tpu.region"() ({
      %run_scoped3A_603 = tpu.sem_alloc : memref<!tpu.dma_semaphore, #tpu.memory_space<semaphore_mem>>
      %dma_start3A_604 = arith.constant 0 : i32
      %dma_start3A_605 = arith.constant 0 : i32
      %dma_start3A_606 = tpu.memref_slice %arg12[%run_scoped3A_586, %dma_start3A_604, %dma_start3A_605] : memref<2x125x128xf32, #tpu.memory_space<vmem>> -> memref<1x125x128xf32, #tpu.memory_space<vmem>>
      %dma_start3A_607 = tpu.memref_squeeze %dma_start3A_606 : memref<1x125x128xf32, #tpu.memory_space<vmem>> -> memref<125x128xf32, #tpu.memory_space<vmem>>
      %dma_start3A_608 = arith.constant 0 : i32
      %dma_start3A_609 = tpu.memref_slice %arg8[%arg0, %mul3A_584, %dma_start3A_608] : memref<2x10000x128xf32, #tpu.memory_space<hbm>> -> memref<1x125x128xf32, #tpu.memory_space<hbm>>
      %dma_start3A_610 = tpu.memref_squeeze %dma_start3A_609 : memref<1x125x128xf32, #tpu.memory_space<hbm>> -> memref<125x128xf32, #tpu.memory_space<hbm>>
      %dma_start3A_611 = arith.constant 0 : i32
      %dma_start3A_612 = tpu.memref_slice %arg8[%arg0, %mul3A_584, %dma_start3A_611] : memref<2x10000x128xf32, #tpu.memory_space<hbm>> -> memref<1x125x128xf32, #tpu.memory_space<hbm>>
      %dma_start3A_613 = tpu.memref_squeeze %dma_start3A_612 : memref<1x125x128xf32, #tpu.memory_space<hbm>> -> memref<125x128xf32, #tpu.memory_space<hbm>>
      %dma_start3A_614 = arith.constant 0 : i32
      %dma_start3A_615 = arith.constant 0 : i32
      %dma_start3A_616 = tpu.memref_slice %arg12[%run_scoped3A_586, %dma_start3A_614, %dma_start3A_615] : memref<2x125x128xf32, #tpu.memory_space<vmem>> -> memref<1x125x128xf32, #tpu.memory_space<vmem>>
      %dma_start3A_617 = tpu.memref_squeeze %dma_start3A_616 : memref<1x125x128xf32, #tpu.memory_space<vmem>> -> memref<125x128xf32, #tpu.memory_space<vmem>>
      tpu.enqueue_dma source(%dma_start3A_617 : memref<125x128xf32, #tpu.memory_space<vmem>>) target(%dma_start3A_613 : memref<125x128xf32, #tpu.memory_space<hbm>>) target_semaphore(%run_scoped3A_603 : memref<!tpu.dma_semaphore, #tpu.memory_space<semaphore_mem>>)
      %dma_wait3A_618 = arith.constant 0 : i32
      %dma_wait3A_619 = arith.constant 0 : i32
      %dma_wait3A_620 = tpu.memref_slice %arg12[%run_scoped3A_586, %dma_wait3A_618, %dma_wait3A_619] : memref<2x125x128xf32, #tpu.memory_space<vmem>> -> memref<1x125x128xf32, #tpu.memory_space<vmem>>
      %dma_wait3A_621 = tpu.memref_squeeze %dma_wait3A_620 : memref<1x125x128xf32, #tpu.memory_space<vmem>> -> memref<125x128xf32, #tpu.memory_space<vmem>>
      %dma_wait3A_622 = arith.constant 0 : i32
      %dma_wait3A_623 = tpu.memref_slice %arg8[%arg0, %mul3A_584, %dma_wait3A_622] : memref<2x10000x128xf32, #tpu.memory_space<hbm>> -> memref<1x125x128xf32, #tpu.memory_space<hbm>>
      %dma_wait3A_624 = tpu.memref_squeeze %dma_wait3A_623 : memref<1x125x128xf32, #tpu.memory_space<hbm>> -> memref<125x128xf32, #tpu.memory_space<hbm>>
      %dma_wait3A_625 = arith.constant 0 : i32
      %dma_wait3A_626 = tpu.memref_slice %arg8[%arg0, %mul3A_584, %dma_wait3A_625] : memref<2x10000x128xf32, #tpu.memory_space<hbm>> -> memref<1x125x128xf32, #tpu.memory_space<hbm>>
      %dma_wait3A_627 = tpu.memref_squeeze %dma_wait3A_626 : memref<1x125x128xf32, #tpu.memory_space<hbm>> -> memref<125x128xf32, #tpu.memory_space<hbm>>
      %dma_wait3A_628 = arith.constant 0 : i32
      %dma_wait3A_629 = arith.constant 0 : i32
      %dma_wait3A_630 = tpu.memref_slice %arg12[%run_scoped3A_586, %dma_wait3A_628, %dma_wait3A_629] : memref<2x125x128xf32, #tpu.memory_space<vmem>> -> memref<1x125x128xf32, #tpu.memory_space<vmem>>
      %dma_wait3A_631 = tpu.memref_squeeze %dma_wait3A_630 : memref<1x125x128xf32, #tpu.memory_space<vmem>> -> memref<125x128xf32, #tpu.memory_space<vmem>>
      tpu.wait_dma2 semaphore(%run_scoped3A_603 : memref<!tpu.dma_semaphore, #tpu.memory_space<semaphore_mem>>) src(%dma_wait3A_631 : memref<125x128xf32, #tpu.memory_space<vmem>>) dst(%dma_wait3A_627 : memref<125x128xf32, #tpu.memory_space<hbm>>)
      tpu.yield
    }) : () -> ()
    %add3A_587 = arith.constant 48 : i32
    %add3A_588 = arith.addi %arg1, %add3A_587 : i32
    %min3A_589 = arith.constant 79 : i32
    %min3A_590 = arith.minsi %add3A_588, %min3A_589 : i32
    %mul3A_591 = arith.constant 125 : i32
    %mul3A_592 = arith.muli %min3A_590, %mul3A_591 : i32
    %run_scoped3A_593 = arith.constant 0 : i32
    "tpu.region"() ({
      %run_scoped3A_603 = tpu.sem_alloc : memref<!tpu.dma_semaphore, #tpu.memory_space<semaphore_mem>>
      %dma_start3A_604 = arith.constant 0 : i32
      %dma_start3A_605 = arith.constant 0 : i32
      %dma_start3A_606 = tpu.memref_slice %arg12[%run_scoped3A_593, %dma_start3A_604, %dma_start3A_605] : memref<2x125x128xf32, #tpu.memory_space<vmem>> -> memref<1x125x128xf32, #tpu.memory_space<vmem>>
      %dma_start3A_607 = tpu.memref_squeeze %dma_start3A_606 : memref<1x125x128xf32, #tpu.memory_space<vmem>> -> memref<125x128xf32, #tpu.memory_space<vmem>>
      %dma_start3A_608 = arith.constant 0 : i32
      %dma_start3A_609 = tpu.memref_slice %arg9[%mul3A_592, %dma_start3A_608] : memref<10000x128xf32, #tpu.memory_space<vmem_shared>> -> memref<125x128xf32, #tpu.memory_space<vmem_shared>>
      %dma_start3A_610 = arith.constant 0 : i32
      %dma_start3A_611 = arith.constant 0 : i32
      %dma_start3A_612 = tpu.memref_slice %arg12[%run_scoped3A_593, %dma_start3A_610, %dma_start3A_611] : memref<2x125x128xf32, #tpu.memory_space<vmem>> -> memref<1x125x128xf32, #tpu.memory_space<vmem>>
      %dma_start3A_613 = tpu.memref_squeeze %dma_start3A_612 : memref<1x125x128xf32, #tpu.memory_space<vmem>> -> memref<125x128xf32, #tpu.memory_space<vmem>>
      %dma_start3A_614 = arith.constant 0 : i32
      %dma_start3A_615 = tpu.memref_slice %arg9[%mul3A_592, %dma_start3A_614] : memref<10000x128xf32, #tpu.memory_space<vmem_shared>> -> memref<125x128xf32, #tpu.memory_space<vmem_shared>>
      tpu.enqueue_dma source(%dma_start3A_615 : memref<125x128xf32, #tpu.memory_space<vmem_shared>>) target(%dma_start3A_613 : memref<125x128xf32, #tpu.memory_space<vmem>>) target_semaphore(%run_scoped3A_603 : memref<!tpu.dma_semaphore, #tpu.memory_space<semaphore_mem>>)
      %dma_wait3A_616 = arith.constant 0 : i32
      %dma_wait3A_617 = arith.constant 0 : i32
      %dma_wait3A_618 = tpu.memref_slice %arg12[%run_scoped3A_593, %dma_wait3A_616, %dma_wait3A_617] : memref<2x125x128xf32, #tpu.memory_space<vmem>> -> memref<1x125x128xf32, #tpu.memory_space<vmem>>
      %dma_wait3A_619 = tpu.memref_squeeze %dma_wait3A_618 : memref<1x125x128xf32, #tpu.memory_space<vmem>> -> memref<125x128xf32, #tpu.memory_space<vmem>>
      %dma_wait3A_620 = arith.constant 0 : i32
      %dma_wait3A_621 = tpu.memref_slice %arg9[%mul3A_592, %dma_wait3A_620] : memref<10000x128xf32, #tpu.memory_space<vmem_shared>> -> memref<125x128xf32, #tpu.memory_space<vmem_shared>>
      %dma_wait3A_622 = arith.constant 0 : i32
      %dma_wait3A_623 = arith.constant 0 : i32
      %dma_wait3A_624 = tpu.memref_slice %arg12[%run_scoped3A_593, %dma_wait3A_622, %dma_wait3A_623] : memref<2x125x128xf32, #tpu.memory_space<vmem>> -> memref<1x125x128xf32, #tpu.memory_space<vmem>>
      %dma_wait3A_625 = tpu.memref_squeeze %dma_wait3A_624 : memref<1x125x128xf32, #tpu.memory_space<vmem>> -> memref<125x128xf32, #tpu.memory_space<vmem>>
      %dma_wait3A_626 = arith.constant 0 : i32
      %dma_wait3A_627 = tpu.memref_slice %arg9[%mul3A_592, %dma_wait3A_626] : memref<10000x128xf32, #tpu.memory_space<vmem_shared>> -> memref<125x128xf32, #tpu.memory_space<vmem_shared>>
      tpu.wait_dma2 semaphore(%run_scoped3A_603 : memref<!tpu.dma_semaphore, #tpu.memory_space<semaphore_mem>>) src(%dma_wait3A_627 : memref<125x128xf32, #tpu.memory_space<vmem_shared>>) dst(%dma_wait3A_625 : memref<125x128xf32, #tpu.memory_space<vmem>>)
      tpu.yield
    }) : () -> ()
    %run_scoped3A_594 = arith.constant 0 : i32
    "tpu.region"() ({
      %run_scoped3A_603 = tpu.sem_alloc : memref<!tpu.dma_semaphore, #tpu.memory_space<semaphore_mem>>
      %dma_start3A_604 = arith.constant 0 : i32
      %dma_start3A_605 = arith.constant 0 : i32
      %dma_start3A_606 = tpu.memref_slice %arg12[%run_scoped3A_594, %dma_start3A_604, %dma_start3A_605] : memref<2x125x128xf32, #tpu.memory_space<vmem>> -> memref<1x125x128xf32, #tpu.memory_space<vmem>>
      %dma_start3A_607 = tpu.memref_squeeze %dma_start3A_606 : memref<1x125x128xf32, #tpu.memory_space<vmem>> -> memref<125x128xf32, #tpu.memory_space<vmem>>
      %dma_start3A_608 = arith.constant 0 : i32
      %dma_start3A_609 = tpu.memref_slice %arg8[%arg0, %mul3A_592, %dma_start3A_608] : memref<2x10000x128xf32, #tpu.memory_space<hbm>> -> memref<1x125x128xf32, #tpu.memory_space<hbm>>
      %dma_start3A_610 = tpu.memref_squeeze %dma_start3A_609 : memref<1x125x128xf32, #tpu.memory_space<hbm>> -> memref<125x128xf32, #tpu.memory_space<hbm>>
      %dma_start3A_611 = arith.constant 0 : i32
      %dma_start3A_612 = tpu.memref_slice %arg8[%arg0, %mul3A_592, %dma_start3A_611] : memref<2x10000x128xf32, #tpu.memory_space<hbm>> -> memref<1x125x128xf32, #tpu.memory_space<hbm>>
      %dma_start3A_613 = tpu.memref_squeeze %dma_start3A_612 : memref<1x125x128xf32, #tpu.memory_space<hbm>> -> memref<125x128xf32, #tpu.memory_space<hbm>>
      %dma_start3A_614 = arith.constant 0 : i32
      %dma_start3A_615 = arith.constant 0 : i32
      %dma_start3A_616 = tpu.memref_slice %arg12[%run_scoped3A_594, %dma_start3A_614, %dma_start3A_615] : memref<2x125x128xf32, #tpu.memory_space<vmem>> -> memref<1x125x128xf32, #tpu.memory_space<vmem>>
      %dma_start3A_617 = tpu.memref_squeeze %dma_start3A_616 : memref<1x125x128xf32, #tpu.memory_space<vmem>> -> memref<125x128xf32, #tpu.memory_space<vmem>>
      tpu.enqueue_dma source(%dma_start3A_617 : memref<125x128xf32, #tpu.memory_space<vmem>>) target(%dma_start3A_613 : memref<125x128xf32, #tpu.memory_space<hbm>>) target_semaphore(%run_scoped3A_603 : memref<!tpu.dma_semaphore, #tpu.memory_space<semaphore_mem>>)
      %dma_wait3A_618 = arith.constant 0 : i32
      %dma_wait3A_619 = arith.constant 0 : i32
      %dma_wait3A_620 = tpu.memref_slice %arg12[%run_scoped3A_594, %dma_wait3A_618, %dma_wait3A_619] : memref<2x125x128xf32, #tpu.memory_space<vmem>> -> memref<1x125x128xf32, #tpu.memory_space<vmem>>
      %dma_wait3A_621 = tpu.memref_squeeze %dma_wait3A_620 : memref<1x125x128xf32, #tpu.memory_space<vmem>> -> memref<125x128xf32, #tpu.memory_space<vmem>>
      %dma_wait3A_622 = arith.constant 0 : i32
      %dma_wait3A_623 = tpu.memref_slice %arg8[%arg0, %mul3A_592, %dma_wait3A_622] : memref<2x10000x128xf32, #tpu.memory_space<hbm>> -> memref<1x125x128xf32, #tpu.memory_space<hbm>>
      %dma_wait3A_624 = tpu.memref_squeeze %dma_wait3A_623 : memref<1x125x128xf32, #tpu.memory_space<hbm>> -> memref<125x128xf32, #tpu.memory_space<hbm>>
      %dma_wait3A_625 = arith.constant 0 : i32
      %dma_wait3A_626 = tpu.memref_slice %arg8[%arg0, %mul3A_592, %dma_wait3A_625] : memref<2x10000x128xf32, #tpu.memory_space<hbm>> -> memref<1x125x128xf32, #tpu.memory_space<hbm>>
      %dma_wait3A_627 = tpu.memref_squeeze %dma_wait3A_626 : memref<1x125x128xf32, #tpu.memory_space<hbm>> -> memref<125x128xf32, #tpu.memory_space<hbm>>
      %dma_wait3A_628 = arith.constant 0 : i32
      %dma_wait3A_629 = arith.constant 0 : i32
      %dma_wait3A_630 = tpu.memref_slice %arg12[%run_scoped3A_594, %dma_wait3A_628, %dma_wait3A_629] : memref<2x125x128xf32, #tpu.memory_space<vmem>> -> memref<1x125x128xf32, #tpu.memory_space<vmem>>
      %dma_wait3A_631 = tpu.memref_squeeze %dma_wait3A_630 : memref<1x125x128xf32, #tpu.memory_space<vmem>> -> memref<125x128xf32, #tpu.memory_space<vmem>>
      tpu.wait_dma2 semaphore(%run_scoped3A_603 : memref<!tpu.dma_semaphore, #tpu.memory_space<semaphore_mem>>) src(%dma_wait3A_631 : memref<125x128xf32, #tpu.memory_space<vmem>>) dst(%dma_wait3A_627 : memref<125x128xf32, #tpu.memory_space<hbm>>)
      tpu.yield
    }) : () -> ()
    %add3A_595 = arith.constant 64 : i32
    %add3A_596 = arith.addi %arg1, %add3A_595 : i32
    %min3A_597 = arith.constant 79 : i32
    %min3A_598 = arith.minsi %add3A_596, %min3A_597 : i32
    %mul3A_599 = arith.constant 125 : i32
    %mul3A_600 = arith.muli %min3A_598, %mul3A_599 : i32
    %run_scoped3A_601 = arith.constant 0 : i32
    "tpu.region"() ({
      %run_scoped3A_603 = tpu.sem_alloc : memref<!tpu.dma_semaphore, #tpu.memory_space<semaphore_mem>>
      %dma_start3A_604 = arith.constant 0 : i32
      %dma_start3A_605 = arith.constant 0 : i32
      %dma_start3A_606 = tpu.memref_slice %arg12[%run_scoped3A_601, %dma_start3A_604, %dma_start3A_605] : memref<2x125x128xf32, #tpu.memory_space<vmem>> -> memref<1x125x128xf32, #tpu.memory_space<vmem>>
      %dma_start3A_607 = tpu.memref_squeeze %dma_start3A_606 : memref<1x125x128xf32, #tpu.memory_space<vmem>> -> memref<125x128xf32, #tpu.memory_space<vmem>>
      %dma_start3A_608 = arith.constant 0 : i32
      %dma_start3A_609 = tpu.memref_slice %arg9[%mul3A_600, %dma_start3A_608] : memref<10000x128xf32, #tpu.memory_space<vmem_shared>> -> memref<125x128xf32, #tpu.memory_space<vmem_shared>>
      %dma_start3A_610 = arith.constant 0 : i32
      %dma_start3A_611 = arith.constant 0 : i32
      %dma_start3A_612 = tpu.memref_slice %arg12[%run_scoped3A_601, %dma_start3A_610, %dma_start3A_611] : memref<2x125x128xf32, #tpu.memory_space<vmem>> -> memref<1x125x128xf32, #tpu.memory_space<vmem>>
      %dma_start3A_613 = tpu.memref_squeeze %dma_start3A_612 : memref<1x125x128xf32, #tpu.memory_space<vmem>> -> memref<125x128xf32, #tpu.memory_space<vmem>>
      %dma_start3A_614 = arith.constant 0 : i32
      %dma_start3A_615 = tpu.memref_slice %arg9[%mul3A_600, %dma_start3A_614] : memref<10000x128xf32, #tpu.memory_space<vmem_shared>> -> memref<125x128xf32, #tpu.memory_space<vmem_shared>>
      tpu.enqueue_dma source(%dma_start3A_615 : memref<125x128xf32, #tpu.memory_space<vmem_shared>>) target(%dma_start3A_613 : memref<125x128xf32, #tpu.memory_space<vmem>>) target_semaphore(%run_scoped3A_603 : memref<!tpu.dma_semaphore, #tpu.memory_space<semaphore_mem>>)
      %dma_wait3A_616 = arith.constant 0 : i32
      %dma_wait3A_617 = arith.constant 0 : i32
      %dma_wait3A_618 = tpu.memref_slice %arg12[%run_scoped3A_601, %dma_wait3A_616, %dma_wait3A_617] : memref<2x125x128xf32, #tpu.memory_space<vmem>> -> memref<1x125x128xf32, #tpu.memory_space<vmem>>
      %dma_wait3A_619 = tpu.memref_squeeze %dma_wait3A_618 : memref<1x125x128xf32, #tpu.memory_space<vmem>> -> memref<125x128xf32, #tpu.memory_space<vmem>>
      %dma_wait3A_620 = arith.constant 0 : i32
      %dma_wait3A_621 = tpu.memref_slice %arg9[%mul3A_600, %dma_wait3A_620] : memref<10000x128xf32, #tpu.memory_space<vmem_shared>> -> memref<125x128xf32, #tpu.memory_space<vmem_shared>>
      %dma_wait3A_622 = arith.constant 0 : i32
      %dma_wait3A_623 = arith.constant 0 : i32
      %dma_wait3A_624 = tpu.memref_slice %arg12[%run_scoped3A_601, %dma_wait3A_622, %dma_wait3A_623] : memref<2x125x128xf32, #tpu.memory_space<vmem>> -> memref<1x125x128xf32, #tpu.memory_space<vmem>>
      %dma_wait3A_625 = tpu.memref_squeeze %dma_wait3A_624 : memref<1x125x128xf32, #tpu.memory_space<vmem>> -> memref<125x128xf32, #tpu.memory_space<vmem>>
      %dma_wait3A_626 = arith.constant 0 : i32
      %dma_wait3A_627 = tpu.memref_slice %arg9[%mul3A_600, %dma_wait3A_626] : memref<10000x128xf32, #tpu.memory_space<vmem_shared>> -> memref<125x128xf32, #tpu.memory_space<vmem_shared>>
      tpu.wait_dma2 semaphore(%run_scoped3A_603 : memref<!tpu.dma_semaphore, #tpu.memory_space<semaphore_mem>>) src(%dma_wait3A_627 : memref<125x128xf32, #tpu.memory_space<vmem_shared>>) dst(%dma_wait3A_625 : memref<125x128xf32, #tpu.memory_space<vmem>>)
      tpu.yield
    }) : () -> ()
    %run_scoped3A_602 = arith.constant 0 : i32
    "tpu.region"() ({
      %run_scoped3A_603 = tpu.sem_alloc : memref<!tpu.dma_semaphore, #tpu.memory_space<semaphore_mem>>
      %dma_start3A_604 = arith.constant 0 : i32
      %dma_start3A_605 = arith.constant 0 : i32
      %dma_start3A_606 = tpu.memref_slice %arg12[%run_scoped3A_602, %dma_start3A_604, %dma_start3A_605] : memref<2x125x128xf32, #tpu.memory_space<vmem>> -> memref<1x125x128xf32, #tpu.memory_space<vmem>>
      %dma_start3A_607 = tpu.memref_squeeze %dma_start3A_606 : memref<1x125x128xf32, #tpu.memory_space<vmem>> -> memref<125x128xf32, #tpu.memory_space<vmem>>
      %dma_start3A_608 = arith.constant 0 : i32
      %dma_start3A_609 = tpu.memref_slice %arg8[%arg0, %mul3A_600, %dma_start3A_608] : memref<2x10000x128xf32, #tpu.memory_space<hbm>> -> memref<1x125x128xf32, #tpu.memory_space<hbm>>
      %dma_start3A_610 = tpu.memref_squeeze %dma_start3A_609 : memref<1x125x128xf32, #tpu.memory_space<hbm>> -> memref<125x128xf32, #tpu.memory_space<hbm>>
      %dma_start3A_611 = arith.constant 0 : i32
      %dma_start3A_612 = tpu.memref_slice %arg8[%arg0, %mul3A_600, %dma_start3A_611] : memref<2x10000x128xf32, #tpu.memory_space<hbm>> -> memref<1x125x128xf32, #tpu.memory_space<hbm>>
      %dma_start3A_613 = tpu.memref_squeeze %dma_start3A_612 : memref<1x125x128xf32, #tpu.memory_space<hbm>> -> memref<125x128xf32, #tpu.memory_space<hbm>>
      %dma_start3A_614 = arith.constant 0 : i32
      %dma_start3A_615 = arith.constant 0 : i32
      %dma_start3A_616 = tpu.memref_slice %arg12[%run_scoped3A_602, %dma_start3A_614, %dma_start3A_615] : memref<2x125x128xf32, #tpu.memory_space<vmem>> -> memref<1x125x128xf32, #tpu.memory_space<vmem>>
      %dma_start3A_617 = tpu.memref_squeeze %dma_start3A_616 : memref<1x125x128xf32, #tpu.memory_space<vmem>> -> memref<125x128xf32, #tpu.memory_space<vmem>>
      tpu.enqueue_dma source(%dma_start3A_617 : memref<125x128xf32, #tpu.memory_space<vmem>>) target(%dma_start3A_613 : memref<125x128xf32, #tpu.memory_space<hbm>>) target_semaphore(%run_scoped3A_603 : memref<!tpu.dma_semaphore, #tpu.memory_space<semaphore_mem>>)
      %dma_wait3A_618 = arith.constant 0 : i32
      %dma_wait3A_619 = arith.constant 0 : i32
      %dma_wait3A_620 = tpu.memref_slice %arg12[%run_scoped3A_602, %dma_wait3A_618, %dma_wait3A_619] : memref<2x125x128xf32, #tpu.memory_space<vmem>> -> memref<1x125x128xf32, #tpu.memory_space<vmem>>
      %dma_wait3A_621 = tpu.memref_squeeze %dma_wait3A_620 : memref<1x125x128xf32, #tpu.memory_space<vmem>> -> memref<125x128xf32, #tpu.memory_space<vmem>>
      %dma_wait3A_622 = arith.constant 0 : i32
      %dma_wait3A_623 = tpu.memref_slice %arg8[%arg0, %mul3A_600, %dma_wait3A_622] : memref<2x10000x128xf32, #tpu.memory_space<hbm>> -> memref<1x125x128xf32, #tpu.memory_space<hbm>>
      %dma_wait3A_624 = tpu.memref_squeeze %dma_wait3A_623 : memref<1x125x128xf32, #tpu.memory_space<hbm>> -> memref<125x128xf32, #tpu.memory_space<hbm>>
      %dma_wait3A_625 = arith.constant 0 : i32
      %dma_wait3A_626 = tpu.memref_slice %arg8[%arg0, %mul3A_600, %dma_wait3A_625] : memref<2x10000x128xf32, #tpu.memory_space<hbm>> -> memref<1x125x128xf32, #tpu.memory_space<hbm>>
      %dma_wait3A_627 = tpu.memref_squeeze %dma_wait3A_626 : memref<1x125x128xf32, #tpu.memory_space<hbm>> -> memref<125x128xf32, #tpu.memory_space<hbm>>
      %dma_wait3A_628 = arith.constant 0 : i32
      %dma_wait3A_629 = arith.constant 0 : i32
      %dma_wait3A_630 = tpu.memref_slice %arg12[%run_scoped3A_602, %dma_wait3A_628, %dma_wait3A_629] : memref<2x125x128xf32, #tpu.memory_space<vmem>> -> memref<1x125x128xf32, #tpu.memory_space<vmem>>
      %dma_wait3A_631 = tpu.memref_squeeze %dma_wait3A_630 : memref<1x125x128xf32, #tpu.memory_space<vmem>> -> memref<125x128xf32, #tpu.memory_space<vmem>>
      tpu.wait_dma2 semaphore(%run_scoped3A_603 : memref<!tpu.dma_semaphore, #tpu.memory_space<semaphore_mem>>) src(%dma_wait3A_631 : memref<125x128xf32, #tpu.memory_space<vmem>>) dst(%dma_wait3A_627 : memref<125x128xf32, #tpu.memory_space<hbm>>)
      tpu.yield
    }) : () -> ()
    return
  }
}

module attributes {stable_mosaic.version = 14 : i64} {
  func.func @_dense1_body(%arg0: i32, %arg1: memref<2x2000x128xf32, #tpu.memory_space<vmem>>, %arg2: memref<2x2000x8xf32, #tpu.memory_space<vmem>>, %arg3: memref<2000x128xf32, #tpu.memory_space<vmem>>, %arg4: memref<128x128xf32, #tpu.memory_space<vmem>>, %arg5: memref<128xf32, #tpu.memory_space<vmem>>, %arg6: memref<128x128xf32, #tpu.memory_space<vmem>>, %arg7: memref<128x128xf32, #tpu.memory_space<vmem>>, %arg8: memref<128xf32, #tpu.memory_space<vmem>>, %arg9: memref<128x128xf32, #tpu.memory_space<vmem>>, %arg10: memref<128xf32, #tpu.memory_space<vmem>>, %arg11: memref<2000x128xf32, #tpu.memory_space<vmem>>) attributes {dimension_semantics = [#tpu.dimension_semantics<arbitrary>], iteration_bounds = array<i64: 5>, scalar_prefetch = 0 : i64, scratch_operands = 0 : i64, tpu.core_type = #tpu.core_type<tc>, window_params = [{transform_indices = @transform_0, window_bounds = array<i64: 2, 2000, 128>}, {transform_indices = @transform_1, window_bounds = array<i64: 2, 2000, 8>}, {transform_indices = @transform_2, window_bounds = array<i64: 2000, 128>}, {pipeline_mode = #tpu.pipeline_mode<synchronous>, transform_indices = @transform_3, window_bounds = array<i64: 128, 128>}, {pipeline_mode = #tpu.pipeline_mode<synchronous>, transform_indices = @transform_4, window_bounds = array<i64: 128>}, {pipeline_mode = #tpu.pipeline_mode<synchronous>, transform_indices = @transform_5, window_bounds = array<i64: 128, 128>}, {pipeline_mode = #tpu.pipeline_mode<synchronous>, transform_indices = @transform_6, window_bounds = array<i64: 128, 128>}, {pipeline_mode = #tpu.pipeline_mode<synchronous>, transform_indices = @transform_7, window_bounds = array<i64: 128>}, {pipeline_mode = #tpu.pipeline_mode<synchronous>, transform_indices = @transform_8, window_bounds = array<i64: 128, 128>}, {pipeline_mode = #tpu.pipeline_mode<synchronous>, transform_indices = @transform_9, window_bounds = array<i64: 128>}, {transform_indices = @transform_10, window_bounds = array<i64: 2000, 128>}]} {
    %get3A = arith.constant 0 : index
    %get3A_0 = arith.constant 0 : index
    %get3A_1 = arith.constant 0 : index
    %get3A_2 = vector.load %arg1[%get3A, %get3A_0, %get3A_1] : memref<2x2000x128xf32, #tpu.memory_space<vmem>>, vector<1x2000x128xf32>
    %get3A_3 = vector.shape_cast %get3A_2 : vector<1x2000x128xf32> to vector<2000x128xf32>
    %get3A_4 = arith.constant 1 : index
    %get3A_5 = arith.constant 0 : index
    %get3A_6 = arith.constant 0 : index
    %get3A_7 = vector.load %arg1[%get3A_4, %get3A_5, %get3A_6] : memref<2x2000x128xf32, #tpu.memory_space<vmem>>, vector<1x2000x128xf32>
    %get3A_8 = vector.shape_cast %get3A_7 : vector<1x2000x128xf32> to vector<2000x128xf32>
    %add3A = arith.addf %get3A_3, %get3A_8 : vector<2000x128xf32>
    %get3A_9 = arith.constant 0 : index
    %get3A_10 = arith.constant 0 : index
    %get3A_11 = arith.constant 0 : index
    %get3A_12 = vector.load %arg2[%get3A_9, %get3A_10, %get3A_11] : memref<2x2000x8xf32, #tpu.memory_space<vmem>>, vector<1x2000x1xf32>
    %get3A_13 = vector.shape_cast %get3A_12 : vector<1x2000x1xf32> to vector<2000x1xf32>
    %get3A_14 = arith.constant 1 : index
    %get3A_15 = arith.constant 0 : index
    %get3A_16 = arith.constant 0 : index
    %get3A_17 = vector.load %arg2[%get3A_14, %get3A_15, %get3A_16] : memref<2x2000x8xf32, #tpu.memory_space<vmem>>, vector<1x2000x1xf32>
    %get3A_18 = vector.shape_cast %get3A_17 : vector<1x2000x1xf32> to vector<2000x1xf32>
    %add3A_19 = arith.addf %get3A_13, %get3A_18 : vector<2000x1xf32>
    %max3A = arith.constant 1.000000e+00 : f32
    %max3A_20 = vector.broadcast %max3A : f32 to vector<2000x1xf32>
    %max3A_21 = arith.maximumf %add3A_19, %max3A_20 : vector<2000x1xf32>
    %div3A = arith.constant 1.000000e+00 : f32
    %div3A_22 = vector.broadcast %div3A : f32 to vector<2000x1xf32>
    %div3A_23 = arith.divf %div3A_22, %max3A_21 : vector<2000x1xf32>
    %mul3A = vector.broadcast %div3A_23 : vector<2000x1xf32> to vector<2000x128xf32>
    %mul3A_24 = arith.mulf %add3A, %mul3A : vector<2000x128xf32>
    %get3A_25 = arith.constant 0 : index
    %get3A_26 = arith.constant 0 : index
    %get3A_27 = vector.load %arg4[%get3A_25, %get3A_26] : memref<128x128xf32, #tpu.memory_space<vmem>>, vector<128x128xf32>
    %dot_general3A = arith.constant dense<0.000000e+00> : vector<2000x128xf32>
    %dot_general3A_28 = tpu.matmul %mul3A_24, %get3A_27, %dot_general3A {dimension_numbers = #tpu.dot_dimension_numbers<[1], [1], [0], [0], [0, 0, 1, 0], [], []>, transpose_lhs_hint = false} : vector<2000x128xf32>, vector<128x128xf32>, vector<2000x128xf32> -> vector<2000x128xf32>
    %get3A_29 = arith.constant 0 : index
    %get3A_30 = vector.load %arg5[%get3A_29] : memref<128xf32, #tpu.memory_space<vmem>>, vector<128xf32>
    %broadcast_in_dim3A = vector.shape_cast %get3A_30 : vector<128xf32> to vector<1x128xf32>
    %add3A_31 = vector.broadcast %broadcast_in_dim3A : vector<1x128xf32> to vector<2000x128xf32>
    %add3A_32 = arith.addf %dot_general3A_28, %add3A_31 : vector<2000x128xf32>
    %get3A_33 = arith.constant 0 : index
    %get3A_34 = arith.constant 0 : index
    %get3A_35 = vector.load %arg3[%get3A_33, %get3A_34] : memref<2000x128xf32, #tpu.memory_space<vmem>>, vector<2000x128xf32>
    %get3A_36 = arith.constant 0 : index
    %get3A_37 = arith.constant 0 : index
    %get3A_38 = vector.load %arg6[%get3A_36, %get3A_37] : memref<128x128xf32, #tpu.memory_space<vmem>>, vector<128x128xf32>
    %dot_general3A_39 = arith.constant dense<0.000000e+00> : vector<2000x128xf32>
    %dot_general3A_40 = tpu.matmul %get3A_35, %get3A_38, %dot_general3A_39 {dimension_numbers = #tpu.dot_dimension_numbers<[1], [1], [0], [0], [0, 0, 1, 0], [], []>, transpose_lhs_hint = false} : vector<2000x128xf32>, vector<128x128xf32>, vector<2000x128xf32> -> vector<2000x128xf32>
    %add3A_41 = arith.addf %add3A_32, %dot_general3A_40 : vector<2000x128xf32>
    %max3A_42 = arith.constant 0.000000e+00 : f32
    %max3A_43 = vector.broadcast %max3A_42 : f32 to vector<2000x128xf32>
    %max3A_44 = arith.maximumf %add3A_41, %max3A_43 : vector<2000x128xf32>
    %get3A_45 = arith.constant 0 : index
    %get3A_46 = arith.constant 0 : index
    %get3A_47 = vector.load %arg7[%get3A_45, %get3A_46] : memref<128x128xf32, #tpu.memory_space<vmem>>, vector<128x128xf32>
    %dot_general3A_48 = arith.constant dense<0.000000e+00> : vector<2000x128xf32>
    %dot_general3A_49 = tpu.matmul %max3A_44, %get3A_47, %dot_general3A_48 {dimension_numbers = #tpu.dot_dimension_numbers<[1], [1], [0], [0], [0, 0, 1, 0], [], []>, transpose_lhs_hint = false} : vector<2000x128xf32>, vector<128x128xf32>, vector<2000x128xf32> -> vector<2000x128xf32>
    %get3A_50 = arith.constant 0 : index
    %get3A_51 = vector.load %arg8[%get3A_50] : memref<128xf32, #tpu.memory_space<vmem>>, vector<128xf32>
    %broadcast_in_dim3A_52 = vector.shape_cast %get3A_51 : vector<128xf32> to vector<1x128xf32>
    %add3A_53 = vector.broadcast %broadcast_in_dim3A_52 : vector<1x128xf32> to vector<2000x128xf32>
    %add3A_54 = arith.addf %dot_general3A_49, %add3A_53 : vector<2000x128xf32>
    %max3A_55 = arith.constant 0.000000e+00 : f32
    %max3A_56 = vector.broadcast %max3A_55 : f32 to vector<2000x128xf32>
    %max3A_57 = arith.maximumf %add3A_54, %max3A_56 : vector<2000x128xf32>
    %get3A_58 = arith.constant 0 : index
    %get3A_59 = arith.constant 0 : index
    %get3A_60 = vector.load %arg9[%get3A_58, %get3A_59] : memref<128x128xf32, #tpu.memory_space<vmem>>, vector<128x128xf32>
    %dot_general3A_61 = arith.constant dense<0.000000e+00> : vector<2000x128xf32>
    %dot_general3A_62 = tpu.matmul %max3A_57, %get3A_60, %dot_general3A_61 {dimension_numbers = #tpu.dot_dimension_numbers<[1], [1], [0], [0], [0, 0, 1, 0], [], []>, transpose_lhs_hint = false} : vector<2000x128xf32>, vector<128x128xf32>, vector<2000x128xf32> -> vector<2000x128xf32>
    %get3A_63 = arith.constant 0 : index
    %get3A_64 = vector.load %arg10[%get3A_63] : memref<128xf32, #tpu.memory_space<vmem>>, vector<128xf32>
    %broadcast_in_dim3A_65 = vector.shape_cast %get3A_64 : vector<128xf32> to vector<1x128xf32>
    %add3A_66 = vector.broadcast %broadcast_in_dim3A_65 : vector<1x128xf32> to vector<2000x128xf32>
    %add3A_67 = arith.addf %dot_general3A_62, %add3A_66 : vector<2000x128xf32>
    %swap3A = arith.constant 0 : index
    %swap3A_68 = arith.constant 0 : index
    %swap3A_69 = vector.load %arg11[%swap3A, %swap3A_68] : memref<2000x128xf32, #tpu.memory_space<vmem>>, vector<2000x128xf32>
    tpu.vector_store %arg11[%swap3A, %swap3A_68], %add3A_67 {strides = array<i32>} : memref<2000x128xf32, #tpu.memory_space<vmem>>, vector<2000x128xf32>,
    return
  }
  func.func @transform_0(%arg0: i32) -> (i32, i32, i32) {
    %c0_i32 = arith.constant 0 : i32
    %c0_i32_0 = arith.constant 0 : i32
    %c0_i32_1 = arith.constant 0 : i32
    return %c0_i32, %arg0, %c0_i32_0 : i32, i32, i32
  }
  func.func @transform_1(%arg0: i32) -> (i32, i32, i32) {
    %c0_i32 = arith.constant 0 : i32
    %c0_i32_0 = arith.constant 0 : i32
    %c0_i32_1 = arith.constant 0 : i32
    return %c0_i32, %arg0, %c0_i32_0 : i32, i32, i32
  }
  func.func @transform_2(%arg0: i32) -> (i32, i32) {
    %c0_i32 = arith.constant 0 : i32
    %c0_i32_0 = arith.constant 0 : i32
    return %arg0, %c0_i32 : i32, i32
  }
  func.func @transform_3(%arg0: i32) -> (i32, i32) {
    %c0_i32 = arith.constant 0 : i32
    %c0_i32_0 = arith.constant 0 : i32
    %c0_i32_1 = arith.constant 0 : i32
    return %c0_i32, %c0_i32_0 : i32, i32
  }
  func.func @transform_4(%arg0: i32) -> i32 {
    %c0_i32 = arith.constant 0 : i32
    %c0_i32_0 = arith.constant 0 : i32
    return %c0_i32 : i32
  }
  func.func @transform_5(%arg0: i32) -> (i32, i32) {
    %c0_i32 = arith.constant 0 : i32
    %c0_i32_0 = arith.constant 0 : i32
    %c0_i32_1 = arith.constant 0 : i32
    return %c0_i32, %c0_i32_0 : i32, i32
  }
  func.func @transform_6(%arg0: i32) -> (i32, i32) {
    %c0_i32 = arith.constant 0 : i32
    %c0_i32_0 = arith.constant 0 : i32
    %c0_i32_1 = arith.constant 0 : i32
    return %c0_i32, %c0_i32_0 : i32, i32
  }
  func.func @transform_7(%arg0: i32) -> i32 {
    %c0_i32 = arith.constant 0 : i32
    %c0_i32_0 = arith.constant 0 : i32
    return %c0_i32 : i32
  }
  func.func @transform_8(%arg0: i32) -> (i32, i32) {
    %c0_i32 = arith.constant 0 : i32
    %c0_i32_0 = arith.constant 0 : i32
    %c0_i32_1 = arith.constant 0 : i32
    return %c0_i32, %c0_i32_0 : i32, i32
  }
  func.func @transform_9(%arg0: i32) -> i32 {
    %c0_i32 = arith.constant 0 : i32
    %c0_i32_0 = arith.constant 0 : i32
    return %c0_i32 : i32
  }
  func.func @transform_10(%arg0: i32) -> (i32, i32) {
    %c0_i32 = arith.constant 0 : i32
    %c0_i32_0 = arith.constant 0 : i32
    return %arg0, %c0_i32 : i32, i32
  }
}

module attributes {stable_mosaic.version = 14 : i64} {
  func.func @_dense2_body(%arg0: i32, %arg1: memref<2x2000x128xf32, #tpu.memory_space<vmem>>, %arg2: memref<2x2000x8xf32, #tpu.memory_space<vmem>>, %arg3: memref<2000x128xf32, #tpu.memory_space<vmem>>, %arg4: memref<128x128xf32, #tpu.memory_space<vmem>>, %arg5: memref<128xf32, #tpu.memory_space<vmem>>, %arg6: memref<128x128xf32, #tpu.memory_space<vmem>>, %arg7: memref<2000x128xf32, #tpu.memory_space<vmem>>) attributes {dimension_semantics = [#tpu.dimension_semantics<arbitrary>], iteration_bounds = array<i64: 5>, scalar_prefetch = 0 : i64, scratch_operands = 0 : i64, tpu.core_type = #tpu.core_type<tc>, window_params = [{transform_indices = @transform_0, window_bounds = array<i64: 2, 2000, 128>}, {transform_indices = @transform_1, window_bounds = array<i64: 2, 2000, 8>}, {transform_indices = @transform_2, window_bounds = array<i64: 2000, 128>}, {pipeline_mode = #tpu.pipeline_mode<synchronous>, transform_indices = @transform_3, window_bounds = array<i64: 128, 128>}, {pipeline_mode = #tpu.pipeline_mode<synchronous>, transform_indices = @transform_4, window_bounds = array<i64: 128>}, {pipeline_mode = #tpu.pipeline_mode<synchronous>, transform_indices = @transform_5, window_bounds = array<i64: 128, 128>}, {transform_indices = @transform_6, window_bounds = array<i64: 2000, 128>}]} {
    %get3A = arith.constant 0 : index
    %get3A_0 = arith.constant 0 : index
    %get3A_1 = arith.constant 0 : index
    %get3A_2 = vector.load %arg1[%get3A, %get3A_0, %get3A_1] : memref<2x2000x128xf32, #tpu.memory_space<vmem>>, vector<1x2000x128xf32>
    %get3A_3 = vector.shape_cast %get3A_2 : vector<1x2000x128xf32> to vector<2000x128xf32>
    %get3A_4 = arith.constant 1 : index
    %get3A_5 = arith.constant 0 : index
    %get3A_6 = arith.constant 0 : index
    %get3A_7 = vector.load %arg1[%get3A_4, %get3A_5, %get3A_6] : memref<2x2000x128xf32, #tpu.memory_space<vmem>>, vector<1x2000x128xf32>
    %get3A_8 = vector.shape_cast %get3A_7 : vector<1x2000x128xf32> to vector<2000x128xf32>
    %add3A = arith.addf %get3A_3, %get3A_8 : vector<2000x128xf32>
    %get3A_9 = arith.constant 0 : index
    %get3A_10 = arith.constant 0 : index
    %get3A_11 = arith.constant 0 : index
    %get3A_12 = vector.load %arg2[%get3A_9, %get3A_10, %get3A_11] : memref<2x2000x8xf32, #tpu.memory_space<vmem>>, vector<1x2000x1xf32>
    %get3A_13 = vector.shape_cast %get3A_12 : vector<1x2000x1xf32> to vector<2000x1xf32>
    %get3A_14 = arith.constant 1 : index
    %get3A_15 = arith.constant 0 : index
    %get3A_16 = arith.constant 0 : index
    %get3A_17 = vector.load %arg2[%get3A_14, %get3A_15, %get3A_16] : memref<2x2000x8xf32, #tpu.memory_space<vmem>>, vector<1x2000x1xf32>
    %get3A_18 = vector.shape_cast %get3A_17 : vector<1x2000x1xf32> to vector<2000x1xf32>
    %add3A_19 = arith.addf %get3A_13, %get3A_18 : vector<2000x1xf32>
    %max3A = arith.constant 1.000000e+00 : f32
    %max3A_20 = vector.broadcast %max3A : f32 to vector<2000x1xf32>
    %max3A_21 = arith.maximumf %add3A_19, %max3A_20 : vector<2000x1xf32>
    %div3A = arith.constant 1.000000e+00 : f32
    %div3A_22 = vector.broadcast %div3A : f32 to vector<2000x1xf32>
    %div3A_23 = arith.divf %div3A_22, %max3A_21 : vector<2000x1xf32>
    %mul3A = vector.broadcast %div3A_23 : vector<2000x1xf32> to vector<2000x128xf32>
    %mul3A_24 = arith.mulf %add3A, %mul3A : vector<2000x128xf32>
    %get3A_25 = arith.constant 0 : index
    %get3A_26 = arith.constant 0 : index
    %get3A_27 = vector.load %arg4[%get3A_25, %get3A_26] : memref<128x128xf32, #tpu.memory_space<vmem>>, vector<128x128xf32>
    %dot_general3A = arith.constant dense<0.000000e+00> : vector<2000x128xf32>
    %dot_general3A_28 = tpu.matmul %mul3A_24, %get3A_27, %dot_general3A {dimension_numbers = #tpu.dot_dimension_numbers<[1], [1], [0], [0], [0, 0, 1, 0], [], []>, transpose_lhs_hint = false} : vector<2000x128xf32>, vector<128x128xf32>, vector<2000x128xf32> -> vector<2000x128xf32>
    %get3A_29 = arith.constant 0 : index
    %get3A_30 = vector.load %arg5[%get3A_29] : memref<128xf32, #tpu.memory_space<vmem>>, vector<128xf32>
    %broadcast_in_dim3A = vector.shape_cast %get3A_30 : vector<128xf32> to vector<1x128xf32>
    %add3A_31 = vector.broadcast %broadcast_in_dim3A : vector<1x128xf32> to vector<2000x128xf32>
    %add3A_32 = arith.addf %dot_general3A_28, %add3A_31 : vector<2000x128xf32>
    %get3A_33 = arith.constant 0 : index
    %get3A_34 = arith.constant 0 : index
    %get3A_35 = vector.load %arg3[%get3A_33, %get3A_34] : memref<2000x128xf32, #tpu.memory_space<vmem>>, vector<2000x128xf32>
    %get3A_36 = arith.constant 0 : index
    %get3A_37 = arith.constant 0 : index
    %get3A_38 = vector.load %arg6[%get3A_36, %get3A_37] : memref<128x128xf32, #tpu.memory_space<vmem>>, vector<128x128xf32>
    %dot_general3A_39 = arith.constant dense<0.000000e+00> : vector<2000x128xf32>
    %dot_general3A_40 = tpu.matmul %get3A_35, %get3A_38, %dot_general3A_39 {dimension_numbers = #tpu.dot_dimension_numbers<[1], [1], [0], [0], [0, 0, 1, 0], [], []>, transpose_lhs_hint = false} : vector<2000x128xf32>, vector<128x128xf32>, vector<2000x128xf32> -> vector<2000x128xf32>
    %add3A_41 = arith.addf %add3A_32, %dot_general3A_40 : vector<2000x128xf32>
    %swap3A = arith.constant 0 : index
    %swap3A_42 = arith.constant 0 : index
    %swap3A_43 = vector.load %arg7[%swap3A, %swap3A_42] : memref<2000x128xf32, #tpu.memory_space<vmem>>, vector<2000x128xf32>
    tpu.vector_store %arg7[%swap3A, %swap3A_42], %add3A_41 {strides = array<i32>} : memref<2000x128xf32, #tpu.memory_space<vmem>>, vector<2000x128xf32>,
    return
  }
  func.func @transform_0(%arg0: i32) -> (i32, i32, i32) {
    %c0_i32 = arith.constant 0 : i32
    %c0_i32_0 = arith.constant 0 : i32
    %c0_i32_1 = arith.constant 0 : i32
    return %c0_i32, %arg0, %c0_i32_0 : i32, i32, i32
  }
  func.func @transform_1(%arg0: i32) -> (i32, i32, i32) {
    %c0_i32 = arith.constant 0 : i32
    %c0_i32_0 = arith.constant 0 : i32
    %c0_i32_1 = arith.constant 0 : i32
    return %c0_i32, %arg0, %c0_i32_0 : i32, i32, i32
  }
  func.func @transform_2(%arg0: i32) -> (i32, i32) {
    %c0_i32 = arith.constant 0 : i32
    %c0_i32_0 = arith.constant 0 : i32
    return %arg0, %c0_i32 : i32, i32
  }
  func.func @transform_3(%arg0: i32) -> (i32, i32) {
    %c0_i32 = arith.constant 0 : i32
    %c0_i32_0 = arith.constant 0 : i32
    %c0_i32_1 = arith.constant 0 : i32
    return %c0_i32, %c0_i32_0 : i32, i32
  }
  func.func @transform_4(%arg0: i32) -> i32 {
    %c0_i32 = arith.constant 0 : i32
    %c0_i32_0 = arith.constant 0 : i32
    return %c0_i32 : i32
  }
  func.func @transform_5(%arg0: i32) -> (i32, i32) {
    %c0_i32 = arith.constant 0 : i32
    %c0_i32_0 = arith.constant 0 : i32
    %c0_i32_1 = arith.constant 0 : i32
    return %c0_i32, %c0_i32_0 : i32, i32
  }
  func.func @transform_6(%arg0: i32) -> (i32, i32) {
    %c0_i32 = arith.constant 0 : i32
    %c0_i32_0 = arith.constant 0 : i32
    return %arg0, %c0_i32 : i32, i32
  }
}

</mosaic_0001>

<sc_bundles>
// kernel: kernel.6.cloned.1.call-start
scs
__scs_entry_jumppad:
0x0: {  	(pc) =	sbr.rel $0x88, $3  }
0x1: {  	(tag) =	ssettag $0x0;
	lr =	simm.s32 $0x1  }
0x2: {  	[smem:$0x3F95] =	sst lr;
	_ =	strace $0xD0000000  }
0x3: {  	_ = 	snop  }
0x4: {  	_ = 	snop  }
0x5: {  	_ = 	snop  }
0x6: {  	_ = 	snop  }
0x7: {  	_ = 	snop  }
__scs_overlays_trampoline_lowered:
0x8: {  	[smem:$0x3FA4] =	sst s0  }
0x9: {  	[smem:$0x3FA5] =	sst s1  }
0xa: {  	[smem:$0x3FA6] =	sst s2  }
0xb: {  	[smem:$0x3FA7] =	sst s3  }
0xc: {  	[smem:$0x3FA8] =	sst s4  }
0xd: {  	[smem:$0x3FA9] =	sst s5  }
0xe: {  	[smem:$0x3FAA] =	sst s6  }
0xf: {  	[smem:$0x3FAB] =	sst s7  }
0x10: {  	[smem:$0x3FAC] =	sst s8  }
0x11: {  	[smem:$0x3FAD] =	sst s9;
	s0 =	simm.s32 @!p0 $0x0  }
0x12: {  	s1 =	sld [smem:$0x3F93];
	s0 =	simm.s32 @p0 $0x1  }
0x13: {  	[smem:$0x3FAE] =	sst s0;
	s0 =	simm.s32 @!p1 $0x0  }
0x14: {  	s2 =	sld [smem:$0x3F92];
	s0 =	simm.s32 @p1 $0x1  }
0x15: {  	[smem:$0x3FAF] =	sst s0;
	s0 =	simm.s32 @!p2 $0x0  }
0x16: {  	s3 =	sld [smem:$0x3FDB];
	s0 =	simm.s32 @p2 $0x1  }
0x17: {  	s4 =	simm.s32 $0x1BF5;
	[smem:$0x3FB1] =	sst s0  }
0x18: {  	s0 =	sld [smem:$0x3F94];
	_ =	swait.ge [sflag:s4], $0x0  }
0x19: {  	s7 =	sld [smem:$0x3F95]  }
0x1a: {  	s8 =	sadd.s32 $0xFFFFE003, lr  }
0x1b: {  	s9 =	sadd.s32 $0xFFFFFEF7, lr;
	s5 =	simm.s32 $0xFFFFFFFF;
	p2 =	slt.u32 s8, $0xFFFFF086  }
0x1c: {  	p1 =	slt.u32 s9, $0xF7A;
	s5 =	simm.s32 @!p2 $0x0  }
0x1d: {  	s5 =	simm.s32 @p1 $0x1;
	p0 =	seq.s32 s7, s2  }
0x1e: {  	s7 =	smul.u32 @!p0 $0xF7A, s2;
	p2 =	seq.s32 @!p0 s5, $0x0  }
0x1f: {  	s9 =	smul.u32 $0xF7A, s1;
	s8 =	simm.s32 @!p0 $0x1BF5;
	p2 =	por !p2, p0  }
0x20: {  	[sflag:s8] =	ssyncset.s32 @!p0 $0xFFFFF086;
	s6 =	sadd.s32 @!p0 s3, s7;
	s7 =	simm.s32 @!p0 $0x108  }
0x21: {  	s3 =	sadd.s32 s3, s9;
	s6 =	sadd.s32 @!p0 $0x88, s6;
	s7 =	simm.s32 @p2 $0x1082  }
0x22: {  	[simem:s7], [sflag:s8] =	dma.local @!p0 [hbm:s6], $0xF7A  }
0x23: {  	s9 =	sor.u32 $0xD0000000, s2;
	s6 =	simm.s32 $0x108;
	_ =	swait.ge @!p0 [sflag:s8], $0x0  }
0x24: {  	s3 =	sadd.s32 $0x88, s3;
	s6 =	simm.s32 @!p1 $0x1082;
	[sflag:s4] =	ssyncset.s32 $0xFFFFF086  }
0x25: {  	[simem:s6], [sflag:s4] =	dma.local [hbm:s3], $0xF7A  }
0x26: {  	[smem:$0x3F95] =	sst s1;
	(tag) =	ssettag s2;
	_ =	strace s9  }
0x27: {  	s1 =	sld [smem:$0x3FA5]  }
0x28: {  	s2 =	sld [smem:$0x3FA6]  }
0x29: {  	s4 =	sld [smem:$0x3FA8]  }
0x2a: {  	p0 =	seq.s32 s5, $0x0;
	s5 =	sld [smem:$0x3FA9]  }
0x2b: {  	s6 =	sld [smem:$0x3FAA]  }
0x2c: {  	s7 =	sld [smem:$0x3FAB]  }
0x2d: {  	s3 =	simm.s32 $0x108;
	s8 =	sld [smem:$0x3FAC]  }
0x2e: {  	s3 =	simm.s32 @!p0 $0x1082;
	s9 =	sld [smem:$0x3FAD]  }
0x2f: {  	lr =	sadd.s32 s0, s3;
	s0 =	sld [smem:$0x3FA4]  }
0x30: {  	s3 =	sld [smem:$0x3FA7]  }
0x31: {  	[smem:$0x3FB0] =	sst s10  }
0x32: {  	s10 =	sld [smem:$0x3FAE];
	_ =	sdelay $0x3  }
0x33: {  	p0 =	seq.s32 s10, $0x1;
	s10 =	sld [smem:$0x3FB0];
	_ =	sdelay $0x3  }
0x34: {  	[smem:$0x3FB0] =	sst s10  }
0x35: {  	s10 =	sld [smem:$0x3FAF];
	_ =	sdelay $0x3  }
0x36: {  	p1 =	seq.s32 s10, $0x1;
	s10 =	sld [smem:$0x3FB0];
	_ =	sdelay $0x3  }
0x37: {  	[smem:$0x3FB0] =	sst s10  }
0x38: {  	s10 =	sld [smem:$0x3FB1]  }
0x39: {  	_ = 	snop;
	(pc) =	sbr.ind lr, $3  }
0x3a: {  	_ = 	snop  }
0x3b: {  	_ = 	snop  }
0x3c: {  	p2 =	seq.s32 s10, $0x1;
	s10 =	sld [smem:$0x3FB0]  }
0x3d: {  	_ =	shalt  }
0x3e: {  	_ =	shalt  }
0x3f: {  	_ =	shalt  }
0x40: {  	_ =	shalt  }
0x41: {  	_ =	shalt  }
0x42: {  	_ =	shalt  }
0x43: {  	_ =	shalt  }
0x44: {  	_ =	shalt  }
0x45: {  	_ =	shalt  }
0x46: {  	_ =	shalt  }
0x47: {  	_ =	shalt  }
0x48: {  	_ =	shalt  }
0x49: {  	_ =	shalt  }
0x4a: {  	_ =	shalt  }
0x4b: {  	_ =	shalt  }
0x4c: {  	_ =	shalt  }
0x4d: {  	_ =	shalt  }
0x4e: {  	_ =	shalt  }
0x4f: {  	_ =	shalt  }
0x50: {  	_ =	shalt  }
0x51: {  	_ =	shalt  }
0x52: {  	_ =	shalt  }
0x53: {  	_ =	shalt  }
0x54: {  	_ =	shalt  }
0x55: {  	_ =	shalt  }
0x56: {  	_ =	shalt  }
0x57: {  	_ =	shalt  }
0x58: {  	_ =	shalt  }
0x59: {  	_ =	shalt  }
0x5a: {  	_ =	shalt  }
0x5b: {  	_ =	shalt  }
0x5c: {  	_ =	shalt  }
0x5d: {  	_ =	shalt  }
0x5e: {  	_ =	shalt  }
0x5f: {  	_ =	shalt  }
0x60: {  	_ =	shalt  }
0x61: {  	_ =	shalt  }
0x62: {  	_ =	shalt  }
0x63: {  	_ =	shalt  }
0x64: {  	_ =	shalt  }
0x65: {  	_ =	shalt  }
0x66: {  	_ =	shalt  }
0x67: {  	_ =	shalt  }
0x68: {  	_ =	shalt  }
0x69: {  	_ =	shalt  }
0x6a: {  	_ =	shalt  }
0x6b: {  	_ =	shalt  }
0x6c: {  	_ =	shalt  }
0x6d: {  	_ =	shalt  }
0x6e: {  	_ =	shalt  }
0x6f: {  	_ =	shalt  }
0x70: {  	_ =	shalt  }
0x71: {  	_ =	shalt  }
0x72: {  	_ =	shalt  }
0x73: {  	_ =	shalt  }
0x74: {  	_ =	shalt  }
0x75: {  	_ =	shalt  }
0x76: {  	_ =	shalt  }
0x77: {  	_ =	shalt  }
0x78: {  	_ =	shalt  }
0x79: {  	_ =	shalt  }
0x7a: {  	_ =	shalt  }
0x7b: {  	_ =	shalt  }
0x7c: {  	_ =	shalt  }
0x7d: {  	_ =	shalt  }
0x7e: {  	_ =	shalt  }
0x7f: {  	_ =	shalt  }
0x80: {  	_ =	shalt  }
0x81: {  	_ =	shalt  }
0x82: {  	_ =	shalt  }
0x83: {  	_ =	shalt  }
0x84: {  	_ =	shalt  }
0x85: {  	_ =	shalt  }
0x86: {  	_ =	shalt  }
0x87: {  	_ =	shalt  }
.Lfunc_end0:
.L_simem_size_0:
called_computation_lowered:
.L_overlay_start_0:
0x88: {  	s2 =	sld [smem:$0x3FD9]  }
0x89: {  	s3 =	sld [smem:$0x3FFE];
	_ =	sdelay $0x1  }
0x8a: {  	s1 =	srdreg.scid  }
0x8b: {  	s0 =	sand.u32 $0x1, s1  }
0x8c: {  	s17 =	sshll.u32 s0, $0xA;
	s2 =	sadd.s32 s3, s2  }
0x8d: {  	s2 =	sadd.s32 s2, s17  }
0x8e: {  	[smem:$0x3FBC] =	sst s2  }
0x8f: {  	_ = 	snop  }
0x90: {  	s2 =	sld [smem:$0x3FC9]  }
0x91: {  	s18 =	sld [smem:$0x3FD0];
	(tm) =	ssettm $0x1  }
0x92: {  	s4 =	sld [smem:$0x3FFB];
	_ =	sdelay $0x3  }
0x93: {  	_ =	strace s4  }
0x94: {  	s4 =	sld [smem:$0x3FFC];
	_ =	sdelay $0x3  }
0x95: {  	_ =	strace s4  }
0x96: {  	s4 =	sld [smem:$0x3FFD];
	_ =	sdelay $0x3  }
0x97: {  	_ =	strace s4  }
0x98: {  	_ =	strace $0x8FFFFFFF  }
0x99: {  	s19 =	sld [smem:$0x3FDB];
	_ =	sdelay $0x1  }
0x9a: {  	s5 =	simm.s32 $_scs_section_size  }
0x9b: {  	s6 =	simm.s32 $_size__tile_overlayer_lowered;
	s7 =	simm.s32 $_tile_overlayer_lowered  }
0x9c: {  	s22 =	simm.s32 $0x1BFF;
	s21 =	sshll.u32 s7, $0x1;
	s4 =	sadd.s32 s5, s19  }
0x9d: {  	s8 =	simm.s32 $0x0;
	s20 =	sshll.u32 s6, $0x1;
	s6 =	sadd.s32 s21, s4  }
0x9e: {  	[timem:s8], [sflag:s22] =	dma.local [hbm:s6], s20  }
0x9f: {  	_ =	swait.ge [sflag:s22], s20  }
0xa0: {  	s5 =	ssub.s32 $0x0, s20;
	[sflag:s22] =	ssyncset.done $0x0  }
0xa1: {  	[sflag:s22] =	ssyncadd.s32 s5;
	_ =	sdelay $0x1  }
0xa2: {  	s23 =	simm.s32 $0x1B8B  }
0xa3: {  	_ =	swait.ge [sflag:s23], $0x1  }
0xa4: {  	[sflag:s23] =	ssyncset.done $0x0  }
0xa5: {  	s25 =	simm.s32 $0x1B8E;
	s24 =	sld [smem:$0x3FFE];
	[sflag:s23] =	ssyncadd.s32 $0xFFFFFFFF  }
0xa6: {  	s26 =	simm.s32 $execute0_lowered;
	[smem:$0x3FD2] =	sst s25  }
0xa7: {  	s6 =	sshll.u32 s26, $0x1;
	_ =	strace $0x80000046;
	[dreg:$0x1] =	wrdreg $0xFFFFFFFF  }
0xa8: {  	s28 =	simm.s32 $_size_execute0_lowered;
	s4 =	sadd.s32 s4, s6;
	[dreg:$0x0] =	wrdreg $0x0  }
0xa9: {  	s6 =	sshll.u32 s28, $0x1;
	[dreg:$0x2] =	wrdreg s4  }
0xaa: {  	[dreg:$0x3] =	wrdreg s6  }
0xab: {  	[dreg:$0x4] =	wrdreg $0xC0  }
0xac: {  	_ =	task [dreg:s8], $0x5FFFF  }
0xad: {  	[dreg:$0x1] =	wrdreg $0xFFFFFFFF  }
0xae: {  	[dreg:$0x0] =	wrdreg $0x60  }
0xaf: {  	[dreg:$0x2] =	wrdreg s2  }
0xb0: {  	[dreg:$0x3] =	wrdreg s24  }
0xb1: {  	[dreg:$0x4] =	wrdreg s18  }
0xb2: {  	[dreg:$0x5] =	wrdreg $0x0  }
0xb3: {  	[dreg:$0x6] =	wrdreg $0x1D5800  }
0xb4: {  	[dreg:$0x7] =	wrdreg $0x9  }
0xb5: {  	_ =	task.clear_ibuf [dreg:s8], $0x8FFFF;
	_ =	strace $0x90000046  }
0xb6: {  	s29 =	simm.s32 $0x9;
	_ =	strace $0x80000048  }
0xb7: {  	_ =	swait.ge [sflag:s29], $0x1  }
0xb8: {  	[sflag:s29] =	ssyncadd.s32 $0xFFFFFFFF  }
0xb9: {  	_ =	strace $0x90000048  }
0xba: {  	_ =	sfence  }
0xbb: {  	s30 =	sld [smem:$0x0];
	_ =	sdelay $0x2  }
0xbc: {  	s31 =	sshll.u32 s1, $0xD;
	s1 =	sshrl.u32 s1, $0x2  }
0xbd: {  	s3 =	sand.u32 $0x4000, s31;
	s1 =	sadd.s32 s1, s30  }
0xbe: {  	s0 =	sor.u32 s3, s0;
	s1 =	sshll.u32 s1, $0x11  }
0xbf: {  	s0 =	sor.u32 s1, s0  }
0xc0: {  	s0 =	sadd.s32 $0x8F2B, s0  }
0xc1: {  	[sflag:s0] =	ssyncadd.remote.s32 $0x1  }
0xc2: {  	_ =	sfence.sel $0xFFFF  }
0xc3: {  	[dreg:$0x0] =	wrdreg $0xFFFFFFFF;
	(pc) =	sbr.abs _section_cstart, $3  }
0xc4: {  	[dreg:$0x1] =	wrdreg $0xFFFFFFFF  }
0xc5: {  	_ =	task.clear_ibuf [dreg:s8], $0x2FFFF;
	_ =	strace $0x9FFFFFFF  }
0xc6: {  	(tm) =	ssettm $0x7FFFFFFF  }
0xc7: {  	_ =	shalt  }
tec
execute0_lowered:
.L_overlay_start_1:
0x0: {  	(tag) =	ssettag $0x1  }
0x1: {  	s0 =	srdreg.scid  }
0x2: {  	s18 =	stileid.u32;
	s28 =	simm.s32 $0x0;
	s6 =	sand.u32 $0x1, s0  }
0x3: {  	s0 =	rddreg [dreg:$0x1];
	s4 =	sor.u32 $0x10, s18;
	s13 =	sor.u32 $0x30, s18  }
0x4: {  	s12 =	sor.u32 $0x20, s18;
	s1 =	sshll.u32 s6, $0x4;
	s5 =	smul.u32 $0x3E80, s13  }
0x5: {  	s15 =	sor.u32 $0x40, s18;
	s22 =	smul.u32 $0x138800, s6;
	s1 =	sor.u32 s18, s1  }
0x6: {  	s8 =	sadd.s32 $0xCE00, s0;
	s2 =	ssub.s32 $0x2, s6;
	s1 =	smul.u32 $0x2800, s1  }
0x7: {  	s9 =	sadd.s32 $0x2E00, s0;
	s6 =	smul.u32 $0x13880, s6;
	s3 =	sshrl.u32 s2, $0x1  }
0x8: {  	s7 =	ssub.s32 s2, s3;
	s2 =	smul.u32 $0x3E80, s4;
	s11 =	sshrl.u32 s1, $0x3  }
0x9: {  	s10 =	sadd.s32 $0x17A00, s0;
	s3 =	smul.u32 $0x3E8, s4;
	s19 =	sadd.s32 s8, s11  }
0xa: {  	s20 =	sadd.s32 s9, s11;
	s14 =	sadd.s32 $0x100, s11;
	[dreg:$0x6] =	wrdreg s19  }
0xb: {  	s1 =	smul.u32 $0x3E80, s18;
	[dreg:$0x7] =	wrdreg s20;
	s16 =	sadd.s32 s8, s14  }
0xc: {  	s21 =	sadd.s32 $0x200, s11;
	s14 =	sadd.s32 s9, s14;
	[dreg:$0x8] =	wrdreg s16  }
0xd: {  	s23 =	sadd.s32 $0x300, s11;
	s17 =	sadd.s32 s8, s21;
	[dreg:$0x9] =	wrdreg s14  }
0xe: {  	s11 =	sadd.s32 $0x400, s11;
	s24 =	sadd.s32 s8, s23;
	[dreg:$0xa] =	wrdreg s17  }
0xf: {  	s4 =	smul.u32 $0x3E80, s12;
	s8 =	sadd.s32 s8, s11;
	[dreg:$0xc] =	wrdreg s24  }
0x10: {  	s25 =	sadd.s32 s1, s22;
	s14 =	sadd.s32 s9, s21;
	[dreg:$0xe] =	wrdreg s8  }
0x11: {  	s26 =	sshrl.u32 s25, $0x3;
	s17 =	sadd.s32 s22, s4;
	s24 =	rddreg [dreg:$0x2]  }
0x12: {  	s16 =	simm.s32 $0x0;
	[dreg:$0xb] =	wrdreg s14;
	s14 =	sadd.s32 s9, s23  }
0x13: {  	s9 =	sadd.s32 s9, s11;
	s8 =	sadd.s32 s10, s26;
	[dreg:$0xd] =	wrdreg s14  }
0x14: {  	s19 =	sshrl.u32 s17, $0x3;
	[dreg:$0xf] =	wrdreg s9;
	s14 =	sadd.s32 s22, s2  }
0x15: {  	[dreg:$0x10] =	wrdreg s8;
	s9 =	smul.u32 $0x3E80, s15;
	s8 =	sshrl.u32 s14, $0x3  }
0x16: {  	[smem:$0x7FF] =	sst s16;
	s14 =	smul.u32 $0x3E8, s18;
	s8 =	sadd.s32 s10, s8  }
0x17: {  	s21 =	sadd.s32 s22, s9;
	[dreg:$0x11] =	wrdreg s8;
	s8 =	sadd.s32 s10, s19  }
0x18: {  	s20 =	sadd.s32 s22, s5;
	s11 =	sshrl.u32 s21, $0x3;
	[dreg:$0x12] =	wrdreg s8  }
0x19: {  	s23 =	sadd.s32 s14, s6;
	s8 =	sshrl.u32 s20, $0x3;
	s20 =	rddreg [dreg:$0x0]  }
0x1a: {  	s22 =	sadd.s32 s10, s11;
	s11 =	sshrl.u32 s23, $0x3;
	s23 =	rddreg [dreg:$0x4]  }
0x1b: {  	s25 =	sadd.s32 s6, s3;
	s21 =	sadd.s32 $0x17000, s0;
	[dreg:$0x14] =	wrdreg s22  }
0x1c: {  	s8 =	sadd.s32 s10, s8;
	s10 =	smul.u32 $0x3E8, s13;
	s22 =	rddreg [dreg:$0x3]  }
0x1d: {  	s11 =	sadd.s32 s24, s11;
	[dreg:$0x13] =	wrdreg s8;
	s8 =	smul.u32 $0x3E8, s12  }
0x1e: {  	s13 =	simm.s32 $0x4;
	s12 =	smul.u32 $0x3E8, s15;
	[dreg:$0x15] =	wrdreg s11  }
0x1f: {  	s15 =	sshrl.u32 s25, $0x3;
	s1 =	sadd.s32 s1, s22;
	s2 =	sadd.s32 s2, s22  }
0x20: {  	s29 =	sadd.s32 s4, s22;
	s31 =	sadd.s32 s5, s22;
	s11 =	sadd.s32 s24, s15  }
0x21: {  	s19 =	sadd.s32 s6, s10;
	s15 =	sadd.s32 s14, s23;
	s25 =	sadd.s32 s10, s23  }
0x22: {  	s26 =	sadd.s32 s6, s8;
	[dreg:$0x16] =	wrdreg s11;
	s11 =	sshrl.u32 s19, $0x3  }
0x23: {  	s6 =	sadd.s32 s6, s12;
	s17 =	sshrl.u32 s26, $0x3;
	s11 =	sadd.s32 s24, s11  }
0x24: {  	s6 =	sshrl.u32 s6, $0x3;
	s18 =	sadd.s32 s24, s17;
	[dreg:$0x18] =	wrdreg s11  }
0x25: {  	s10 =	simm.s32 $0x5;
	s6 =	sadd.s32 s24, s6;
	[dreg:$0x17] =	wrdreg s18  }
0x26: {  	s30 =	sadd.s32 s8, s23;
	s4 =	sadd.s32 s12, s23;
	[dreg:$0x19] =	wrdreg s6  }
0x27: {  	s24 =	sadd.s32 $0x17200, s0;
	_ =	strace $0x80000047;
	[dreg:$0x1a] =	wrdreg s21  }
0x28: {  	s8 =	simm.s32 $0x13880;
	s0 =	sadd.s32 $0x16E00, s0;
	[dreg:$0x1b] =	wrdreg s24  }
0x29: {  	s12 =	simm.s32 $0x3;
	s26 =	smax.u32 s7, $0x1;
	[dreg:$0x1c] =	wrdreg s0  }
0x2a: {  	s19 =	simm.s32 $0x15000;
	s7 =	smov.u32 s25;
	[smem:$0x7FC] =	sst s26  }
0x2b: {  	s25 =	simm.s32 $0x14880;
	s11 =	simm.s32 $0x1E908;
	[dreg:$0x1d] =	wrdreg s31  }
0x2c: {  	s17 =	simm.s32 $0x7D;
	s18 =	simm.s32 $0x2;
	[dreg:$0x1e] =	wrdreg s7  }
0x2d: {  	s21 =	sadd.s32 s3, s23;
	s3 =	sadd.s32 s9, s22;
	[smem:$0x7FD] =	sst s4  }
0x2e: {  	s9 =	simm.s32 $0x15880;
	s24 =	simm.s32 $0x19700;
	[dreg:$0x1f] =	wrdreg s3  }
.LBB2_1:
0x2f: {  	s0 =	rddreg [dreg:$0x6]  }
0x30: {  	[tilespmem:s8], [sflag:$0x3] =	stream.linear.gather [hbm4b:s0+s16], $0x800, $0x38;
	[tilespmem:$0x1ECF0] =	vst v63  }
0x31: {  	s6 =	rddreg [dreg:$0x7]  }
0x32: {  	[tilespmem:s25], [sflag:$0x4] =	stream.linear.gather [hbm4b:s6+s16], $0x800, $0x38;
	[tilespmem:$0x1ECF0] =	vst v63  }
0x33: {  	s14 =	rddreg [dreg:$0x1b]  }
0x34: {  	[tilespmem:s9], [sflag:$0x5] =	stream.linear.gather [hbm4b:s14+s16], $0x3E80, $0x38;
	[tilespmem:$0x1ECF0] =	vst v63  }
0x35: {  	_ =	swait.ge [sflag:s10], $0x3E80  }
0x36: {  	[sflag:s10] =	ssyncset.done $0x0  }
0x37: {  	s26 =	rddreg [dreg:$0x1c];
	[sflag:s10] =	ssyncadd.s32 $0xFFFFC180  }
0x38: {  	[tilespmem:s11], [sflag:$0x5] =	stream.linear.gather [hbm4b:s26+s16], $0x3E8, $0x38;
	[tilespmem:$0x1ECF0] =	vst v63  }
0x39: {  	_ =	swait.ge [sflag:s10], $0x3E8  }
0x3a: {  	[sflag:s10] =	ssyncset.done $0x0  }
0x3b: {  	[sflag:s10] =	ssyncadd.s32 $0xFFFFFC18  }
0x3c: {  	[spmem:s1] =	stream.linear.scatter [tilespmem:s9], [sflag:$0x5], $0x3E80, $0x38;
	[tilespmem:$0x1ECF0] =	vst v63  }
0x3d: {  	_ =	swait.ge [sflag:s10], $0x3E80  }
0x3e: {  	[sflag:s10] =	ssyncset.done $0x0  }
0x3f: {  	[sflag:s10] =	ssyncadd.s32 $0xFFFFC180  }
0x40: {  	[spmem:s15] =	stream.linear.scatter [tilespmem:s11], [sflag:$0x5], $0x3E8, $0x38;
	[tilespmem:$0x1ECF0] =	vst v63  }
0x41: {  	_ =	swait.ge [sflag:s10], $0x3E8  }
0x42: {  	[sflag:s10] =	ssyncset.done $0x0  }
0x43: {  	[sflag:s10] =	ssyncadd.s32 $0xFFFFFC18  }
0x44: {  	[spmem:s2] =	stream.linear.scatter [tilespmem:s9], [sflag:$0x5], $0x3E80, $0x38;
	[tilespmem:$0x1ECF0] =	vst v63  }
0x45: {  	_ =	swait.ge [sflag:s10], $0x3E80  }
0x46: {  	[sflag:s10] =	ssyncset.done $0x0  }
0x47: {  	[sflag:s10] =	ssyncadd.s32 $0xFFFFC180  }
0x48: {  	[spmem:s21] =	stream.linear.scatter [tilespmem:s11], [sflag:$0x5], $0x3E8, $0x38;
	[tilespmem:$0x1ECF0] =	vst v63  }
0x49: {  	_ =	swait.ge [sflag:s10], $0x3E8  }
0x4a: {  	[sflag:s10] =	ssyncset.done $0x0  }
0x4b: {  	[sflag:s10] =	ssyncadd.s32 $0xFFFFFC18  }
0x4c: {  	[spmem:s29] =	stream.linear.scatter [tilespmem:s9], [sflag:$0x5], $0x3E80, $0x38;
	[tilespmem:$0x1ECF0] =	vst v63  }
0x4d: {  	_ =	swait.ge [sflag:s10], $0x3E80  }
0x4e: {  	[sflag:s10] =	ssyncset.done $0x0  }
0x4f: {  	[sflag:s10] =	ssyncadd.s32 $0xFFFFC180  }
0x50: {  	[spmem:s30] =	stream.linear.scatter [tilespmem:s11], [sflag:$0x5], $0x3E8, $0x38;
	[tilespmem:$0x1ECF0] =	vst v63  }
0x51: {  	_ =	swait.ge [sflag:s10], $0x3E8  }
0x52: {  	[sflag:s10] =	ssyncset.done $0x0  }
0x53: {  	[sflag:s10] =	ssyncadd.s32 $0xFFFFFC18  }
0x54: {  	[spmem:s31] =	stream.linear.scatter [tilespmem:s9], [sflag:$0x5], $0x3E80, $0x38;
	[tilespmem:$0x1ECF0] =	vst v63  }
0x55: {  	_ =	swait.ge [sflag:s10], $0x3E80  }
0x56: {  	[sflag:s10] =	ssyncset.done $0x0  }
0x57: {  	[sflag:s10] =	ssyncadd.s32 $0xFFFFC180  }
0x58: {  	[spmem:s7] =	stream.linear.scatter [tilespmem:s11], [sflag:$0x5], $0x3E8, $0x38;
	[tilespmem:$0x1ECF0] =	vst v63  }
0x59: {  	_ =	swait.ge [sflag:s10], $0x3E8  }
0x5a: {  	[sflag:s10] =	ssyncset.done $0x0  }
0x5b: {  	s0 =	smov.u32 s3;
	[sflag:s10] =	ssyncadd.s32 $0xFFFFFC18  }
0x5c: {  	[spmem:s0] =	stream.linear.scatter [tilespmem:s9], [sflag:$0x5], $0x3E80, $0x38;
	[tilespmem:$0x1ECF0] =	vst v63  }
0x5d: {  	_ =	swait.ge [sflag:s10], $0x3E80  }
0x5e: {  	[sflag:s10] =	ssyncset.done $0x0  }
0x5f: {  	s3 =	smov.u32 s1;
	s1 =	smov.u32 s4;
	[sflag:s10] =	ssyncadd.s32 $0xFFFFC180  }
0x60: {  	[spmem:s1] =	stream.linear.scatter [tilespmem:s11], [sflag:$0x5], $0x3E8, $0x38;
	[tilespmem:$0x1ECF0] =	vst v63  }
0x61: {  	_ =	swait.ge [sflag:s10], $0x3E8  }
0x62: {  	[sflag:s10] =	ssyncset.done $0x0  }
0x63: {  	s1 =	rddreg [dreg:$0x1a];
	[sflag:s10] =	ssyncadd.s32 $0xFFFFFC18  }
0x64: {  	[tilespmem:s11], [sflag:$0x5] =	stream.linear.gather [hbm4b:s1+s16], $0x3E8, $0x38;
	[tilespmem:$0x1ECF0] =	vst v63  }
0x65: {  	_ =	swait.ge [sflag:s10], $0x3E8  }
0x66: {  	[sflag:s10] =	ssyncset.done $0x0  }
0x67: {  	[sflag:s10] =	ssyncadd.s32 $0xFFFFFC18  }
0x68: {  	[bflag:$0x0] =	sbarrier.arrive $0xFFFF  }
0x69: {  	_ =	swait.ge [sflag:s12], $0x800  }
0x6a: {  	[sflag:s12] =	ssyncset.done $0x0  }
0x6b: {  	s5 =	smov.u32 s2;
	s6 =	smov.u32 s21;
	[sflag:s12] =	ssyncadd.s32 $0xFFFFF800  }
0x6c: {  	s14 =	smov.u32 s29;
	s26 =	smov.u32 s30;
	_ =	swait.ge [sflag:s13], $0x800  }
0x6d: {  	s4 =	smov.u32 s15;
	s7 =	simm.s32 $0x14080;
	[sflag:s13] =	ssyncset.done $0x0  }
0x6e: {  	s0 =	simm.s32 $0x1;
	s2 =	rddreg [dreg:$0x8];
	[sflag:s13] =	ssyncadd.s32 $0xFFFFF800  }
0x6f: {  	[tilespmem:s7], [sflag:$0x3] =	stream.linear.gather [hbm4b:s2+s16], $0x800, $0x38;
	[tilespmem:$0x1ECF0] =	vst v63  }
0x70: {  	s21 =	simm.s32 $0x15080;
	s29 =	simm.s32 $0x13900;
	s7 =	sand.u32 $0x1, s0  }
0x71: {  	s15 =	rddreg [dreg:$0x9];
	s2 =	simm.s32 $0x0;
	s1 =	smul.u32 $0xFA00, s7  }
0x72: {  	[tilespmem:s21], [sflag:$0x4] =	stream.linear.gather [hbm4b:s15+s16], $0x800, $0x38;
	[tilespmem:$0x1ECF0] =	vst v63  }
0x73: {  	s7 =	sadd.s32 $0x1, s7;
	s21 =	sand.u32 $0x1, s2;
	s15 =	sshrl.u32 s1, $0x2  }
0x74: {  	[tilespmem:s9], [sflag:$0x1] =	stream.indirect.gather [hbm4b:s20+s17], $0x80, s8, s17, $0xb8;
	[tilespmem:$0x1ECF0] =	vst v63  }
0x75: {  	s30 =	smul.u32 $0xFA00, s21;
	s21 =	sadd.s32 $0x1, s21;
	s15 =	sadd.s32 $0x15880, s15  }
0x76: {  	[tilespmem:s15], [sflag:s7] =	stream.indirect.gather [hbm4b:s20+s17], $0x80, s29, s17, $0xb8;
	[tilespmem:$0x1ECF0] =	vst v63  }
0x77: {  	_ =	swait.ge [sflag:s21], $0x3E80  }
0x78: {  	s15 =	sshrl.u32 s30, $0x2;
	[sflag:s21] =	ssyncset.done $0x0  }
0x79: {  	s7 =	sadd.s32 $0x15880, s15;
	[sflag:s21] =	ssyncadd.s32 $0xFFFFC180  }
0x7a: {  	[spmem:s22] =	stream.indirect.scatter.add.f32 [tilespmem:s7], [sflag:$0x5], $0x80, s25, s17, $0xb8;
	[tilespmem:$0x1ECF0] =	vst v63  }
0x7b: {  	_ =	swait.ge [sflag:s10], $0x3E80  }
0x7c: {  	s31 =	simm.s32 $0x3;
	s7 =	simm.s32 $0x2;
	[sflag:s10] =	ssyncset.done $0x0  }
0x7d: {  	s29 =	simm.s32 $0x14900;
	s30 =	sand.u32 $0x1, s7;
	[sflag:s10] =	ssyncadd.s32 $0xFFFFC180  }
0x7e: {  	[spmem:s23] =	stream.indirect.scatter.add.f32 [tilespmem:s11], [sflag:$0x5], $0x8, s25, s17, $0xb8;
	[tilespmem:$0x1ECF0] =	vst v63  }
0x7f: {  	s15 =	simm.s32 $0x13980;
	s21 =	smul.u32 $0xFA00, s30;
	_ =	swait.ge [sflag:s10], $0x3E8  }
.LBB2_2:
0x80: {  	s0 =	sadd.s32 $0xFFFFFFFF, s7  }
0x81: {  	s21 =	sshrl.u32 s21, $0x2;
	[sflag:s10] =	ssyncset.done $0x0;
	s7 =	smov.u32 s31  }
0x82: {  	s0 =	sand.u32 $0x1, s0;
	s21 =	sadd.s32 $0x15880, s21;
	[sflag:s10] =	ssyncadd.s32 $0xFFFFFC18  }
0x83: {  	s30 =	sadd.s32 $0x1, s30;
	s1 =	smul.u32 $0xFA00, s0;
	s0 =	sadd.s32 $0x1, s0  }
0x84: {  	[tilespmem:s21], [sflag:s30] =	stream.indirect.gather [hbm4b:s20+s17], $0x80, s15, s17, $0xb8;
	[tilespmem:$0x1ECF0] =	vst v63  }
0x85: {  	s2 =	sadd.s32 $0x1, s31;
	s1 =	sshrl.u32 s1, $0x2;
	_ =	swait.ge [sflag:s0], $0x3E80  }
0x86: {  	p0 =	sne.s32 s31, $0xF;
	s1 =	sadd.s32 $0x15880, s1;
	[sflag:s0] =	ssyncset.done $0x0  }
0x87: {  	[sflag:s0] =	ssyncadd.s32 $0xFFFFC180  }
0x88: {  	[spmem:s22] =	stream.indirect.scatter.add.f32 [tilespmem:s1], [sflag:$0x5], $0x80, s29, s17, $0xb8;
	[tilespmem:$0x1ECF0] =	vst v63  }
.Ltmp0:
0x89: {  	_ =	swait.ge [sflag:s10], $0x3E80;
	(pc) =	sbr.rel @p0 .LBB2_2-.Ltmp0, $4  }
0x8a: {  	s30 =	sand.u32 $0x1, s7;
	[sflag:s10] =	ssyncset.done $0x0  }
0x8b: {  	s31 =	smov.u32 s2;
	s21 =	smul.u32 $0xFA00, s30;
	[sflag:s10] =	ssyncadd.s32 $0xFFFFC180  }
0x8c: {  	[spmem:s23] =	stream.indirect.scatter.add.f32 [tilespmem:s11], [sflag:$0x5], $0x8, s29, s17, $0xb8;
	[tilespmem:$0x1ECF0] =	vst v63  }
0x8d: {  	s15 =	sadd.s32 $0x80, s15;
	s29 =	sadd.s32 $0x80, s29;
	_ =	swait.ge [sflag:s10], $0x3E8  }
0x8e: {  	s0 =	sadd.s32 $0xFFFFFFFF, s7;
	s1 =	sshrl.u32 s21, $0x2;
	[sflag:s10] =	ssyncset.done $0x0  }
0x8f: {  	s2 =	sadd.s32 $0x1, s30;
	s0 =	sand.u32 $0x1, s0;
	s1 =	sadd.s32 $0x15880, s1  }
0x90: {  	[sflag:s10] =	ssyncadd.s32 $0xFFFFFC18;
	s21 =	smul.u32 $0xFA00, s0;
	s0 =	sadd.s32 $0x1, s0  }
0x91: {  	[tilespmem:s1], [sflag:s2] =	stream.indirect.gather [hbm4b:s20+s17], $0x80, s15, s17, $0xb8;
	[tilespmem:$0x1ECF0] =	vst v63  }
0x92: {  	_ =	swait.ge [sflag:s0], $0x3E80  }
0x93: {  	s21 =	sshrl.u32 s21, $0x2;
	[sflag:s0] =	ssyncset.done $0x0  }
0x94: {  	s1 =	sadd.s32 $0x15880, s21;
	[sflag:s0] =	ssyncadd.s32 $0xFFFFC180  }
0x95: {  	[spmem:s22] =	stream.indirect.scatter.add.f32 [tilespmem:s1], [sflag:$0x5], $0x80, s29, s17, $0xb8;
	[tilespmem:$0x1ECF0] =	vst v63  }
0x96: {  	_ =	swait.ge [sflag:s10], $0x3E80  }
0x97: {  	[sflag:s10] =	ssyncset.done $0x0  }
0x98: {  	[sflag:s10] =	ssyncadd.s32 $0xFFFFC180  }
0x99: {  	[spmem:s23] =	stream.indirect.scatter.add.f32 [tilespmem:s11], [sflag:$0x5], $0x8, s29, s17, $0xb8;
	[tilespmem:$0x1ECF0] =	vst v63  }
0x9a: {  	_ =	swait.ge [sflag:s10], $0x3E8  }
0x9b: {  	[sflag:s10] =	ssyncset.done $0x0  }
0x9c: {  	[sflag:s10] =	ssyncadd.s32 $0xFFFFFC18  }
0x9d: {  	_ =	swait.ge [sflag:s18], $0x3E80  }
0x9e: {  	[sflag:s18] =	ssyncset.done $0x0  }
0x9f: {  	[sflag:s18] =	ssyncadd.s32 $0xFFFFC180  }
0xa0: {  	[spmem:s22] =	stream.indirect.scatter.add.f32 [tilespmem:s24], [sflag:$0x5], $0x80, s19, s17, $0xb8;
	[tilespmem:$0x1ECF0] =	vst v63  }
0xa1: {  	_ =	swait.ge [sflag:s10], $0x3E80  }
0xa2: {  	[sflag:s10] =	ssyncset.done $0x0  }
0xa3: {  	[sflag:s10] =	ssyncadd.s32 $0xFFFFC180  }
0xa4: {  	[spmem:s23] =	stream.indirect.scatter.add.f32 [tilespmem:s11], [sflag:$0x5], $0x8, s19, s17, $0xb8;
	[tilespmem:$0x1ECF0] =	vst v63  }
0xa5: {  	_ =	swait.ge [sflag:s10], $0x3E8  }
0xa6: {  	[sflag:s10] =	ssyncset.done $0x0  }
0xa7: {  	[sflag:s10] =	ssyncadd.s32 $0xFFFFFC18  }
0xa8: {  	_ =	swait.ge [sflag:s12], $0x800  }
0xa9: {  	[sflag:s12] =	ssyncset.done $0x0  }
0xaa: {  	[sflag:s12] =	ssyncadd.s32 $0xFFFFF800  }
0xab: {  	s7 =	simm.s32 $0x1;
	_ =	swait.ge [sflag:s13], $0x800  }
0xac: {  	s0 =	sand.u32 $0x1, s7;
	s21 =	simm.s32 $0x14080;
	[sflag:s13] =	ssyncset.done $0x0  }
0xad: {  	s7 =	simm.s32 $0x0;
	s1 =	rddreg [dreg:$0xa];
	[sflag:s13] =	ssyncadd.s32 $0xFFFFF800  }
0xae: {  	[tilespmem:s8], [sflag:$0x3] =	stream.linear.gather [hbm4b:s1+s16], $0x800, $0x38;
	[tilespmem:$0x1ECF0] =	vst v63  }
0xaf: {  	s15 =	smul.u32 $0xFA00, s0;
	s0 =	sadd.s32 $0x1, s0;
	s2 =	rddreg [dreg:$0xb]  }
0xb0: {  	[tilespmem:s25], [sflag:$0x4] =	stream.linear.gather [hbm4b:s2+s16], $0x800, $0x38;
	[tilespmem:$0x1ECF0] =	vst v63  }
0xb1: {  	s1 =	sshrl.u32 s15, $0x2;
	s15 =	simm.s32 $0x14100;
	s2 =	sand.u32 $0x1, s7  }
0xb2: {  	[tilespmem:s9], [sflag:$0x1] =	stream.indirect.gather [hbm4b:s20+s17], $0x80, s21, s17, $0xb8;
	[tilespmem:$0x1ECF0] =	vst v63  }
0xb3: {  	s1 =	sadd.s32 $0x15880, s1;
	s21 =	smul.u32 $0xFA00, s2;
	s2 =	sadd.s32 $0x1, s2  }
0xb4: {  	[tilespmem:s1], [sflag:s0] =	stream.indirect.gather [hbm4b:s20+s17], $0x80, s15, s17, $0xb8;
	[tilespmem:$0x1ECF0] =	vst v63  }
0xb5: {  	_ =	swait.ge [sflag:s2], $0x3E80  }
0xb6: {  	s15 =	sshrl.u32 s21, $0x2;
	[sflag:s2] =	ssyncset.done $0x0  }
0xb7: {  	s21 =	simm.s32 $0x15080;
	s0 =	sadd.s32 $0x15880, s15;
	[sflag:s2] =	ssyncadd.s32 $0xFFFFC180  }
0xb8: {  	[spmem:s22] =	stream.indirect.scatter.add.f32 [tilespmem:s0], [sflag:$0x5], $0x80, s21, s17, $0xb8;
	[tilespmem:$0x1ECF0] =	vst v63  }
0xb9: {  	_ =	swait.ge [sflag:s10], $0x3E80  }
0xba: {  	s31 =	simm.s32 $0x3;
	s7 =	simm.s32 $0x2;
	[sflag:s10] =	ssyncset.done $0x0  }
0xbb: {  	s29 =	simm.s32 $0x15100;
	s30 =	sand.u32 $0x1, s7;
	[sflag:s10] =	ssyncadd.s32 $0xFFFFC180  }
0xbc: {  	[spmem:s23] =	stream.indirect.scatter.add.f32 [tilespmem:s11], [sflag:$0x5], $0x8, s21, s17, $0xb8;
	[tilespmem:$0x1ECF0] =	vst v63  }
0xbd: {  	s15 =	simm.s32 $0x14180;
	s21 =	smul.u32 $0xFA00, s30;
	_ =	swait.ge [sflag:s10], $0x3E8  }
.LBB2_4:
0xbe: {  	s0 =	sadd.s32 $0xFFFFFFFF, s7  }
0xbf: {  	s1 =	sshrl.u32 s21, $0x2;
	[sflag:s10] =	ssyncset.done $0x0;
	s7 =	smov.u32 s31  }
0xc0: {  	s0 =	sand.u32 $0x1, s0;
	s1 =	sadd.s32 $0x15880, s1;
	[sflag:s10] =	ssyncadd.s32 $0xFFFFFC18  }
0xc1: {  	s2 =	sadd.s32 $0x1, s30;
	s21 =	smul.u32 $0xFA00, s0;
	s0 =	sadd.s32 $0x1, s0  }
0xc2: {  	[tilespmem:s1], [sflag:s2] =	stream.indirect.gather [hbm4b:s20+s17], $0x80, s15, s17, $0xb8;
	[tilespmem:$0x1ECF0] =	vst v63  }
0xc3: {  	s1 =	sadd.s32 $0x1, s31;
	s2 =	sshrl.u32 s21, $0x2;
	_ =	swait.ge [sflag:s0], $0x3E80  }
0xc4: {  	p0 =	sne.s32 s31, $0xF;
	s2 =	sadd.s32 $0x15880, s2;
	[sflag:s0] =	ssyncset.done $0x0  }
0xc5: {  	[sflag:s0] =	ssyncadd.s32 $0xFFFFC180  }
0xc6: {  	[spmem:s22] =	stream.indirect.scatter.add.f32 [tilespmem:s2], [sflag:$0x5], $0x80, s29, s17, $0xb8;
	[tilespmem:$0x1ECF0] =	vst v63  }
.Ltmp1:
0xc7: {  	_ =	swait.ge [sflag:s10], $0x3E80;
	(pc) =	sbr.rel @p0 .LBB2_4-.Ltmp1, $4  }
0xc8: {  	s30 =	sand.u32 $0x1, s7;
	[sflag:s10] =	ssyncset.done $0x0  }
0xc9: {  	s15 =	sadd.s32 $0x80, s15;
	s21 =	smul.u32 $0xFA00, s30;
	[sflag:s10] =	ssyncadd.s32 $0xFFFFC180  }
0xca: {  	[spmem:s23] =	stream.indirect.scatter.add.f32 [tilespmem:s11], [sflag:$0x5], $0x8, s29, s17, $0xb8;
	[tilespmem:$0x1ECF0] =	vst v63  }
0xcb: {  	s31 =	smov.u32 s1;
	s29 =	sadd.s32 $0x80, s29;
	_ =	swait.ge [sflag:s10], $0x3E8  }
0xcc: {  	s0 =	sadd.s32 $0xFFFFFFFF, s7;
	s1 =	sshrl.u32 s21, $0x2;
	[sflag:s10] =	ssyncset.done $0x0  }
0xcd: {  	s2 =	sadd.s32 $0x1, s30;
	s0 =	sand.u32 $0x1, s0;
	s1 =	sadd.s32 $0x15880, s1  }
0xce: {  	[sflag:s10] =	ssyncadd.s32 $0xFFFFFC18;
	s21 =	smul.u32 $0xFA00, s0;
	s0 =	sadd.s32 $0x1, s0  }
0xcf: {  	[tilespmem:s1], [sflag:s2] =	stream.indirect.gather [hbm4b:s20+s17], $0x80, s15, s17, $0xb8;
	[tilespmem:$0x1ECF0] =	vst v63  }
0xd0: {  	_ =	swait.ge [sflag:s0], $0x3E80  }
0xd1: {  	s21 =	sshrl.u32 s21, $0x2;
	[sflag:s0] =	ssyncset.done $0x0  }
0xd2: {  	s1 =	sadd.s32 $0x15880, s21;
	[sflag:s0] =	ssyncadd.s32 $0xFFFFC180  }
0xd3: {  	[spmem:s22] =	stream.indirect.scatter.add.f32 [tilespmem:s1], [sflag:$0x5], $0x80, s29, s17, $0xb8;
	[tilespmem:$0x1ECF0] =	vst v63  }
0xd4: {  	_ =	swait.ge [sflag:s10], $0x3E80  }
0xd5: {  	[sflag:s10] =	ssyncset.done $0x0  }
0xd6: {  	[sflag:s10] =	ssyncadd.s32 $0xFFFFC180  }
0xd7: {  	[spmem:s23] =	stream.indirect.scatter.add.f32 [tilespmem:s11], [sflag:$0x5], $0x8, s29, s17, $0xb8;
	[tilespmem:$0x1ECF0] =	vst v63  }
0xd8: {  	_ =	swait.ge [sflag:s10], $0x3E8  }
0xd9: {  	[sflag:s10] =	ssyncset.done $0x0  }
0xda: {  	[sflag:s10] =	ssyncadd.s32 $0xFFFFFC18  }
0xdb: {  	_ =	swait.ge [sflag:s18], $0x3E80  }
0xdc: {  	[sflag:s18] =	ssyncset.done $0x0  }
0xdd: {  	s1 =	simm.s32 $0x15800;
	[sflag:s18] =	ssyncadd.s32 $0xFFFFC180  }
0xde: {  	[spmem:s22] =	stream.indirect.scatter.add.f32 [tilespmem:s24], [sflag:$0x5], $0x80, s1, s17, $0xb8;
	[tilespmem:$0x1ECF0] =	vst v63  }
0xdf: {  	_ =	swait.ge [sflag:s10], $0x3E80  }
0xe0: {  	[sflag:s10] =	ssyncset.done $0x0  }
0xe1: {  	[sflag:s10] =	ssyncadd.s32 $0xFFFFC180  }
0xe2: {  	[spmem:s23] =	stream.indirect.scatter.add.f32 [tilespmem:s11], [sflag:$0x5], $0x8, s1, s17, $0xb8;
	[tilespmem:$0x1ECF0] =	vst v63  }
0xe3: {  	_ =	swait.ge [sflag:s10], $0x3E8  }
0xe4: {  	[sflag:s10] =	ssyncset.done $0x0  }
0xe5: {  	[sflag:s10] =	ssyncadd.s32 $0xFFFFFC18  }
0xe6: {  	_ =	swait.ge [sflag:s12], $0x800  }
0xe7: {  	[sflag:s12] =	ssyncset.done $0x0  }
0xe8: {  	[sflag:s12] =	ssyncadd.s32 $0xFFFFF800  }
0xe9: {  	s7 =	simm.s32 $0x14080;
	s21 =	simm.s32 $0x15080;
	_ =	swait.ge [sflag:s13], $0x800  }
0xea: {  	s1 =	simm.s32 $0x1;
	[sflag:s13] =	ssyncset.done $0x0;
	s2 =	rddreg [dreg:$0xc]  }
0xeb: {  	s0 =	sand.u32 $0x1, s1;
	s15 =	rddreg [dreg:$0xd];
	[sflag:s13] =	ssyncadd.s32 $0xFFFFF800  }
0xec: {  	[tilespmem:s7], [sflag:$0x3] =	stream.linear.gather [hbm4b:s2+s16], $0x800, $0x38;
	[tilespmem:$0x1ECF0] =	vst v63  }
0xed: {  	s2 =	smul.u32 $0xFA00, s0;
	s7 =	simm.s32 $0x0;
	s0 =	sadd.s32 $0x1, s0  }
0xee: {  	[tilespmem:s21], [sflag:$0x4] =	stream.linear.gather [hbm4b:s15+s16], $0x800, $0x38;
	[tilespmem:$0x1ECF0] =	vst v63  }
0xef: {  	s1 =	sshrl.u32 s2, $0x2;
	s15 =	simm.s32 $0x13900;
	s2 =	sand.u32 $0x1, s7  }
0xf0: {  	[tilespmem:s9], [sflag:$0x1] =	stream.indirect.gather [hbm4b:s20+s17], $0x80, s8, s17, $0xb8;
	[tilespmem:$0x1ECF0] =	vst v63  }
0xf1: {  	s1 =	sadd.s32 $0x15880, s1;
	s21 =	smul.u32 $0xFA00, s2;
	s2 =	sadd.s32 $0x1, s2  }
0xf2: {  	[tilespmem:s1], [sflag:s0] =	stream.indirect.gather [hbm4b:s20+s17], $0x80, s15, s17, $0xb8;
	[tilespmem:$0x1ECF0] =	vst v63  }
0xf3: {  	_ =	swait.ge [sflag:s2], $0x3E80  }
0xf4: {  	s15 =	sshrl.u32 s21, $0x2;
	[sflag:s2] =	ssyncset.done $0x0  }
0xf5: {  	s21 =	simm.s32 $0x14880;
	s0 =	sadd.s32 $0x15880, s15;
	[sflag:s2] =	ssyncadd.s32 $0xFFFFC180  }
0xf6: {  	[spmem:s22] =	stream.indirect.scatter.add.f32 [tilespmem:s0], [sflag:$0x5], $0x80, s21, s17, $0xb8;
	[tilespmem:$0x1ECF0] =	vst v63  }
0xf7: {  	_ =	swait.ge [sflag:s10], $0x3E80  }
0xf8: {  	s31 =	simm.s32 $0x3;
	s7 =	simm.s32 $0x2;
	[sflag:s10] =	ssyncset.done $0x0  }
0xf9: {  	s29 =	simm.s32 $0x14900;
	s30 =	sand.u32 $0x1, s7;
	[sflag:s10] =	ssyncadd.s32 $0xFFFFC180  }
0xfa: {  	[spmem:s23] =	stream.indirect.scatter.add.f32 [tilespmem:s11], [sflag:$0x5], $0x8, s21, s17, $0xb8;
	[tilespmem:$0x1ECF0] =	vst v63  }
0xfb: {  	s15 =	simm.s32 $0x13980;
	s21 =	smul.u32 $0xFA00, s30;
	_ =	swait.ge [sflag:s10], $0x3E8  }
.LBB2_6:
0xfc: {  	s0 =	sadd.s32 $0xFFFFFFFF, s7  }
0xfd: {  	s1 =	sshrl.u32 s21, $0x2;
	[sflag:s10] =	ssyncset.done $0x0;
	s7 =	smov.u32 s31  }
0xfe: {  	s0 =	sand.u32 $0x1, s0;
	s1 =	sadd.s32 $0x15880, s1;
	[sflag:s10] =	ssyncadd.s32 $0xFFFFFC18  }
0xff: {  	s2 =	sadd.s32 $0x1, s30;
	s21 =	smul.u32 $0xFA00, s0;
	s0 =	sadd.s32 $0x1, s0  }
0x100: {  	[tilespmem:s1], [sflag:s2] =	stream.indirect.gather [hbm4b:s20+s17], $0x80, s15, s17, $0xb8;
	[tilespmem:$0x1ECF0] =	vst v63  }
0x101: {  	s1 =	sadd.s32 $0x1, s31;
	s2 =	sshrl.u32 s21, $0x2;
	_ =	swait.ge [sflag:s0], $0x3E80  }
0x102: {  	p0 =	sne.s32 s31, $0xF;
	s2 =	sadd.s32 $0x15880, s2;
	[sflag:s0] =	ssyncset.done $0x0  }
0x103: {  	[sflag:s0] =	ssyncadd.s32 $0xFFFFC180  }
0x104: {  	[spmem:s22] =	stream.indirect.scatter.add.f32 [tilespmem:s2], [sflag:$0x5], $0x80, s29, s17, $0xb8;
	[tilespmem:$0x1ECF0] =	vst v63  }
.Ltmp2:
0x105: {  	_ =	swait.ge [sflag:s10], $0x3E80;
	(pc) =	sbr.rel @p0 .LBB2_6-.Ltmp2, $4  }
0x106: {  	s30 =	sand.u32 $0x1, s7;
	[sflag:s10] =	ssyncset.done $0x0  }
0x107: {  	s15 =	sadd.s32 $0x80, s15;
	s21 =	smul.u32 $0xFA00, s30;
	[sflag:s10] =	ssyncadd.s32 $0xFFFFC180  }
0x108: {  	[spmem:s23] =	stream.indirect.scatter.add.f32 [tilespmem:s11], [sflag:$0x5], $0x8, s29, s17, $0xb8;
	[tilespmem:$0x1ECF0] =	vst v63  }
0x109: {  	s31 =	smov.u32 s1;
	s29 =	sadd.s32 $0x80, s29;
	_ =	swait.ge [sflag:s10], $0x3E8  }
0x10a: {  	s0 =	sadd.s32 $0xFFFFFFFF, s7;
	s1 =	sshrl.u32 s21, $0x2;
	[sflag:s10] =	ssyncset.done $0x0  }
0x10b: {  	s2 =	sadd.s32 $0x1, s30;
	s0 =	sand.u32 $0x1, s0;
	s1 =	sadd.s32 $0x15880, s1  }
0x10c: {  	[sflag:s10] =	ssyncadd.s32 $0xFFFFFC18;
	s21 =	smul.u32 $0xFA00, s0;
	s0 =	sadd.s32 $0x1, s0  }
0x10d: {  	[tilespmem:s1], [sflag:s2] =	stream.indirect.gather [hbm4b:s20+s17], $0x80, s15, s17, $0xb8;
	[tilespmem:$0x1ECF0] =	vst v63  }
0x10e: {  	_ =	swait.ge [sflag:s0], $0x3E80  }
0x10f: {  	s21 =	sshrl.u32 s21, $0x2;
	[sflag:s0] =	ssyncset.done $0x0  }
0x110: {  	s1 =	sadd.s32 $0x15880, s21;
	[sflag:s0] =	ssyncadd.s32 $0xFFFFC180  }
0x111: {  	[spmem:s22] =	stream.indirect.scatter.add.f32 [tilespmem:s1], [sflag:$0x5], $0x80, s29, s17, $0xb8;
	[tilespmem:$0x1ECF0] =	vst v63  }
0x112: {  	_ =	swait.ge [sflag:s10], $0x3E80  }
0x113: {  	[sflag:s10] =	ssyncset.done $0x0  }
0x114: {  	[sflag:s10] =	ssyncadd.s32 $0xFFFFC180  }
0x115: {  	[spmem:s23] =	stream.indirect.scatter.add.f32 [tilespmem:s11], [sflag:$0x5], $0x8, s29, s17, $0xb8;
	[tilespmem:$0x1ECF0] =	vst v63  }
0x116: {  	_ =	swait.ge [sflag:s10], $0x3E8  }
0x117: {  	[sflag:s10] =	ssyncset.done $0x0  }
0x118: {  	[sflag:s10] =	ssyncadd.s32 $0xFFFFFC18  }
0x119: {  	_ =	swait.ge [sflag:s18], $0x3E80  }
0x11a: {  	[sflag:s18] =	ssyncset.done $0x0  }
0x11b: {  	[sflag:s18] =	ssyncadd.s32 $0xFFFFC180  }
0x11c: {  	[spmem:s22] =	stream.indirect.scatter.add.f32 [tilespmem:s24], [sflag:$0x5], $0x80, s19, s17, $0xb8;
	[tilespmem:$0x1ECF0] =	vst v63  }
0x11d: {  	_ =	swait.ge [sflag:s10], $0x3E80  }
0x11e: {  	[sflag:s10] =	ssyncset.done $0x0  }
0x11f: {  	[sflag:s10] =	ssyncadd.s32 $0xFFFFC180  }
0x120: {  	[spmem:s23] =	stream.indirect.scatter.add.f32 [tilespmem:s11], [sflag:$0x5], $0x8, s19, s17, $0xb8;
	[tilespmem:$0x1ECF0] =	vst v63  }
0x121: {  	_ =	swait.ge [sflag:s10], $0x3E8  }
0x122: {  	[sflag:s10] =	ssyncset.done $0x0  }
0x123: {  	[sflag:s10] =	ssyncadd.s32 $0xFFFFFC18  }
0x124: {  	_ =	swait.ge [sflag:s12], $0x800  }
0x125: {  	[sflag:s12] =	ssyncset.done $0x0  }
0x126: {  	[sflag:s12] =	ssyncadd.s32 $0xFFFFF800  }
0x127: {  	s7 =	simm.s32 $0x1;
	_ =	swait.ge [sflag:s13], $0x800  }
0x128: {  	s0 =	sand.u32 $0x1, s7;
	s21 =	simm.s32 $0x14080;
	[sflag:s13] =	ssyncset.done $0x0  }
0x129: {  	s7 =	simm.s32 $0x0;
	s1 =	rddreg [dreg:$0xe];
	[sflag:s13] =	ssyncadd.s32 $0xFFFFF800  }
0x12a: {  	[tilespmem:s8], [sflag:$0x3] =	stream.linear.gather [hbm4b:s1+s16], $0x800, $0x38;
	[tilespmem:$0x1ECF0] =	vst v63  }
0x12b: {  	s15 =	smul.u32 $0xFA00, s0;
	s0 =	sadd.s32 $0x1, s0;
	s2 =	rddreg [dreg:$0xf]  }
0x12c: {  	[tilespmem:s25], [sflag:$0x4] =	stream.linear.gather [hbm4b:s2+s16], $0x800, $0x38;
	[tilespmem:$0x1ECF0] =	vst v63  }
0x12d: {  	s1 =	sshrl.u32 s15, $0x2;
	s15 =	simm.s32 $0x14100;
	s2 =	sand.u32 $0x1, s7  }
0x12e: {  	[tilespmem:s9], [sflag:$0x1] =	stream.indirect.gather [hbm4b:s20+s17], $0x80, s21, s17, $0xb8;
	[tilespmem:$0x1ECF0] =	vst v63  }
0x12f: {  	s1 =	sadd.s32 $0x15880, s1;
	s21 =	smul.u32 $0xFA00, s2;
	s2 =	sadd.s32 $0x1, s2  }
0x130: {  	[tilespmem:s1], [sflag:s0] =	stream.indirect.gather [hbm4b:s20+s17], $0x80, s15, s17, $0xb8;
	[tilespmem:$0x1ECF0] =	vst v63  }
0x131: {  	_ =	swait.ge [sflag:s2], $0x3E80  }
0x132: {  	s15 =	sshrl.u32 s21, $0x2;
	[sflag:s2] =	ssyncset.done $0x0  }
0x133: {  	s21 =	simm.s32 $0x15080;
	s0 =	sadd.s32 $0x15880, s15;
	[sflag:s2] =	ssyncadd.s32 $0xFFFFC180  }
0x134: {  	[spmem:s22] =	stream.indirect.scatter.add.f32 [tilespmem:s0], [sflag:$0x5], $0x80, s21, s17, $0xb8;
	[tilespmem:$0x1ECF0] =	vst v63  }
0x135: {  	_ =	swait.ge [sflag:s10], $0x3E80  }
0x136: {  	s31 =	simm.s32 $0x3;
	s7 =	simm.s32 $0x2;
	[sflag:s10] =	ssyncset.done $0x0  }
0x137: {  	s29 =	simm.s32 $0x15100;
	s30 =	sand.u32 $0x1, s7;
	[sflag:s10] =	ssyncadd.s32 $0xFFFFC180  }
0x138: {  	[spmem:s23] =	stream.indirect.scatter.add.f32 [tilespmem:s11], [sflag:$0x5], $0x8, s21, s17, $0xb8;
	[tilespmem:$0x1ECF0] =	vst v63  }
0x139: {  	s15 =	simm.s32 $0x14180;
	s21 =	smul.u32 $0xFA00, s30;
	_ =	swait.ge [sflag:s10], $0x3E8  }
.LBB2_8:
0x13a: {  	s0 =	sadd.s32 $0xFFFFFFFF, s7  }
0x13b: {  	s1 =	sshrl.u32 s21, $0x2;
	[sflag:s10] =	ssyncset.done $0x0;
	s7 =	smov.u32 s31  }
0x13c: {  	s0 =	sand.u32 $0x1, s0;
	s1 =	sadd.s32 $0x15880, s1;
	[sflag:s10] =	ssyncadd.s32 $0xFFFFFC18  }
0x13d: {  	s2 =	sadd.s32 $0x1, s30;
	s21 =	smul.u32 $0xFA00, s0;
	s0 =	sadd.s32 $0x1, s0  }
0x13e: {  	[tilespmem:s1], [sflag:s2] =	stream.indirect.gather [hbm4b:s20+s17], $0x80, s15, s17, $0xb8;
	[tilespmem:$0x1ECF0] =	vst v63  }
0x13f: {  	s1 =	sadd.s32 $0x1, s31;
	s2 =	sshrl.u32 s21, $0x2;
	_ =	swait.ge [sflag:s0], $0x3E80  }
0x140: {  	p0 =	sne.s32 s31, $0xF;
	s2 =	sadd.s32 $0x15880, s2;
	[sflag:s0] =	ssyncset.done $0x0  }
0x141: {  	[sflag:s0] =	ssyncadd.s32 $0xFFFFC180  }
0x142: {  	[spmem:s22] =	stream.indirect.scatter.add.f32 [tilespmem:s2], [sflag:$0x5], $0x80, s29, s17, $0xb8;
	[tilespmem:$0x1ECF0] =	vst v63  }
.Ltmp3:
0x143: {  	_ =	swait.ge [sflag:s10], $0x3E80;
	(pc) =	sbr.rel @p0 .LBB2_8-.Ltmp3, $4  }
0x144: {  	s30 =	sand.u32 $0x1, s7;
	[sflag:s10] =	ssyncset.done $0x0  }
0x145: {  	s15 =	sadd.s32 $0x80, s15;
	s21 =	smul.u32 $0xFA00, s30;
	[sflag:s10] =	ssyncadd.s32 $0xFFFFC180  }
0x146: {  	[spmem:s23] =	stream.indirect.scatter.add.f32 [tilespmem:s11], [sflag:$0x5], $0x8, s29, s17, $0xb8;
	[tilespmem:$0x1ECF0] =	vst v63  }
0x147: {  	s31 =	smov.u32 s1;
	s29 =	sadd.s32 $0x80, s29;
	_ =	swait.ge [sflag:s10], $0x3E8  }
0x148: {  	s0 =	sadd.s32 $0xFFFFFFFF, s7;
	s1 =	sshrl.u32 s21, $0x2;
	[sflag:s10] =	ssyncset.done $0x0  }
0x149: {  	s2 =	sadd.s32 $0x1, s30;
	s0 =	sand.u32 $0x1, s0;
	s1 =	sadd.s32 $0x15880, s1  }
0x14a: {  	[sflag:s10] =	ssyncadd.s32 $0xFFFFFC18;
	s21 =	smul.u32 $0xFA00, s0;
	s0 =	sadd.s32 $0x1, s0  }
0x14b: {  	[tilespmem:s1], [sflag:s2] =	stream.indirect.gather [hbm4b:s20+s17], $0x80, s15, s17, $0xb8;
	[tilespmem:$0x1ECF0] =	vst v63  }
0x14c: {  	_ =	swait.ge [sflag:s0], $0x3E80  }
0x14d: {  	s15 =	sshrl.u32 s21, $0x2;
	[sflag:s0] =	ssyncset.done $0x0  }
0x14e: {  	s1 =	sadd.s32 $0x15880, s15;
	[sflag:s0] =	ssyncadd.s32 $0xFFFFC180  }
0x14f: {  	[spmem:s22] =	stream.indirect.scatter.add.f32 [tilespmem:s1], [sflag:$0x5], $0x80, s29, s17, $0xb8;
	[tilespmem:$0x1ECF0] =	vst v63  }
0x150: {  	_ =	swait.ge [sflag:s10], $0x3E80  }
0x151: {  	[sflag:s10] =	ssyncset.done $0x0  }
0x152: {  	[sflag:s10] =	ssyncadd.s32 $0xFFFFC180  }
0x153: {  	[spmem:s23] =	stream.indirect.scatter.add.f32 [tilespmem:s11], [sflag:$0x5], $0x8, s29, s17, $0xb8;
	[tilespmem:$0x1ECF0] =	vst v63  }
0x154: {  	_ =	swait.ge [sflag:s10], $0x3E8  }
0x155: {  	[sflag:s10] =	ssyncset.done $0x0  }
0x156: {  	[sflag:s10] =	ssyncadd.s32 $0xFFFFFC18  }
0x157: {  	_ =	swait.ge [sflag:s18], $0x3E80  }
0x158: {  	[sflag:s18] =	ssyncset.done $0x0  }
0x159: {  	s21 =	simm.s32 $0x15800;
	[sflag:s18] =	ssyncadd.s32 $0xFFFFC180  }
0x15a: {  	[spmem:s22] =	stream.indirect.scatter.add.f32 [tilespmem:s24], [sflag:$0x5], $0x80, s21, s17, $0xb8;
	[tilespmem:$0x1ECF0] =	vst v63  }
0x15b: {  	_ =	swait.ge [sflag:s10], $0x3E80  }
0x15c: {  	[sflag:s10] =	ssyncset.done $0x0  }
0x15d: {  	[sflag:s10] =	ssyncadd.s32 $0xFFFFC180  }
0x15e: {  	[spmem:s23] =	stream.indirect.scatter.add.f32 [tilespmem:s11], [sflag:$0x5], $0x8, s21, s17, $0xb8;
	[tilespmem:$0x1ECF0] =	vst v63  }
0x15f: {  	_ =	swait.ge [sflag:s10], $0x3E8  }
0x160: {  	[sflag:s10] =	ssyncset.done $0x0  }
0x161: {  	[sflag:s10] =	ssyncadd.s32 $0xFFFFFC18  }
0x162: {  	_ =	swait.ge [sflag:s12], $0x800  }
0x163: {  	s1 =	simm.s32 $0x1;
	[sflag:s12] =	ssyncset.done $0x0  }
0x164: {  	s0 =	sand.u32 $0x1, s1;
	[sflag:s12] =	ssyncadd.s32 $0xFFFFF800  }
0x165: {  	s7 =	simm.s32 $0x0;
	s2 =	smul.u32 $0xFA00, s0;
	_ =	swait.ge [sflag:s13], $0x800  }
0x166: {  	s15 =	simm.s32 $0x13900;
	s0 =	sadd.s32 $0x1, s0;
	[sflag:s13] =	ssyncset.done $0x0  }
0x167: {  	s1 =	sshrl.u32 s2, $0x2;
	s2 =	sand.u32 $0x1, s7;
	[sflag:s13] =	ssyncadd.s32 $0xFFFFF800  }
0x168: {  	[tilespmem:s9], [sflag:$0x1] =	stream.indirect.gather [hbm4b:s20+s17], $0x80, s8, s17, $0xb8;
	[tilespmem:$0x1ECF0] =	vst v63  }
0x169: {  	s1 =	sadd.s32 $0x15880, s1;
	s21 =	smul.u32 $0xFA00, s2;
	s2 =	sadd.s32 $0x1, s2  }
0x16a: {  	[tilespmem:s1], [sflag:s0] =	stream.indirect.gather [hbm4b:s20+s17], $0x80, s15, s17, $0xb8;
	[tilespmem:$0x1ECF0] =	vst v63  }
0x16b: {  	_ =	swait.ge [sflag:s2], $0x3E80  }
0x16c: {  	s15 =	sshrl.u32 s21, $0x2;
	[sflag:s2] =	ssyncset.done $0x0  }
0x16d: {  	s21 =	simm.s32 $0x14880;
	s0 =	sadd.s32 $0x15880, s15;
	[sflag:s2] =	ssyncadd.s32 $0xFFFFC180  }
0x16e: {  	[spmem:s22] =	stream.indirect.scatter.add.f32 [tilespmem:s0], [sflag:$0x5], $0x80, s21, s17, $0xb8;
	[tilespmem:$0x1ECF0] =	vst v63  }
0x16f: {  	_ =	swait.ge [sflag:s10], $0x3E80  }
0x170: {  	s31 =	simm.s32 $0x3;
	s15 =	simm.s32 $0x2;
	[sflag:s10] =	ssyncset.done $0x0  }
0x171: {  	s29 =	simm.s32 $0x14900;
	s30 =	sand.u32 $0x1, s15;
	[sflag:s10] =	ssyncadd.s32 $0xFFFFC180  }
0x172: {  	[spmem:s23] =	stream.indirect.scatter.add.f32 [tilespmem:s11], [sflag:$0x5], $0x8, s21, s17, $0xb8;
	[tilespmem:$0x1ECF0] =	vst v63  }
0x173: {  	s7 =	simm.s32 $0x13980;
	s21 =	smul.u32 $0xFA00, s30;
	_ =	swait.ge [sflag:s10], $0x3E8  }
.LBB2_10:
0x174: {  	s0 =	sadd.s32 $0xFFFFFFFF, s15  }
0x175: {  	s1 =	sshrl.u32 s21, $0x2;
	[sflag:s10] =	ssyncset.done $0x0;
	s15 =	smov.u32 s31  }
0x176: {  	s0 =	sand.u32 $0x1, s0;
	s1 =	sadd.s32 $0x15880, s1;
	[sflag:s10] =	ssyncadd.s32 $0xFFFFFC18  }
0x177: {  	s2 =	sadd.s32 $0x1, s30;
	s21 =	smul.u32 $0xFA00, s0;
	s0 =	sadd.s32 $0x1, s0  }
0x178: {  	[tilespmem:s1], [sflag:s2] =	stream.indirect.gather [hbm4b:s20+s17], $0x80, s7, s17, $0xb8;
	[tilespmem:$0x1ECF0] =	vst v63  }
0x179: {  	s1 =	sadd.s32 $0x1, s31;
	s2 =	sshrl.u32 s21, $0x2;
	_ =	swait.ge [sflag:s0], $0x3E80  }
0x17a: {  	p0 =	sne.s32 s31, $0xF;
	s2 =	sadd.s32 $0x15880, s2;
	[sflag:s0] =	ssyncset.done $0x0  }
0x17b: {  	[sflag:s0] =	ssyncadd.s32 $0xFFFFC180  }
0x17c: {  	[spmem:s22] =	stream.indirect.scatter.add.f32 [tilespmem:s2], [sflag:$0x5], $0x80, s29, s17, $0xb8;
	[tilespmem:$0x1ECF0] =	vst v63  }
.Ltmp4:
0x17d: {  	_ =	swait.ge [sflag:s10], $0x3E80;
	(pc) =	sbr.rel @p0 .LBB2_10-.Ltmp4, $4  }
0x17e: {  	s30 =	sand.u32 $0x1, s15;
	[sflag:s10] =	ssyncset.done $0x0  }
0x17f: {  	s7 =	sadd.s32 $0x80, s7;
	s21 =	smul.u32 $0xFA00, s30;
	[sflag:s10] =	ssyncadd.s32 $0xFFFFC180  }
0x180: {  	[spmem:s23] =	stream.indirect.scatter.add.f32 [tilespmem:s11], [sflag:$0x5], $0x8, s29, s17, $0xb8;
	[tilespmem:$0x1ECF0] =	vst v63  }
0x181: {  	s31 =	smov.u32 s1;
	s29 =	sadd.s32 $0x80, s29;
	_ =	swait.ge [sflag:s10], $0x3E8  }
0x182: {  	s0 =	sshrl.u32 s21, $0x2;
	[sflag:s10] =	ssyncset.done $0x0;
	s1 =	sadd.s32 $0x1, s30  }
0x183: {  	s15 =	sadd.s32 $0xFFFFFFFF, s15;
	s0 =	sadd.s32 $0x15880, s0;
	[sflag:s10] =	ssyncadd.s32 $0xFFFFFC18  }
0x184: {  	[tilespmem:s0], [sflag:s1] =	stream.indirect.gather [hbm4b:s20+s17], $0x80, s7, s17, $0xb8;
	[tilespmem:$0x1ECF0] =	vst v63  }
0x185: {  	s0 =	sand.u32 $0x1, s15  }
0x186: {  	s21 =	smul.u32 $0xFA00, s0;
	s0 =	sadd.s32 $0x1, s0  }
0x187: {  	_ =	swait.ge [sflag:s0], $0x3E80  }
0x188: {  	s1 =	sshrl.u32 s21, $0x2;
	[sflag:s0] =	ssyncset.done $0x0  }
0x189: {  	[sflag:s0] =	ssyncadd.s32 $0xFFFFC180;
	s2 =	sadd.s32 $0x15880, s1  }
0x18a: {  	[spmem:s22] =	stream.indirect.scatter.add.f32 [tilespmem:s2], [sflag:$0x5], $0x80, s29, s17, $0xb8;
	[tilespmem:$0x1ECF0] =	vst v63  }
0x18b: {  	_ =	swait.ge [sflag:s10], $0x3E80  }
0x18c: {  	[sflag:s10] =	ssyncset.done $0x0  }
0x18d: {  	[sflag:s10] =	ssyncadd.s32 $0xFFFFC180  }
0x18e: {  	[spmem:s23] =	stream.indirect.scatter.add.f32 [tilespmem:s11], [sflag:$0x5], $0x8, s29, s17, $0xb8;
	[tilespmem:$0x1ECF0] =	vst v63  }
0x18f: {  	_ =	swait.ge [sflag:s10], $0x3E8  }
0x190: {  	[sflag:s10] =	ssyncset.done $0x0  }
0x191: {  	[sflag:s10] =	ssyncadd.s32 $0xFFFFFC18  }
0x192: {  	_ =	swait.ge [sflag:s18], $0x3E80  }
0x193: {  	[sflag:s18] =	ssyncset.done $0x0  }
0x194: {  	[sflag:s18] =	ssyncadd.s32 $0xFFFFC180  }
0x195: {  	[spmem:s22] =	stream.indirect.scatter.add.f32 [tilespmem:s24], [sflag:$0x5], $0x80, s19, s17, $0xb8;
	[tilespmem:$0x1ECF0] =	vst v63  }
0x196: {  	_ =	swait.ge [sflag:s10], $0x3E80  }
0x197: {  	[sflag:s10] =	ssyncset.done $0x0  }
0x198: {  	[sflag:s10] =	ssyncadd.s32 $0xFFFFC180  }
0x199: {  	[spmem:s23] =	stream.indirect.scatter.add.f32 [tilespmem:s11], [sflag:$0x5], $0x8, s19, s17, $0xb8;
	[tilespmem:$0x1ECF0] =	vst v63  }
0x19a: {  	_ =	swait.ge [sflag:s10], $0x3E8  }
0x19b: {  	[sflag:s10] =	ssyncset.done $0x0  }
0x19c: {  	[sflag:s10] =	ssyncadd.s32 $0xFFFFFC18  }
0x19d: {  	[bflag:$0x0] =	sbarrier.arrive $0xFFFF  }
0x19e: {  	[tilespmem:s9], [sflag:$0x5] =	stream.linear.gather [spmem:s3], $0x3E80, $0x38;
	[tilespmem:$0x1ECF0] =	vst v63  }
0x19f: {  	_ =	swait.ge [sflag:s10], $0x3E80  }
0x1a0: {  	[sflag:s10] =	ssyncset.done $0x0  }
0x1a1: {  	s1 =	smov.u32 s3;
	s3 =	rddreg [dreg:$0x10];
	[sflag:s10] =	ssyncadd.s32 $0xFFFFC180  }
0x1a2: {  	[hbm4b:s3+s16] =	stream.linear.scatter [tilespmem:s9], [sflag:$0x5], $0x3E80, $0x38;
	[tilespmem:$0x1ECF0] =	vst v63  }
0x1a3: {  	_ =	swait.ge [sflag:s10], $0x3E80  }
0x1a4: {  	[sflag:s10] =	ssyncset.done $0x0  }
0x1a5: {  	[sflag:s10] =	ssyncadd.s32 $0xFFFFC180  }
0x1a6: {  	[tilespmem:s11], [sflag:$0x5] =	stream.linear.gather [spmem:s4], $0x3E8, $0x38;
	[tilespmem:$0x1ECF0] =	vst v63  }
0x1a7: {  	_ =	swait.ge [sflag:s10], $0x3E8  }
0x1a8: {  	[sflag:s10] =	ssyncset.done $0x0  }
0x1a9: {  	s15 =	smov.u32 s4;
	s4 =	rddreg [dreg:$0x15];
	[sflag:s10] =	ssyncadd.s32 $0xFFFFFC18  }
0x1aa: {  	[hbm4b:s4+s16] =	stream.linear.scatter [tilespmem:s11], [sflag:$0x5], $0x3E8, $0x38;
	[tilespmem:$0x1ECF0] =	vst v63  }
0x1ab: {  	_ =	swait.ge [sflag:s10], $0x3E8  }
0x1ac: {  	[sflag:s10] =	ssyncset.done $0x0  }
0x1ad: {  	[sflag:s10] =	ssyncadd.s32 $0xFFFFFC18  }
0x1ae: {  	[tilespmem:s9], [sflag:$0x5] =	stream.linear.gather [spmem:s5], $0x3E80, $0x38;
	[tilespmem:$0x1ECF0] =	vst v63  }
0x1af: {  	_ =	swait.ge [sflag:s10], $0x3E80  }
0x1b0: {  	[sflag:s10] =	ssyncset.done $0x0  }
0x1b1: {  	s2 =	smov.u32 s5;
	s5 =	rddreg [dreg:$0x11];
	[sflag:s10] =	ssyncadd.s32 $0xFFFFC180  }
0x1b2: {  	[hbm4b:s5+s16] =	stream.linear.scatter [tilespmem:s9], [sflag:$0x5], $0x3E80, $0x38;
	[tilespmem:$0x1ECF0] =	vst v63  }
0x1b3: {  	_ =	swait.ge [sflag:s10], $0x3E80  }
0x1b4: {  	[sflag:s10] =	ssyncset.done $0x0  }
0x1b5: {  	[sflag:s10] =	ssyncadd.s32 $0xFFFFC180  }
0x1b6: {  	[tilespmem:s11], [sflag:$0x5] =	stream.linear.gather [spmem:s6], $0x3E8, $0x38;
	[tilespmem:$0x1ECF0] =	vst v63  }
0x1b7: {  	_ =	swait.ge [sflag:s10], $0x3E8  }
0x1b8: {  	[sflag:s10] =	ssyncset.done $0x0  }
0x1b9: {  	s7 =	rddreg [dreg:$0x16];
	[sflag:s10] =	ssyncadd.s32 $0xFFFFFC18  }
0x1ba: {  	[hbm4b:s7+s16] =	stream.linear.scatter [tilespmem:s11], [sflag:$0x5], $0x3E8, $0x38;
	[tilespmem:$0x1ECF0] =	vst v63  }
0x1bb: {  	_ =	swait.ge [sflag:s10], $0x3E8  }
0x1bc: {  	[sflag:s10] =	ssyncset.done $0x0  }
0x1bd: {  	[sflag:s10] =	ssyncadd.s32 $0xFFFFFC18  }
0x1be: {  	[tilespmem:s9], [sflag:$0x5] =	stream.linear.gather [spmem:s14], $0x3E80, $0x38;
	[tilespmem:$0x1ECF0] =	vst v63  }
0x1bf: {  	_ =	swait.ge [sflag:s10], $0x3E80  }
0x1c0: {  	[sflag:s10] =	ssyncset.done $0x0  }
0x1c1: {  	s29 =	smov.u32 s14;
	s14 =	rddreg [dreg:$0x12];
	[sflag:s10] =	ssyncadd.s32 $0xFFFFC180  }
0x1c2: {  	[hbm4b:s14+s16] =	stream.linear.scatter [tilespmem:s9], [sflag:$0x5], $0x3E80, $0x38;
	[tilespmem:$0x1ECF0] =	vst v63  }
0x1c3: {  	_ =	swait.ge [sflag:s10], $0x3E80  }
0x1c4: {  	[sflag:s10] =	ssyncset.done $0x0  }
0x1c5: {  	[sflag:s10] =	ssyncadd.s32 $0xFFFFC180  }
0x1c6: {  	[tilespmem:s11], [sflag:$0x5] =	stream.linear.gather [spmem:s26], $0x3E8, $0x38;
	[tilespmem:$0x1ECF0] =	vst v63  }
0x1c7: {  	_ =	swait.ge [sflag:s10], $0x3E8  }
0x1c8: {  	[sflag:s10] =	ssyncset.done $0x0  }
0x1c9: {  	s3 =	rddreg [dreg:$0x17];
	[sflag:s10] =	ssyncadd.s32 $0xFFFFFC18  }
0x1ca: {  	[hbm4b:s3+s16] =	stream.linear.scatter [tilespmem:s11], [sflag:$0x5], $0x3E8, $0x38;
	[tilespmem:$0x1ECF0] =	vst v63  }
0x1cb: {  	_ =	swait.ge [sflag:s10], $0x3E8  }
0x1cc: {  	[sflag:s10] =	ssyncset.done $0x0  }
0x1cd: {  	s31 =	rddreg [dreg:$0x1d];
	[sflag:s10] =	ssyncadd.s32 $0xFFFFFC18  }
0x1ce: {  	[tilespmem:s9], [sflag:$0x5] =	stream.linear.gather [spmem:s31], $0x3E80, $0x38;
	[tilespmem:$0x1ECF0] =	vst v63  }
0x1cf: {  	_ =	swait.ge [sflag:s10], $0x3E80  }
0x1d0: {  	[sflag:s10] =	ssyncset.done $0x0  }
0x1d1: {  	s4 =	rddreg [dreg:$0x13];
	[sflag:s10] =	ssyncadd.s32 $0xFFFFC180  }
0x1d2: {  	[hbm4b:s4+s16] =	stream.linear.scatter [tilespmem:s9], [sflag:$0x5], $0x3E80, $0x38;
	[tilespmem:$0x1ECF0] =	vst v63  }
0x1d3: {  	_ =	swait.ge [sflag:s10], $0x3E80  }
0x1d4: {  	[sflag:s10] =	ssyncset.done $0x0  }
0x1d5: {  	s7 =	rddreg [dreg:$0x1e];
	[sflag:s10] =	ssyncadd.s32 $0xFFFFC180  }
0x1d6: {  	[tilespmem:s11], [sflag:$0x5] =	stream.linear.gather [spmem:s7], $0x3E8, $0x38;
	[tilespmem:$0x1ECF0] =	vst v63  }
0x1d7: {  	_ =	swait.ge [sflag:s10], $0x3E8  }
0x1d8: {  	[sflag:s10] =	ssyncset.done $0x0  }
0x1d9: {  	s5 =	rddreg [dreg:$0x18];
	[sflag:s10] =	ssyncadd.s32 $0xFFFFFC18  }
0x1da: {  	[hbm4b:s5+s16] =	stream.linear.scatter [tilespmem:s11], [sflag:$0x5], $0x3E8, $0x38;
	[tilespmem:$0x1ECF0] =	vst v63  }
0x1db: {  	_ =	swait.ge [sflag:s10], $0x3E8  }
0x1dc: {  	[sflag:s10] =	ssyncset.done $0x0  }
0x1dd: {  	s3 =	rddreg [dreg:$0x1f];
	[sflag:s10] =	ssyncadd.s32 $0xFFFFFC18  }
0x1de: {  	[tilespmem:s9], [sflag:$0x5] =	stream.linear.gather [spmem:s3], $0x3E80, $0x38;
	[tilespmem:$0x1ECF0] =	vst v63  }
0x1df: {  	_ =	swait.ge [sflag:s10], $0x3E80  }
0x1e0: {  	[sflag:s10] =	ssyncset.done $0x0  }
0x1e1: {  	s21 =	smov.u32 s6;
	s6 =	rddreg [dreg:$0x14];
	[sflag:s10] =	ssyncadd.s32 $0xFFFFC180  }
0x1e2: {  	[hbm4b:s6+s16] =	stream.linear.scatter [tilespmem:s9], [sflag:$0x5], $0x3E80, $0x38;
	[tilespmem:$0x1ECF0] =	vst v63  }
0x1e3: {  	_ =	swait.ge [sflag:s10], $0x3E80  }
0x1e4: {  	s4 =	sld [smem:$0x7FD]  }
0x1e5: {  	[sflag:s10] =	ssyncset.done $0x0  }
0x1e6: {  	[sflag:s10] =	ssyncadd.s32 $0xFFFFC180  }
0x1e7: {  	[tilespmem:s11], [sflag:$0x5] =	stream.linear.gather [spmem:s4], $0x3E8, $0x38;
	[tilespmem:$0x1ECF0] =	vst v63  }
0x1e8: {  	_ =	swait.ge [sflag:s10], $0x3E8  }
0x1e9: {  	[sflag:s10] =	ssyncset.done $0x0  }
0x1ea: {  	s14 =	rddreg [dreg:$0x19];
	[sflag:s10] =	ssyncadd.s32 $0xFFFFFC18  }
0x1eb: {  	[hbm4b:s14+s16] =	stream.linear.scatter [tilespmem:s11], [sflag:$0x5], $0x3E8, $0x38;
	[tilespmem:$0x1ECF0] =	vst v63  }
0x1ec: {  	_ =	swait.ge [sflag:s10], $0x3E8  }
0x1ed: {  	s30 =	smov.u32 s26;
	s26 =	sld [smem:$0x7FC];
	_ =	sdelay $0x1  }
0x1ee: {  	s28 =	sadd.s32 $0x1, s28  }
0x1ef: {  	p0 =	sne.s32 s28, s26  }
.Ltmp5:
0x1f0: {  	_ = 	snop;
	(pc) =	sbr.rel @p0 .LBB2_1-.Ltmp5, $3  }
0x1f1: {  	_ =	sdelay $0x1  }
0x1f2: {  	[sflag:s10] =	ssyncset.done $0x0  }
0x1f3: {  	[sflag:s10] =	ssyncadd.s32 $0xFFFFFC18  }
0x1f4: {  	_ =	sfence.sel $0x180000  }
0x1f5: {  	[bflag:$0x0] =	sbarrier.arrive $0xFFFF  }
0x1f6: {  	_ =	strace $0x90000047  }
0x1f7: {  	s0 =	stileid.u32;
	[bflag:$0x2] =	sbarrier.arrive $0xFFFF  }
0x1f8: {  	p0 =	sne.s32 s0, $0x0;
	s0 =	rddreg [dreg:$0x5]  }
0x1f9: {  	s0 =	sadd.s32 @!p0 $0x100000, s0  }
0x1fa: {  	[sflag:s0] =	ssyncadd.tile.s32 @!p0 $0x1;
	_ =	shalt  }
.Lfunc_end2:
_tile_overlayer_lowered:
.L_overlay_start_2:
0x1fb: {  	(tag) =	ssettag $0x2  }
0x1fc: {  	s0 =	rddreg [dreg:$0x0];
	s2 =	stileid.u32  }
0x1fd: {  	s1 =	rddreg [dreg:$0x1];
	p0 =	sne.s32 s2, $0x0  }
0x1fe: {  	s3 =	rddreg [dreg:$0x2];
	[bflag:$0x3] =	sbarrier.arrive $0xFFFF;
	s2 =	simm.s32 @!p0 $0x1C05  }
0x1ff: {  	[timem:s3], [sflag:s2] =	dma.local @!p0 [hbm:s0], s1  }
0x200: {  	s0 =	simm.s32 @!p0 $0x5  }
0x201: {  	_ =	swait.ge @!p0 [sflag:s0], s1  }
0x202: {  	s1 =	ssub.s32 @!p0 $0x0, s1;
	[sflag:s0] =	ssyncset.done @!p0 $0x0  }
0x203: {  	[sflag:s0] =	ssyncadd.s32 @!p0 s1  }
0x204: {  	[bflag:$0x3] =	sbarrier.arrive $0xFFFF  }
0x205: {  	_ =	shalt  }

// kernel: kernel.9.cloned.1.call-start
scs
__scs_entry_jumppad:
0x0: {  	(pc) =	sbr.rel $0x88, $3  }
0x1: {  	(tag) =	ssettag $0x0;
	lr =	simm.s32 $0x1  }
0x2: {  	[smem:$0x3F95] =	sst lr;
	_ =	strace $0xD0000000  }
0x3: {  	_ = 	snop  }
0x4: {  	_ = 	snop  }
0x5: {  	_ = 	snop  }
0x6: {  	_ = 	snop  }
0x7: {  	_ = 	snop  }
__scs_overlays_trampoline_lowered:
0x8: {  	[smem:$0x3FA4] =	sst s0  }
0x9: {  	[smem:$0x3FA5] =	sst s1  }
0xa: {  	[smem:$0x3FA6] =	sst s2  }
0xb: {  	[smem:$0x3FA7] =	sst s3  }
0xc: {  	[smem:$0x3FA8] =	sst s4  }
0xd: {  	[smem:$0x3FA9] =	sst s5  }
0xe: {  	[smem:$0x3FAA] =	sst s6  }
0xf: {  	[smem:$0x3FAB] =	sst s7  }
0x10: {  	[smem:$0x3FAC] =	sst s8  }
0x11: {  	[smem:$0x3FAD] =	sst s9;
	s0 =	simm.s32 @!p0 $0x0  }
0x12: {  	s1 =	sld [smem:$0x3F93];
	s0 =	simm.s32 @p0 $0x1  }
0x13: {  	[smem:$0x3FAE] =	sst s0;
	s0 =	simm.s32 @!p1 $0x0  }
0x14: {  	s2 =	sld [smem:$0x3F92];
	s0 =	simm.s32 @p1 $0x1  }
0x15: {  	[smem:$0x3FAF] =	sst s0;
	s0 =	simm.s32 @!p2 $0x0  }
0x16: {  	s3 =	sld [smem:$0x3FDB];
	s0 =	simm.s32 @p2 $0x1  }
0x17: {  	s4 =	simm.s32 $0x1BF5;
	[smem:$0x3FB1] =	sst s0  }
0x18: {  	s0 =	sld [smem:$0x3F94];
	_ =	swait.ge [sflag:s4], $0x0  }
0x19: {  	s7 =	sld [smem:$0x3F95]  }
0x1a: {  	s8 =	sadd.s32 $0xFFFFE003, lr  }
0x1b: {  	s9 =	sadd.s32 $0xFFFFFEF7, lr;
	s5 =	simm.s32 $0xFFFFFFFF;
	p2 =	slt.u32 s8, $0xFFFFF086  }
0x1c: {  	p1 =	slt.u32 s9, $0xF7A;
	s5 =	simm.s32 @!p2 $0x0  }
0x1d: {  	s5 =	simm.s32 @p1 $0x1;
	p0 =	seq.s32 s7, s2  }
0x1e: {  	s7 =	smul.u32 @!p0 $0xF7A, s2;
	p2 =	seq.s32 @!p0 s5, $0x0  }
0x1f: {  	s9 =	smul.u32 $0xF7A, s1;
	s8 =	simm.s32 @!p0 $0x1BF5;
	p2 =	por !p2, p0  }
0x20: {  	[sflag:s8] =	ssyncset.s32 @!p0 $0xFFFFF086;
	s6 =	sadd.s32 @!p0 s3, s7;
	s7 =	simm.s32 @!p0 $0x108  }
0x21: {  	s3 =	sadd.s32 s3, s9;
	s6 =	sadd.s32 @!p0 $0x88, s6;
	s7 =	simm.s32 @p2 $0x1082  }
0x22: {  	[simem:s7], [sflag:s8] =	dma.local @!p0 [hbm:s6], $0xF7A  }
0x23: {  	s9 =	sor.u32 $0xD0000000, s2;
	s6 =	simm.s32 $0x108;
	_ =	swait.ge @!p0 [sflag:s8], $0x0  }
0x24: {  	s3 =	sadd.s32 $0x88, s3;
	s6 =	simm.s32 @!p1 $0x1082;
	[sflag:s4] =	ssyncset.s32 $0xFFFFF086  }
0x25: {  	[simem:s6], [sflag:s4] =	dma.local [hbm:s3], $0xF7A  }
0x26: {  	[smem:$0x3F95] =	sst s1;
	(tag) =	ssettag s2;
	_ =	strace s9  }
0x27: {  	s1 =	sld [smem:$0x3FA5]  }
0x28: {  	s2 =	sld [smem:$0x3FA6]  }
0x29: {  	s4 =	sld [smem:$0x3FA8]  }
0x2a: {  	p0 =	seq.s32 s5, $0x0;
	s5 =	sld [smem:$0x3FA9]  }
0x2b: {  	s6 =	sld [smem:$0x3FAA]  }
0x2c: {  	s7 =	sld [smem:$0x3FAB]  }
0x2d: {  	s3 =	simm.s32 $0x108;
	s8 =	sld [smem:$0x3FAC]  }
0x2e: {  	s3 =	simm.s32 @!p0 $0x1082;
	s9 =	sld [smem:$0x3FAD]  }
0x2f: {  	lr =	sadd.s32 s0, s3;
	s0 =	sld [smem:$0x3FA4]  }
0x30: {  	s3 =	sld [smem:$0x3FA7]  }
0x31: {  	[smem:$0x3FB0] =	sst s10  }
0x32: {  	s10 =	sld [smem:$0x3FAE];
	_ =	sdelay $0x3  }
0x33: {  	p0 =	seq.s32 s10, $0x1;
	s10 =	sld [smem:$0x3FB0];
	_ =	sdelay $0x3  }
0x34: {  	[smem:$0x3FB0] =	sst s10  }
0x35: {  	s10 =	sld [smem:$0x3FAF];
	_ =	sdelay $0x3  }
0x36: {  	p1 =	seq.s32 s10, $0x1;
	s10 =	sld [smem:$0x3FB0];
	_ =	sdelay $0x3  }
0x37: {  	[smem:$0x3FB0] =	sst s10  }
0x38: {  	s10 =	sld [smem:$0x3FB1]  }
0x39: {  	_ = 	snop;
	(pc) =	sbr.ind lr, $3  }
0x3a: {  	_ = 	snop  }
0x3b: {  	_ = 	snop  }
0x3c: {  	p2 =	seq.s32 s10, $0x1;
	s10 =	sld [smem:$0x3FB0]  }
0x3d: {  	_ =	shalt  }
0x3e: {  	_ =	shalt  }
0x3f: {  	_ =	shalt  }
0x40: {  	_ =	shalt  }
0x41: {  	_ =	shalt  }
0x42: {  	_ =	shalt  }
0x43: {  	_ =	shalt  }
0x44: {  	_ =	shalt  }
0x45: {  	_ =	shalt  }
0x46: {  	_ =	shalt  }
0x47: {  	_ =	shalt  }
0x48: {  	_ =	shalt  }
0x49: {  	_ =	shalt  }
0x4a: {  	_ =	shalt  }
0x4b: {  	_ =	shalt  }
0x4c: {  	_ =	shalt  }
0x4d: {  	_ =	shalt  }
0x4e: {  	_ =	shalt  }
0x4f: {  	_ =	shalt  }
0x50: {  	_ =	shalt  }
0x51: {  	_ =	shalt  }
0x52: {  	_ =	shalt  }
0x53: {  	_ =	shalt  }
0x54: {  	_ =	shalt  }
0x55: {  	_ =	shalt  }
0x56: {  	_ =	shalt  }
0x57: {  	_ =	shalt  }
0x58: {  	_ =	shalt  }
0x59: {  	_ =	shalt  }
0x5a: {  	_ =	shalt  }
0x5b: {  	_ =	shalt  }
0x5c: {  	_ =	shalt  }
0x5d: {  	_ =	shalt  }
0x5e: {  	_ =	shalt  }
0x5f: {  	_ =	shalt  }
0x60: {  	_ =	shalt  }
0x61: {  	_ =	shalt  }
0x62: {  	_ =	shalt  }
0x63: {  	_ =	shalt  }
0x64: {  	_ =	shalt  }
0x65: {  	_ =	shalt  }
0x66: {  	_ =	shalt  }
0x67: {  	_ =	shalt  }
0x68: {  	_ =	shalt  }
0x69: {  	_ =	shalt  }
0x6a: {  	_ =	shalt  }
0x6b: {  	_ =	shalt  }
0x6c: {  	_ =	shalt  }
0x6d: {  	_ =	shalt  }
0x6e: {  	_ =	shalt  }
0x6f: {  	_ =	shalt  }
0x70: {  	_ =	shalt  }
0x71: {  	_ =	shalt  }
0x72: {  	_ =	shalt  }
0x73: {  	_ =	shalt  }
0x74: {  	_ =	shalt  }
0x75: {  	_ =	shalt  }
0x76: {  	_ =	shalt  }
0x77: {  	_ =	shalt  }
0x78: {  	_ =	shalt  }
0x79: {  	_ =	shalt  }
0x7a: {  	_ =	shalt  }
0x7b: {  	_ =	shalt  }
0x7c: {  	_ =	shalt  }
0x7d: {  	_ =	shalt  }
0x7e: {  	_ =	shalt  }
0x7f: {  	_ =	shalt  }
0x80: {  	_ =	shalt  }
0x81: {  	_ =	shalt  }
0x82: {  	_ =	shalt  }
0x83: {  	_ =	shalt  }
0x84: {  	_ =	shalt  }
0x85: {  	_ =	shalt  }
0x86: {  	_ =	shalt  }
0x87: {  	_ =	shalt  }
.Lfunc_end0:
.L_simem_size_0:
called_computation.1_lowered:
.L_overlay_start_0:
0x88: {  	s2 =	sld [smem:$0x3FD9]  }
0x89: {  	s3 =	sld [smem:$0x3FFE];
	_ =	sdelay $0x1  }
0x8a: {  	s1 =	srdreg.scid  }
0x8b: {  	s0 =	sand.u32 $0x1, s1  }
0x8c: {  	s17 =	sshll.u32 s0, $0xA;
	s2 =	sadd.s32 s3, s2  }
0x8d: {  	s2 =	sadd.s32 s2, s17  }
0x8e: {  	[smem:$0x3FBC] =	sst s2  }
0x8f: {  	_ = 	snop  }
0x90: {  	s2 =	sld [smem:$0x3FD0];
	(tm) =	ssettm $0x1  }
0x91: {  	s18 =	sld [smem:$0x3FFB];
	_ =	sdelay $0x3  }
0x92: {  	_ =	strace s18  }
0x93: {  	s3 =	sld [smem:$0x3FFC];
	_ =	sdelay $0x3  }
0x94: {  	_ =	strace s3  }
0x95: {  	s3 =	sld [smem:$0x3FFD];
	_ =	sdelay $0x3  }
0x96: {  	_ =	strace s3  }
0x97: {  	_ =	strace $0x8FFFFFFF  }
0x98: {  	s19 =	sld [smem:$0x3FDB];
	_ =	sdelay $0x1  }
0x99: {  	s4 =	simm.s32 $_scs_section_size  }
0x9a: {  	s5 =	simm.s32 $_size__tile_overlayer_lowered;
	s6 =	simm.s32 $_tile_overlayer_lowered  }
0x9b: {  	s22 =	simm.s32 $0x1BFF;
	s21 =	sshll.u32 s6, $0x1;
	s3 =	sadd.s32 s4, s19  }
0x9c: {  	s7 =	simm.s32 $0x0;
	s20 =	sshll.u32 s5, $0x1;
	s5 =	sadd.s32 s21, s3  }
0x9d: {  	[timem:s7], [sflag:s22] =	dma.local [hbm:s5], s20  }
0x9e: {  	_ =	swait.ge [sflag:s22], s20  }
0x9f: {  	s4 =	ssub.s32 $0x0, s20;
	[sflag:s22] =	ssyncset.done $0x0  }
0xa0: {  	[sflag:s22] =	ssyncadd.s32 s4;
	_ =	sdelay $0x1  }
0xa1: {  	s23 =	simm.s32 $0x1B8B  }
0xa2: {  	_ =	swait.ge [sflag:s23], $0x1  }
0xa3: {  	[sflag:s23] =	ssyncset.done $0x0  }
0xa4: {  	s25 =	simm.s32 $0x1B8E;
	s24 =	sld [smem:$0x3FFE];
	[sflag:s23] =	ssyncadd.s32 $0xFFFFFFFF  }
0xa5: {  	s26 =	simm.s32 $execute0_lowered;
	[smem:$0x3FD2] =	sst s25  }
0xa6: {  	s5 =	sshll.u32 s26, $0x1;
	_ =	strace $0x80000049;
	[dreg:$0x1] =	wrdreg $0xFFFFFFFF  }
0xa7: {  	s28 =	simm.s32 $_size_execute0_lowered;
	s3 =	sadd.s32 s3, s5;
	[dreg:$0x0] =	wrdreg $0x0  }
0xa8: {  	s5 =	sshll.u32 s28, $0x1;
	[dreg:$0x2] =	wrdreg s3  }
0xa9: {  	[dreg:$0x3] =	wrdreg s5  }
0xaa: {  	[dreg:$0x4] =	wrdreg $0xC0  }
0xab: {  	_ =	task [dreg:s7], $0x5FFFF  }
0xac: {  	[dreg:$0x1] =	wrdreg $0xFFFFFFFF  }
0xad: {  	[dreg:$0x0] =	wrdreg $0x60  }
0xae: {  	[dreg:$0x2] =	wrdreg s2  }
0xaf: {  	[dreg:$0x3] =	wrdreg s24  }
0xb0: {  	[dreg:$0x4] =	wrdreg $0x0  }
0xb1: {  	[dreg:$0x5] =	wrdreg $0x9  }
0xb2: {  	_ =	task.clear_ibuf [dreg:s7], $0x6FFFF;
	_ =	strace $0x90000049  }
0xb3: {  	s29 =	simm.s32 $0x9;
	_ =	strace $0x8000004B  }
0xb4: {  	_ =	swait.ge [sflag:s29], $0x1  }
0xb5: {  	[sflag:s29] =	ssyncadd.s32 $0xFFFFFFFF  }
0xb6: {  	_ =	strace $0x9000004B  }
0xb7: {  	_ =	sfence  }
0xb8: {  	s30 =	sld [smem:$0x0];
	_ =	sdelay $0x2  }
0xb9: {  	s31 =	sshll.u32 s1, $0xD;
	s1 =	sshrl.u32 s1, $0x2  }
0xba: {  	s3 =	sand.u32 $0x4000, s31;
	s1 =	sadd.s32 s1, s30  }
0xbb: {  	s0 =	sor.u32 s3, s0;
	s1 =	sshll.u32 s1, $0x11  }
0xbc: {  	s0 =	sor.u32 s1, s0  }
0xbd: {  	s0 =	sadd.s32 $0x8F2B, s0  }
0xbe: {  	[sflag:s0] =	ssyncadd.remote.s32 $0x1  }
0xbf: {  	_ =	sfence.sel $0xFFFF  }
0xc0: {  	[dreg:$0x0] =	wrdreg $0xFFFFFFFF;
	(pc) =	sbr.abs _section_cstart, $3  }
0xc1: {  	[dreg:$0x1] =	wrdreg $0xFFFFFFFF  }
0xc2: {  	_ =	task.clear_ibuf [dreg:s7], $0x2FFFF;
	_ =	strace $0x9FFFFFFF  }
0xc3: {  	(tm) =	ssettm $0x7FFFFFFF  }
tec
execute0_lowered:
.L_overlay_start_1:
0x0: {  	(tag) =	ssettag $0x1  }
0x1: {  	s0 =	srdreg.scid  }
0x2: {  	s1 =	rddreg [dreg:$0x0];
	s9 =	stileid.u32  }
0x3: {  	s4 =	rddreg [dreg:$0x1];
	s2 =	simm.s32 $0x0;
	s28 =	simm.s32 $0x13880  }
0x4: {  	s29 =	simm.s32 $0x15880;
	s30 =	simm.s32 $0x5;
	s0 =	sand.u32 $0x1, s0  }
0x5: {  	[smem:$0x7FF] =	sst s2;
	s5 =	sadd.s32 $0xCE00, s4;
	s3 =	sshll.u32 s0, $0x4  }
0x6: {  	s7 =	ssub.s32 $0x2, s0;
	s3 =	sor.u32 s9, s3;
	s9 =	smul.u32 $0x3E80, s9  }
0x7: {  	s6 =	sadd.s32 $0x2E00, s4;
	s0 =	smul.u32 $0x138800, s0;
	s8 =	sshrl.u32 s7, $0x1  }
0x8: {  	s3 =	smul.u32 $0x2800, s3;
	s7 =	ssub.s32 s7, s8;
	s8 =	sadd.s32 $0x3E800, s9  }
0x9: {  	s11 =	sadd.s32 $0x7D000, s9;
	s12 =	sadd.s32 $0xBB800, s9;
	s13 =	sadd.s32 $0xFA000, s9  }
0xa: {  	s20 =	sadd.s32 s9, s0;
	s3 =	sshrl.u32 s3, $0x3;
	s21 =	sadd.s32 s0, s8  }
0xb: {  	s22 =	sadd.s32 s0, s11;
	s25 =	sadd.s32 s0, s12;
	s14 =	sadd.s32 s5, s3  }
0xc: {  	s15 =	sadd.s32 s6, s3;
	s16 =	sadd.s32 $0x200, s3;
	[dreg:$0x4] =	wrdreg s14  }
0xd: {  	s18 =	sadd.s32 $0x300, s3;
	[dreg:$0x5] =	wrdreg s15;
	s17 =	sadd.s32 s5, s16  }
0xe: {  	s0 =	sadd.s32 s0, s13;
	s19 =	sadd.s32 s5, s18;
	[dreg:$0x8] =	wrdreg s17  }
0xf: {  	s10 =	sadd.s32 $0x17A00, s4;
	s0 =	sshrl.u32 s0, $0x3;
	[dreg:$0xa] =	wrdreg s19  }
0x10: {  	s14 =	sadd.s32 $0x100, s3;
	s0 =	sadd.s32 s10, s0;
	s17 =	rddreg [dreg:$0x2]  }
0x11: {  	s31 =	simm.s32 $0x3;
	s15 =	sadd.s32 s5, s14;
	[dreg:$0x12] =	wrdreg s0  }
0x12: {  	s3 =	sadd.s32 $0x400, s3;
	s14 =	sadd.s32 s6, s14;
	[dreg:$0x6] =	wrdreg s15  }
0x13: {  	s26 =	sadd.s32 $0x17200, s4;
	s5 =	sadd.s32 s5, s3;
	[dreg:$0x7] =	wrdreg s14  }
0x14: {  	s4 =	simm.s32 $0x7D;
	s3 =	sadd.s32 s6, s3;
	[dreg:$0xc] =	wrdreg s5  }
0x15: {  	s0 =	simm.s32 $0x14080;
	s14 =	sadd.s32 s6, s16;
	[dreg:$0xd] =	wrdreg s3  }
0x16: {  	s3 =	sshrl.u32 s20, $0x3;
	s5 =	sshrl.u32 s21, $0x3;
	s21 =	sadd.s32 s9, s17  }
0x17: {  	s15 =	simm.s32 $0x4;
	s9 =	simm.s32 $0x15800;
	[dreg:$0x9] =	wrdreg s14  }
0x18: {  	s14 =	sadd.s32 s6, s18;
	s6 =	sshrl.u32 s22, $0x3;
	s3 =	sadd.s32 s10, s3  }
0x19: {  	s23 =	sadd.s32 s10, s5;
	s22 =	sadd.s32 s8, s17;
	[dreg:$0xb] =	wrdreg s14  }
0x1a: {  	s5 =	simm.s32 $0x2;
	s8 =	simm.s32 $0x14880;
	[dreg:$0xe] =	wrdreg s3  }
0x1b: {  	[dreg:$0xf] =	wrdreg s23;
	s24 =	sadd.s32 s10, s6;
	s3 =	sshrl.u32 s25, $0x3  }
0x1c: {  	s23 =	sadd.s32 s11, s17;
	[dreg:$0x10] =	wrdreg s24;
	s3 =	sadd.s32 s10, s3  }
0x1d: {  	s25 =	sadd.s32 s13, s17;
	s6 =	simm.s32 $0x15000;
	[dreg:$0x11] =	wrdreg s3  }
0x1e: {  	s24 =	sadd.s32 s12, s17;
	s10 =	simm.s32 $0x0;
	_ =	strace $0x8000004A  }
0x1f: {  	[dreg:$0x13] =	wrdreg s26;
	s26 =	smax.u32 s7, $0x1;
	s7 =	simm.s32 $0x19700  }
.LBB2_1:
0x20: {  	s3 =	rddreg [dreg:$0x4]  }
0x21: {  	[tilespmem:s28], [sflag:$0x3] =	stream.linear.gather [hbm4b:s3+s2], $0x800, $0x38;
	[tilespmem:$0x1D580] =	vst v63  }
0x22: {  	s13 =	rddreg [dreg:$0x5]  }
0x23: {  	[tilespmem:s8], [sflag:$0x4] =	stream.linear.gather [hbm4b:s13+s2], $0x800, $0x38;
	[tilespmem:$0x1D580] =	vst v63  }
0x24: {  	s14 =	rddreg [dreg:$0x13]  }
0x25: {  	[tilespmem:s29], [sflag:$0x5] =	stream.linear.gather [hbm4b:s14+s2], $0x3E80, $0x38;
	[tilespmem:$0x1D580] =	vst v63  }
0x26: {  	_ =	swait.ge [sflag:s30], $0x3E80  }
0x27: {  	[sflag:s30] =	ssyncset.done $0x0  }
0x28: {  	[sflag:s30] =	ssyncadd.s32 $0xFFFFC180  }
0x29: {  	[spmem:s21] =	stream.linear.scatter [tilespmem:s29], [sflag:$0x5], $0x3E80, $0x38;
	[tilespmem:$0x1D580] =	vst v63  }
0x2a: {  	_ =	swait.ge [sflag:s30], $0x3E80  }
0x2b: {  	[sflag:s30] =	ssyncset.done $0x0  }
0x2c: {  	[sflag:s30] =	ssyncadd.s32 $0xFFFFC180  }
0x2d: {  	[spmem:s22] =	stream.linear.scatter [tilespmem:s29], [sflag:$0x5], $0x3E80, $0x38;
	[tilespmem:$0x1D580] =	vst v63  }
0x2e: {  	_ =	swait.ge [sflag:s30], $0x3E80  }
0x2f: {  	[sflag:s30] =	ssyncset.done $0x0  }
0x30: {  	[sflag:s30] =	ssyncadd.s32 $0xFFFFC180  }
0x31: {  	[spmem:s23] =	stream.linear.scatter [tilespmem:s29], [sflag:$0x5], $0x3E80, $0x38;
	[tilespmem:$0x1D580] =	vst v63  }
0x32: {  	_ =	swait.ge [sflag:s30], $0x3E80  }
0x33: {  	[sflag:s30] =	ssyncset.done $0x0  }
0x34: {  	[sflag:s30] =	ssyncadd.s32 $0xFFFFC180  }
0x35: {  	[spmem:s24] =	stream.linear.scatter [tilespmem:s29], [sflag:$0x5], $0x3E80, $0x38;
	[tilespmem:$0x1D580] =	vst v63  }
0x36: {  	_ =	swait.ge [sflag:s30], $0x3E80  }
0x37: {  	[sflag:s30] =	ssyncset.done $0x0  }
0x38: {  	[sflag:s30] =	ssyncadd.s32 $0xFFFFC180  }
0x39: {  	[spmem:s25] =	stream.linear.scatter [tilespmem:s29], [sflag:$0x5], $0x3E80, $0x38;
	[tilespmem:$0x1D580] =	vst v63  }
0x3a: {  	_ =	swait.ge [sflag:s30], $0x3E80  }
0x3b: {  	[sflag:s30] =	ssyncset.done $0x0  }
0x3c: {  	[sflag:s30] =	ssyncadd.s32 $0xFFFFC180  }
0x3d: {  	[bflag:$0x0] =	sbarrier.arrive $0xFFFF  }
0x3e: {  	_ =	swait.ge [sflag:s31], $0x800  }
0x3f: {  	[sflag:s31] =	ssyncset.done $0x0  }
0x40: {  	[sflag:s31] =	ssyncadd.s32 $0xFFFFF800  }
0x41: {  	_ =	swait.ge [sflag:s15], $0x800  }
0x42: {  	[sflag:s15] =	ssyncset.done $0x0  }
0x43: {  	s16 =	rddreg [dreg:$0x6];
	[sflag:s15] =	ssyncadd.s32 $0xFFFFF800  }
0x44: {  	[tilespmem:s0], [sflag:$0x3] =	stream.linear.gather [hbm4b:s16+s2], $0x800, $0x38;
	[tilespmem:$0x1D580] =	vst v63  }
0x45: {  	s11 =	simm.s32 $0x15080;
	s19 =	simm.s32 $0x1;
	s18 =	rddreg [dreg:$0x7]  }
0x46: {  	[tilespmem:s11], [sflag:$0x4] =	stream.linear.gather [hbm4b:s18+s2], $0x800, $0x38;
	[tilespmem:$0x1D580] =	vst v63  }
0x47: {  	s13 =	simm.s32 $0x0;
	s11 =	sand.u32 $0x1, s19  }
0x48: {  	s13 =	sand.u32 $0x1, s13;
	s12 =	smul.u32 $0xFA00, s11  }
0x49: {  	[tilespmem:s29], [sflag:$0x1] =	stream.indirect.gather [hbm4b:s1+s4], $0x80, s28, s4, $0xb8;
	[tilespmem:$0x1D580] =	vst v63  }
0x4a: {  	s14 =	simm.s32 $0x13900;
	s16 =	smul.u32 $0xFA00, s13;
	s12 =	sshrl.u32 s12, $0x2  }
0x4b: {  	s18 =	sadd.s32 $0x1, s13;
	s11 =	sadd.s32 $0x1, s11;
	s12 =	sadd.s32 $0x15880, s12  }
0x4c: {  	[tilespmem:s12], [sflag:s11] =	stream.indirect.gather [hbm4b:s1+s4], $0x80, s14, s4, $0xb8;
	[tilespmem:$0x1D580] =	vst v63  }
0x4d: {  	s20 =	sshrl.u32 s16, $0x2;
	s16 =	simm.s32 $0x3;
	_ =	swait.ge [sflag:s18], $0x3E80  }
0x4e: {  	s14 =	simm.s32 $0x2;
	s11 =	sadd.s32 $0x15880, s20;
	[sflag:s18] =	ssyncset.done $0x0  }
0x4f: {  	s12 =	simm.s32 $0x13980;
	s13 =	sand.u32 $0x1, s14;
	[sflag:s18] =	ssyncadd.s32 $0xFFFFC180  }
0x50: {  	[spmem:s17] =	stream.indirect.scatter.add.f32 [tilespmem:s11], [sflag:$0x5], $0x80, s8, s4, $0xb8;
	[tilespmem:$0x1D580] =	vst v63  }
0x51: {  	s18 =	smul.u32 $0xFA00, s13;
	s11 =	simm.s32 $0x14880;
	_ =	swait.ge [sflag:s30], $0x3E80  }
.LBB2_2:
0x52: {  	[sflag:s30] =	ssyncset.done $0x0  }
0x53: {  	s11 =	sadd.s32 $0x80, s11;
	s19 =	smov.u32 s16;
	s20 =	sadd.s32 $0x1, s16  }
0x54: {  	s14 =	sadd.s32 $0xFFFFFFFF, s14;
	s18 =	sshrl.u32 s18, $0x2;
	[sflag:s30] =	ssyncadd.s32 $0xFFFFC180  }
0x55: {  	s13 =	sadd.s32 $0x1, s13;
	s14 =	sand.u32 $0x1, s14;
	s18 =	sadd.s32 $0x15880, s18  }
0x56: {  	p0 =	sne.s32 s16, $0xF;
	s16 =	smul.u32 $0xFA00, s14;
	s3 =	sadd.s32 $0x1, s14  }
0x57: {  	[tilespmem:s18], [sflag:s13] =	stream.indirect.gather [hbm4b:s1+s4], $0x80, s12, s4, $0xb8;
	[tilespmem:$0x1D580] =	vst v63  }
.Ltmp0:
0x58: {  	s13 =	sshrl.u32 s16, $0x2;
	_ =	swait.ge [sflag:s3], $0x3E80;
	(pc) =	sbr.rel @p0 .LBB2_2-.Ltmp0, $4  }
0x59: {  	s14 =	smov.u32 s19;
	s16 =	sadd.s32 $0x15880, s13;
	[sflag:s3] =	ssyncset.done $0x0  }
0x5a: {  	s12 =	sadd.s32 $0x80, s12;
	s13 =	sand.u32 $0x1, s14;
	[sflag:s3] =	ssyncadd.s32 $0xFFFFC180  }
0x5b: {  	[spmem:s17] =	stream.indirect.scatter.add.f32 [tilespmem:s16], [sflag:$0x5], $0x80, s11, s4, $0xb8;
	[tilespmem:$0x1D580] =	vst v63  }
0x5c: {  	s18 =	smul.u32 $0xFA00, s13;
	s16 =	smov.u32 s20;
	_ =	swait.ge [sflag:s30], $0x3E80  }
0x5d: {  	[sflag:s30] =	ssyncset.done $0x0;
	s3 =	sadd.s32 $0xFFFFFFFF, s14;
	s13 =	sadd.s32 $0x1, s13  }
0x5e: {  	s19 =	sshrl.u32 s18, $0x2;
	[sflag:s30] =	ssyncadd.s32 $0xFFFFC180;
	s3 =	sand.u32 $0x1, s3  }
0x5f: {  	s14 =	sadd.s32 $0x15880, s19;
	s16 =	smul.u32 $0xFA00, s3;
	s3 =	sadd.s32 $0x1, s3  }
0x60: {  	[tilespmem:s14], [sflag:s13] =	stream.indirect.gather [hbm4b:s1+s4], $0x80, s12, s4, $0xb8;
	[tilespmem:$0x1D580] =	vst v63  }
0x61: {  	_ =	swait.ge [sflag:s3], $0x3E80  }
0x62: {  	s20 =	sshrl.u32 s16, $0x2;
	[sflag:s3] =	ssyncset.done $0x0  }
0x63: {  	s11 =	sadd.s32 $0x80, s11;
	s12 =	sadd.s32 $0x15880, s20;
	[sflag:s3] =	ssyncadd.s32 $0xFFFFC180  }
0x64: {  	[spmem:s17] =	stream.indirect.scatter.add.f32 [tilespmem:s12], [sflag:$0x5], $0x80, s11, s4, $0xb8;
	[tilespmem:$0x1D580] =	vst v63  }
0x65: {  	_ =	swait.ge [sflag:s30], $0x3E80  }
0x66: {  	[sflag:s30] =	ssyncset.done $0x0  }
0x67: {  	[sflag:s30] =	ssyncadd.s32 $0xFFFFC180  }
0x68: {  	_ =	swait.ge [sflag:s5], $0x3E80  }
0x69: {  	[sflag:s5] =	ssyncset.done $0x0  }
0x6a: {  	[sflag:s5] =	ssyncadd.s32 $0xFFFFC180  }
0x6b: {  	[spmem:s17] =	stream.indirect.scatter.add.f32 [tilespmem:s7], [sflag:$0x5], $0x80, s6, s4, $0xb8;
	[tilespmem:$0x1D580] =	vst v63  }
0x6c: {  	_ =	swait.ge [sflag:s30], $0x3E80  }
0x6d: {  	[sflag:s30] =	ssyncset.done $0x0  }
0x6e: {  	[sflag:s30] =	ssyncadd.s32 $0xFFFFC180  }
0x6f: {  	_ =	swait.ge [sflag:s31], $0x800  }
0x70: {  	[sflag:s31] =	ssyncset.done $0x0  }
0x71: {  	[sflag:s31] =	ssyncadd.s32 $0xFFFFF800  }
0x72: {  	s18 =	simm.s32 $0x14100;
	_ =	swait.ge [sflag:s15], $0x800  }
0x73: {  	s13 =	simm.s32 $0x1;
	s16 =	simm.s32 $0x0;
	[sflag:s15] =	ssyncset.done $0x0  }
0x74: {  	s3 =	sand.u32 $0x1, s13;
	s11 =	rddreg [dreg:$0x8];
	[sflag:s15] =	ssyncadd.s32 $0xFFFFF800  }
0x75: {  	[tilespmem:s28], [sflag:$0x3] =	stream.linear.gather [hbm4b:s11+s2], $0x800, $0x38;
	[tilespmem:$0x1D580] =	vst v63  }
0x76: {  	s14 =	smul.u32 $0xFA00, s3;
	s3 =	sadd.s32 $0x1, s3;
	s12 =	rddreg [dreg:$0x9]  }
0x77: {  	[tilespmem:s8], [sflag:$0x4] =	stream.linear.gather [hbm4b:s12+s2], $0x800, $0x38;
	[tilespmem:$0x1D580] =	vst v63  }
0x78: {  	s11 =	sshrl.u32 s14, $0x2;
	s14 =	simm.s32 $0x2;
	s12 =	sand.u32 $0x1, s16  }
0x79: {  	[tilespmem:s29], [sflag:$0x1] =	stream.indirect.gather [hbm4b:s1+s4], $0x80, s0, s4, $0xb8;
	[tilespmem:$0x1D580] =	vst v63  }
0x7a: {  	s11 =	sadd.s32 $0x15880, s11;
	s19 =	smul.u32 $0xFA00, s12;
	s12 =	sadd.s32 $0x1, s12  }
0x7b: {  	[tilespmem:s11], [sflag:s3] =	stream.indirect.gather [hbm4b:s1+s4], $0x80, s18, s4, $0xb8;
	[tilespmem:$0x1D580] =	vst v63  }
0x7c: {  	s13 =	sand.u32 $0x1, s14;
	_ =	swait.ge [sflag:s12], $0x3E80  }
0x7d: {  	s16 =	simm.s32 $0x3;
	s20 =	sshrl.u32 s19, $0x2;
	[sflag:s12] =	ssyncset.done $0x0  }
0x7e: {  	s11 =	simm.s32 $0x15080;
	s3 =	sadd.s32 $0x15880, s20;
	[sflag:s12] =	ssyncadd.s32 $0xFFFFC180  }
0x7f: {  	[spmem:s17] =	stream.indirect.scatter.add.f32 [tilespmem:s3], [sflag:$0x5], $0x80, s11, s4, $0xb8;
	[tilespmem:$0x1D580] =	vst v63  }
0x80: {  	s18 =	smul.u32 $0xFA00, s13;
	s12 =	simm.s32 $0x14180;
	_ =	swait.ge [sflag:s30], $0x3E80  }
.LBB2_4:
0x81: {  	[sflag:s30] =	ssyncset.done $0x0  }
0x82: {  	s11 =	sadd.s32 $0x80, s11;
	s3 =	smov.u32 s16;
	s19 =	sadd.s32 $0x1, s16  }
0x83: {  	s14 =	sadd.s32 $0xFFFFFFFF, s14;
	s18 =	sshrl.u32 s18, $0x2;
	[sflag:s30] =	ssyncadd.s32 $0xFFFFC180  }
0x84: {  	s13 =	sadd.s32 $0x1, s13;
	s14 =	sand.u32 $0x1, s14;
	s18 =	sadd.s32 $0x15880, s18  }
0x85: {  	p0 =	sne.s32 s16, $0xF;
	s16 =	smul.u32 $0xFA00, s14;
	s20 =	sadd.s32 $0x1, s14  }
0x86: {  	[tilespmem:s18], [sflag:s13] =	stream.indirect.gather [hbm4b:s1+s4], $0x80, s12, s4, $0xb8;
	[tilespmem:$0x1D580] =	vst v63  }
.Ltmp1:
0x87: {  	s13 =	sshrl.u32 s16, $0x2;
	_ =	swait.ge [sflag:s20], $0x3E80;
	(pc) =	sbr.rel @p0 .LBB2_4-.Ltmp1, $4  }
0x88: {  	s14 =	smov.u32 s3;
	s16 =	sadd.s32 $0x15880, s13;
	[sflag:s20] =	ssyncset.done $0x0  }
0x89: {  	s12 =	sadd.s32 $0x80, s12;
	s13 =	sand.u32 $0x1, s14;
	[sflag:s20] =	ssyncadd.s32 $0xFFFFC180  }
0x8a: {  	[spmem:s17] =	stream.indirect.scatter.add.f32 [tilespmem:s16], [sflag:$0x5], $0x80, s11, s4, $0xb8;
	[tilespmem:$0x1D580] =	vst v63  }
0x8b: {  	s18 =	smul.u32 $0xFA00, s13;
	s16 =	smov.u32 s19;
	_ =	swait.ge [sflag:s30], $0x3E80  }
0x8c: {  	[sflag:s30] =	ssyncset.done $0x0;
	s3 =	sadd.s32 $0xFFFFFFFF, s14;
	s13 =	sadd.s32 $0x1, s13  }
0x8d: {  	s18 =	sshrl.u32 s18, $0x2;
	[sflag:s30] =	ssyncadd.s32 $0xFFFFC180;
	s3 =	sand.u32 $0x1, s3  }
0x8e: {  	s14 =	sadd.s32 $0x15880, s18;
	s16 =	smul.u32 $0xFA00, s3;
	s3 =	sadd.s32 $0x1, s3  }
0x8f: {  	[tilespmem:s14], [sflag:s13] =	stream.indirect.gather [hbm4b:s1+s4], $0x80, s12, s4, $0xb8;
	[tilespmem:$0x1D580] =	vst v63  }
0x90: {  	_ =	swait.ge [sflag:s3], $0x3E80  }
0x91: {  	s19 =	sshrl.u32 s16, $0x2;
	[sflag:s3] =	ssyncset.done $0x0  }
0x92: {  	s11 =	sadd.s32 $0x80, s11;
	s12 =	sadd.s32 $0x15880, s19;
	[sflag:s3] =	ssyncadd.s32 $0xFFFFC180  }
0x93: {  	[spmem:s17] =	stream.indirect.scatter.add.f32 [tilespmem:s12], [sflag:$0x5], $0x80, s11, s4, $0xb8;
	[tilespmem:$0x1D580] =	vst v63  }
0x94: {  	_ =	swait.ge [sflag:s30], $0x3E80  }
0x95: {  	[sflag:s30] =	ssyncset.done $0x0  }
0x96: {  	[sflag:s30] =	ssyncadd.s32 $0xFFFFC180  }
0x97: {  	_ =	swait.ge [sflag:s5], $0x3E80  }
0x98: {  	[sflag:s5] =	ssyncset.done $0x0  }
0x99: {  	[sflag:s5] =	ssyncadd.s32 $0xFFFFC180  }
0x9a: {  	[spmem:s17] =	stream.indirect.scatter.add.f32 [tilespmem:s7], [sflag:$0x5], $0x80, s9, s4, $0xb8;
	[tilespmem:$0x1D580] =	vst v63  }
0x9b: {  	_ =	swait.ge [sflag:s30], $0x3E80  }
0x9c: {  	[sflag:s30] =	ssyncset.done $0x0  }
0x9d: {  	[sflag:s30] =	ssyncadd.s32 $0xFFFFC180  }
0x9e: {  	_ =	swait.ge [sflag:s31], $0x800  }
0x9f: {  	[sflag:s31] =	ssyncset.done $0x0  }
0xa0: {  	[sflag:s31] =	ssyncadd.s32 $0xFFFFF800  }
0xa1: {  	s18 =	simm.s32 $0x13900;
	_ =	swait.ge [sflag:s15], $0x800  }
0xa2: {  	s13 =	simm.s32 $0x1;
	s16 =	simm.s32 $0x0;
	[sflag:s15] =	ssyncset.done $0x0  }
0xa3: {  	s3 =	sand.u32 $0x1, s13;
	s20 =	rddreg [dreg:$0xa];
	[sflag:s15] =	ssyncadd.s32 $0xFFFFF800  }
0xa4: {  	[tilespmem:s0], [sflag:$0x3] =	stream.linear.gather [hbm4b:s20+s2], $0x800, $0x38;
	[tilespmem:$0x1D580] =	vst v63  }
0xa5: {  	s12 =	simm.s32 $0x15080;
	s14 =	smul.u32 $0xFA00, s3;
	s11 =	rddreg [dreg:$0xb]  }
0xa6: {  	[tilespmem:s12], [sflag:$0x4] =	stream.linear.gather [hbm4b:s11+s2], $0x800, $0x38;
	[tilespmem:$0x1D580] =	vst v63  }
0xa7: {  	s3 =	sadd.s32 $0x1, s3;
	s11 =	sshrl.u32 s14, $0x2;
	s12 =	sand.u32 $0x1, s16  }
0xa8: {  	[tilespmem:s29], [sflag:$0x1] =	stream.indirect.gather [hbm4b:s1+s4], $0x80, s28, s4, $0xb8;
	[tilespmem:$0x1D580] =	vst v63  }
0xa9: {  	s11 =	sadd.s32 $0x15880, s11;
	s19 =	smul.u32 $0xFA00, s12;
	s12 =	sadd.s32 $0x1, s12  }
0xaa: {  	[tilespmem:s11], [sflag:s3] =	stream.indirect.gather [hbm4b:s1+s4], $0x80, s18, s4, $0xb8;
	[tilespmem:$0x1D580] =	vst v63  }
0xab: {  	s14 =	simm.s32 $0x2;
	s16 =	simm.s32 $0x3;
	_ =	swait.ge [sflag:s12], $0x3E80  }
0xac: {  	s13 =	sand.u32 $0x1, s14;
	s20 =	sshrl.u32 s19, $0x2;
	[sflag:s12] =	ssyncset.done $0x0  }
0xad: {  	s11 =	simm.s32 $0x14880;
	s3 =	sadd.s32 $0x15880, s20;
	[sflag:s12] =	ssyncadd.s32 $0xFFFFC180  }
0xae: {  	[spmem:s17] =	stream.indirect.scatter.add.f32 [tilespmem:s3], [sflag:$0x5], $0x80, s11, s4, $0xb8;
	[tilespmem:$0x1D580] =	vst v63  }
0xaf: {  	s18 =	smul.u32 $0xFA00, s13;
	s12 =	simm.s32 $0x13980;
	_ =	swait.ge [sflag:s30], $0x3E80  }
.LBB2_6:
0xb0: {  	[sflag:s30] =	ssyncset.done $0x0  }
0xb1: {  	s11 =	sadd.s32 $0x80, s11;
	s3 =	smov.u32 s16;
	s19 =	sadd.s32 $0x1, s16  }
0xb2: {  	s14 =	sadd.s32 $0xFFFFFFFF, s14;
	s18 =	sshrl.u32 s18, $0x2;
	[sflag:s30] =	ssyncadd.s32 $0xFFFFC180  }
0xb3: {  	s13 =	sadd.s32 $0x1, s13;
	s14 =	sand.u32 $0x1, s14;
	s18 =	sadd.s32 $0x15880, s18  }
0xb4: {  	p0 =	sne.s32 s16, $0xF;
	s16 =	smul.u32 $0xFA00, s14;
	s20 =	sadd.s32 $0x1, s14  }
0xb5: {  	[tilespmem:s18], [sflag:s13] =	stream.indirect.gather [hbm4b:s1+s4], $0x80, s12, s4, $0xb8;
	[tilespmem:$0x1D580] =	vst v63  }
.Ltmp2:
0xb6: {  	s13 =	sshrl.u32 s16, $0x2;
	_ =	swait.ge [sflag:s20], $0x3E80;
	(pc) =	sbr.rel @p0 .LBB2_6-.Ltmp2, $4  }
0xb7: {  	s14 =	smov.u32 s3;
	s16 =	sadd.s32 $0x15880, s13;
	[sflag:s20] =	ssyncset.done $0x0  }
0xb8: {  	s12 =	sadd.s32 $0x80, s12;
	s13 =	sand.u32 $0x1, s14;
	[sflag:s20] =	ssyncadd.s32 $0xFFFFC180  }
0xb9: {  	[spmem:s17] =	stream.indirect.scatter.add.f32 [tilespmem:s16], [sflag:$0x5], $0x80, s11, s4, $0xb8;
	[tilespmem:$0x1D580] =	vst v63  }
0xba: {  	s18 =	smul.u32 $0xFA00, s13;
	s16 =	smov.u32 s19;
	_ =	swait.ge [sflag:s30], $0x3E80  }
0xbb: {  	[sflag:s30] =	ssyncset.done $0x0;
	s3 =	sadd.s32 $0xFFFFFFFF, s14;
	s13 =	sadd.s32 $0x1, s13  }
0xbc: {  	s19 =	sshrl.u32 s18, $0x2;
	[sflag:s30] =	ssyncadd.s32 $0xFFFFC180;
	s3 =	sand.u32 $0x1, s3  }
0xbd: {  	s14 =	sadd.s32 $0x15880, s19;
	s16 =	smul.u32 $0xFA00, s3;
	s3 =	sadd.s32 $0x1, s3  }
0xbe: {  	[tilespmem:s14], [sflag:s13] =	stream.indirect.gather [hbm4b:s1+s4], $0x80, s12, s4, $0xb8;
	[tilespmem:$0x1D580] =	vst v63  }
0xbf: {  	_ =	swait.ge [sflag:s3], $0x3E80  }
0xc0: {  	s20 =	sshrl.u32 s16, $0x2;
	[sflag:s3] =	ssyncset.done $0x0  }
0xc1: {  	s11 =	sadd.s32 $0x80, s11;
	s12 =	sadd.s32 $0x15880, s20;
	[sflag:s3] =	ssyncadd.s32 $0xFFFFC180  }
0xc2: {  	[spmem:s17] =	stream.indirect.scatter.add.f32 [tilespmem:s12], [sflag:$0x5], $0x80, s11, s4, $0xb8;
	[tilespmem:$0x1D580] =	vst v63  }
0xc3: {  	_ =	swait.ge [sflag:s30], $0x3E80  }
0xc4: {  	[sflag:s30] =	ssyncset.done $0x0  }
0xc5: {  	[sflag:s30] =	ssyncadd.s32 $0xFFFFC180  }
0xc6: {  	_ =	swait.ge [sflag:s5], $0x3E80  }
0xc7: {  	[sflag:s5] =	ssyncset.done $0x0  }
0xc8: {  	[sflag:s5] =	ssyncadd.s32 $0xFFFFC180  }
0xc9: {  	[spmem:s17] =	stream.indirect.scatter.add.f32 [tilespmem:s7], [sflag:$0x5], $0x80, s6, s4, $0xb8;
	[tilespmem:$0x1D580] =	vst v63  }
0xca: {  	_ =	swait.ge [sflag:s30], $0x3E80  }
0xcb: {  	[sflag:s30] =	ssyncset.done $0x0  }
0xcc: {  	[sflag:s30] =	ssyncadd.s32 $0xFFFFC180  }
0xcd: {  	_ =	swait.ge [sflag:s31], $0x800  }
0xce: {  	[sflag:s31] =	ssyncset.done $0x0  }
0xcf: {  	[sflag:s31] =	ssyncadd.s32 $0xFFFFF800  }
0xd0: {  	s18 =	simm.s32 $0x14100;
	_ =	swait.ge [sflag:s15], $0x800  }
0xd1: {  	s13 =	simm.s32 $0x1;
	s16 =	simm.s32 $0x0;
	[sflag:s15] =	ssyncset.done $0x0  }
0xd2: {  	s3 =	sand.u32 $0x1, s13;
	s11 =	rddreg [dreg:$0xc];
	[sflag:s15] =	ssyncadd.s32 $0xFFFFF800  }
0xd3: {  	[tilespmem:s28], [sflag:$0x3] =	stream.linear.gather [hbm4b:s11+s2], $0x800, $0x38;
	[tilespmem:$0x1D580] =	vst v63  }
0xd4: {  	s14 =	smul.u32 $0xFA00, s3;
	s3 =	sadd.s32 $0x1, s3;
	s12 =	rddreg [dreg:$0xd]  }
0xd5: {  	[tilespmem:s8], [sflag:$0x4] =	stream.linear.gather [hbm4b:s12+s2], $0x800, $0x38;
	[tilespmem:$0x1D580] =	vst v63  }
0xd6: {  	s11 =	sshrl.u32 s14, $0x2;
	s14 =	simm.s32 $0x2;
	s12 =	sand.u32 $0x1, s16  }
0xd7: {  	[tilespmem:s29], [sflag:$0x1] =	stream.indirect.gather [hbm4b:s1+s4], $0x80, s0, s4, $0xb8;
	[tilespmem:$0x1D580] =	vst v63  }
0xd8: {  	s11 =	sadd.s32 $0x15880, s11;
	s19 =	smul.u32 $0xFA00, s12;
	s12 =	sadd.s32 $0x1, s12  }
0xd9: {  	[tilespmem:s11], [sflag:s3] =	stream.indirect.gather [hbm4b:s1+s4], $0x80, s18, s4, $0xb8;
	[tilespmem:$0x1D580] =	vst v63  }
0xda: {  	s13 =	sand.u32 $0x1, s14;
	_ =	swait.ge [sflag:s12], $0x3E80  }
0xdb: {  	s16 =	simm.s32 $0x3;
	s20 =	sshrl.u32 s19, $0x2;
	[sflag:s12] =	ssyncset.done $0x0  }
0xdc: {  	s11 =	simm.s32 $0x15080;
	s3 =	sadd.s32 $0x15880, s20;
	[sflag:s12] =	ssyncadd.s32 $0xFFFFC180  }
0xdd: {  	[spmem:s17] =	stream.indirect.scatter.add.f32 [tilespmem:s3], [sflag:$0x5], $0x80, s11, s4, $0xb8;
	[tilespmem:$0x1D580] =	vst v63  }
0xde: {  	s18 =	smul.u32 $0xFA00, s13;
	s12 =	simm.s32 $0x14180;
	_ =	swait.ge [sflag:s30], $0x3E80  }
.LBB2_8:
0xdf: {  	[sflag:s30] =	ssyncset.done $0x0  }
0xe0: {  	s11 =	sadd.s32 $0x80, s11;
	s3 =	smov.u32 s16;
	s19 =	sadd.s32 $0x1, s16  }
0xe1: {  	s14 =	sadd.s32 $0xFFFFFFFF, s14;
	s18 =	sshrl.u32 s18, $0x2;
	[sflag:s30] =	ssyncadd.s32 $0xFFFFC180  }
0xe2: {  	s13 =	sadd.s32 $0x1, s13;
	s14 =	sand.u32 $0x1, s14;
	s18 =	sadd.s32 $0x15880, s18  }
0xe3: {  	p0 =	sne.s32 s16, $0xF;
	s16 =	smul.u32 $0xFA00, s14;
	s20 =	sadd.s32 $0x1, s14  }
0xe4: {  	[tilespmem:s18], [sflag:s13] =	stream.indirect.gather [hbm4b:s1+s4], $0x80, s12, s4, $0xb8;
	[tilespmem:$0x1D580] =	vst v63  }
.Ltmp3:
0xe5: {  	s13 =	sshrl.u32 s16, $0x2;
	_ =	swait.ge [sflag:s20], $0x3E80;
	(pc) =	sbr.rel @p0 .LBB2_8-.Ltmp3, $4  }
0xe6: {  	s14 =	smov.u32 s3;
	s16 =	sadd.s32 $0x15880, s13;
	[sflag:s20] =	ssyncset.done $0x0  }
0xe7: {  	s12 =	sadd.s32 $0x80, s12;
	s13 =	sand.u32 $0x1, s14;
	[sflag:s20] =	ssyncadd.s32 $0xFFFFC180  }
0xe8: {  	[spmem:s17] =	stream.indirect.scatter.add.f32 [tilespmem:s16], [sflag:$0x5], $0x80, s11, s4, $0xb8;
	[tilespmem:$0x1D580] =	vst v63  }
0xe9: {  	s18 =	smul.u32 $0xFA00, s13;
	s16 =	smov.u32 s19;
	_ =	swait.ge [sflag:s30], $0x3E80  }
0xea: {  	[sflag:s30] =	ssyncset.done $0x0;
	s3 =	sadd.s32 $0xFFFFFFFF, s14;
	s13 =	sadd.s32 $0x1, s13  }
0xeb: {  	s19 =	sshrl.u32 s18, $0x2;
	[sflag:s30] =	ssyncadd.s32 $0xFFFFC180;
	s3 =	sand.u32 $0x1, s3  }
0xec: {  	s14 =	sadd.s32 $0x15880, s19;
	s16 =	smul.u32 $0xFA00, s3;
	s3 =	sadd.s32 $0x1, s3  }
0xed: {  	[tilespmem:s14], [sflag:s13] =	stream.indirect.gather [hbm4b:s1+s4], $0x80, s12, s4, $0xb8;
	[tilespmem:$0x1D580] =	vst v63  }
0xee: {  	_ =	swait.ge [sflag:s3], $0x3E80  }
0xef: {  	s20 =	sshrl.u32 s16, $0x2;
	[sflag:s3] =	ssyncset.done $0x0  }
0xf0: {  	s11 =	sadd.s32 $0x80, s11;
	s12 =	sadd.s32 $0x15880, s20;
	[sflag:s3] =	ssyncadd.s32 $0xFFFFC180  }
0xf1: {  	[spmem:s17] =	stream.indirect.scatter.add.f32 [tilespmem:s12], [sflag:$0x5], $0x80, s11, s4, $0xb8;
	[tilespmem:$0x1D580] =	vst v63  }
0xf2: {  	_ =	swait.ge [sflag:s30], $0x3E80  }
0xf3: {  	[sflag:s30] =	ssyncset.done $0x0  }
0xf4: {  	[sflag:s30] =	ssyncadd.s32 $0xFFFFC180  }
0xf5: {  	_ =	swait.ge [sflag:s5], $0x3E80  }
0xf6: {  	[sflag:s5] =	ssyncset.done $0x0  }
0xf7: {  	[sflag:s5] =	ssyncadd.s32 $0xFFFFC180  }
0xf8: {  	[spmem:s17] =	stream.indirect.scatter.add.f32 [tilespmem:s7], [sflag:$0x5], $0x80, s9, s4, $0xb8;
	[tilespmem:$0x1D580] =	vst v63  }
0xf9: {  	_ =	swait.ge [sflag:s30], $0x3E80  }
0xfa: {  	[sflag:s30] =	ssyncset.done $0x0  }
0xfb: {  	[sflag:s30] =	ssyncadd.s32 $0xFFFFC180  }
0xfc: {  	_ =	swait.ge [sflag:s31], $0x800  }
0xfd: {  	s13 =	simm.s32 $0x1;
	[sflag:s31] =	ssyncset.done $0x0  }
0xfe: {  	s3 =	sand.u32 $0x1, s13;
	[sflag:s31] =	ssyncadd.s32 $0xFFFFF800  }
0xff: {  	s16 =	simm.s32 $0x0;
	s14 =	smul.u32 $0xFA00, s3;
	_ =	swait.ge [sflag:s15], $0x800  }
0x100: {  	s18 =	simm.s32 $0x13900;
	s12 =	sand.u32 $0x1, s16;
	[sflag:s15] =	ssyncset.done $0x0  }
0x101: {  	s3 =	sadd.s32 $0x1, s3;
	s11 =	sshrl.u32 s14, $0x2;
	[sflag:s15] =	ssyncadd.s32 $0xFFFFF800  }
0x102: {  	[tilespmem:s29], [sflag:$0x1] =	stream.indirect.gather [hbm4b:s1+s4], $0x80, s28, s4, $0xb8;
	[tilespmem:$0x1D580] =	vst v63  }
0x103: {  	s19 =	smul.u32 $0xFA00, s12;
	s12 =	sadd.s32 $0x1, s12;
	s11 =	sadd.s32 $0x15880, s11  }
0x104: {  	[tilespmem:s11], [sflag:s3] =	stream.indirect.gather [hbm4b:s1+s4], $0x80, s18, s4, $0xb8;
	[tilespmem:$0x1D580] =	vst v63  }
0x105: {  	s13 =	simm.s32 $0x2;
	s16 =	simm.s32 $0x3;
	_ =	swait.ge [sflag:s12], $0x3E80  }
0x106: {  	s14 =	sand.u32 $0x1, s13;
	s20 =	sshrl.u32 s19, $0x2;
	[sflag:s12] =	ssyncset.done $0x0  }
0x107: {  	s11 =	simm.s32 $0x14880;
	s3 =	sadd.s32 $0x15880, s20;
	[sflag:s12] =	ssyncadd.s32 $0xFFFFC180  }
0x108: {  	[spmem:s17] =	stream.indirect.scatter.add.f32 [tilespmem:s3], [sflag:$0x5], $0x80, s11, s4, $0xb8;
	[tilespmem:$0x1D580] =	vst v63  }
0x109: {  	s18 =	smul.u32 $0xFA00, s14;
	s12 =	simm.s32 $0x13980;
	_ =	swait.ge [sflag:s30], $0x3E80  }
.LBB2_10:
0x10a: {  	[sflag:s30] =	ssyncset.done $0x0  }
0x10b: {  	s11 =	sadd.s32 $0x80, s11;
	s3 =	smov.u32 s16;
	s19 =	sadd.s32 $0x1, s16  }
0x10c: {  	s13 =	sadd.s32 $0xFFFFFFFF, s13;
	s18 =	sshrl.u32 s18, $0x2;
	[sflag:s30] =	ssyncadd.s32 $0xFFFFC180  }
0x10d: {  	s14 =	sadd.s32 $0x1, s14;
	s13 =	sand.u32 $0x1, s13;
	s18 =	sadd.s32 $0x15880, s18  }
0x10e: {  	p0 =	sne.s32 s16, $0xF;
	s16 =	smul.u32 $0xFA00, s13;
	s20 =	sadd.s32 $0x1, s13  }
0x10f: {  	[tilespmem:s18], [sflag:s14] =	stream.indirect.gather [hbm4b:s1+s4], $0x80, s12, s4, $0xb8;
	[tilespmem:$0x1D580] =	vst v63  }
.Ltmp4:
0x110: {  	s13 =	sshrl.u32 s16, $0x2;
	_ =	swait.ge [sflag:s20], $0x3E80;
	(pc) =	sbr.rel @p0 .LBB2_10-.Ltmp4, $4  }
0x111: {  	s16 =	sadd.s32 $0x15880, s13;
	s13 =	smov.u32 s3;
	[sflag:s20] =	ssyncset.done $0x0  }
0x112: {  	s12 =	sadd.s32 $0x80, s12;
	s14 =	sand.u32 $0x1, s13;
	[sflag:s20] =	ssyncadd.s32 $0xFFFFC180  }
0x113: {  	[spmem:s17] =	stream.indirect.scatter.add.f32 [tilespmem:s16], [sflag:$0x5], $0x80, s11, s4, $0xb8;
	[tilespmem:$0x1D580] =	vst v63  }
0x114: {  	s18 =	smul.u32 $0xFA00, s14;
	s16 =	smov.u32 s19;
	_ =	swait.ge [sflag:s30], $0x3E80  }
0x115: {  	_ = 	snop  }
0x116: {  	[sflag:s30] =	ssyncset.done $0x0;
	s14 =	sadd.s32 $0x1, s14;
	s3 =	sshrl.u32 s18, $0x2  }
0x117: {  	s19 =	sadd.s32 $0xFFFFFFFF, s13;
	[sflag:s30] =	ssyncadd.s32 $0xFFFFC180;
	s3 =	sadd.s32 $0x15880, s3  }
0x118: {  	[tilespmem:s3], [sflag:s14] =	stream.indirect.gather [hbm4b:s1+s4], $0x80, s12, s4, $0xb8;
	[tilespmem:$0x1D580] =	vst v63  }
0x119: {  	s3 =	sand.u32 $0x1, s19  }
0x11a: {  	s20 =	smul.u32 $0xFA00, s3;
	s3 =	sadd.s32 $0x1, s3  }
0x11b: {  	_ =	swait.ge [sflag:s3], $0x3E80  }
0x11c: {  	s12 =	sshrl.u32 s20, $0x2;
	[sflag:s3] =	ssyncset.done $0x0  }
0x11d: {  	s11 =	sadd.s32 $0x80, s11;
	[sflag:s3] =	ssyncadd.s32 $0xFFFFC180;
	s13 =	sadd.s32 $0x15880, s12  }
0x11e: {  	[spmem:s17] =	stream.indirect.scatter.add.f32 [tilespmem:s13], [sflag:$0x5], $0x80, s11, s4, $0xb8;
	[tilespmem:$0x1D580] =	vst v63  }
0x11f: {  	_ =	swait.ge [sflag:s30], $0x3E80  }
0x120: {  	[sflag:s30] =	ssyncset.done $0x0  }
0x121: {  	[sflag:s30] =	ssyncadd.s32 $0xFFFFC180  }
0x122: {  	_ =	swait.ge [sflag:s5], $0x3E80  }
0x123: {  	[sflag:s5] =	ssyncset.done $0x0  }
0x124: {  	[sflag:s5] =	ssyncadd.s32 $0xFFFFC180  }
0x125: {  	[spmem:s17] =	stream.indirect.scatter.add.f32 [tilespmem:s7], [sflag:$0x5], $0x80, s6, s4, $0xb8;
	[tilespmem:$0x1D580] =	vst v63  }
0x126: {  	_ =	swait.ge [sflag:s30], $0x3E80  }
0x127: {  	[sflag:s30] =	ssyncset.done $0x0  }
0x128: {  	[sflag:s30] =	ssyncadd.s32 $0xFFFFC180  }
0x129: {  	[bflag:$0x0] =	sbarrier.arrive $0xFFFF  }
0x12a: {  	[tilespmem:s29], [sflag:$0x5] =	stream.linear.gather [spmem:s21], $0x3E80, $0x38;
	[tilespmem:$0x1D580] =	vst v63  }
0x12b: {  	_ =	swait.ge [sflag:s30], $0x3E80  }
0x12c: {  	[sflag:s30] =	ssyncset.done $0x0  }
0x12d: {  	s14 =	rddreg [dreg:$0xe];
	[sflag:s30] =	ssyncadd.s32 $0xFFFFC180  }
0x12e: {  	[hbm4b:s14+s2] =	stream.linear.scatter [tilespmem:s29], [sflag:$0x5], $0x3E80, $0x38;
	[tilespmem:$0x1D580] =	vst v63  }
0x12f: {  	_ =	swait.ge [sflag:s30], $0x3E80  }
0x130: {  	[sflag:s30] =	ssyncset.done $0x0  }
0x131: {  	[sflag:s30] =	ssyncadd.s32 $0xFFFFC180  }
0x132: {  	[tilespmem:s29], [sflag:$0x5] =	stream.linear.gather [spmem:s22], $0x3E80, $0x38;
	[tilespmem:$0x1D580] =	vst v63  }
0x133: {  	_ =	swait.ge [sflag:s30], $0x3E80  }
0x134: {  	[sflag:s30] =	ssyncset.done $0x0  }
0x135: {  	s16 =	rddreg [dreg:$0xf];
	[sflag:s30] =	ssyncadd.s32 $0xFFFFC180  }
0x136: {  	[hbm4b:s16+s2] =	stream.linear.scatter [tilespmem:s29], [sflag:$0x5], $0x3E80, $0x38;
	[tilespmem:$0x1D580] =	vst v63  }
0x137: {  	_ =	swait.ge [sflag:s30], $0x3E80  }
0x138: {  	[sflag:s30] =	ssyncset.done $0x0  }
0x139: {  	[sflag:s30] =	ssyncadd.s32 $0xFFFFC180  }
0x13a: {  	[tilespmem:s29], [sflag:$0x5] =	stream.linear.gather [spmem:s23], $0x3E80, $0x38;
	[tilespmem:$0x1D580] =	vst v63  }
0x13b: {  	_ =	swait.ge [sflag:s30], $0x3E80  }
0x13c: {  	[sflag:s30] =	ssyncset.done $0x0  }
0x13d: {  	s18 =	rddreg [dreg:$0x10];
	[sflag:s30] =	ssyncadd.s32 $0xFFFFC180  }
0x13e: {  	[hbm4b:s18+s2] =	stream.linear.scatter [tilespmem:s29], [sflag:$0x5], $0x3E80, $0x38;
	[tilespmem:$0x1D580] =	vst v63  }
0x13f: {  	_ =	swait.ge [sflag:s30], $0x3E80  }
0x140: {  	[sflag:s30] =	ssyncset.done $0x0  }
0x141: {  	[sflag:s30] =	ssyncadd.s32 $0xFFFFC180  }
0x142: {  	[tilespmem:s29], [sflag:$0x5] =	stream.linear.gather [spmem:s24], $0x3E80, $0x38;
	[tilespmem:$0x1D580] =	vst v63  }
0x143: {  	_ =	swait.ge [sflag:s30], $0x3E80  }
0x144: {  	[sflag:s30] =	ssyncset.done $0x0  }
0x145: {  	s19 =	rddreg [dreg:$0x11];
	[sflag:s30] =	ssyncadd.s32 $0xFFFFC180  }
0x146: {  	[hbm4b:s19+s2] =	stream.linear.scatter [tilespmem:s29], [sflag:$0x5], $0x3E80, $0x38;
	[tilespmem:$0x1D580] =	vst v63  }
0x147: {  	_ =	swait.ge [sflag:s30], $0x3E80  }
0x148: {  	[sflag:s30] =	ssyncset.done $0x0  }
0x149: {  	[sflag:s30] =	ssyncadd.s32 $0xFFFFC180  }
0x14a: {  	[tilespmem:s29], [sflag:$0x5] =	stream.linear.gather [spmem:s25], $0x3E80, $0x38;
	[tilespmem:$0x1D580] =	vst v63  }
0x14b: {  	s10 =	sadd.s32 $0x1, s10;
	_ =	swait.ge [sflag:s30], $0x3E80  }
0x14c: {  	p0 =	sne.s32 s10, s26;
	[sflag:s30] =	ssyncset.done $0x0  }
.Ltmp5:
0x14d: {  	s20 =	rddreg [dreg:$0x12];
	[sflag:s30] =	ssyncadd.s32 $0xFFFFC180;
	(pc) =	sbr.rel @p0 .LBB2_1-.Ltmp5, $4  }
0x14e: {  	[hbm4b:s20+s2] =	stream.linear.scatter [tilespmem:s29], [sflag:$0x5], $0x3E80, $0x38;
	[tilespmem:$0x1D580] =	vst v63  }
0x14f: {  	_ =	swait.ge [sflag:s30], $0x3E80  }
0x150: {  	[sflag:s30] =	ssyncset.done $0x0  }
0x151: {  	[sflag:s30] =	ssyncadd.s32 $0xFFFFC180  }
0x152: {  	_ =	sfence.sel $0x180000  }
0x153: {  	[bflag:$0x0] =	sbarrier.arrive $0xFFFF  }
0x154: {  	_ =	strace $0x9000004A  }
0x155: {  	s0 =	stileid.u32;
	[bflag:$0x2] =	sbarrier.arrive $0xFFFF  }
0x156: {  	p0 =	sne.s32 s0, $0x0;
	s0 =	rddreg [dreg:$0x3]  }
0x157: {  	s0 =	sadd.s32 @!p0 $0x100000, s0  }
0x158: {  	[sflag:s0] =	ssyncadd.tile.s32 @!p0 $0x1;
	_ =	shalt  }
.Lfunc_end2:
_tile_overlayer_lowered:
.L_overlay_start_2:
0x159: {  	(tag) =	ssettag $0x2  }
0x15a: {  	s0 =	rddreg [dreg:$0x0];
	s2 =	stileid.u32  }
0x15b: {  	s1 =	rddreg [dreg:$0x1];
	p0 =	sne.s32 s2, $0x0  }
0x15c: {  	s3 =	rddreg [dreg:$0x2];
	[bflag:$0x3] =	sbarrier.arrive $0xFFFF;
	s2 =	simm.s32 @!p0 $0x1C05  }
0x15d: {  	[timem:s3], [sflag:s2] =	dma.local @!p0 [hbm:s0], s1  }
0x15e: {  	s0 =	simm.s32 @!p0 $0x5  }
0x15f: {  	_ =	swait.ge @!p0 [sflag:s0], s1  }
0x160: {  	s1 =	ssub.s32 @!p0 $0x0, s1;
	[sflag:s0] =	ssyncset.done @!p0 $0x0  }
0x161: {  	[sflag:s0] =	ssyncadd.s32 @!p0 s1  }
0x162: {  	[bflag:$0x3] =	sbarrier.arrive $0xFFFF  }
0x163: {  	_ =	shalt  }

</sc_bundles>
